<compile_context>
chip_gen: v7x
topology: tpu7x:2x2x1
jax: 0.10.2.dev20260603
libtpu: 0.0.44.dev20260713+nightly
codegen_flags: <defaults>
</compile_context>

<pallas_src>
import jax
import jax.numpy as jnp
from jax import lax
from jax.experimental import pallas as pl
from jax.experimental.pallas import tpu as pltpu
from jax.experimental.pallas import tpu_sc as plsc

_TAIL = 3.0
_NBINS = 16
_MINW = 0.001
_MINH = 0.001

_L = 16
_NCORES = 2
_NSUB = 16
_NW = _NCORES * _NSUB
_G = 1024


def _log_f32(x):
    bits = lax.bitcast_convert_type(x, jnp.int32)
    e = lax.shift_right_logical(bits, 23) - 126
    m_bits = (bits & jnp.int32(0x007FFFFF)) | jnp.int32(0x3F000000)
    m = lax.bitcast_convert_type(m_bits, jnp.float32)
    small = m < 0.70710678118654752440
    e = e - jnp.where(small, jnp.int32(1), jnp.int32(0))
    xm = jnp.where(small, m + m, m) - 1.0
    z = xm * xm
    y = jnp.float32(0.2) + xm * jnp.float32(-1.0 / 6.0)
    y = jnp.float32(1.0 / 3.0) + xm * (jnp.float32(-0.25) + y * z)
    y = xm * z * y - 0.5 * z
    return xm + y + e.astype(jnp.float32) * jnp.float32(0.6931471805599453)


def _spline_body(x_hbm, w_hbm, h_hbm, dl_hbm, dr_hbm, out_hbm, lad_hbm,
                 in_bufs, out_bufs, in_sems, out_sems,
                 tiles0, tiles1):
    wid = lax.axis_index("c") * _NSUB + lax.axis_index("s")
    n = x_hbm.shape[0]
    rows_per_w = n // _NW
    nchunks = rows_per_w // _G
    n128 = n // 128
    riota = lax.iota(jnp.int32, _L)
    inv6 = jnp.float32(1.0 / (2.0 * _TAIL))
    scale_w = jnp.float32(1.0 - _MINW * _NBINS)
    scale_h = jnp.float32(1.0 - _MINH * _NBINS)
    wbase = wid * rows_per_w

    def _in_copies(ci, p):
        x_b, w_b, h_b, dl_b, dr_b = in_bufs[p]
        base = wbase + ci * _G
        tcb = base // 128
        seg = _G * 8
        sem = in_sems[p]
        return [
            pltpu.make_async_copy(x_hbm.at[pl.ds(base, _G)], x_b, sem),
            pltpu.make_async_copy(w_hbm.at[pl.ds(tcb * 1024, seg)],
                                  w_b.at[pl.ds(0, seg)], sem),
            pltpu.make_async_copy(w_hbm.at[pl.ds((n128 + tcb) * 1024, seg)],
                                  w_b.at[pl.ds(seg, seg)], sem),
            pltpu.make_async_copy(h_hbm.at[pl.ds(tcb * 1024, seg)],
                                  h_b.at[pl.ds(0, seg)], sem),
            pltpu.make_async_copy(h_hbm.at[pl.ds((n128 + tcb) * 1024, seg)],
                                  h_b.at[pl.ds(seg, seg)], sem),
            pltpu.make_async_copy(dl_hbm.at[pl.ds(base, _G)], dl_b, sem),
            pltpu.make_async_copy(dr_hbm.at[pl.ds(base, _G)], dr_b, sem),
        ]

    def _out_copies(ci, p):
        out_b, lad_b = out_bufs[p]
        base = wbase + ci * _G
        sem = out_sems[p]
        return [
            pltpu.make_async_copy(out_b, out_hbm.at[pl.ds(base, _G)], sem),
            pltpu.make_async_copy(lad_b, lad_hbm.at[pl.ds(base, _G)], sem),
        ]

    def _start(descs):
        for d_ in descs:
            d_.start()

    def _wait(descs):
        for d_ in descs:
            d_.wait()

    def _compute_chunk(p):
        x_b, w_b, h_b, dl_b, dr_b = in_bufs[p]
        out_b, lad_b = out_bufs[p]

        def _body(j, tiles):
            wt, ht, cwl, chl = tiles
            rb = j * _L
            xv = x_b[pl.ds(rb, _L)]
            dlv = dl_b[pl.ds(rb, _L)]
            drv = dr_b[pl.ds(rb, _L)]

            tc = rb // 128
            l0 = rb % 128
            seg = _G * 8
            offs = [(k // 8) * seg + (k % 8) * 128 for k in range(_NBINS)]
            wk = [w_b[pl.ds(tc * 1024 + l0 + o, _L)] for o in offs]
            hk = [h_b[pl.ds(tc * 1024 + l0 + o, _L)] for o in offs]

            ew = [jnp.exp(v) for v in wk]
            eh = [jnp.exp(v) for v in hk]

            def _tree_sum(vs):
                vs = list(vs)
                while len(vs) > 1:
                    vs = [vs[i] + vs[i + 1] for i in range(0, len(vs) - 1, 2)] \
                         + ([vs[-1]] if len(vs) % 2 else [])
                return vs[0]

            tw = scale_w / _tree_sum(ew)
            th = scale_h / _tree_sum(eh)

            cumw = [ew[0]]
            cumh = [eh[0]]
            for k in range(1, _NBINS):
                cumw.append(cumw[-1] + ew[k])
                cumh.append(cumh[-1] + eh[k])
            cw = [tw * cumw[k] + jnp.float32(_MINW * (k + 1))
                  for k in range(_NBINS)]
            ch = [th * cumh[k] + jnp.float32(_MINH * (k + 1))
                  for k in range(_NBINS)]

            zero16 = jnp.zeros((_L,), jnp.float32)
            for k in range(_NBINS):
                wt[pl.ds(k * _L, _L)] = ew[k]
                ht[pl.ds(k * _L, _L)] = eh[k]
                cwl[pl.ds(k * _L, _L)] = zero16 if k == 0 else cw[k - 1]
                chl[pl.ds(k * _L, _L)] = zero16 if k == 0 else ch[k - 1]

            xc = jnp.minimum(jnp.maximum(xv, -_TAIL), _TAIL)
            inp = (xc + _TAIL) * inv6
            b = jnp.zeros((_L,), jnp.int32)
            for k in range(_NBINS - 1):
                b = b + jnp.where(inp >= cw[k], jnp.int32(1), jnp.int32(0))

            bi = b * _L + riota
            bim = jnp.maximum(bi - _L, riota)
            bip = jnp.minimum(bi + _L, riota + (_NBINS - 1) * _L)

            mw = jnp.float32(_MINW)
            mh = jnp.float32(_MINH)
            w0 = mw + tw * plsc.load_gather(wt, [bi])
            wm = mw + tw * plsc.load_gather(wt, [bim])
            wp = mw + tw * plsc.load_gather(wt, [bip])
            h0 = mh + th * plsc.load_gather(ht, [bi])
            hm = mh + th * plsc.load_gather(ht, [bim])
            hp = mh + th * plsc.load_gather(ht, [bip])
            cwl_g = plsc.load_gather(cwl, [bi])
            chl_g = plsc.load_gather(chl, [bi])

            s0 = h0 / w0
            sm = hm / wm
            sp = hp / wp

            min2l = (0.5 * (w0 * sm + wm * s0)) / (wm + w0)
            dint_l = 2.0 * jnp.minimum(jnp.minimum(sm, s0), min2l)
            sig_l = 1.0 / (1.0 + jnp.exp(-dlv))
            der_lo = jnp.where(bi < _L, 3.0 * sig_l * s0, dint_l)

            min2r = (0.5 * (wp * s0 + w0 * sp)) / (w0 + wp)
            dint_r = 2.0 * jnp.minimum(jnp.minimum(s0, sp), min2r)
            sig_r = 1.0 / (1.0 + jnp.exp(-drv))
            der_hi = jnp.where(bi >= (_NBINS - 1) * _L, 3.0 * sig_r * s0, dint_r)

            rw = 1.0 / w0
            ca = (der_lo + der_hi - 2.0 * s0) * rw * rw
            cb = (3.0 * s0 - 2.0 * der_lo - der_hi) * rw
            cc = der_lo
            cd = chl_g

            sh = inp - cwl_g
            out_s = ((ca * sh + cb) * sh + cc) * sh + cd
            dv = (3.0 * ca * sh + 2.0 * cb) * sh + cc
            lad_s = _log_f32(jnp.abs(dv))
            out_s = jnp.minimum(jnp.maximum(out_s, 0.0), 1.0) * (2.0 * _TAIL) - _TAIL

            inside = (xv >= -_TAIL) & (xv <= _TAIL)
            out_b[pl.ds(rb, _L)] = jnp.where(inside, out_s, xv)
            lad_b[pl.ds(rb, _L)] = jnp.where(inside, lad_s, jnp.float32(0.0))

        @pl.loop(0, _G // _L, step=2)
        def _sub(j):
            _body(j, tiles0)
            _body(j + 1, tiles1)

    _start(_in_copies(0, 0))

    @pl.loop(0, nchunks // 2)
    def _pair(pair_i):
        ci0 = pair_i * 2
        ci1 = ci0 + 1

        _start(_in_copies(ci1, 1))
        _wait(_in_copies(ci0, 0))

        @pl.when(pair_i > 0)
        def _():
            _wait(_out_copies(ci0 - 2, 0))

        _compute_chunk(0)
        _start(_out_copies(ci0, 0))

        @pl.when(pair_i < nchunks // 2 - 1)
        def _():
            _start(_in_copies(ci0 + 2, 0))

        _wait(_in_copies(ci1, 1))

        @pl.when(pair_i > 0)
        def _():
            _wait(_out_copies(ci1 - 2, 1))

        _compute_chunk(1)
        _start(_out_copies(ci1, 1))

    _wait(_out_copies(nchunks - 2, 0))
    _wait(_out_copies(nchunks - 1, 1))


@jax.jit
def kernel(x, w_, h_, dl_, dr_):
    n = x.shape[0]
    fs = jax.ShapeDtypeStruct((n,), jnp.float32)

    def _in_set():
        return (pltpu.VMEM((_G,), jnp.float32),
                pltpu.VMEM((_G * _NBINS,), jnp.float32),
                pltpu.VMEM((_G * _NBINS,), jnp.float32),
                pltpu.VMEM((_G,), jnp.float32),
                pltpu.VMEM((_G,), jnp.float32))

    def _out_set():
        return (pltpu.VMEM((_G,), jnp.float32),
                pltpu.VMEM((_G,), jnp.float32))

    call = pl.kernel(
        _spline_body,
        out_type=[fs, fs],
        mesh=plsc.VectorSubcoreMesh(core_axis_name="c", subcore_axis_name="s", num_cores=_NCORES, num_subcores=_NSUB),
        compiler_params=pltpu.CompilerParams(needs_layout_passes=False),
        scratch_types=[
            (_in_set(), _in_set()),
            (_out_set(), _out_set()),
            (pltpu.SemaphoreType.DMA, pltpu.SemaphoreType.DMA),
            (pltpu.SemaphoreType.DMA, pltpu.SemaphoreType.DMA),
            tuple(pltpu.VMEM((_NBINS * _L,), jnp.float32) for _ in range(4)),
            tuple(pltpu.VMEM((_NBINS * _L,), jnp.float32) for _ in range(4)),
        ],
    )
    n128 = n // 128
    wt = jnp.transpose(w_).reshape(2, 8, n128, 128).transpose(0, 2, 1, 3).reshape(-1)
    ht = jnp.transpose(h_).reshape(2, 8, n128, 128).transpose(0, 2, 1, 3).reshape(-1)
    outputs, logabsdet = call(x, wt, ht, dl_.reshape(-1), dr_.reshape(-1))
    return outputs, logabsdet

# --- scband reference (transcript-rebuilt; emitter-appended) ---
"""Pipeline reference for scband-cbs-70806830842452 (READ-ONLY COPY).

The authoritative reference and input builder live on the scoring server;
editing this copy changes nothing except your own understanding.
"""

import jax, jax.numpy as jnp
import numpy as np

TAIL_BOUND = 3.0
NUM_BINS = 16
MIN_BIN_WIDTH = 0.001
MIN_BIN_HEIGHT = 0.001


def _searchsorted(bin_locations, inputs, eps=1e-6):
    bin_locations = bin_locations.at[..., -1].add(eps)
    return jnp.sum(inputs[..., None] >= bin_locations, axis=-1) - 1


def _cubic_spline_fwd(inputs, uw, uh, dl, dr, left, right, bottom, top):
    num_bins = uw.shape[-1]
    inputs = (inputs - left) / (right - left)

    widths = jax.nn.softmax(uw, axis=-1)
    widths = MIN_BIN_WIDTH + (1.0 - MIN_BIN_WIDTH * num_bins) * widths
    cumwidths = jnp.cumsum(widths, axis=-1)
    cumwidths = cumwidths.at[..., -1].set(1.0)
    pad_w = [(0, 0)] * (cumwidths.ndim - 1) + [(1, 0)]
    cumwidths = jnp.pad(cumwidths, pad_w)

    heights = jax.nn.softmax(uh, axis=-1)
    heights = MIN_BIN_HEIGHT + (1.0 - MIN_BIN_HEIGHT * num_bins) * heights
    cumheights = jnp.cumsum(heights, axis=-1)
    cumheights = cumheights.at[..., -1].set(1.0)
    pad_h = [(0, 0)] * (cumheights.ndim - 1) + [(1, 0)]
    cumheights = jnp.pad(cumheights, pad_h)

    slopes = heights / widths
    min1 = jnp.minimum(jnp.abs(slopes[..., :-1]), jnp.abs(slopes[..., 1:]))
    min2 = (0.5 * (widths[..., 1:] * slopes[..., :-1] + widths[..., :-1] * slopes[..., 1:])
            / (widths[..., :-1] + widths[..., 1:]))
    min_something = jnp.minimum(min1, min2)

    derivatives_left = jax.nn.sigmoid(dl) * 3.0 * slopes[..., 0][..., None]
    derivatives_right = jax.nn.sigmoid(dr) * 3.0 * slopes[..., -1][..., None]
    derivatives = min_something * (jnp.sign(slopes[..., :-1]) + jnp.sign(slopes[..., 1:]))
    derivatives = jnp.concatenate([derivatives_left, derivatives, derivatives_right], axis=-1)

    a = (derivatives[..., :-1] + derivatives[..., 1:] - 2.0 * slopes) / widths ** 2
    b = (3.0 * slopes - 2.0 * derivatives[..., :-1] - derivatives[..., 1:]) / widths
    c = derivatives[..., :-1]
    d = cumheights[..., :-1]

    bin_idx = jnp.clip(_searchsorted(cumwidths, inputs), 0, num_bins - 1)[..., None]

    inputs_a = jnp.take_along_axis(a, bin_idx, axis=-1)[..., 0]
    inputs_b = jnp.take_along_axis(b, bin_idx, axis=-1)[..., 0]
    inputs_c = jnp.take_along_axis(c, bin_idx, axis=-1)[..., 0]
    inputs_d = jnp.take_along_axis(d, bin_idx, axis=-1)[..., 0]
    input_left_cumwidths = jnp.take_along_axis(cumwidths, bin_idx, axis=-1)[..., 0]

    shifted = inputs - input_left_cumwidths
    outputs = (inputs_a * shifted ** 3 + inputs_b * shifted ** 2
               + inputs_c * shifted + inputs_d)
    logabsdet = jnp.log(jnp.abs(3.0 * inputs_a * shifted ** 2
                                + 2.0 * inputs_b * shifted + inputs_c))
    outputs = jnp.clip(outputs, 0.0, 1.0)
    outputs = outputs * (top - bottom) + bottom
    return outputs, logabsdet


def setup_inputs(seed: int = 0):
    key = jax.random.key(seed)
    k1, k2, k3, k4, k5 = jax.random.split(key, 5)
    N = 1048576
    x = jax.random.normal(k1, (N,), dtype=jnp.float32)
    w_ = jax.random.normal(k2, (N, NUM_BINS), dtype=jnp.float32)
    h_ = jax.random.normal(k3, (N, NUM_BINS), dtype=jnp.float32)
    dl_ = jax.random.normal(k4, (N, 1), dtype=jnp.float32)
    dr_ = jax.random.normal(k5, (N, 1), dtype=jnp.float32)
    return {"x": x, "w_": w_, "h_": h_, "dl_": dl_, "dr_": dr_}


def reference(x, w_, h_, dl_, dr_):
    inside = (x >= -TAIL_BOUND) & (x <= TAIL_BOUND)
    x_clipped = jnp.clip(x, -TAIL_BOUND, TAIL_BOUND)
    out_s, lad_s = _cubic_spline_fwd(
        x_clipped, w_, h_, dl_, dr_,
        left=-TAIL_BOUND, right=TAIL_BOUND, bottom=-TAIL_BOUND, top=TAIL_BOUND)
    outputs = jnp.where(inside, out_s, x)
    logabsdet = jnp.where(inside, lad_s, jnp.zeros_like(lad_s))
    return outputs, logabsdet

if __name__ == "__main__":
    import jax
    _d = setup_inputs()
    print(jax.jit(kernel)(*tuple(_d.values())))

</pallas_src>

<mosaic_0001>
#map = affine_map<(d0, d1) -> (0)>
module attributes {stable_mosaic.version = 14 : i64} {
  func.func @_spline_body(%arg0: i32, %arg1: i32, %arg2: memref<1048576xf32, #tpu.memory_space<hbm>>, %arg3: memref<16777216xf32, #tpu.memory_space<hbm>>, %arg4: memref<16777216xf32, #tpu.memory_space<hbm>>, %arg5: memref<1048576xf32, #tpu.memory_space<hbm>>, %arg6: memref<1048576xf32, #tpu.memory_space<hbm>>, %arg7: memref<1048576xf32, #tpu.memory_space<hbm>>, %arg8: memref<1048576xf32, #tpu.memory_space<hbm>>, %arg9: memref<1024xf32, #tpu.memory_space<vmem>>, %arg10: memref<16384xf32, #tpu.memory_space<vmem>>, %arg11: memref<16384xf32, #tpu.memory_space<vmem>>, %arg12: memref<1024xf32, #tpu.memory_space<vmem>>, %arg13: memref<1024xf32, #tpu.memory_space<vmem>>, %arg14: memref<1024xf32, #tpu.memory_space<vmem>>, %arg15: memref<16384xf32, #tpu.memory_space<vmem>>, %arg16: memref<16384xf32, #tpu.memory_space<vmem>>, %arg17: memref<1024xf32, #tpu.memory_space<vmem>>, %arg18: memref<1024xf32, #tpu.memory_space<vmem>>, %arg19: memref<1024xf32, #tpu.memory_space<vmem>>, %arg20: memref<1024xf32, #tpu.memory_space<vmem>>, %arg21: memref<1024xf32, #tpu.memory_space<vmem>>, %arg22: memref<1024xf32, #tpu.memory_space<vmem>>, %arg23: memref<!tpu.dma_semaphore, #tpu.memory_space<semaphore_mem>>, %arg24: memref<!tpu.dma_semaphore, #tpu.memory_space<semaphore_mem>>, %arg25: memref<!tpu.dma_semaphore, #tpu.memory_space<semaphore_mem>>, %arg26: memref<!tpu.dma_semaphore, #tpu.memory_space<semaphore_mem>>, %arg27: memref<256xf32, #tpu.memory_space<vmem>>, %arg28: memref<256xf32, #tpu.memory_space<vmem>>, %arg29: memref<256xf32, #tpu.memory_space<vmem>>, %arg30: memref<256xf32, #tpu.memory_space<vmem>>, %arg31: memref<256xf32, #tpu.memory_space<vmem>>, %arg32: memref<256xf32, #tpu.memory_space<vmem>>, %arg33: memref<256xf32, #tpu.memory_space<vmem>>, %arg34: memref<256xf32, #tpu.memory_space<vmem>>) attributes {dimension_semantics = [#tpu.dimension_semantics<core_parallel>, #tpu.dimension_semantics<subcore_parallel>], iteration_bounds = array<i64: 2, 16>, scalar_prefetch = 0 : i64, scratch_operands = 26 : i64, tpu.core_type = #tpu.core_type<sc_vector_subcore>, window_params = [{transform_indices = #map}, {transform_indices = #map}, {transform_indices = #map}, {transform_indices = #map}, {transform_indices = #map}, {transform_indices = #map}, {transform_indices = #map}]} {
    %mul3A = arith.constant 16 : i32
    %mul3A_0 = arith.muli %arg0, %mul3A : i32
    %add3A = arith.addi %mul3A_0, %arg1 : i32
    %iota3A = tpu.iota {dimensions = array<i32: 0>} : vector<16xi32>
    %mul3A_1 = arith.constant 32768 : i32
    %mul3A_2 = arith.muli %add3A, %mul3A_1 : i32
    %add3A_3 = arith.constant 0 : i32
    %add3A_4 = arith.addi %mul3A_2, %add3A_3 : i32
    %jit3A = arith.constant 128 : i32
    %div3A = arith.divsi %add3A_4, %jit3A : i32
    %sign3A = arith.constant 0 : i32
    %sign3A_5 = arith.cmpi sgt, %add3A_4, %sign3A : i32
    %sign3A_6 = arith.extui %sign3A_5 : i1 to i32
    %sign3A_7 = arith.constant 0 : i32
    %sign3A_8 = arith.cmpi slt, %add3A_4, %sign3A_7 : i32
    %sign3A_9 = arith.extui %sign3A_8 : i1 to i32
    %sign3A_10 = arith.subi %sign3A_6, %sign3A_9 : i32
    %sign3A_11 = arith.constant 0 : i32
    %sign3A_12 = arith.cmpi sgt, %jit3A, %sign3A_11 : i32
    %sign3A_13 = arith.extui %sign3A_12 : i1 to i32
    %sign3A_14 = arith.constant 0 : i32
    %sign3A_15 = arith.cmpi slt, %jit3A, %sign3A_14 : i32
    %sign3A_16 = arith.extui %sign3A_15 : i1 to i32
    %sign3A_17 = arith.subi %sign3A_13, %sign3A_16 : i32
    %ne3A = arith.cmpi ne, %sign3A_10, %sign3A_17 : i32
    %rem3A = arith.remsi %add3A_4, %jit3A : i32
    %ne3A_18 = arith.constant 0 : i32
    %ne3A_19 = arith.cmpi ne, %rem3A, %ne3A_18 : i32
    %and3A = arith.andi %ne3A, %ne3A_19 : i1
    %sub3A = arith.constant 1 : i32
    %sub3A_20 = arith.subi %div3A, %sub3A : i32
    %select_n3A = arith.select %and3A, %sub3A_20, %div3A : i32
    %mul3A_21 = arith.constant 1024 : i32
    %mul3A_22 = arith.muli %select_n3A, %mul3A_21 : i32
    %add3A_23 = arith.constant 8192 : i32
    %add3A_24 = arith.addi %add3A_23, %select_n3A : i32
    %mul3A_25 = arith.constant 1024 : i32
    %mul3A_26 = arith.muli %add3A_24, %mul3A_25 : i32
    %mul3A_27 = arith.constant 1024 : i32
    %mul3A_28 = arith.muli %select_n3A, %mul3A_27 : i32
    %add3A_29 = arith.constant 8192 : i32
    %add3A_30 = arith.addi %add3A_29, %select_n3A : i32
    %mul3A_31 = arith.constant 1024 : i32
    %mul3A_32 = arith.muli %add3A_30, %mul3A_31 : i32
    %dma_start3A = tpu.memref_slice %arg2[%add3A_4] : memref<1048576xf32, #tpu.memory_space<hbm>> -> memref<1024xf32, #tpu.memory_space<hbm>>
    %dma_start3A_33 = tpu.memref_slice %arg2[%add3A_4] : memref<1048576xf32, #tpu.memory_space<hbm>> -> memref<1024xf32, #tpu.memory_space<hbm>>
    tpu.enqueue_dma source(%dma_start3A_33 : memref<1024xf32, #tpu.memory_space<hbm>>) target(%arg9 : memref<1024xf32, #tpu.memory_space<vmem>>) target_semaphore(%arg23 : memref<!tpu.dma_semaphore, #tpu.memory_space<semaphore_mem>>)
    %dma_start3A_34 = arith.constant 0 : i32
    %dma_start3A_35 = tpu.memref_slice %arg10[%dma_start3A_34] : memref<16384xf32, #tpu.memory_space<vmem>> -> memref<8192xf32, #tpu.memory_space<vmem>>
    %dma_start3A_36 = tpu.memref_slice %arg3[%mul3A_22] : memref<16777216xf32, #tpu.memory_space<hbm>> -> memref<8192xf32, #tpu.memory_space<hbm>>
    %dma_start3A_37 = arith.constant 0 : i32
    %dma_start3A_38 = tpu.memref_slice %arg10[%dma_start3A_37] : memref<16384xf32, #tpu.memory_space<vmem>> -> memref<8192xf32, #tpu.memory_space<vmem>>
    %dma_start3A_39 = tpu.memref_slice %arg3[%mul3A_22] : memref<16777216xf32, #tpu.memory_space<hbm>> -> memref<8192xf32, #tpu.memory_space<hbm>>
    tpu.enqueue_dma source(%dma_start3A_39 : memref<8192xf32, #tpu.memory_space<hbm>>) target(%dma_start3A_38 : memref<8192xf32, #tpu.memory_space<vmem>>) target_semaphore(%arg23 : memref<!tpu.dma_semaphore, #tpu.memory_space<semaphore_mem>>)
    %dma_start3A_40 = arith.constant 8192 : i32
    %dma_start3A_41 = tpu.memref_slice %arg10[%dma_start3A_40] : memref<16384xf32, #tpu.memory_space<vmem>> -> memref<8192xf32, #tpu.memory_space<vmem>>
    %dma_start3A_42 = tpu.memref_slice %arg3[%mul3A_26] : memref<16777216xf32, #tpu.memory_space<hbm>> -> memref<8192xf32, #tpu.memory_space<hbm>>
    %dma_start3A_43 = arith.constant 8192 : i32
    %dma_start3A_44 = tpu.memref_slice %arg10[%dma_start3A_43] : memref<16384xf32, #tpu.memory_space<vmem>> -> memref<8192xf32, #tpu.memory_space<vmem>>
    %dma_start3A_45 = tpu.memref_slice %arg3[%mul3A_26] : memref<16777216xf32, #tpu.memory_space<hbm>> -> memref<8192xf32, #tpu.memory_space<hbm>>
    tpu.enqueue_dma source(%dma_start3A_45 : memref<8192xf32, #tpu.memory_space<hbm>>) target(%dma_start3A_44 : memref<8192xf32, #tpu.memory_space<vmem>>) target_semaphore(%arg23 : memref<!tpu.dma_semaphore, #tpu.memory_space<semaphore_mem>>)
    %dma_start3A_46 = arith.constant 0 : i32
    %dma_start3A_47 = tpu.memref_slice %arg11[%dma_start3A_46] : memref<16384xf32, #tpu.memory_space<vmem>> -> memref<8192xf32, #tpu.memory_space<vmem>>
    %dma_start3A_48 = tpu.memref_slice %arg4[%mul3A_28] : memref<16777216xf32, #tpu.memory_space<hbm>> -> memref<8192xf32, #tpu.memory_space<hbm>>
    %dma_start3A_49 = arith.constant 0 : i32
    %dma_start3A_50 = tpu.memref_slice %arg11[%dma_start3A_49] : memref<16384xf32, #tpu.memory_space<vmem>> -> memref<8192xf32, #tpu.memory_space<vmem>>
    %dma_start3A_51 = tpu.memref_slice %arg4[%mul3A_28] : memref<16777216xf32, #tpu.memory_space<hbm>> -> memref<8192xf32, #tpu.memory_space<hbm>>
    tpu.enqueue_dma source(%dma_start3A_51 : memref<8192xf32, #tpu.memory_space<hbm>>) target(%dma_start3A_50 : memref<8192xf32, #tpu.memory_space<vmem>>) target_semaphore(%arg23 : memref<!tpu.dma_semaphore, #tpu.memory_space<semaphore_mem>>)
    %dma_start3A_52 = arith.constant 8192 : i32
    %dma_start3A_53 = tpu.memref_slice %arg11[%dma_start3A_52] : memref<16384xf32, #tpu.memory_space<vmem>> -> memref<8192xf32, #tpu.memory_space<vmem>>
    %dma_start3A_54 = tpu.memref_slice %arg4[%mul3A_32] : memref<16777216xf32, #tpu.memory_space<hbm>> -> memref<8192xf32, #tpu.memory_space<hbm>>
    %dma_start3A_55 = arith.constant 8192 : i32
    %dma_start3A_56 = tpu.memref_slice %arg11[%dma_start3A_55] : memref<16384xf32, #tpu.memory_space<vmem>> -> memref<8192xf32, #tpu.memory_space<vmem>>
    %dma_start3A_57 = tpu.memref_slice %arg4[%mul3A_32] : memref<16777216xf32, #tpu.memory_space<hbm>> -> memref<8192xf32, #tpu.memory_space<hbm>>
    tpu.enqueue_dma source(%dma_start3A_57 : memref<8192xf32, #tpu.memory_space<hbm>>) target(%dma_start3A_56 : memref<8192xf32, #tpu.memory_space<vmem>>) target_semaphore(%arg23 : memref<!tpu.dma_semaphore, #tpu.memory_space<semaphore_mem>>)
    %dma_start3A_58 = tpu.memref_slice %arg5[%add3A_4] : memref<1048576xf32, #tpu.memory_space<hbm>> -> memref<1024xf32, #tpu.memory_space<hbm>>
    %dma_start3A_59 = tpu.memref_slice %arg5[%add3A_4] : memref<1048576xf32, #tpu.memory_space<hbm>> -> memref<1024xf32, #tpu.memory_space<hbm>>
    tpu.enqueue_dma source(%dma_start3A_59 : memref<1024xf32, #tpu.memory_space<hbm>>) target(%arg12 : memref<1024xf32, #tpu.memory_space<vmem>>) target_semaphore(%arg23 : memref<!tpu.dma_semaphore, #tpu.memory_space<semaphore_mem>>)
    %dma_start3A_60 = tpu.memref_slice %arg6[%add3A_4] : memref<1048576xf32, #tpu.memory_space<hbm>> -> memref<1024xf32, #tpu.memory_space<hbm>>
    %dma_start3A_61 = tpu.memref_slice %arg6[%add3A_4] : memref<1048576xf32, #tpu.memory_space<hbm>> -> memref<1024xf32, #tpu.memory_space<hbm>>
    tpu.enqueue_dma source(%dma_start3A_61 : memref<1024xf32, #tpu.memory_space<hbm>>) target(%arg13 : memref<1024xf32, #tpu.memory_space<vmem>>) target_semaphore(%arg23 : memref<!tpu.dma_semaphore, #tpu.memory_space<semaphore_mem>>)
    %scan3A = arith.constant 9.840000e-01 : f32
    %scan3A_62 = arith.constant 9.840000e-01 : f32
    %scan3A_63 = arith.constant 0.166666672 : f32
    %scan3A_64 = arith.constant 0 : i32
    %scan3A_65 = arith.constant 16 : i32
    %scan3A_66 = arith.addi %scan3A_64, %scan3A_65 : i32
    %scan3A_67 = arith.constant 1 : i32
    scf.for %scan3A_80 = %scan3A_64 to %scan3A_66 step %scan3A_67  : i32 {
      %mul3A_81 = arith.constant 1 : i32
      %mul3A_82 = arith.muli %scan3A_80, %mul3A_81 : i32
      %add3A_83 = arith.constant 0 : i32
      %add3A_84 = arith.addi %add3A_83, %mul3A_82 : i32
      %mul3A_85 = arith.constant 2 : i32
      %mul3A_86 = arith.muli %add3A_84, %mul3A_85 : i32
      %add3A_87 = arith.constant 1 : i32
      %add3A_88 = arith.addi %mul3A_86, %add3A_87 : i32
      %mul3A_89 = arith.constant 1024 : i32
      %mul3A_90 = arith.muli %add3A_88, %mul3A_89 : i32
      %add3A_91 = arith.addi %mul3A_2, %mul3A_90 : i32
      %jit3A_92 = arith.constant 128 : i32
      %div3A_93 = arith.divsi %add3A_91, %jit3A_92 : i32
      %sign3A_94 = arith.constant 0 : i32
      %sign3A_95 = arith.cmpi sgt, %add3A_91, %sign3A_94 : i32
      %sign3A_96 = arith.extui %sign3A_95 : i1 to i32
      %sign3A_97 = arith.constant 0 : i32
      %sign3A_98 = arith.cmpi slt, %add3A_91, %sign3A_97 : i32
      %sign3A_99 = arith.extui %sign3A_98 : i1 to i32
      %sign3A_100 = arith.subi %sign3A_96, %sign3A_99 : i32
      %sign3A_101 = arith.constant 0 : i32
      %sign3A_102 = arith.cmpi sgt, %jit3A_92, %sign3A_101 : i32
      %sign3A_103 = arith.extui %sign3A_102 : i1 to i32
      %sign3A_104 = arith.constant 0 : i32
      %sign3A_105 = arith.cmpi slt, %jit3A_92, %sign3A_104 : i32
      %sign3A_106 = arith.extui %sign3A_105 : i1 to i32
      %sign3A_107 = arith.subi %sign3A_103, %sign3A_106 : i32
      %ne3A_108 = arith.cmpi ne, %sign3A_100, %sign3A_107 : i32
      %rem3A_109 = arith.remsi %add3A_91, %jit3A_92 : i32
      %ne3A_110 = arith.constant 0 : i32
      %ne3A_111 = arith.cmpi ne, %rem3A_109, %ne3A_110 : i32
      %and3A_112 = arith.andi %ne3A_108, %ne3A_111 : i1
      %sub3A_113 = arith.constant 1 : i32
      %sub3A_114 = arith.subi %div3A_93, %sub3A_113 : i32
      %select_n3A_115 = arith.select %and3A_112, %sub3A_114, %div3A_93 : i32
      %mul3A_116 = arith.constant 1024 : i32
      %mul3A_117 = arith.muli %select_n3A_115, %mul3A_116 : i32
      %add3A_118 = arith.constant 8192 : i32
      %add3A_119 = arith.addi %add3A_118, %select_n3A_115 : i32
      %mul3A_120 = arith.constant 1024 : i32
      %mul3A_121 = arith.muli %add3A_119, %mul3A_120 : i32
      %mul3A_122 = arith.constant 1024 : i32
      %mul3A_123 = arith.muli %select_n3A_115, %mul3A_122 : i32
      %add3A_124 = arith.constant 8192 : i32
      %add3A_125 = arith.addi %add3A_124, %select_n3A_115 : i32
      %mul3A_126 = arith.constant 1024 : i32
      %mul3A_127 = arith.muli %add3A_125, %mul3A_126 : i32
      %dma_start3A_128 = tpu.memref_slice %arg2[%add3A_91] : memref<1048576xf32, #tpu.memory_space<hbm>> -> memref<1024xf32, #tpu.memory_space<hbm>>
      %dma_start3A_129 = tpu.memref_slice %arg2[%add3A_91] : memref<1048576xf32, #tpu.memory_space<hbm>> -> memref<1024xf32, #tpu.memory_space<hbm>>
      tpu.enqueue_dma source(%dma_start3A_129 : memref<1024xf32, #tpu.memory_space<hbm>>) target(%arg14 : memref<1024xf32, #tpu.memory_space<vmem>>) target_semaphore(%arg24 : memref<!tpu.dma_semaphore, #tpu.memory_space<semaphore_mem>>)
      %dma_start3A_130 = arith.constant 0 : i32
      %dma_start3A_131 = tpu.memref_slice %arg15[%dma_start3A_130] : memref<16384xf32, #tpu.memory_space<vmem>> -> memref<8192xf32, #tpu.memory_space<vmem>>
      %dma_start3A_132 = tpu.memref_slice %arg3[%mul3A_117] : memref<16777216xf32, #tpu.memory_space<hbm>> -> memref<8192xf32, #tpu.memory_space<hbm>>
      %dma_start3A_133 = arith.constant 0 : i32
      %dma_start3A_134 = tpu.memref_slice %arg15[%dma_start3A_133] : memref<16384xf32, #tpu.memory_space<vmem>> -> memref<8192xf32, #tpu.memory_space<vmem>>
      %dma_start3A_135 = tpu.memref_slice %arg3[%mul3A_117] : memref<16777216xf32, #tpu.memory_space<hbm>> -> memref<8192xf32, #tpu.memory_space<hbm>>
      tpu.enqueue_dma source(%dma_start3A_135 : memref<8192xf32, #tpu.memory_space<hbm>>) target(%dma_start3A_134 : memref<8192xf32, #tpu.memory_space<vmem>>) target_semaphore(%arg24 : memref<!tpu.dma_semaphore, #tpu.memory_space<semaphore_mem>>)
      %dma_start3A_136 = arith.constant 8192 : i32
      %dma_start3A_137 = tpu.memref_slice %arg15[%dma_start3A_136] : memref<16384xf32, #tpu.memory_space<vmem>> -> memref<8192xf32, #tpu.memory_space<vmem>>
      %dma_start3A_138 = tpu.memref_slice %arg3[%mul3A_121] : memref<16777216xf32, #tpu.memory_space<hbm>> -> memref<8192xf32, #tpu.memory_space<hbm>>
      %dma_start3A_139 = arith.constant 8192 : i32
      %dma_start3A_140 = tpu.memref_slice %arg15[%dma_start3A_139] : memref<16384xf32, #tpu.memory_space<vmem>> -> memref<8192xf32, #tpu.memory_space<vmem>>
      %dma_start3A_141 = tpu.memref_slice %arg3[%mul3A_121] : memref<16777216xf32, #tpu.memory_space<hbm>> -> memref<8192xf32, #tpu.memory_space<hbm>>
      tpu.enqueue_dma source(%dma_start3A_141 : memref<8192xf32, #tpu.memory_space<hbm>>) target(%dma_start3A_140 : memref<8192xf32, #tpu.memory_space<vmem>>) target_semaphore(%arg24 : memref<!tpu.dma_semaphore, #tpu.memory_space<semaphore_mem>>)
      %dma_start3A_142 = arith.constant 0 : i32
      %dma_start3A_143 = tpu.memref_slice %arg16[%dma_start3A_142] : memref<16384xf32, #tpu.memory_space<vmem>> -> memref<8192xf32, #tpu.memory_space<vmem>>
      %dma_start3A_144 = tpu.memref_slice %arg4[%mul3A_123] : memref<16777216xf32, #tpu.memory_space<hbm>> -> memref<8192xf32, #tpu.memory_space<hbm>>
      %dma_start3A_145 = arith.constant 0 : i32
      %dma_start3A_146 = tpu.memref_slice %arg16[%dma_start3A_145] : memref<16384xf32, #tpu.memory_space<vmem>> -> memref<8192xf32, #tpu.memory_space<vmem>>
      %dma_start3A_147 = tpu.memref_slice %arg4[%mul3A_123] : memref<16777216xf32, #tpu.memory_space<hbm>> -> memref<8192xf32, #tpu.memory_space<hbm>>
      tpu.enqueue_dma source(%dma_start3A_147 : memref<8192xf32, #tpu.memory_space<hbm>>) target(%dma_start3A_146 : memref<8192xf32, #tpu.memory_space<vmem>>) target_semaphore(%arg24 : memref<!tpu.dma_semaphore, #tpu.memory_space<semaphore_mem>>)
      %dma_start3A_148 = arith.constant 8192 : i32
      %dma_start3A_149 = tpu.memref_slice %arg16[%dma_start3A_148] : memref<16384xf32, #tpu.memory_space<vmem>> -> memref<8192xf32, #tpu.memory_space<vmem>>
      %dma_start3A_150 = tpu.memref_slice %arg4[%mul3A_127] : memref<16777216xf32, #tpu.memory_space<hbm>> -> memref<8192xf32, #tpu.memory_space<hbm>>
      %dma_start3A_151 = arith.constant 8192 : i32
      %dma_start3A_152 = tpu.memref_slice %arg16[%dma_start3A_151] : memref<16384xf32, #tpu.memory_space<vmem>> -> memref<8192xf32, #tpu.memory_space<vmem>>
      %dma_start3A_153 = tpu.memref_slice %arg4[%mul3A_127] : memref<16777216xf32, #tpu.memory_space<hbm>> -> memref<8192xf32, #tpu.memory_space<hbm>>
      tpu.enqueue_dma source(%dma_start3A_153 : memref<8192xf32, #tpu.memory_space<hbm>>) target(%dma_start3A_152 : memref<8192xf32, #tpu.memory_space<vmem>>) target_semaphore(%arg24 : memref<!tpu.dma_semaphore, #tpu.memory_space<semaphore_mem>>)
      %dma_start3A_154 = tpu.memref_slice %arg5[%add3A_91] : memref<1048576xf32, #tpu.memory_space<hbm>> -> memref<1024xf32, #tpu.memory_space<hbm>>
      %dma_start3A_155 = tpu.memref_slice %arg5[%add3A_91] : memref<1048576xf32, #tpu.memory_space<hbm>> -> memref<1024xf32, #tpu.memory_space<hbm>>
      tpu.enqueue_dma source(%dma_start3A_155 : memref<1024xf32, #tpu.memory_space<hbm>>) target(%arg17 : memref<1024xf32, #tpu.memory_space<vmem>>) target_semaphore(%arg24 : memref<!tpu.dma_semaphore, #tpu.memory_space<semaphore_mem>>)
      %dma_start3A_156 = tpu.memref_slice %arg6[%add3A_91] : memref<1048576xf32, #tpu.memory_space<hbm>> -> memref<1024xf32, #tpu.memory_space<hbm>>
      %dma_start3A_157 = tpu.memref_slice %arg6[%add3A_91] : memref<1048576xf32, #tpu.memory_space<hbm>> -> memref<1024xf32, #tpu.memory_space<hbm>>
      tpu.enqueue_dma source(%dma_start3A_157 : memref<1024xf32, #tpu.memory_space<hbm>>) target(%arg18 : memref<1024xf32, #tpu.memory_space<vmem>>) target_semaphore(%arg24 : memref<!tpu.dma_semaphore, #tpu.memory_space<semaphore_mem>>)
      %mul3A_158 = arith.constant 1024 : i32
      %mul3A_159 = arith.muli %mul3A_86, %mul3A_158 : i32
      %add3A_160 = arith.addi %mul3A_2, %mul3A_159 : i32
      %jit3A_161 = arith.constant 128 : i32
      %div3A_162 = arith.divsi %add3A_160, %jit3A_161 : i32
      %sign3A_163 = arith.constant 0 : i32
      %sign3A_164 = arith.cmpi sgt, %add3A_160, %sign3A_163 : i32
      %sign3A_165 = arith.extui %sign3A_164 : i1 to i32
      %sign3A_166 = arith.constant 0 : i32
      %sign3A_167 = arith.cmpi slt, %add3A_160, %sign3A_166 : i32
      %sign3A_168 = arith.extui %sign3A_167 : i1 to i32
      %sign3A_169 = arith.subi %sign3A_165, %sign3A_168 : i32
      %sign3A_170 = arith.constant 0 : i32
      %sign3A_171 = arith.cmpi sgt, %jit3A_161, %sign3A_170 : i32
      %sign3A_172 = arith.extui %sign3A_171 : i1 to i32
      %sign3A_173 = arith.constant 0 : i32
      %sign3A_174 = arith.cmpi slt, %jit3A_161, %sign3A_173 : i32
      %sign3A_175 = arith.extui %sign3A_174 : i1 to i32
      %sign3A_176 = arith.subi %sign3A_172, %sign3A_175 : i32
      %ne3A_177 = arith.cmpi ne, %sign3A_169, %sign3A_176 : i32
      %rem3A_178 = arith.remsi %add3A_160, %jit3A_161 : i32
      %ne3A_179 = arith.constant 0 : i32
      %ne3A_180 = arith.cmpi ne, %rem3A_178, %ne3A_179 : i32
      %and3A_181 = arith.andi %ne3A_177, %ne3A_180 : i1
      %sub3A_182 = arith.constant 1 : i32
      %sub3A_183 = arith.subi %div3A_162, %sub3A_182 : i32
      %select_n3A_184 = arith.select %and3A_181, %sub3A_183, %div3A_162 : i32
      %mul3A_185 = arith.constant 1024 : i32
      %mul3A_186 = arith.muli %select_n3A_184, %mul3A_185 : i32
      %add3A_187 = arith.constant 8192 : i32
      %add3A_188 = arith.addi %add3A_187, %select_n3A_184 : i32
      %mul3A_189 = arith.constant 1024 : i32
      %mul3A_190 = arith.muli %add3A_188, %mul3A_189 : i32
      %mul3A_191 = arith.constant 1024 : i32
      %mul3A_192 = arith.muli %select_n3A_184, %mul3A_191 : i32
      %add3A_193 = arith.constant 8192 : i32
      %add3A_194 = arith.addi %add3A_193, %select_n3A_184 : i32
      %mul3A_195 = arith.constant 1024 : i32
      %mul3A_196 = arith.muli %add3A_194, %mul3A_195 : i32
      %dma_wait3A_197 = tpu.memref_slice %arg2[%add3A_160] : memref<1048576xf32, #tpu.memory_space<hbm>> -> memref<1024xf32, #tpu.memory_space<hbm>>
      %dma_wait3A_198 = tpu.memref_slice %arg2[%add3A_160] : memref<1048576xf32, #tpu.memory_space<hbm>> -> memref<1024xf32, #tpu.memory_space<hbm>>
      tpu.wait_dma2 semaphore(%arg23 : memref<!tpu.dma_semaphore, #tpu.memory_space<semaphore_mem>>) src(%dma_wait3A_198 : memref<1024xf32, #tpu.memory_space<hbm>>) dst(%arg9 : memref<1024xf32, #tpu.memory_space<vmem>>)
      %dma_wait3A_199 = arith.constant 0 : i32
      %dma_wait3A_200 = tpu.memref_slice %arg10[%dma_wait3A_199] : memref<16384xf32, #tpu.memory_space<vmem>> -> memref<8192xf32, #tpu.memory_space<vmem>>
      %dma_wait3A_201 = tpu.memref_slice %arg3[%mul3A_186] : memref<16777216xf32, #tpu.memory_space<hbm>> -> memref<8192xf32, #tpu.memory_space<hbm>>
      %dma_wait3A_202 = arith.constant 0 : i32
      %dma_wait3A_203 = tpu.memref_slice %arg10[%dma_wait3A_202] : memref<16384xf32, #tpu.memory_space<vmem>> -> memref<8192xf32, #tpu.memory_space<vmem>>
      %dma_wait3A_204 = tpu.memref_slice %arg3[%mul3A_186] : memref<16777216xf32, #tpu.memory_space<hbm>> -> memref<8192xf32, #tpu.memory_space<hbm>>
      tpu.wait_dma2 semaphore(%arg23 : memref<!tpu.dma_semaphore, #tpu.memory_space<semaphore_mem>>) src(%dma_wait3A_204 : memref<8192xf32, #tpu.memory_space<hbm>>) dst(%dma_wait3A_203 : memref<8192xf32, #tpu.memory_space<vmem>>)
      %dma_wait3A_205 = arith.constant 8192 : i32
      %dma_wait3A_206 = tpu.memref_slice %arg10[%dma_wait3A_205] : memref<16384xf32, #tpu.memory_space<vmem>> -> memref<8192xf32, #tpu.memory_space<vmem>>
      %dma_wait3A_207 = tpu.memref_slice %arg3[%mul3A_190] : memref<16777216xf32, #tpu.memory_space<hbm>> -> memref<8192xf32, #tpu.memory_space<hbm>>
      %dma_wait3A_208 = arith.constant 8192 : i32
      %dma_wait3A_209 = tpu.memref_slice %arg10[%dma_wait3A_208] : memref<16384xf32, #tpu.memory_space<vmem>> -> memref<8192xf32, #tpu.memory_space<vmem>>
      %dma_wait3A_210 = tpu.memref_slice %arg3[%mul3A_190] : memref<16777216xf32, #tpu.memory_space<hbm>> -> memref<8192xf32, #tpu.memory_space<hbm>>
      tpu.wait_dma2 semaphore(%arg23 : memref<!tpu.dma_semaphore, #tpu.memory_space<semaphore_mem>>) src(%dma_wait3A_210 : memref<8192xf32, #tpu.memory_space<hbm>>) dst(%dma_wait3A_209 : memref<8192xf32, #tpu.memory_space<vmem>>)
      %dma_wait3A_211 = arith.constant 0 : i32
      %dma_wait3A_212 = tpu.memref_slice %arg11[%dma_wait3A_211] : memref<16384xf32, #tpu.memory_space<vmem>> -> memref<8192xf32, #tpu.memory_space<vmem>>
      %dma_wait3A_213 = tpu.memref_slice %arg4[%mul3A_192] : memref<16777216xf32, #tpu.memory_space<hbm>> -> memref<8192xf32, #tpu.memory_space<hbm>>
      %dma_wait3A_214 = arith.constant 0 : i32
      %dma_wait3A_215 = tpu.memref_slice %arg11[%dma_wait3A_214] : memref<16384xf32, #tpu.memory_space<vmem>> -> memref<8192xf32, #tpu.memory_space<vmem>>
      %dma_wait3A_216 = tpu.memref_slice %arg4[%mul3A_192] : memref<16777216xf32, #tpu.memory_space<hbm>> -> memref<8192xf32, #tpu.memory_space<hbm>>
      tpu.wait_dma2 semaphore(%arg23 : memref<!tpu.dma_semaphore, #tpu.memory_space<semaphore_mem>>) src(%dma_wait3A_216 : memref<8192xf32, #tpu.memory_space<hbm>>) dst(%dma_wait3A_215 : memref<8192xf32, #tpu.memory_space<vmem>>)
      %dma_wait3A_217 = arith.constant 8192 : i32
      %dma_wait3A_218 = tpu.memref_slice %arg11[%dma_wait3A_217] : memref<16384xf32, #tpu.memory_space<vmem>> -> memref<8192xf32, #tpu.memory_space<vmem>>
      %dma_wait3A_219 = tpu.memref_slice %arg4[%mul3A_196] : memref<16777216xf32, #tpu.memory_space<hbm>> -> memref<8192xf32, #tpu.memory_space<hbm>>
      %dma_wait3A_220 = arith.constant 8192 : i32
      %dma_wait3A_221 = tpu.memref_slice %arg11[%dma_wait3A_220] : memref<16384xf32, #tpu.memory_space<vmem>> -> memref<8192xf32, #tpu.memory_space<vmem>>
      %dma_wait3A_222 = tpu.memref_slice %arg4[%mul3A_196] : memref<16777216xf32, #tpu.memory_space<hbm>> -> memref<8192xf32, #tpu.memory_space<hbm>>
      tpu.wait_dma2 semaphore(%arg23 : memref<!tpu.dma_semaphore, #tpu.memory_space<semaphore_mem>>) src(%dma_wait3A_222 : memref<8192xf32, #tpu.memory_space<hbm>>) dst(%dma_wait3A_221 : memref<8192xf32, #tpu.memory_space<vmem>>)
      %dma_wait3A_223 = tpu.memref_slice %arg5[%add3A_160] : memref<1048576xf32, #tpu.memory_space<hbm>> -> memref<1024xf32, #tpu.memory_space<hbm>>
      %dma_wait3A_224 = tpu.memref_slice %arg5[%add3A_160] : memref<1048576xf32, #tpu.memory_space<hbm>> -> memref<1024xf32, #tpu.memory_space<hbm>>
      tpu.wait_dma2 semaphore(%arg23 : memref<!tpu.dma_semaphore, #tpu.memory_space<semaphore_mem>>) src(%dma_wait3A_224 : memref<1024xf32, #tpu.memory_space<hbm>>) dst(%arg12 : memref<1024xf32, #tpu.memory_space<vmem>>)
      %dma_wait3A_225 = tpu.memref_slice %arg6[%add3A_160] : memref<1048576xf32, #tpu.memory_space<hbm>> -> memref<1024xf32, #tpu.memory_space<hbm>>
      %dma_wait3A_226 = tpu.memref_slice %arg6[%add3A_160] : memref<1048576xf32, #tpu.memory_space<hbm>> -> memref<1024xf32, #tpu.memory_space<hbm>>
      tpu.wait_dma2 semaphore(%arg23 : memref<!tpu.dma_semaphore, #tpu.memory_space<semaphore_mem>>) src(%dma_wait3A_226 : memref<1024xf32, #tpu.memory_space<hbm>>) dst(%arg13 : memref<1024xf32, #tpu.memory_space<vmem>>)
      %gt3A = arith.constant 0 : i32
      %gt3A_227 = arith.cmpi sgt, %add3A_84, %gt3A : i32
      %convert_element_type3A = arith.extui %gt3A_227 : i1 to i32
      %cond3A = arith.constant 0 : i32
      %cond3A_228 = arith.cmpi ne, %convert_element_type3A, %cond3A : i32
      scf.if %cond3A_228 {
        %sub3A_331 = arith.constant 2 : i32
        %sub3A_332 = arith.subi %mul3A_86, %sub3A_331 : i32
        %mul3A_333 = arith.constant 1024 : i32
        %mul3A_334 = arith.muli %sub3A_332, %mul3A_333 : i32
        %add3A_335 = arith.addi %mul3A_2, %mul3A_334 : i32
        %dma_wait3A_336 = tpu.memref_slice %arg7[%add3A_335] : memref<1048576xf32, #tpu.memory_space<hbm>> -> memref<1024xf32, #tpu.memory_space<hbm>>
        %dma_wait3A_337 = tpu.memref_slice %arg7[%add3A_335] : memref<1048576xf32, #tpu.memory_space<hbm>> -> memref<1024xf32, #tpu.memory_space<hbm>>
        tpu.wait_dma2 semaphore(%arg25 : memref<!tpu.dma_semaphore, #tpu.memory_space<semaphore_mem>>) src(%arg19 : memref<1024xf32, #tpu.memory_space<vmem>>) dst(%dma_wait3A_337 : memref<1024xf32, #tpu.memory_space<hbm>>)
        %dma_wait3A_338 = tpu.memref_slice %arg8[%add3A_335] : memref<1048576xf32, #tpu.memory_space<hbm>> -> memref<1024xf32, #tpu.memory_space<hbm>>
        %dma_wait3A_339 = tpu.memref_slice %arg8[%add3A_335] : memref<1048576xf32, #tpu.memory_space<hbm>> -> memref<1024xf32, #tpu.memory_space<hbm>>
        tpu.wait_dma2 semaphore(%arg25 : memref<!tpu.dma_semaphore, #tpu.memory_space<semaphore_mem>>) src(%arg20 : memref<1024xf32, #tpu.memory_space<vmem>>) dst(%dma_wait3A_339 : memref<1024xf32, #tpu.memory_space<hbm>>)
      } else {
      }
      %scan3A_229 = arith.constant 0 : i32
      %scan3A_230 = arith.constant 32 : i32
      %scan3A_231 = arith.addi %scan3A_229, %scan3A_230 : i32
      %scan3A_232 = arith.constant 1 : i32
      scf.for %scan3A_331 = %scan3A_229 to %scan3A_231 step %scan3A_232  : i32 {
        %mul3A_332 = arith.constant 2 : i32
        %mul3A_333 = arith.muli %scan3A_331, %mul3A_332 : i32
        %add3A_334 = arith.constant 0 : i32
        %add3A_335 = arith.addi %add3A_334, %mul3A_333 : i32
        %mul3A_336 = arith.constant 16 : i32
        %mul3A_337 = arith.muli %add3A_335, %mul3A_336 : i32
        %get3A = arith.index_cast %mul3A_337 : i32 to index
        %get3A_338 = tpu.vector_load %arg9[%get3A] {strides = array<i32>} : memref<1024xf32, #tpu.memory_space<vmem>>, vector<16xf32>,
        %get3A_339 = arith.index_cast %mul3A_337 : i32 to index
        %get3A_340 = tpu.vector_load %arg12[%get3A_339] {strides = array<i32>} : memref<1024xf32, #tpu.memory_space<vmem>>, vector<16xf32>,
        %get3A_341 = arith.index_cast %mul3A_337 : i32 to index
        %get3A_342 = tpu.vector_load %arg13[%get3A_341] {strides = array<i32>} : memref<1024xf32, #tpu.memory_space<vmem>>, vector<16xf32>,
        %jit3A_343 = arith.constant 128 : i32
        %div3A_344 = arith.divsi %mul3A_337, %jit3A_343 : i32
        %sign3A_345 = arith.constant 0 : i32
        %sign3A_346 = arith.cmpi sgt, %mul3A_337, %sign3A_345 : i32
        %sign3A_347 = arith.extui %sign3A_346 : i1 to i32
        %sign3A_348 = arith.constant 0 : i32
        %sign3A_349 = arith.cmpi slt, %mul3A_337, %sign3A_348 : i32
        %sign3A_350 = arith.extui %sign3A_349 : i1 to i32
        %sign3A_351 = arith.subi %sign3A_347, %sign3A_350 : i32
        %sign3A_352 = arith.constant 0 : i32
        %sign3A_353 = arith.cmpi sgt, %jit3A_343, %sign3A_352 : i32
        %sign3A_354 = arith.extui %sign3A_353 : i1 to i32
        %sign3A_355 = arith.constant 0 : i32
        %sign3A_356 = arith.cmpi slt, %jit3A_343, %sign3A_355 : i32
        %sign3A_357 = arith.extui %sign3A_356 : i1 to i32
        %sign3A_358 = arith.subi %sign3A_354, %sign3A_357 : i32
        %ne3A_359 = arith.cmpi ne, %sign3A_351, %sign3A_358 : i32
        %rem3A_360 = arith.remsi %mul3A_337, %jit3A_343 : i32
        %ne3A_361 = arith.constant 0 : i32
        %ne3A_362 = arith.cmpi ne, %rem3A_360, %ne3A_361 : i32
        %and3A_363 = arith.andi %ne3A_359, %ne3A_362 : i1
        %sub3A_364 = arith.constant 1 : i32
        %sub3A_365 = arith.subi %div3A_344, %sub3A_364 : i32
        %select_n3A_366 = arith.select %and3A_363, %sub3A_365, %div3A_344 : i32
        %jit3A_367 = arith.constant 128 : i32
        %eq3A = arith.constant 0 : i32
        %eq3A_368 = arith.cmpi eq, %jit3A_367, %eq3A : i32
        %jit3A_369 = arith.constant 1 : i32
        %select_n3A_370 = arith.select %eq3A_368, %jit3A_369, %jit3A_367 : i32
        %rem3A_371 = arith.remsi %mul3A_337, %select_n3A_370 : i32
        %ne3A_372 = arith.constant 0 : i32
        %ne3A_373 = arith.cmpi ne, %rem3A_371, %ne3A_372 : i32
        %lt3A_374 = arith.constant 0 : i32
        %lt3A_375 = arith.cmpi slt, %rem3A_371, %lt3A_374 : i32
        %lt3A_376 = arith.constant 0 : i32
        %lt3A_377 = arith.cmpi slt, %select_n3A_370, %lt3A_376 : i32
        %ne3A_378 = arith.xori %lt3A_375, %lt3A_377 : i1
        %and3A_379 = arith.andi %ne3A_378, %ne3A_373 : i1
        %add3A_380 = arith.addi %rem3A_371, %select_n3A_370 : i32
        %select_n3A_381 = arith.select %and3A_379, %add3A_380, %rem3A_371 : i32
        %mul3A_382 = arith.constant 1024 : i32
        %mul3A_383 = arith.muli %select_n3A_366, %mul3A_382 : i32
        %add3A_384 = arith.addi %mul3A_383, %select_n3A_381 : i32
        %add3A_385 = arith.constant 0 : i32
        %add3A_386 = arith.addi %add3A_384, %add3A_385 : i32
        %get3A_387 = arith.index_cast %add3A_386 : i32 to index
        %get3A_388 = tpu.vector_load %arg10[%get3A_387] {strides = array<i32>} : memref<16384xf32, #tpu.memory_space<vmem>>, vector<16xf32>,
        %mul3A_389 = arith.constant 1024 : i32
        %mul3A_390 = arith.muli %select_n3A_366, %mul3A_389 : i32
        %add3A_391 = arith.addi %mul3A_390, %select_n3A_381 : i32
        %add3A_392 = arith.constant 128 : i32
        %add3A_393 = arith.addi %add3A_391, %add3A_392 : i32
        %get3A_394 = arith.index_cast %add3A_393 : i32 to index
        %get3A_395 = tpu.vector_load %arg10[%get3A_394] {strides = array<i32>} : memref<16384xf32, #tpu.memory_space<vmem>>, vector<16xf32>,
        %mul3A_396 = arith.constant 1024 : i32
        %mul3A_397 = arith.muli %select_n3A_366, %mul3A_396 : i32
        %add3A_398 = arith.addi %mul3A_397, %select_n3A_381 : i32
        %add3A_399 = arith.constant 256 : i32
        %add3A_400 = arith.addi %add3A_398, %add3A_399 : i32
        %get3A_401 = arith.index_cast %add3A_400 : i32 to index
        %get3A_402 = tpu.vector_load %arg10[%get3A_401] {strides = array<i32>} : memref<16384xf32, #tpu.memory_space<vmem>>, vector<16xf32>,
        %mul3A_403 = arith.constant 1024 : i32
        %mul3A_404 = arith.muli %select_n3A_366, %mul3A_403 : i32
        %add3A_405 = arith.addi %mul3A_404, %select_n3A_381 : i32
        %add3A_406 = arith.constant 384 : i32
        %add3A_407 = arith.addi %add3A_405, %add3A_406 : i32
        %get3A_408 = arith.index_cast %add3A_407 : i32 to index
        %get3A_409 = tpu.vector_load %arg10[%get3A_408] {strides = array<i32>} : memref<16384xf32, #tpu.memory_space<vmem>>, vector<16xf32>,
        %mul3A_410 = arith.constant 1024 : i32
        %mul3A_411 = arith.muli %select_n3A_366, %mul3A_410 : i32
        %add3A_412 = arith.addi %mul3A_411, %select_n3A_381 : i32
        %add3A_413 = arith.constant 512 : i32
        %add3A_414 = arith.addi %add3A_412, %add3A_413 : i32
        %get3A_415 = arith.index_cast %add3A_414 : i32 to index
        %get3A_416 = tpu.vector_load %arg10[%get3A_415] {strides = array<i32>} : memref<16384xf32, #tpu.memory_space<vmem>>, vector<16xf32>,
        %mul3A_417 = arith.constant 1024 : i32
        %mul3A_418 = arith.muli %select_n3A_366, %mul3A_417 : i32
        %add3A_419 = arith.addi %mul3A_418, %select_n3A_381 : i32
        %add3A_420 = arith.constant 640 : i32
        %add3A_421 = arith.addi %add3A_419, %add3A_420 : i32
        %get3A_422 = arith.index_cast %add3A_421 : i32 to index
        %get3A_423 = tpu.vector_load %arg10[%get3A_422] {strides = array<i32>} : memref<16384xf32, #tpu.memory_space<vmem>>, vector<16xf32>,
        %mul3A_424 = arith.constant 1024 : i32
        %mul3A_425 = arith.muli %select_n3A_366, %mul3A_424 : i32
        %add3A_426 = arith.addi %mul3A_425, %select_n3A_381 : i32
        %add3A_427 = arith.constant 768 : i32
        %add3A_428 = arith.addi %add3A_426, %add3A_427 : i32
        %get3A_429 = arith.index_cast %add3A_428 : i32 to index
        %get3A_430 = tpu.vector_load %arg10[%get3A_429] {strides = array<i32>} : memref<16384xf32, #tpu.memory_space<vmem>>, vector<16xf32>,
        %mul3A_431 = arith.constant 1024 : i32
        %mul3A_432 = arith.muli %select_n3A_366, %mul3A_431 : i32
        %add3A_433 = arith.addi %mul3A_432, %select_n3A_381 : i32
        %add3A_434 = arith.constant 896 : i32
        %add3A_435 = arith.addi %add3A_433, %add3A_434 : i32
        %get3A_436 = arith.index_cast %add3A_435 : i32 to index
        %get3A_437 = tpu.vector_load %arg10[%get3A_436] {strides = array<i32>} : memref<16384xf32, #tpu.memory_space<vmem>>, vector<16xf32>,
        %mul3A_438 = arith.constant 1024 : i32
        %mul3A_439 = arith.muli %select_n3A_366, %mul3A_438 : i32
        %add3A_440 = arith.addi %mul3A_439, %select_n3A_381 : i32
        %add3A_441 = arith.constant 8192 : i32
        %add3A_442 = arith.addi %add3A_440, %add3A_441 : i32
        %get3A_443 = arith.index_cast %add3A_442 : i32 to index
        %get3A_444 = tpu.vector_load %arg10[%get3A_443] {strides = array<i32>} : memref<16384xf32, #tpu.memory_space<vmem>>, vector<16xf32>,
        %mul3A_445 = arith.constant 1024 : i32
        %mul3A_446 = arith.muli %select_n3A_366, %mul3A_445 : i32
        %add3A_447 = arith.addi %mul3A_446, %select_n3A_381 : i32
        %add3A_448 = arith.constant 8320 : i32
        %add3A_449 = arith.addi %add3A_447, %add3A_448 : i32
        %get3A_450 = arith.index_cast %add3A_449 : i32 to index
        %get3A_451 = tpu.vector_load %arg10[%get3A_450] {strides = array<i32>} : memref<16384xf32, #tpu.memory_space<vmem>>, vector<16xf32>,
        %mul3A_452 = arith.constant 1024 : i32
        %mul3A_453 = arith.muli %select_n3A_366, %mul3A_452 : i32
        %add3A_454 = arith.addi %mul3A_453, %select_n3A_381 : i32
        %add3A_455 = arith.constant 8448 : i32
        %add3A_456 = arith.addi %add3A_454, %add3A_455 : i32
        %get3A_457 = arith.index_cast %add3A_456 : i32 to index
        %get3A_458 = tpu.vector_load %arg10[%get3A_457] {strides = array<i32>} : memref<16384xf32, #tpu.memory_space<vmem>>, vector<16xf32>,
        %mul3A_459 = arith.constant 1024 : i32
        %mul3A_460 = arith.muli %select_n3A_366, %mul3A_459 : i32
        %add3A_461 = arith.addi %mul3A_460, %select_n3A_381 : i32
        %add3A_462 = arith.constant 8576 : i32
        %add3A_463 = arith.addi %add3A_461, %add3A_462 : i32
        %get3A_464 = arith.index_cast %add3A_463 : i32 to index
        %get3A_465 = tpu.vector_load %arg10[%get3A_464] {strides = array<i32>} : memref<16384xf32, #tpu.memory_space<vmem>>, vector<16xf32>,
        %mul3A_466 = arith.constant 1024 : i32
        %mul3A_467 = arith.muli %select_n3A_366, %mul3A_466 : i32
        %add3A_468 = arith.addi %mul3A_467, %select_n3A_381 : i32
        %add3A_469 = arith.constant 8704 : i32
        %add3A_470 = arith.addi %add3A_468, %add3A_469 : i32
        %get3A_471 = arith.index_cast %add3A_470 : i32 to index
        %get3A_472 = tpu.vector_load %arg10[%get3A_471] {strides = array<i32>} : memref<16384xf32, #tpu.memory_space<vmem>>, vector<16xf32>,
        %mul3A_473 = arith.constant 1024 : i32
        %mul3A_474 = arith.muli %select_n3A_366, %mul3A_473 : i32
        %add3A_475 = arith.addi %mul3A_474, %select_n3A_381 : i32
        %add3A_476 = arith.constant 8832 : i32
        %add3A_477 = arith.addi %add3A_475, %add3A_476 : i32
        %get3A_478 = arith.index_cast %add3A_477 : i32 to index
        %get3A_479 = tpu.vector_load %arg10[%get3A_478] {strides = array<i32>} : memref<16384xf32, #tpu.memory_space<vmem>>, vector<16xf32>,
        %mul3A_480 = arith.constant 1024 : i32
        %mul3A_481 = arith.muli %select_n3A_366, %mul3A_480 : i32
        %add3A_482 = arith.addi %mul3A_481, %select_n3A_381 : i32
        %add3A_483 = arith.constant 8960 : i32
        %add3A_484 = arith.addi %add3A_482, %add3A_483 : i32
        %get3A_485 = arith.index_cast %add3A_484 : i32 to index
        %get3A_486 = tpu.vector_load %arg10[%get3A_485] {strides = array<i32>} : memref<16384xf32, #tpu.memory_space<vmem>>, vector<16xf32>,
        %mul3A_487 = arith.constant 1024 : i32
        %mul3A_488 = arith.muli %select_n3A_366, %mul3A_487 : i32
        %add3A_489 = arith.addi %mul3A_488, %select_n3A_381 : i32
        %add3A_490 = arith.constant 9088 : i32
        %add3A_491 = arith.addi %add3A_489, %add3A_490 : i32
        %get3A_492 = arith.index_cast %add3A_491 : i32 to index
        %get3A_493 = tpu.vector_load %arg10[%get3A_492] {strides = array<i32>} : memref<16384xf32, #tpu.memory_space<vmem>>, vector<16xf32>,
        %mul3A_494 = arith.constant 1024 : i32
        %mul3A_495 = arith.muli %select_n3A_366, %mul3A_494 : i32
        %add3A_496 = arith.addi %mul3A_495, %select_n3A_381 : i32
        %add3A_497 = arith.constant 0 : i32
        %add3A_498 = arith.addi %add3A_496, %add3A_497 : i32
        %get3A_499 = arith.index_cast %add3A_498 : i32 to index
        %get3A_500 = tpu.vector_load %arg11[%get3A_499] {strides = array<i32>} : memref<16384xf32, #tpu.memory_space<vmem>>, vector<16xf32>,
        %mul3A_501 = arith.constant 1024 : i32
        %mul3A_502 = arith.muli %select_n3A_366, %mul3A_501 : i32
        %add3A_503 = arith.addi %mul3A_502, %select_n3A_381 : i32
        %add3A_504 = arith.constant 128 : i32
        %add3A_505 = arith.addi %add3A_503, %add3A_504 : i32
        %get3A_506 = arith.index_cast %add3A_505 : i32 to index
        %get3A_507 = tpu.vector_load %arg11[%get3A_506] {strides = array<i32>} : memref<16384xf32, #tpu.memory_space<vmem>>, vector<16xf32>,
        %mul3A_508 = arith.constant 1024 : i32
        %mul3A_509 = arith.muli %select_n3A_366, %mul3A_508 : i32
        %add3A_510 = arith.addi %mul3A_509, %select_n3A_381 : i32
        %add3A_511 = arith.constant 256 : i32
        %add3A_512 = arith.addi %add3A_510, %add3A_511 : i32
        %get3A_513 = arith.index_cast %add3A_512 : i32 to index
        %get3A_514 = tpu.vector_load %arg11[%get3A_513] {strides = array<i32>} : memref<16384xf32, #tpu.memory_space<vmem>>, vector<16xf32>,
        %mul3A_515 = arith.constant 1024 : i32
        %mul3A_516 = arith.muli %select_n3A_366, %mul3A_515 : i32
        %add3A_517 = arith.addi %mul3A_516, %select_n3A_381 : i32
        %add3A_518 = arith.constant 384 : i32
        %add3A_519 = arith.addi %add3A_517, %add3A_518 : i32
        %get3A_520 = arith.index_cast %add3A_519 : i32 to index
        %get3A_521 = tpu.vector_load %arg11[%get3A_520] {strides = array<i32>} : memref<16384xf32, #tpu.memory_space<vmem>>, vector<16xf32>,
        %mul3A_522 = arith.constant 1024 : i32
        %mul3A_523 = arith.muli %select_n3A_366, %mul3A_522 : i32
        %add3A_524 = arith.addi %mul3A_523, %select_n3A_381 : i32
        %add3A_525 = arith.constant 512 : i32
        %add3A_526 = arith.addi %add3A_524, %add3A_525 : i32
        %get3A_527 = arith.index_cast %add3A_526 : i32 to index
        %get3A_528 = tpu.vector_load %arg11[%get3A_527] {strides = array<i32>} : memref<16384xf32, #tpu.memory_space<vmem>>, vector<16xf32>,
        %mul3A_529 = arith.constant 1024 : i32
        %mul3A_530 = arith.muli %select_n3A_366, %mul3A_529 : i32
        %add3A_531 = arith.addi %mul3A_530, %select_n3A_381 : i32
        %add3A_532 = arith.constant 640 : i32
        %add3A_533 = arith.addi %add3A_531, %add3A_532 : i32
        %get3A_534 = arith.index_cast %add3A_533 : i32 to index
        %get3A_535 = tpu.vector_load %arg11[%get3A_534] {strides = array<i32>} : memref<16384xf32, #tpu.memory_space<vmem>>, vector<16xf32>,
        %mul3A_536 = arith.constant 1024 : i32
        %mul3A_537 = arith.muli %select_n3A_366, %mul3A_536 : i32
        %add3A_538 = arith.addi %mul3A_537, %select_n3A_381 : i32
        %add3A_539 = arith.constant 768 : i32
        %add3A_540 = arith.addi %add3A_538, %add3A_539 : i32
        %get3A_541 = arith.index_cast %add3A_540 : i32 to index
        %get3A_542 = tpu.vector_load %arg11[%get3A_541] {strides = array<i32>} : memref<16384xf32, #tpu.memory_space<vmem>>, vector<16xf32>,
        %mul3A_543 = arith.constant 1024 : i32
        %mul3A_544 = arith.muli %select_n3A_366, %mul3A_543 : i32
        %add3A_545 = arith.addi %mul3A_544, %select_n3A_381 : i32
        %add3A_546 = arith.constant 896 : i32
        %add3A_547 = arith.addi %add3A_545, %add3A_546 : i32
        %get3A_548 = arith.index_cast %add3A_547 : i32 to index
        %get3A_549 = tpu.vector_load %arg11[%get3A_548] {strides = array<i32>} : memref<16384xf32, #tpu.memory_space<vmem>>, vector<16xf32>,
        %mul3A_550 = arith.constant 1024 : i32
        %mul3A_551 = arith.muli %select_n3A_366, %mul3A_550 : i32
        %add3A_552 = arith.addi %mul3A_551, %select_n3A_381 : i32
        %add3A_553 = arith.constant 8192 : i32
        %add3A_554 = arith.addi %add3A_552, %add3A_553 : i32
        %get3A_555 = arith.index_cast %add3A_554 : i32 to index
        %get3A_556 = tpu.vector_load %arg11[%get3A_555] {strides = array<i32>} : memref<16384xf32, #tpu.memory_space<vmem>>, vector<16xf32>,
        %mul3A_557 = arith.constant 1024 : i32
        %mul3A_558 = arith.muli %select_n3A_366, %mul3A_557 : i32
        %add3A_559 = arith.addi %mul3A_558, %select_n3A_381 : i32
        %add3A_560 = arith.constant 8320 : i32
        %add3A_561 = arith.addi %add3A_559, %add3A_560 : i32
        %get3A_562 = arith.index_cast %add3A_561 : i32 to index
        %get3A_563 = tpu.vector_load %arg11[%get3A_562] {strides = array<i32>} : memref<16384xf32, #tpu.memory_space<vmem>>, vector<16xf32>,
        %mul3A_564 = arith.constant 1024 : i32
        %mul3A_565 = arith.muli %select_n3A_366, %mul3A_564 : i32
        %add3A_566 = arith.addi %mul3A_565, %select_n3A_381 : i32
        %add3A_567 = arith.constant 8448 : i32
        %add3A_568 = arith.addi %add3A_566, %add3A_567 : i32
        %get3A_569 = arith.index_cast %add3A_568 : i32 to index
        %get3A_570 = tpu.vector_load %arg11[%get3A_569] {strides = array<i32>} : memref<16384xf32, #tpu.memory_space<vmem>>, vector<16xf32>,
        %mul3A_571 = arith.constant 1024 : i32
        %mul3A_572 = arith.muli %select_n3A_366, %mul3A_571 : i32
        %add3A_573 = arith.addi %mul3A_572, %select_n3A_381 : i32
        %add3A_574 = arith.constant 8576 : i32
        %add3A_575 = arith.addi %add3A_573, %add3A_574 : i32
        %get3A_576 = arith.index_cast %add3A_575 : i32 to index
        %get3A_577 = tpu.vector_load %arg11[%get3A_576] {strides = array<i32>} : memref<16384xf32, #tpu.memory_space<vmem>>, vector<16xf32>,
        %mul3A_578 = arith.constant 1024 : i32
        %mul3A_579 = arith.muli %select_n3A_366, %mul3A_578 : i32
        %add3A_580 = arith.addi %mul3A_579, %select_n3A_381 : i32
        %add3A_581 = arith.constant 8704 : i32
        %add3A_582 = arith.addi %add3A_580, %add3A_581 : i32
        %get3A_583 = arith.index_cast %add3A_582 : i32 to index
        %get3A_584 = tpu.vector_load %arg11[%get3A_583] {strides = array<i32>} : memref<16384xf32, #tpu.memory_space<vmem>>, vector<16xf32>,
        %mul3A_585 = arith.constant 1024 : i32
        %mul3A_586 = arith.muli %select_n3A_366, %mul3A_585 : i32
        %add3A_587 = arith.addi %mul3A_586, %select_n3A_381 : i32
        %add3A_588 = arith.constant 8832 : i32
        %add3A_589 = arith.addi %add3A_587, %add3A_588 : i32
        %get3A_590 = arith.index_cast %add3A_589 : i32 to index
        %get3A_591 = tpu.vector_load %arg11[%get3A_590] {strides = array<i32>} : memref<16384xf32, #tpu.memory_space<vmem>>, vector<16xf32>,
        %mul3A_592 = arith.constant 1024 : i32
        %mul3A_593 = arith.muli %select_n3A_366, %mul3A_592 : i32
        %add3A_594 = arith.addi %mul3A_593, %select_n3A_381 : i32
        %add3A_595 = arith.constant 8960 : i32
        %add3A_596 = arith.addi %add3A_594, %add3A_595 : i32
        %get3A_597 = arith.index_cast %add3A_596 : i32 to index
        %get3A_598 = tpu.vector_load %arg11[%get3A_597] {strides = array<i32>} : memref<16384xf32, #tpu.memory_space<vmem>>, vector<16xf32>,
        %mul3A_599 = arith.constant 1024 : i32
        %mul3A_600 = arith.muli %select_n3A_366, %mul3A_599 : i32
        %add3A_601 = arith.addi %mul3A_600, %select_n3A_381 : i32
        %add3A_602 = arith.constant 9088 : i32
        %add3A_603 = arith.addi %add3A_601, %add3A_602 : i32
        %get3A_604 = arith.index_cast %add3A_603 : i32 to index
        %get3A_605 = tpu.vector_load %arg11[%get3A_604] {strides = array<i32>} : memref<16384xf32, #tpu.memory_space<vmem>>, vector<16xf32>,
        %exp3A = math.exp %get3A_388 : vector<16xf32>
        %exp3A_606 = math.exp %get3A_395 : vector<16xf32>
        %exp3A_607 = math.exp %get3A_402 : vector<16xf32>
        %exp3A_608 = math.exp %get3A_409 : vector<16xf32>
        %exp3A_609 = math.exp %get3A_416 : vector<16xf32>
        %exp3A_610 = math.exp %get3A_423 : vector<16xf32>
        %exp3A_611 = math.exp %get3A_430 : vector<16xf32>
        %exp3A_612 = math.exp %get3A_437 : vector<16xf32>
        %exp3A_613 = math.exp %get3A_444 : vector<16xf32>
        %exp3A_614 = math.exp %get3A_451 : vector<16xf32>
        %exp3A_615 = math.exp %get3A_458 : vector<16xf32>
        %exp3A_616 = math.exp %get3A_465 : vector<16xf32>
        %exp3A_617 = math.exp %get3A_472 : vector<16xf32>
        %exp3A_618 = math.exp %get3A_479 : vector<16xf32>
        %exp3A_619 = math.exp %get3A_486 : vector<16xf32>
        %exp3A_620 = math.exp %get3A_493 : vector<16xf32>
        %exp3A_621 = math.exp %get3A_500 : vector<16xf32>
        %exp3A_622 = math.exp %get3A_507 : vector<16xf32>
        %exp3A_623 = math.exp %get3A_514 : vector<16xf32>
        %exp3A_624 = math.exp %get3A_521 : vector<16xf32>
        %exp3A_625 = math.exp %get3A_528 : vector<16xf32>
        %exp3A_626 = math.exp %get3A_535 : vector<16xf32>
        %exp3A_627 = math.exp %get3A_542 : vector<16xf32>
        %exp3A_628 = math.exp %get3A_549 : vector<16xf32>
        %exp3A_629 = math.exp %get3A_556 : vector<16xf32>
        %exp3A_630 = math.exp %get3A_563 : vector<16xf32>
        %exp3A_631 = math.exp %get3A_570 : vector<16xf32>
        %exp3A_632 = math.exp %get3A_577 : vector<16xf32>
        %exp3A_633 = math.exp %get3A_584 : vector<16xf32>
        %exp3A_634 = math.exp %get3A_591 : vector<16xf32>
        %exp3A_635 = math.exp %get3A_598 : vector<16xf32>
        %exp3A_636 = math.exp %get3A_605 : vector<16xf32>
        %add3A_637 = arith.addf %exp3A, %exp3A_606 : vector<16xf32>
        %add3A_638 = arith.addf %exp3A_607, %exp3A_608 : vector<16xf32>
        %add3A_639 = arith.addf %exp3A_609, %exp3A_610 : vector<16xf32>
        %add3A_640 = arith.addf %exp3A_611, %exp3A_612 : vector<16xf32>
        %add3A_641 = arith.addf %exp3A_613, %exp3A_614 : vector<16xf32>
        %add3A_642 = arith.addf %exp3A_615, %exp3A_616 : vector<16xf32>
        %add3A_643 = arith.addf %exp3A_617, %exp3A_618 : vector<16xf32>
        %add3A_644 = arith.addf %exp3A_619, %exp3A_620 : vector<16xf32>
        %add3A_645 = arith.addf %add3A_637, %add3A_638 : vector<16xf32>
        %add3A_646 = arith.addf %add3A_639, %add3A_640 : vector<16xf32>
        %add3A_647 = arith.addf %add3A_641, %add3A_642 : vector<16xf32>
        %add3A_648 = arith.addf %add3A_643, %add3A_644 : vector<16xf32>
        %add3A_649 = arith.addf %add3A_645, %add3A_646 : vector<16xf32>
        %add3A_650 = arith.addf %add3A_647, %add3A_648 : vector<16xf32>
        %add3A_651 = arith.addf %add3A_649, %add3A_650 : vector<16xf32>
        %div3A_652 = vector.broadcast %scan3A : f32 to vector<16xf32>
        %div3A_653 = arith.divf %div3A_652, %add3A_651 : vector<16xf32>
        %add3A_654 = arith.addf %exp3A_621, %exp3A_622 : vector<16xf32>
        %add3A_655 = arith.addf %exp3A_623, %exp3A_624 : vector<16xf32>
        %add3A_656 = arith.addf %exp3A_625, %exp3A_626 : vector<16xf32>
        %add3A_657 = arith.addf %exp3A_627, %exp3A_628 : vector<16xf32>
        %add3A_658 = arith.addf %exp3A_629, %exp3A_630 : vector<16xf32>
        %add3A_659 = arith.addf %exp3A_631, %exp3A_632 : vector<16xf32>
        %add3A_660 = arith.addf %exp3A_633, %exp3A_634 : vector<16xf32>
        %add3A_661 = arith.addf %exp3A_635, %exp3A_636 : vector<16xf32>
        %add3A_662 = arith.addf %add3A_654, %add3A_655 : vector<16xf32>
        %add3A_663 = arith.addf %add3A_656, %add3A_657 : vector<16xf32>
        %add3A_664 = arith.addf %add3A_658, %add3A_659 : vector<16xf32>
        %add3A_665 = arith.addf %add3A_660, %add3A_661 : vector<16xf32>
        %add3A_666 = arith.addf %add3A_662, %add3A_663 : vector<16xf32>
        %add3A_667 = arith.addf %add3A_664, %add3A_665 : vector<16xf32>
        %add3A_668 = arith.addf %add3A_666, %add3A_667 : vector<16xf32>
        %div3A_669 = vector.broadcast %scan3A_62 : f32 to vector<16xf32>
        %div3A_670 = arith.divf %div3A_669, %add3A_668 : vector<16xf32>
        %add3A_671 = arith.addf %exp3A, %exp3A_606 : vector<16xf32>
        %add3A_672 = arith.addf %exp3A_621, %exp3A_622 : vector<16xf32>
        %add3A_673 = arith.addf %add3A_671, %exp3A_607 : vector<16xf32>
        %add3A_674 = arith.addf %add3A_672, %exp3A_623 : vector<16xf32>
        %add3A_675 = arith.addf %add3A_673, %exp3A_608 : vector<16xf32>
        %add3A_676 = arith.addf %add3A_674, %exp3A_624 : vector<16xf32>
        %add3A_677 = arith.addf %add3A_675, %exp3A_609 : vector<16xf32>
        %add3A_678 = arith.addf %add3A_676, %exp3A_625 : vector<16xf32>
        %add3A_679 = arith.addf %add3A_677, %exp3A_610 : vector<16xf32>
        %add3A_680 = arith.addf %add3A_678, %exp3A_626 : vector<16xf32>
        %add3A_681 = arith.addf %add3A_679, %exp3A_611 : vector<16xf32>
        %add3A_682 = arith.addf %add3A_680, %exp3A_627 : vector<16xf32>
        %add3A_683 = arith.addf %add3A_681, %exp3A_612 : vector<16xf32>
        %add3A_684 = arith.addf %add3A_682, %exp3A_628 : vector<16xf32>
        %add3A_685 = arith.addf %add3A_683, %exp3A_613 : vector<16xf32>
        %add3A_686 = arith.addf %add3A_684, %exp3A_629 : vector<16xf32>
        %add3A_687 = arith.addf %add3A_685, %exp3A_614 : vector<16xf32>
        %add3A_688 = arith.addf %add3A_686, %exp3A_630 : vector<16xf32>
        %add3A_689 = arith.addf %add3A_687, %exp3A_615 : vector<16xf32>
        %add3A_690 = arith.addf %add3A_688, %exp3A_631 : vector<16xf32>
        %add3A_691 = arith.addf %add3A_689, %exp3A_616 : vector<16xf32>
        %add3A_692 = arith.addf %add3A_690, %exp3A_632 : vector<16xf32>
        %add3A_693 = arith.addf %add3A_691, %exp3A_617 : vector<16xf32>
        %add3A_694 = arith.addf %add3A_692, %exp3A_633 : vector<16xf32>
        %add3A_695 = arith.addf %add3A_693, %exp3A_618 : vector<16xf32>
        %add3A_696 = arith.addf %add3A_694, %exp3A_634 : vector<16xf32>
        %add3A_697 = arith.addf %add3A_695, %exp3A_619 : vector<16xf32>
        %add3A_698 = arith.addf %add3A_696, %exp3A_635 : vector<16xf32>
        %add3A_699 = arith.addf %add3A_697, %exp3A_620 : vector<16xf32>
        %add3A_700 = arith.addf %add3A_698, %exp3A_636 : vector<16xf32>
        %mul3A_701 = arith.mulf %div3A_653, %exp3A : vector<16xf32>
        %add3A_702 = arith.constant 1.000000e-03 : f32
        %add3A_703 = vector.broadcast %add3A_702 : f32 to vector<16xf32>
        %add3A_704 = arith.addf %mul3A_701, %add3A_703 : vector<16xf32>
        %mul3A_705 = arith.mulf %div3A_653, %add3A_671 : vector<16xf32>
        %add3A_706 = arith.constant 2.000000e-03 : f32
        %add3A_707 = vector.broadcast %add3A_706 : f32 to vector<16xf32>
        %add3A_708 = arith.addf %mul3A_705, %add3A_707 : vector<16xf32>
        %mul3A_709 = arith.mulf %div3A_653, %add3A_673 : vector<16xf32>
        %add3A_710 = arith.constant 3.000000e-03 : f32
        %add3A_711 = vector.broadcast %add3A_710 : f32 to vector<16xf32>
        %add3A_712 = arith.addf %mul3A_709, %add3A_711 : vector<16xf32>
        %mul3A_713 = arith.mulf %div3A_653, %add3A_675 : vector<16xf32>
        %add3A_714 = arith.constant 4.000000e-03 : f32
        %add3A_715 = vector.broadcast %add3A_714 : f32 to vector<16xf32>
        %add3A_716 = arith.addf %mul3A_713, %add3A_715 : vector<16xf32>
        %mul3A_717 = arith.mulf %div3A_653, %add3A_677 : vector<16xf32>
        %add3A_718 = arith.constant 5.000000e-03 : f32
        %add3A_719 = vector.broadcast %add3A_718 : f32 to vector<16xf32>
        %add3A_720 = arith.addf %mul3A_717, %add3A_719 : vector<16xf32>
        %mul3A_721 = arith.mulf %div3A_653, %add3A_679 : vector<16xf32>
        %add3A_722 = arith.constant 6.000000e-03 : f32
        %add3A_723 = vector.broadcast %add3A_722 : f32 to vector<16xf32>
        %add3A_724 = arith.addf %mul3A_721, %add3A_723 : vector<16xf32>
        %mul3A_725 = arith.mulf %div3A_653, %add3A_681 : vector<16xf32>
        %add3A_726 = arith.constant 7.000000e-03 : f32
        %add3A_727 = vector.broadcast %add3A_726 : f32 to vector<16xf32>
        %add3A_728 = arith.addf %mul3A_725, %add3A_727 : vector<16xf32>
        %mul3A_729 = arith.mulf %div3A_653, %add3A_683 : vector<16xf32>
        %add3A_730 = arith.constant 8.000000e-03 : f32
        %add3A_731 = vector.broadcast %add3A_730 : f32 to vector<16xf32>
        %add3A_732 = arith.addf %mul3A_729, %add3A_731 : vector<16xf32>
        %mul3A_733 = arith.mulf %div3A_653, %add3A_685 : vector<16xf32>
        %add3A_734 = arith.constant 0.00899999961 : f32
        %add3A_735 = vector.broadcast %add3A_734 : f32 to vector<16xf32>
        %add3A_736 = arith.addf %mul3A_733, %add3A_735 : vector<16xf32>
        %mul3A_737 = arith.mulf %div3A_653, %add3A_687 : vector<16xf32>
        %add3A_738 = arith.constant 0.00999999977 : f32
        %add3A_739 = vector.broadcast %add3A_738 : f32 to vector<16xf32>
        %add3A_740 = arith.addf %mul3A_737, %add3A_739 : vector<16xf32>
        %mul3A_741 = arith.mulf %div3A_653, %add3A_689 : vector<16xf32>
        %add3A_742 = arith.constant 1.100000e-02 : f32
        %add3A_743 = vector.broadcast %add3A_742 : f32 to vector<16xf32>
        %add3A_744 = arith.addf %mul3A_741, %add3A_743 : vector<16xf32>
        %mul3A_745 = arith.mulf %div3A_653, %add3A_691 : vector<16xf32>
        %add3A_746 = arith.constant 1.200000e-02 : f32
        %add3A_747 = vector.broadcast %add3A_746 : f32 to vector<16xf32>
        %add3A_748 = arith.addf %mul3A_745, %add3A_747 : vector<16xf32>
        %mul3A_749 = arith.mulf %div3A_653, %add3A_693 : vector<16xf32>
        %add3A_750 = arith.constant 1.300000e-02 : f32
        %add3A_751 = vector.broadcast %add3A_750 : f32 to vector<16xf32>
        %add3A_752 = arith.addf %mul3A_749, %add3A_751 : vector<16xf32>
        %mul3A_753 = arith.mulf %div3A_653, %add3A_695 : vector<16xf32>
        %add3A_754 = arith.constant 1.400000e-02 : f32
        %add3A_755 = vector.broadcast %add3A_754 : f32 to vector<16xf32>
        %add3A_756 = arith.addf %mul3A_753, %add3A_755 : vector<16xf32>
        %mul3A_757 = arith.mulf %div3A_653, %add3A_697 : vector<16xf32>
        %add3A_758 = arith.constant 1.500000e-02 : f32
        %add3A_759 = vector.broadcast %add3A_758 : f32 to vector<16xf32>
        %add3A_760 = arith.addf %mul3A_757, %add3A_759 : vector<16xf32>
        %mul3A_761 = arith.mulf %div3A_653, %add3A_699 : vector<16xf32>
        %add3A_762 = arith.constant 1.600000e-02 : f32
        %add3A_763 = vector.broadcast %add3A_762 : f32 to vector<16xf32>
        %add3A_764 = arith.addf %mul3A_761, %add3A_763 : vector<16xf32>
        %mul3A_765 = arith.mulf %div3A_670, %exp3A_621 : vector<16xf32>
        %add3A_766 = arith.constant 1.000000e-03 : f32
        %add3A_767 = vector.broadcast %add3A_766 : f32 to vector<16xf32>
        %add3A_768 = arith.addf %mul3A_765, %add3A_767 : vector<16xf32>
        %mul3A_769 = arith.mulf %div3A_670, %add3A_672 : vector<16xf32>
        %add3A_770 = arith.constant 2.000000e-03 : f32
        %add3A_771 = vector.broadcast %add3A_770 : f32 to vector<16xf32>
        %add3A_772 = arith.addf %mul3A_769, %add3A_771 : vector<16xf32>
        %mul3A_773 = arith.mulf %div3A_670, %add3A_674 : vector<16xf32>
        %add3A_774 = arith.constant 3.000000e-03 : f32
        %add3A_775 = vector.broadcast %add3A_774 : f32 to vector<16xf32>
        %add3A_776 = arith.addf %mul3A_773, %add3A_775 : vector<16xf32>
        %mul3A_777 = arith.mulf %div3A_670, %add3A_676 : vector<16xf32>
        %add3A_778 = arith.constant 4.000000e-03 : f32
        %add3A_779 = vector.broadcast %add3A_778 : f32 to vector<16xf32>
        %add3A_780 = arith.addf %mul3A_777, %add3A_779 : vector<16xf32>
        %mul3A_781 = arith.mulf %div3A_670, %add3A_678 : vector<16xf32>
        %add3A_782 = arith.constant 5.000000e-03 : f32
        %add3A_783 = vector.broadcast %add3A_782 : f32 to vector<16xf32>
        %add3A_784 = arith.addf %mul3A_781, %add3A_783 : vector<16xf32>
        %mul3A_785 = arith.mulf %div3A_670, %add3A_680 : vector<16xf32>
        %add3A_786 = arith.constant 6.000000e-03 : f32
        %add3A_787 = vector.broadcast %add3A_786 : f32 to vector<16xf32>
        %add3A_788 = arith.addf %mul3A_785, %add3A_787 : vector<16xf32>
        %mul3A_789 = arith.mulf %div3A_670, %add3A_682 : vector<16xf32>
        %add3A_790 = arith.constant 7.000000e-03 : f32
        %add3A_791 = vector.broadcast %add3A_790 : f32 to vector<16xf32>
        %add3A_792 = arith.addf %mul3A_789, %add3A_791 : vector<16xf32>
        %mul3A_793 = arith.mulf %div3A_670, %add3A_684 : vector<16xf32>
        %add3A_794 = arith.constant 8.000000e-03 : f32
        %add3A_795 = vector.broadcast %add3A_794 : f32 to vector<16xf32>
        %add3A_796 = arith.addf %mul3A_793, %add3A_795 : vector<16xf32>
        %mul3A_797 = arith.mulf %div3A_670, %add3A_686 : vector<16xf32>
        %add3A_798 = arith.constant 0.00899999961 : f32
        %add3A_799 = vector.broadcast %add3A_798 : f32 to vector<16xf32>
        %add3A_800 = arith.addf %mul3A_797, %add3A_799 : vector<16xf32>
        %mul3A_801 = arith.mulf %div3A_670, %add3A_688 : vector<16xf32>
        %add3A_802 = arith.constant 0.00999999977 : f32
        %add3A_803 = vector.broadcast %add3A_802 : f32 to vector<16xf32>
        %add3A_804 = arith.addf %mul3A_801, %add3A_803 : vector<16xf32>
        %mul3A_805 = arith.mulf %div3A_670, %add3A_690 : vector<16xf32>
        %add3A_806 = arith.constant 1.100000e-02 : f32
        %add3A_807 = vector.broadcast %add3A_806 : f32 to vector<16xf32>
        %add3A_808 = arith.addf %mul3A_805, %add3A_807 : vector<16xf32>
        %mul3A_809 = arith.mulf %div3A_670, %add3A_692 : vector<16xf32>
        %add3A_810 = arith.constant 1.200000e-02 : f32
        %add3A_811 = vector.broadcast %add3A_810 : f32 to vector<16xf32>
        %add3A_812 = arith.addf %mul3A_809, %add3A_811 : vector<16xf32>
        %mul3A_813 = arith.mulf %div3A_670, %add3A_694 : vector<16xf32>
        %add3A_814 = arith.constant 1.300000e-02 : f32
        %add3A_815 = vector.broadcast %add3A_814 : f32 to vector<16xf32>
        %add3A_816 = arith.addf %mul3A_813, %add3A_815 : vector<16xf32>
        %mul3A_817 = arith.mulf %div3A_670, %add3A_696 : vector<16xf32>
        %add3A_818 = arith.constant 1.400000e-02 : f32
        %add3A_819 = vector.broadcast %add3A_818 : f32 to vector<16xf32>
        %add3A_820 = arith.addf %mul3A_817, %add3A_819 : vector<16xf32>
        %mul3A_821 = arith.mulf %div3A_670, %add3A_698 : vector<16xf32>
        %add3A_822 = arith.constant 1.500000e-02 : f32
        %add3A_823 = vector.broadcast %add3A_822 : f32 to vector<16xf32>
        %add3A_824 = arith.addf %mul3A_821, %add3A_823 : vector<16xf32>
        %mul3A_825 = arith.mulf %div3A_670, %add3A_700 : vector<16xf32>
        %add3A_826 = arith.constant 1.600000e-02 : f32
        %add3A_827 = vector.broadcast %add3A_826 : f32 to vector<16xf32>
        %add3A_828 = arith.addf %mul3A_825, %add3A_827 : vector<16xf32>
        %broadcast_in_dim3A = arith.constant 0.000000e+00 : f32
        %broadcast_in_dim3A_829 = vector.broadcast %broadcast_in_dim3A : f32 to vector<16xf32>
        %swap3A = arith.constant 0 : index
        %swap3A_830 = tpu.vector_load %arg27[%swap3A] {strides = array<i32>} : memref<256xf32, #tpu.memory_space<vmem>>, vector<16xf32>,
        tpu.vector_store %arg27[%swap3A], %exp3A {strides = array<i32>} : memref<256xf32, #tpu.memory_space<vmem>>, vector<16xf32>,
        %swap3A_831 = arith.constant 0 : index
        %swap3A_832 = tpu.vector_load %arg28[%swap3A_831] {strides = array<i32>} : memref<256xf32, #tpu.memory_space<vmem>>, vector<16xf32>,
        tpu.vector_store %arg28[%swap3A_831], %exp3A_621 {strides = array<i32>} : memref<256xf32, #tpu.memory_space<vmem>>, vector<16xf32>,
        %swap3A_833 = arith.constant 0 : index
        %swap3A_834 = tpu.vector_load %arg29[%swap3A_833] {strides = array<i32>} : memref<256xf32, #tpu.memory_space<vmem>>, vector<16xf32>,
        tpu.vector_store %arg29[%swap3A_833], %broadcast_in_dim3A_829 {strides = array<i32>} : memref<256xf32, #tpu.memory_space<vmem>>, vector<16xf32>,
        %swap3A_835 = arith.constant 0 : index
        %swap3A_836 = tpu.vector_load %arg30[%swap3A_835] {strides = array<i32>} : memref<256xf32, #tpu.memory_space<vmem>>, vector<16xf32>,
        tpu.vector_store %arg30[%swap3A_835], %broadcast_in_dim3A_829 {strides = array<i32>} : memref<256xf32, #tpu.memory_space<vmem>>, vector<16xf32>,
        %swap3A_837 = arith.constant 16 : index
        %swap3A_838 = tpu.vector_load %arg27[%swap3A_837] {strides = array<i32>} : memref<256xf32, #tpu.memory_space<vmem>>, vector<16xf32>,
        tpu.vector_store %arg27[%swap3A_837], %exp3A_606 {strides = array<i32>} : memref<256xf32, #tpu.memory_space<vmem>>, vector<16xf32>,
        %swap3A_839 = arith.constant 16 : index
        %swap3A_840 = tpu.vector_load %arg28[%swap3A_839] {strides = array<i32>} : memref<256xf32, #tpu.memory_space<vmem>>, vector<16xf32>,
        tpu.vector_store %arg28[%swap3A_839], %exp3A_622 {strides = array<i32>} : memref<256xf32, #tpu.memory_space<vmem>>, vector<16xf32>,
        %swap3A_841 = arith.constant 16 : index
        %swap3A_842 = tpu.vector_load %arg29[%swap3A_841] {strides = array<i32>} : memref<256xf32, #tpu.memory_space<vmem>>, vector<16xf32>,
        tpu.vector_store %arg29[%swap3A_841], %add3A_704 {strides = array<i32>} : memref<256xf32, #tpu.memory_space<vmem>>, vector<16xf32>,
        %swap3A_843 = arith.constant 16 : index
        %swap3A_844 = tpu.vector_load %arg30[%swap3A_843] {strides = array<i32>} : memref<256xf32, #tpu.memory_space<vmem>>, vector<16xf32>,
        tpu.vector_store %arg30[%swap3A_843], %add3A_768 {strides = array<i32>} : memref<256xf32, #tpu.memory_space<vmem>>, vector<16xf32>,
        %swap3A_845 = arith.constant 32 : index
        %swap3A_846 = tpu.vector_load %arg27[%swap3A_845] {strides = array<i32>} : memref<256xf32, #tpu.memory_space<vmem>>, vector<16xf32>,
        tpu.vector_store %arg27[%swap3A_845], %exp3A_607 {strides = array<i32>} : memref<256xf32, #tpu.memory_space<vmem>>, vector<16xf32>,
        %swap3A_847 = arith.constant 32 : index
        %swap3A_848 = tpu.vector_load %arg28[%swap3A_847] {strides = array<i32>} : memref<256xf32, #tpu.memory_space<vmem>>, vector<16xf32>,
        tpu.vector_store %arg28[%swap3A_847], %exp3A_623 {strides = array<i32>} : memref<256xf32, #tpu.memory_space<vmem>>, vector<16xf32>,
        %swap3A_849 = arith.constant 32 : index
        %swap3A_850 = tpu.vector_load %arg29[%swap3A_849] {strides = array<i32>} : memref<256xf32, #tpu.memory_space<vmem>>, vector<16xf32>,
        tpu.vector_store %arg29[%swap3A_849], %add3A_708 {strides = array<i32>} : memref<256xf32, #tpu.memory_space<vmem>>, vector<16xf32>,
        %swap3A_851 = arith.constant 32 : index
        %swap3A_852 = tpu.vector_load %arg30[%swap3A_851] {strides = array<i32>} : memref<256xf32, #tpu.memory_space<vmem>>, vector<16xf32>,
        tpu.vector_store %arg30[%swap3A_851], %add3A_772 {strides = array<i32>} : memref<256xf32, #tpu.memory_space<vmem>>, vector<16xf32>,
        %swap3A_853 = arith.constant 48 : index
        %swap3A_854 = tpu.vector_load %arg27[%swap3A_853] {strides = array<i32>} : memref<256xf32, #tpu.memory_space<vmem>>, vector<16xf32>,
        tpu.vector_store %arg27[%swap3A_853], %exp3A_608 {strides = array<i32>} : memref<256xf32, #tpu.memory_space<vmem>>, vector<16xf32>,
        %swap3A_855 = arith.constant 48 : index
        %swap3A_856 = tpu.vector_load %arg28[%swap3A_855] {strides = array<i32>} : memref<256xf32, #tpu.memory_space<vmem>>, vector<16xf32>,
        tpu.vector_store %arg28[%swap3A_855], %exp3A_624 {strides = array<i32>} : memref<256xf32, #tpu.memory_space<vmem>>, vector<16xf32>,
        %swap3A_857 = arith.constant 48 : index
        %swap3A_858 = tpu.vector_load %arg29[%swap3A_857] {strides = array<i32>} : memref<256xf32, #tpu.memory_space<vmem>>, vector<16xf32>,
        tpu.vector_store %arg29[%swap3A_857], %add3A_712 {strides = array<i32>} : memref<256xf32, #tpu.memory_space<vmem>>, vector<16xf32>,
        %swap3A_859 = arith.constant 48 : index
        %swap3A_860 = tpu.vector_load %arg30[%swap3A_859] {strides = array<i32>} : memref<256xf32, #tpu.memory_space<vmem>>, vector<16xf32>,
        tpu.vector_store %arg30[%swap3A_859], %add3A_776 {strides = array<i32>} : memref<256xf32, #tpu.memory_space<vmem>>, vector<16xf32>,
        %swap3A_861 = arith.constant 64 : index
        %swap3A_862 = tpu.vector_load %arg27[%swap3A_861] {strides = array<i32>} : memref<256xf32, #tpu.memory_space<vmem>>, vector<16xf32>,
        tpu.vector_store %arg27[%swap3A_861], %exp3A_609 {strides = array<i32>} : memref<256xf32, #tpu.memory_space<vmem>>, vector<16xf32>,
        %swap3A_863 = arith.constant 64 : index
        %swap3A_864 = tpu.vector_load %arg28[%swap3A_863] {strides = array<i32>} : memref<256xf32, #tpu.memory_space<vmem>>, vector<16xf32>,
        tpu.vector_store %arg28[%swap3A_863], %exp3A_625 {strides = array<i32>} : memref<256xf32, #tpu.memory_space<vmem>>, vector<16xf32>,
        %swap3A_865 = arith.constant 64 : index
        %swap3A_866 = tpu.vector_load %arg29[%swap3A_865] {strides = array<i32>} : memref<256xf32, #tpu.memory_space<vmem>>, vector<16xf32>,
        tpu.vector_store %arg29[%swap3A_865], %add3A_716 {strides = array<i32>} : memref<256xf32, #tpu.memory_space<vmem>>, vector<16xf32>,
        %swap3A_867 = arith.constant 64 : index
        %swap3A_868 = tpu.vector_load %arg30[%swap3A_867] {strides = array<i32>} : memref<256xf32, #tpu.memory_space<vmem>>, vector<16xf32>,
        tpu.vector_store %arg30[%swap3A_867], %add3A_780 {strides = array<i32>} : memref<256xf32, #tpu.memory_space<vmem>>, vector<16xf32>,
        %swap3A_869 = arith.constant 80 : index
        %swap3A_870 = tpu.vector_load %arg27[%swap3A_869] {strides = array<i32>} : memref<256xf32, #tpu.memory_space<vmem>>, vector<16xf32>,
        tpu.vector_store %arg27[%swap3A_869], %exp3A_610 {strides = array<i32>} : memref<256xf32, #tpu.memory_space<vmem>>, vector<16xf32>,
        %swap3A_871 = arith.constant 80 : index
        %swap3A_872 = tpu.vector_load %arg28[%swap3A_871] {strides = array<i32>} : memref<256xf32, #tpu.memory_space<vmem>>, vector<16xf32>,
        tpu.vector_store %arg28[%swap3A_871], %exp3A_626 {strides = array<i32>} : memref<256xf32, #tpu.memory_space<vmem>>, vector<16xf32>,
        %swap3A_873 = arith.constant 80 : index
        %swap3A_874 = tpu.vector_load %arg29[%swap3A_873] {strides = array<i32>} : memref<256xf32, #tpu.memory_space<vmem>>, vector<16xf32>,
        tpu.vector_store %arg29[%swap3A_873], %add3A_720 {strides = array<i32>} : memref<256xf32, #tpu.memory_space<vmem>>, vector<16xf32>,
        %swap3A_875 = arith.constant 80 : index
        %swap3A_876 = tpu.vector_load %arg30[%swap3A_875] {strides = array<i32>} : memref<256xf32, #tpu.memory_space<vmem>>, vector<16xf32>,
        tpu.vector_store %arg30[%swap3A_875], %add3A_784 {strides = array<i32>} : memref<256xf32, #tpu.memory_space<vmem>>, vector<16xf32>,
        %swap3A_877 = arith.constant 96 : index
        %swap3A_878 = tpu.vector_load %arg27[%swap3A_877] {strides = array<i32>} : memref<256xf32, #tpu.memory_space<vmem>>, vector<16xf32>,
        tpu.vector_store %arg27[%swap3A_877], %exp3A_611 {strides = array<i32>} : memref<256xf32, #tpu.memory_space<vmem>>, vector<16xf32>,
        %swap3A_879 = arith.constant 96 : index
        %swap3A_880 = tpu.vector_load %arg28[%swap3A_879] {strides = array<i32>} : memref<256xf32, #tpu.memory_space<vmem>>, vector<16xf32>,
        tpu.vector_store %arg28[%swap3A_879], %exp3A_627 {strides = array<i32>} : memref<256xf32, #tpu.memory_space<vmem>>, vector<16xf32>,
        %swap3A_881 = arith.constant 96 : index
        %swap3A_882 = tpu.vector_load %arg29[%swap3A_881] {strides = array<i32>} : memref<256xf32, #tpu.memory_space<vmem>>, vector<16xf32>,
        tpu.vector_store %arg29[%swap3A_881], %add3A_724 {strides = array<i32>} : memref<256xf32, #tpu.memory_space<vmem>>, vector<16xf32>,
        %swap3A_883 = arith.constant 96 : index
        %swap3A_884 = tpu.vector_load %arg30[%swap3A_883] {strides = array<i32>} : memref<256xf32, #tpu.memory_space<vmem>>, vector<16xf32>,
        tpu.vector_store %arg30[%swap3A_883], %add3A_788 {strides = array<i32>} : memref<256xf32, #tpu.memory_space<vmem>>, vector<16xf32>,
        %swap3A_885 = arith.constant 112 : index
        %swap3A_886 = tpu.vector_load %arg27[%swap3A_885] {strides = array<i32>} : memref<256xf32, #tpu.memory_space<vmem>>, vector<16xf32>,
        tpu.vector_store %arg27[%swap3A_885], %exp3A_612 {strides = array<i32>} : memref<256xf32, #tpu.memory_space<vmem>>, vector<16xf32>,
        %swap3A_887 = arith.constant 112 : index
        %swap3A_888 = tpu.vector_load %arg28[%swap3A_887] {strides = array<i32>} : memref<256xf32, #tpu.memory_space<vmem>>, vector<16xf32>,
        tpu.vector_store %arg28[%swap3A_887], %exp3A_628 {strides = array<i32>} : memref<256xf32, #tpu.memory_space<vmem>>, vector<16xf32>,
        %swap3A_889 = arith.constant 112 : index
        %swap3A_890 = tpu.vector_load %arg29[%swap3A_889] {strides = array<i32>} : memref<256xf32, #tpu.memory_space<vmem>>, vector<16xf32>,
        tpu.vector_store %arg29[%swap3A_889], %add3A_728 {strides = array<i32>} : memref<256xf32, #tpu.memory_space<vmem>>, vector<16xf32>,
        %swap3A_891 = arith.constant 112 : index
        %swap3A_892 = tpu.vector_load %arg30[%swap3A_891] {strides = array<i32>} : memref<256xf32, #tpu.memory_space<vmem>>, vector<16xf32>,
        tpu.vector_store %arg30[%swap3A_891], %add3A_792 {strides = array<i32>} : memref<256xf32, #tpu.memory_space<vmem>>, vector<16xf32>,
        %swap3A_893 = arith.constant 128 : index
        %swap3A_894 = tpu.vector_load %arg27[%swap3A_893] {strides = array<i32>} : memref<256xf32, #tpu.memory_space<vmem>>, vector<16xf32>,
        tpu.vector_store %arg27[%swap3A_893], %exp3A_613 {strides = array<i32>} : memref<256xf32, #tpu.memory_space<vmem>>, vector<16xf32>,
        %swap3A_895 = arith.constant 128 : index
        %swap3A_896 = tpu.vector_load %arg28[%swap3A_895] {strides = array<i32>} : memref<256xf32, #tpu.memory_space<vmem>>, vector<16xf32>,
        tpu.vector_store %arg28[%swap3A_895], %exp3A_629 {strides = array<i32>} : memref<256xf32, #tpu.memory_space<vmem>>, vector<16xf32>,
        %swap3A_897 = arith.constant 128 : index
        %swap3A_898 = tpu.vector_load %arg29[%swap3A_897] {strides = array<i32>} : memref<256xf32, #tpu.memory_space<vmem>>, vector<16xf32>,
        tpu.vector_store %arg29[%swap3A_897], %add3A_732 {strides = array<i32>} : memref<256xf32, #tpu.memory_space<vmem>>, vector<16xf32>,
        %swap3A_899 = arith.constant 128 : index
        %swap3A_900 = tpu.vector_load %arg30[%swap3A_899] {strides = array<i32>} : memref<256xf32, #tpu.memory_space<vmem>>, vector<16xf32>,
        tpu.vector_store %arg30[%swap3A_899], %add3A_796 {strides = array<i32>} : memref<256xf32, #tpu.memory_space<vmem>>, vector<16xf32>,
        %swap3A_901 = arith.constant 144 : index
        %swap3A_902 = tpu.vector_load %arg27[%swap3A_901] {strides = array<i32>} : memref<256xf32, #tpu.memory_space<vmem>>, vector<16xf32>,
        tpu.vector_store %arg27[%swap3A_901], %exp3A_614 {strides = array<i32>} : memref<256xf32, #tpu.memory_space<vmem>>, vector<16xf32>,
        %swap3A_903 = arith.constant 144 : index
        %swap3A_904 = tpu.vector_load %arg28[%swap3A_903] {strides = array<i32>} : memref<256xf32, #tpu.memory_space<vmem>>, vector<16xf32>,
        tpu.vector_store %arg28[%swap3A_903], %exp3A_630 {strides = array<i32>} : memref<256xf32, #tpu.memory_space<vmem>>, vector<16xf32>,
        %swap3A_905 = arith.constant 144 : index
        %swap3A_906 = tpu.vector_load %arg29[%swap3A_905] {strides = array<i32>} : memref<256xf32, #tpu.memory_space<vmem>>, vector<16xf32>,
        tpu.vector_store %arg29[%swap3A_905], %add3A_736 {strides = array<i32>} : memref<256xf32, #tpu.memory_space<vmem>>, vector<16xf32>,
        %swap3A_907 = arith.constant 144 : index
        %swap3A_908 = tpu.vector_load %arg30[%swap3A_907] {strides = array<i32>} : memref<256xf32, #tpu.memory_space<vmem>>, vector<16xf32>,
        tpu.vector_store %arg30[%swap3A_907], %add3A_800 {strides = array<i32>} : memref<256xf32, #tpu.memory_space<vmem>>, vector<16xf32>,
        %swap3A_909 = arith.constant 160 : index
        %swap3A_910 = tpu.vector_load %arg27[%swap3A_909] {strides = array<i32>} : memref<256xf32, #tpu.memory_space<vmem>>, vector<16xf32>,
        tpu.vector_store %arg27[%swap3A_909], %exp3A_615 {strides = array<i32>} : memref<256xf32, #tpu.memory_space<vmem>>, vector<16xf32>,
        %swap3A_911 = arith.constant 160 : index
        %swap3A_912 = tpu.vector_load %arg28[%swap3A_911] {strides = array<i32>} : memref<256xf32, #tpu.memory_space<vmem>>, vector<16xf32>,
        tpu.vector_store %arg28[%swap3A_911], %exp3A_631 {strides = array<i32>} : memref<256xf32, #tpu.memory_space<vmem>>, vector<16xf32>,
        %swap3A_913 = arith.constant 160 : index
        %swap3A_914 = tpu.vector_load %arg29[%swap3A_913] {strides = array<i32>} : memref<256xf32, #tpu.memory_space<vmem>>, vector<16xf32>,
        tpu.vector_store %arg29[%swap3A_913], %add3A_740 {strides = array<i32>} : memref<256xf32, #tpu.memory_space<vmem>>, vector<16xf32>,
        %swap3A_915 = arith.constant 160 : index
        %swap3A_916 = tpu.vector_load %arg30[%swap3A_915] {strides = array<i32>} : memref<256xf32, #tpu.memory_space<vmem>>, vector<16xf32>,
        tpu.vector_store %arg30[%swap3A_915], %add3A_804 {strides = array<i32>} : memref<256xf32, #tpu.memory_space<vmem>>, vector<16xf32>,
        %swap3A_917 = arith.constant 176 : index
        %swap3A_918 = tpu.vector_load %arg27[%swap3A_917] {strides = array<i32>} : memref<256xf32, #tpu.memory_space<vmem>>, vector<16xf32>,
        tpu.vector_store %arg27[%swap3A_917], %exp3A_616 {strides = array<i32>} : memref<256xf32, #tpu.memory_space<vmem>>, vector<16xf32>,
        %swap3A_919 = arith.constant 176 : index
        %swap3A_920 = tpu.vector_load %arg28[%swap3A_919] {strides = array<i32>} : memref<256xf32, #tpu.memory_space<vmem>>, vector<16xf32>,
        tpu.vector_store %arg28[%swap3A_919], %exp3A_632 {strides = array<i32>} : memref<256xf32, #tpu.memory_space<vmem>>, vector<16xf32>,
        %swap3A_921 = arith.constant 176 : index
        %swap3A_922 = tpu.vector_load %arg29[%swap3A_921] {strides = array<i32>} : memref<256xf32, #tpu.memory_space<vmem>>, vector<16xf32>,
        tpu.vector_store %arg29[%swap3A_921], %add3A_744 {strides = array<i32>} : memref<256xf32, #tpu.memory_space<vmem>>, vector<16xf32>,
        %swap3A_923 = arith.constant 176 : index
        %swap3A_924 = tpu.vector_load %arg30[%swap3A_923] {strides = array<i32>} : memref<256xf32, #tpu.memory_space<vmem>>, vector<16xf32>,
        tpu.vector_store %arg30[%swap3A_923], %add3A_808 {strides = array<i32>} : memref<256xf32, #tpu.memory_space<vmem>>, vector<16xf32>,
        %swap3A_925 = arith.constant 192 : index
        %swap3A_926 = tpu.vector_load %arg27[%swap3A_925] {strides = array<i32>} : memref<256xf32, #tpu.memory_space<vmem>>, vector<16xf32>,
        tpu.vector_store %arg27[%swap3A_925], %exp3A_617 {strides = array<i32>} : memref<256xf32, #tpu.memory_space<vmem>>, vector<16xf32>,
        %swap3A_927 = arith.constant 192 : index
        %swap3A_928 = tpu.vector_load %arg28[%swap3A_927] {strides = array<i32>} : memref<256xf32, #tpu.memory_space<vmem>>, vector<16xf32>,
        tpu.vector_store %arg28[%swap3A_927], %exp3A_633 {strides = array<i32>} : memref<256xf32, #tpu.memory_space<vmem>>, vector<16xf32>,
        %swap3A_929 = arith.constant 192 : index
        %swap3A_930 = tpu.vector_load %arg29[%swap3A_929] {strides = array<i32>} : memref<256xf32, #tpu.memory_space<vmem>>, vector<16xf32>,
        tpu.vector_store %arg29[%swap3A_929], %add3A_748 {strides = array<i32>} : memref<256xf32, #tpu.memory_space<vmem>>, vector<16xf32>,
        %swap3A_931 = arith.constant 192 : index
        %swap3A_932 = tpu.vector_load %arg30[%swap3A_931] {strides = array<i32>} : memref<256xf32, #tpu.memory_space<vmem>>, vector<16xf32>,
        tpu.vector_store %arg30[%swap3A_931], %add3A_812 {strides = array<i32>} : memref<256xf32, #tpu.memory_space<vmem>>, vector<16xf32>,
        %swap3A_933 = arith.constant 208 : index
        %swap3A_934 = tpu.vector_load %arg27[%swap3A_933] {strides = array<i32>} : memref<256xf32, #tpu.memory_space<vmem>>, vector<16xf32>,
        tpu.vector_store %arg27[%swap3A_933], %exp3A_618 {strides = array<i32>} : memref<256xf32, #tpu.memory_space<vmem>>, vector<16xf32>,
        %swap3A_935 = arith.constant 208 : index
        %swap3A_936 = tpu.vector_load %arg28[%swap3A_935] {strides = array<i32>} : memref<256xf32, #tpu.memory_space<vmem>>, vector<16xf32>,
        tpu.vector_store %arg28[%swap3A_935], %exp3A_634 {strides = array<i32>} : memref<256xf32, #tpu.memory_space<vmem>>, vector<16xf32>,
        %swap3A_937 = arith.constant 208 : index
        %swap3A_938 = tpu.vector_load %arg29[%swap3A_937] {strides = array<i32>} : memref<256xf32, #tpu.memory_space<vmem>>, vector<16xf32>,
        tpu.vector_store %arg29[%swap3A_937], %add3A_752 {strides = array<i32>} : memref<256xf32, #tpu.memory_space<vmem>>, vector<16xf32>,
        %swap3A_939 = arith.constant 208 : index
        %swap3A_940 = tpu.vector_load %arg30[%swap3A_939] {strides = array<i32>} : memref<256xf32, #tpu.memory_space<vmem>>, vector<16xf32>,
        tpu.vector_store %arg30[%swap3A_939], %add3A_816 {strides = array<i32>} : memref<256xf32, #tpu.memory_space<vmem>>, vector<16xf32>,
        %swap3A_941 = arith.constant 224 : index
        %swap3A_942 = tpu.vector_load %arg27[%swap3A_941] {strides = array<i32>} : memref<256xf32, #tpu.memory_space<vmem>>, vector<16xf32>,
        tpu.vector_store %arg27[%swap3A_941], %exp3A_619 {strides = array<i32>} : memref<256xf32, #tpu.memory_space<vmem>>, vector<16xf32>,
        %swap3A_943 = arith.constant 224 : index
        %swap3A_944 = tpu.vector_load %arg28[%swap3A_943] {strides = array<i32>} : memref<256xf32, #tpu.memory_space<vmem>>, vector<16xf32>,
        tpu.vector_store %arg28[%swap3A_943], %exp3A_635 {strides = array<i32>} : memref<256xf32, #tpu.memory_space<vmem>>, vector<16xf32>,
        %swap3A_945 = arith.constant 224 : index
        %swap3A_946 = tpu.vector_load %arg29[%swap3A_945] {strides = array<i32>} : memref<256xf32, #tpu.memory_space<vmem>>, vector<16xf32>,
        tpu.vector_store %arg29[%swap3A_945], %add3A_756 {strides = array<i32>} : memref<256xf32, #tpu.memory_space<vmem>>, vector<16xf32>,
        %swap3A_947 = arith.constant 224 : index
        %swap3A_948 = tpu.vector_load %arg30[%swap3A_947] {strides = array<i32>} : memref<256xf32, #tpu.memory_space<vmem>>, vector<16xf32>,
        tpu.vector_store %arg30[%swap3A_947], %add3A_820 {strides = array<i32>} : memref<256xf32, #tpu.memory_space<vmem>>, vector<16xf32>,
        %swap3A_949 = arith.constant 240 : index
        %swap3A_950 = tpu.vector_load %arg27[%swap3A_949] {strides = array<i32>} : memref<256xf32, #tpu.memory_space<vmem>>, vector<16xf32>,
        tpu.vector_store %arg27[%swap3A_949], %exp3A_620 {strides = array<i32>} : memref<256xf32, #tpu.memory_space<vmem>>, vector<16xf32>,
        %swap3A_951 = arith.constant 240 : index
        %swap3A_952 = tpu.vector_load %arg28[%swap3A_951] {strides = array<i32>} : memref<256xf32, #tpu.memory_space<vmem>>, vector<16xf32>,
        tpu.vector_store %arg28[%swap3A_951], %exp3A_636 {strides = array<i32>} : memref<256xf32, #tpu.memory_space<vmem>>, vector<16xf32>,
        %swap3A_953 = arith.constant 240 : index
        %swap3A_954 = tpu.vector_load %arg29[%swap3A_953] {strides = array<i32>} : memref<256xf32, #tpu.memory_space<vmem>>, vector<16xf32>,
        tpu.vector_store %arg29[%swap3A_953], %add3A_760 {strides = array<i32>} : memref<256xf32, #tpu.memory_space<vmem>>, vector<16xf32>,
        %swap3A_955 = arith.constant 240 : index
        %swap3A_956 = tpu.vector_load %arg30[%swap3A_955] {strides = array<i32>} : memref<256xf32, #tpu.memory_space<vmem>>, vector<16xf32>,
        tpu.vector_store %arg30[%swap3A_955], %add3A_824 {strides = array<i32>} : memref<256xf32, #tpu.memory_space<vmem>>, vector<16xf32>,
        %max3A = arith.constant -3.000000e+00 : f32
        %max3A_957 = vector.broadcast %max3A : f32 to vector<16xf32>
        %max3A_958 = arith.maximumf %get3A_338, %max3A_957 : vector<16xf32>
        %min3A = arith.constant 3.000000e+00 : f32
        %min3A_959 = vector.broadcast %min3A : f32 to vector<16xf32>
        %min3A_960 = arith.minimumf %max3A_958, %min3A_959 : vector<16xf32>
        %add3A_961 = arith.constant 3.000000e+00 : f32
        %add3A_962 = vector.broadcast %add3A_961 : f32 to vector<16xf32>
        %add3A_963 = arith.addf %min3A_960, %add3A_962 : vector<16xf32>
        %mul3A_964 = vector.broadcast %scan3A_63 : f32 to vector<16xf32>
        %mul3A_965 = arith.mulf %add3A_963, %mul3A_964 : vector<16xf32>
        %broadcast_in_dim3A_966 = arith.constant 0 : i32
        %broadcast_in_dim3A_967 = vector.broadcast %broadcast_in_dim3A_966 : i32 to vector<16xi32>
        %ge3A = arith.cmpf oge, %mul3A_965, %add3A_704 : vector<16xf32>
        %jit3A_968 = arith.constant 1 : i32
        %jit3A_969 = arith.constant 0 : i32
        %broadcast_in_dim3A_970 = vector.broadcast %jit3A_968 : i32 to vector<16xi32>
        %broadcast_in_dim3A_971 = vector.broadcast %jit3A_969 : i32 to vector<16xi32>
        %select_n3A_972 = arith.select %ge3A, %broadcast_in_dim3A_970, %broadcast_in_dim3A_971 : vector<16xi1>, vector<16xi32>
        %add3A_973 = arith.addi %broadcast_in_dim3A_967, %select_n3A_972 : vector<16xi32>
        %ge3A_974 = arith.cmpf oge, %mul3A_965, %add3A_708 : vector<16xf32>
        %jit3A_975 = arith.constant 1 : i32
        %jit3A_976 = arith.constant 0 : i32
        %broadcast_in_dim3A_977 = vector.broadcast %jit3A_975 : i32 to vector<16xi32>
        %broadcast_in_dim3A_978 = vector.broadcast %jit3A_976 : i32 to vector<16xi32>
        %select_n3A_979 = arith.select %ge3A_974, %broadcast_in_dim3A_977, %broadcast_in_dim3A_978 : vector<16xi1>, vector<16xi32>
        %add3A_980 = arith.addi %add3A_973, %select_n3A_979 : vector<16xi32>
        %ge3A_981 = arith.cmpf oge, %mul3A_965, %add3A_712 : vector<16xf32>
        %jit3A_982 = arith.constant 1 : i32
        %jit3A_983 = arith.constant 0 : i32
        %broadcast_in_dim3A_984 = vector.broadcast %jit3A_982 : i32 to vector<16xi32>
        %broadcast_in_dim3A_985 = vector.broadcast %jit3A_983 : i32 to vector<16xi32>
        %select_n3A_986 = arith.select %ge3A_981, %broadcast_in_dim3A_984, %broadcast_in_dim3A_985 : vector<16xi1>, vector<16xi32>
        %add3A_987 = arith.addi %add3A_980, %select_n3A_986 : vector<16xi32>
        %ge3A_988 = arith.cmpf oge, %mul3A_965, %add3A_716 : vector<16xf32>
        %jit3A_989 = arith.constant 1 : i32
        %jit3A_990 = arith.constant 0 : i32
        %broadcast_in_dim3A_991 = vector.broadcast %jit3A_989 : i32 to vector<16xi32>
        %broadcast_in_dim3A_992 = vector.broadcast %jit3A_990 : i32 to vector<16xi32>
        %select_n3A_993 = arith.select %ge3A_988, %broadcast_in_dim3A_991, %broadcast_in_dim3A_992 : vector<16xi1>, vector<16xi32>
        %add3A_994 = arith.addi %add3A_987, %select_n3A_993 : vector<16xi32>
        %ge3A_995 = arith.cmpf oge, %mul3A_965, %add3A_720 : vector<16xf32>
        %jit3A_996 = arith.constant 1 : i32
        %jit3A_997 = arith.constant 0 : i32
        %broadcast_in_dim3A_998 = vector.broadcast %jit3A_996 : i32 to vector<16xi32>
        %broadcast_in_dim3A_999 = vector.broadcast %jit3A_997 : i32 to vector<16xi32>
        %select_n3A_1000 = arith.select %ge3A_995, %broadcast_in_dim3A_998, %broadcast_in_dim3A_999 : vector<16xi1>, vector<16xi32>
        %add3A_1001 = arith.addi %add3A_994, %select_n3A_1000 : vector<16xi32>
        %ge3A_1002 = arith.cmpf oge, %mul3A_965, %add3A_724 : vector<16xf32>
        %jit3A_1003 = arith.constant 1 : i32
        %jit3A_1004 = arith.constant 0 : i32
        %broadcast_in_dim3A_1005 = vector.broadcast %jit3A_1003 : i32 to vector<16xi32>
        %broadcast_in_dim3A_1006 = vector.broadcast %jit3A_1004 : i32 to vector<16xi32>
        %select_n3A_1007 = arith.select %ge3A_1002, %broadcast_in_dim3A_1005, %broadcast_in_dim3A_1006 : vector<16xi1>, vector<16xi32>
        %add3A_1008 = arith.addi %add3A_1001, %select_n3A_1007 : vector<16xi32>
        %ge3A_1009 = arith.cmpf oge, %mul3A_965, %add3A_728 : vector<16xf32>
        %jit3A_1010 = arith.constant 1 : i32
        %jit3A_1011 = arith.constant 0 : i32
        %broadcast_in_dim3A_1012 = vector.broadcast %jit3A_1010 : i32 to vector<16xi32>
        %broadcast_in_dim3A_1013 = vector.broadcast %jit3A_1011 : i32 to vector<16xi32>
        %select_n3A_1014 = arith.select %ge3A_1009, %broadcast_in_dim3A_1012, %broadcast_in_dim3A_1013 : vector<16xi1>, vector<16xi32>
        %add3A_1015 = arith.addi %add3A_1008, %select_n3A_1014 : vector<16xi32>
        %ge3A_1016 = arith.cmpf oge, %mul3A_965, %add3A_732 : vector<16xf32>
        %jit3A_1017 = arith.constant 1 : i32
        %jit3A_1018 = arith.constant 0 : i32
        %broadcast_in_dim3A_1019 = vector.broadcast %jit3A_1017 : i32 to vector<16xi32>
        %broadcast_in_dim3A_1020 = vector.broadcast %jit3A_1018 : i32 to vector<16xi32>
        %select_n3A_1021 = arith.select %ge3A_1016, %broadcast_in_dim3A_1019, %broadcast_in_dim3A_1020 : vector<16xi1>, vector<16xi32>
        %add3A_1022 = arith.addi %add3A_1015, %select_n3A_1021 : vector<16xi32>
        %ge3A_1023 = arith.cmpf oge, %mul3A_965, %add3A_736 : vector<16xf32>
        %jit3A_1024 = arith.constant 1 : i32
        %jit3A_1025 = arith.constant 0 : i32
        %broadcast_in_dim3A_1026 = vector.broadcast %jit3A_1024 : i32 to vector<16xi32>
        %broadcast_in_dim3A_1027 = vector.broadcast %jit3A_1025 : i32 to vector<16xi32>
        %select_n3A_1028 = arith.select %ge3A_1023, %broadcast_in_dim3A_1026, %broadcast_in_dim3A_1027 : vector<16xi1>, vector<16xi32>
        %add3A_1029 = arith.addi %add3A_1022, %select_n3A_1028 : vector<16xi32>
        %ge3A_1030 = arith.cmpf oge, %mul3A_965, %add3A_740 : vector<16xf32>
        %jit3A_1031 = arith.constant 1 : i32
        %jit3A_1032 = arith.constant 0 : i32
        %broadcast_in_dim3A_1033 = vector.broadcast %jit3A_1031 : i32 to vector<16xi32>
        %broadcast_in_dim3A_1034 = vector.broadcast %jit3A_1032 : i32 to vector<16xi32>
        %select_n3A_1035 = arith.select %ge3A_1030, %broadcast_in_dim3A_1033, %broadcast_in_dim3A_1034 : vector<16xi1>, vector<16xi32>
        %add3A_1036 = arith.addi %add3A_1029, %select_n3A_1035 : vector<16xi32>
        %ge3A_1037 = arith.cmpf oge, %mul3A_965, %add3A_744 : vector<16xf32>
        %jit3A_1038 = arith.constant 1 : i32
        %jit3A_1039 = arith.constant 0 : i32
        %broadcast_in_dim3A_1040 = vector.broadcast %jit3A_1038 : i32 to vector<16xi32>
        %broadcast_in_dim3A_1041 = vector.broadcast %jit3A_1039 : i32 to vector<16xi32>
        %select_n3A_1042 = arith.select %ge3A_1037, %broadcast_in_dim3A_1040, %broadcast_in_dim3A_1041 : vector<16xi1>, vector<16xi32>
        %add3A_1043 = arith.addi %add3A_1036, %select_n3A_1042 : vector<16xi32>
        %ge3A_1044 = arith.cmpf oge, %mul3A_965, %add3A_748 : vector<16xf32>
        %jit3A_1045 = arith.constant 1 : i32
        %jit3A_1046 = arith.constant 0 : i32
        %broadcast_in_dim3A_1047 = vector.broadcast %jit3A_1045 : i32 to vector<16xi32>
        %broadcast_in_dim3A_1048 = vector.broadcast %jit3A_1046 : i32 to vector<16xi32>
        %select_n3A_1049 = arith.select %ge3A_1044, %broadcast_in_dim3A_1047, %broadcast_in_dim3A_1048 : vector<16xi1>, vector<16xi32>
        %add3A_1050 = arith.addi %add3A_1043, %select_n3A_1049 : vector<16xi32>
        %ge3A_1051 = arith.cmpf oge, %mul3A_965, %add3A_752 : vector<16xf32>
        %jit3A_1052 = arith.constant 1 : i32
        %jit3A_1053 = arith.constant 0 : i32
        %broadcast_in_dim3A_1054 = vector.broadcast %jit3A_1052 : i32 to vector<16xi32>
        %broadcast_in_dim3A_1055 = vector.broadcast %jit3A_1053 : i32 to vector<16xi32>
        %select_n3A_1056 = arith.select %ge3A_1051, %broadcast_in_dim3A_1054, %broadcast_in_dim3A_1055 : vector<16xi1>, vector<16xi32>
        %add3A_1057 = arith.addi %add3A_1050, %select_n3A_1056 : vector<16xi32>
        %ge3A_1058 = arith.cmpf oge, %mul3A_965, %add3A_756 : vector<16xf32>
        %jit3A_1059 = arith.constant 1 : i32
        %jit3A_1060 = arith.constant 0 : i32
        %broadcast_in_dim3A_1061 = vector.broadcast %jit3A_1059 : i32 to vector<16xi32>
        %broadcast_in_dim3A_1062 = vector.broadcast %jit3A_1060 : i32 to vector<16xi32>
        %select_n3A_1063 = arith.select %ge3A_1058, %broadcast_in_dim3A_1061, %broadcast_in_dim3A_1062 : vector<16xi1>, vector<16xi32>
        %add3A_1064 = arith.addi %add3A_1057, %select_n3A_1063 : vector<16xi32>
        %ge3A_1065 = arith.cmpf oge, %mul3A_965, %add3A_760 : vector<16xf32>
        %jit3A_1066 = arith.constant 1 : i32
        %jit3A_1067 = arith.constant 0 : i32
        %broadcast_in_dim3A_1068 = vector.broadcast %jit3A_1066 : i32 to vector<16xi32>
        %broadcast_in_dim3A_1069 = vector.broadcast %jit3A_1067 : i32 to vector<16xi32>
        %select_n3A_1070 = arith.select %ge3A_1065, %broadcast_in_dim3A_1068, %broadcast_in_dim3A_1069 : vector<16xi1>, vector<16xi32>
        %add3A_1071 = arith.addi %add3A_1064, %select_n3A_1070 : vector<16xi32>
        %mul3A_1072 = arith.constant 16 : i32
        %mul3A_1073 = vector.broadcast %mul3A_1072 : i32 to vector<16xi32>
        %mul3A_1074 = arith.muli %add3A_1071, %mul3A_1073 : vector<16xi32>
        %add3A_1075 = arith.addi %mul3A_1074, %iota3A : vector<16xi32>
        %sub3A_1076 = arith.constant 16 : i32
        %sub3A_1077 = vector.broadcast %sub3A_1076 : i32 to vector<16xi32>
        %sub3A_1078 = arith.subi %add3A_1075, %sub3A_1077 : vector<16xi32>
        %max3A_1079 = arith.maxsi %sub3A_1078, %iota3A : vector<16xi32>
        %add3A_1080 = arith.constant 16 : i32
        %add3A_1081 = vector.broadcast %add3A_1080 : i32 to vector<16xi32>
        %add3A_1082 = arith.addi %add3A_1075, %add3A_1081 : vector<16xi32>
        %add3A_1083 = arith.constant 240 : i32
        %add3A_1084 = vector.broadcast %add3A_1083 : i32 to vector<16xi32>
        %add3A_1085 = arith.addi %iota3A, %add3A_1084 : vector<16xi32>
        %min3A_1086 = arith.minsi %add3A_1082, %add3A_1085 : vector<16xi32>
        %gather3A = tpu.vector_load_idx %arg27[%add3A_1075] : memref<256xf32, #tpu.memory_space<vmem>>[vector<16xi32>], vector<16xf32>,
        %mul3A_1087 = arith.mulf %div3A_653, %gather3A : vector<16xf32>
        %add3A_1088 = arith.constant 1.000000e-03 : f32
        %add3A_1089 = vector.broadcast %add3A_1088 : f32 to vector<16xf32>
        %add3A_1090 = arith.addf %add3A_1089, %mul3A_1087 : vector<16xf32>
        %gather3A_1091 = tpu.vector_load_idx %arg27[%max3A_1079] : memref<256xf32, #tpu.memory_space<vmem>>[vector<16xi32>], vector<16xf32>,
        %mul3A_1092 = arith.mulf %div3A_653, %gather3A_1091 : vector<16xf32>
        %add3A_1093 = arith.constant 1.000000e-03 : f32
        %add3A_1094 = vector.broadcast %add3A_1093 : f32 to vector<16xf32>
        %add3A_1095 = arith.addf %add3A_1094, %mul3A_1092 : vector<16xf32>
        %gather3A_1096 = tpu.vector_load_idx %arg27[%min3A_1086] : memref<256xf32, #tpu.memory_space<vmem>>[vector<16xi32>], vector<16xf32>,
        %mul3A_1097 = arith.mulf %div3A_653, %gather3A_1096 : vector<16xf32>
        %add3A_1098 = arith.constant 1.000000e-03 : f32
        %add3A_1099 = vector.broadcast %add3A_1098 : f32 to vector<16xf32>
        %add3A_1100 = arith.addf %add3A_1099, %mul3A_1097 : vector<16xf32>
        %gather3A_1101 = tpu.vector_load_idx %arg28[%add3A_1075] : memref<256xf32, #tpu.memory_space<vmem>>[vector<16xi32>], vector<16xf32>,
        %mul3A_1102 = arith.mulf %div3A_670, %gather3A_1101 : vector<16xf32>
        %add3A_1103 = arith.constant 1.000000e-03 : f32
        %add3A_1104 = vector.broadcast %add3A_1103 : f32 to vector<16xf32>
        %add3A_1105 = arith.addf %add3A_1104, %mul3A_1102 : vector<16xf32>
        %gather3A_1106 = tpu.vector_load_idx %arg28[%max3A_1079] : memref<256xf32, #tpu.memory_space<vmem>>[vector<16xi32>], vector<16xf32>,
        %mul3A_1107 = arith.mulf %div3A_670, %gather3A_1106 : vector<16xf32>
        %add3A_1108 = arith.constant 1.000000e-03 : f32
        %add3A_1109 = vector.broadcast %add3A_1108 : f32 to vector<16xf32>
        %add3A_1110 = arith.addf %add3A_1109, %mul3A_1107 : vector<16xf32>
        %gather3A_1111 = tpu.vector_load_idx %arg28[%min3A_1086] : memref<256xf32, #tpu.memory_space<vmem>>[vector<16xi32>], vector<16xf32>,
        %mul3A_1112 = arith.mulf %div3A_670, %gather3A_1111 : vector<16xf32>
        %add3A_1113 = arith.constant 1.000000e-03 : f32
        %add3A_1114 = vector.broadcast %add3A_1113 : f32 to vector<16xf32>
        %add3A_1115 = arith.addf %add3A_1114, %mul3A_1112 : vector<16xf32>
        %gather3A_1116 = tpu.vector_load_idx %arg29[%add3A_1075] : memref<256xf32, #tpu.memory_space<vmem>>[vector<16xi32>], vector<16xf32>,
        %gather3A_1117 = tpu.vector_load_idx %arg30[%add3A_1075] : memref<256xf32, #tpu.memory_space<vmem>>[vector<16xi32>], vector<16xf32>,
        %div3A_1118 = arith.divf %add3A_1105, %add3A_1090 : vector<16xf32>
        %div3A_1119 = arith.divf %add3A_1110, %add3A_1095 : vector<16xf32>
        %div3A_1120 = arith.divf %add3A_1115, %add3A_1100 : vector<16xf32>
        %mul3A_1121 = arith.mulf %add3A_1090, %div3A_1119 : vector<16xf32>
        %mul3A_1122 = arith.mulf %add3A_1095, %div3A_1118 : vector<16xf32>
        %add3A_1123 = arith.addf %mul3A_1121, %mul3A_1122 : vector<16xf32>
        %mul3A_1124 = arith.constant 5.000000e-01 : f32
        %mul3A_1125 = vector.broadcast %mul3A_1124 : f32 to vector<16xf32>
        %mul3A_1126 = arith.mulf %mul3A_1125, %add3A_1123 : vector<16xf32>
        %add3A_1127 = arith.addf %add3A_1095, %add3A_1090 : vector<16xf32>
        %div3A_1128 = arith.divf %mul3A_1126, %add3A_1127 : vector<16xf32>
        %min3A_1129 = arith.minimumf %div3A_1119, %div3A_1118 : vector<16xf32>
        %min3A_1130 = arith.minimumf %min3A_1129, %div3A_1128 : vector<16xf32>
        %mul3A_1131 = arith.constant 2.000000e+00 : f32
        %mul3A_1132 = vector.broadcast %mul3A_1131 : f32 to vector<16xf32>
        %mul3A_1133 = arith.mulf %mul3A_1132, %min3A_1130 : vector<16xf32>
        %neg3A = arith.constant 0.000000e+00 : f32
        %neg3A_1134 = vector.broadcast %neg3A : f32 to vector<16xf32>
        %neg3A_1135 = arith.subf %neg3A_1134, %get3A_340 : vector<16xf32>
        %exp3A_1136 = math.exp %neg3A_1135 : vector<16xf32>
        %add3A_1137 = arith.constant 1.000000e+00 : f32
        %add3A_1138 = vector.broadcast %add3A_1137 : f32 to vector<16xf32>
        %add3A_1139 = arith.addf %add3A_1138, %exp3A_1136 : vector<16xf32>
        %div3A_1140 = arith.constant 1.000000e+00 : f32
        %div3A_1141 = vector.broadcast %div3A_1140 : f32 to vector<16xf32>
        %div3A_1142 = arith.divf %div3A_1141, %add3A_1139 : vector<16xf32>
        %lt3A_1143 = arith.constant 16 : i32
        %lt3A_1144 = vector.broadcast %lt3A_1143 : i32 to vector<16xi32>
        %lt3A_1145 = arith.cmpi slt, %add3A_1075, %lt3A_1144 : vector<16xi32>
        %mul3A_1146 = arith.constant 3.000000e+00 : f32
        %mul3A_1147 = vector.broadcast %mul3A_1146 : f32 to vector<16xf32>
        %mul3A_1148 = arith.mulf %mul3A_1147, %div3A_1142 : vector<16xf32>
        %mul3A_1149 = arith.mulf %mul3A_1148, %div3A_1118 : vector<16xf32>
        %select_n3A_1150 = arith.select %lt3A_1145, %mul3A_1149, %mul3A_1133 : vector<16xi1>, vector<16xf32>
        %mul3A_1151 = arith.mulf %add3A_1100, %div3A_1118 : vector<16xf32>
        %mul3A_1152 = arith.mulf %add3A_1090, %div3A_1120 : vector<16xf32>
        %add3A_1153 = arith.addf %mul3A_1151, %mul3A_1152 : vector<16xf32>
        %mul3A_1154 = arith.constant 5.000000e-01 : f32
        %mul3A_1155 = vector.broadcast %mul3A_1154 : f32 to vector<16xf32>
        %mul3A_1156 = arith.mulf %mul3A_1155, %add3A_1153 : vector<16xf32>
        %add3A_1157 = arith.addf %add3A_1090, %add3A_1100 : vector<16xf32>
        %div3A_1158 = arith.divf %mul3A_1156, %add3A_1157 : vector<16xf32>
        %min3A_1159 = arith.minimumf %div3A_1118, %div3A_1120 : vector<16xf32>
        %min3A_1160 = arith.minimumf %min3A_1159, %div3A_1158 : vector<16xf32>
        %mul3A_1161 = arith.constant 2.000000e+00 : f32
        %mul3A_1162 = vector.broadcast %mul3A_1161 : f32 to vector<16xf32>
        %mul3A_1163 = arith.mulf %mul3A_1162, %min3A_1160 : vector<16xf32>
        %neg3A_1164 = arith.constant 0.000000e+00 : f32
        %neg3A_1165 = vector.broadcast %neg3A_1164 : f32 to vector<16xf32>
        %neg3A_1166 = arith.subf %neg3A_1165, %get3A_342 : vector<16xf32>
        %exp3A_1167 = math.exp %neg3A_1166 : vector<16xf32>
        %add3A_1168 = arith.constant 1.000000e+00 : f32
        %add3A_1169 = vector.broadcast %add3A_1168 : f32 to vector<16xf32>
        %add3A_1170 = arith.addf %add3A_1169, %exp3A_1167 : vector<16xf32>
        %div3A_1171 = arith.constant 1.000000e+00 : f32
        %div3A_1172 = vector.broadcast %div3A_1171 : f32 to vector<16xf32>
        %div3A_1173 = arith.divf %div3A_1172, %add3A_1170 : vector<16xf32>
        %ge3A_1174 = arith.constant 240 : i32
        %ge3A_1175 = vector.broadcast %ge3A_1174 : i32 to vector<16xi32>
        %ge3A_1176 = arith.cmpi sge, %add3A_1075, %ge3A_1175 : vector<16xi32>
        %mul3A_1177 = arith.constant 3.000000e+00 : f32
        %mul3A_1178 = vector.broadcast %mul3A_1177 : f32 to vector<16xf32>
        %mul3A_1179 = arith.mulf %mul3A_1178, %div3A_1173 : vector<16xf32>
        %mul3A_1180 = arith.mulf %mul3A_1179, %div3A_1118 : vector<16xf32>
        %select_n3A_1181 = arith.select %ge3A_1176, %mul3A_1180, %mul3A_1163 : vector<16xi1>, vector<16xf32>
        %div3A_1182 = arith.constant 1.000000e+00 : f32
        %div3A_1183 = vector.broadcast %div3A_1182 : f32 to vector<16xf32>
        %div3A_1184 = arith.divf %div3A_1183, %add3A_1090 : vector<16xf32>
        %add3A_1185 = arith.addf %select_n3A_1150, %select_n3A_1181 : vector<16xf32>
        %mul3A_1186 = arith.constant 2.000000e+00 : f32
        %mul3A_1187 = vector.broadcast %mul3A_1186 : f32 to vector<16xf32>
        %mul3A_1188 = arith.mulf %mul3A_1187, %div3A_1118 : vector<16xf32>
        %sub3A_1189 = arith.subf %add3A_1185, %mul3A_1188 : vector<16xf32>
        %mul3A_1190 = arith.mulf %sub3A_1189, %div3A_1184 : vector<16xf32>
        %mul3A_1191 = arith.mulf %mul3A_1190, %div3A_1184 : vector<16xf32>
        %mul3A_1192 = arith.constant 3.000000e+00 : f32
        %mul3A_1193 = vector.broadcast %mul3A_1192 : f32 to vector<16xf32>
        %mul3A_1194 = arith.mulf %mul3A_1193, %div3A_1118 : vector<16xf32>
        %mul3A_1195 = arith.constant 2.000000e+00 : f32
        %mul3A_1196 = vector.broadcast %mul3A_1195 : f32 to vector<16xf32>
        %mul3A_1197 = arith.mulf %mul3A_1196, %select_n3A_1150 : vector<16xf32>
        %sub3A_1198 = arith.subf %mul3A_1194, %mul3A_1197 : vector<16xf32>
        %sub3A_1199 = arith.subf %sub3A_1198, %select_n3A_1181 : vector<16xf32>
        %mul3A_1200 = arith.mulf %sub3A_1199, %div3A_1184 : vector<16xf32>
        %sub3A_1201 = arith.subf %mul3A_965, %gather3A_1116 : vector<16xf32>
        %mul3A_1202 = arith.mulf %mul3A_1191, %sub3A_1201 : vector<16xf32>
        %add3A_1203 = arith.addf %mul3A_1202, %mul3A_1200 : vector<16xf32>
        %mul3A_1204 = arith.mulf %add3A_1203, %sub3A_1201 : vector<16xf32>
        %add3A_1205 = arith.addf %mul3A_1204, %select_n3A_1150 : vector<16xf32>
        %mul3A_1206 = arith.mulf %add3A_1205, %sub3A_1201 : vector<16xf32>
        %add3A_1207 = arith.addf %mul3A_1206, %gather3A_1117 : vector<16xf32>
        %mul3A_1208 = arith.constant 3.000000e+00 : f32
        %mul3A_1209 = vector.broadcast %mul3A_1208 : f32 to vector<16xf32>
        %mul3A_1210 = arith.mulf %mul3A_1209, %mul3A_1191 : vector<16xf32>
        %mul3A_1211 = arith.mulf %mul3A_1210, %sub3A_1201 : vector<16xf32>
        %mul3A_1212 = arith.constant 2.000000e+00 : f32
        %mul3A_1213 = vector.broadcast %mul3A_1212 : f32 to vector<16xf32>
        %mul3A_1214 = arith.mulf %mul3A_1213, %mul3A_1200 : vector<16xf32>
        %add3A_1215 = arith.addf %mul3A_1211, %mul3A_1214 : vector<16xf32>
        %mul3A_1216 = arith.mulf %add3A_1215, %sub3A_1201 : vector<16xf32>
        %add3A_1217 = arith.addf %mul3A_1216, %select_n3A_1150 : vector<16xf32>
        %abs3A = math.absf %add3A_1217 : vector<16xf32>
        %bitcast_convert_type3A = tpu.bitcast %abs3A : vector<16xf32> -> vector<16xi32>
        %shift_right_logical3A = arith.constant 23 : i32
        %shift_right_logical3A_1218 = vector.broadcast %shift_right_logical3A : i32 to vector<16xi32>
        %shift_right_logical3A_1219 = arith.shrui %bitcast_convert_type3A, %shift_right_logical3A_1218 : vector<16xi32>
        %sub3A_1220 = arith.constant 126 : i32
        %sub3A_1221 = vector.broadcast %sub3A_1220 : i32 to vector<16xi32>
        %sub3A_1222 = arith.subi %shift_right_logical3A_1219, %sub3A_1221 : vector<16xi32>
        %and3A_1223 = arith.constant 8388607 : i32
        %and3A_1224 = vector.broadcast %and3A_1223 : i32 to vector<16xi32>
        %and3A_1225 = arith.andi %bitcast_convert_type3A, %and3A_1224 : vector<16xi32>
        %or3A = arith.constant 1056964608 : i32
        %or3A_1226 = vector.broadcast %or3A : i32 to vector<16xi32>
        %or3A_1227 = arith.ori %and3A_1225, %or3A_1226 : vector<16xi32>
        %bitcast_convert_type3A_1228 = tpu.bitcast %or3A_1227 : vector<16xi32> -> vector<16xf32>
        %lt3A_1229 = arith.constant 0.707106769 : f32
        %lt3A_1230 = vector.broadcast %lt3A_1229 : f32 to vector<16xf32>
        %lt3A_1231 = arith.cmpf olt, %bitcast_convert_type3A_1228, %lt3A_1230 : vector<16xf32>
        %jit3A_1232 = arith.constant 1 : i32
        %jit3A_1233 = arith.constant 0 : i32
        %broadcast_in_dim3A_1234 = vector.broadcast %jit3A_1232 : i32 to vector<16xi32>
        %broadcast_in_dim3A_1235 = vector.broadcast %jit3A_1233 : i32 to vector<16xi32>
        %select_n3A_1236 = arith.select %lt3A_1231, %broadcast_in_dim3A_1234, %broadcast_in_dim3A_1235 : vector<16xi1>, vector<16xi32>
        %sub3A_1237 = arith.subi %sub3A_1222, %select_n3A_1236 : vector<16xi32>
        %add3A_1238 = arith.addf %bitcast_convert_type3A_1228, %bitcast_convert_type3A_1228 : vector<16xf32>
        %select_n3A_1239 = arith.select %lt3A_1231, %add3A_1238, %bitcast_convert_type3A_1228 : vector<16xi1>, vector<16xf32>
        %sub3A_1240 = arith.constant 1.000000e+00 : f32
        %sub3A_1241 = vector.broadcast %sub3A_1240 : f32 to vector<16xf32>
        %sub3A_1242 = arith.subf %select_n3A_1239, %sub3A_1241 : vector<16xf32>
        %mul3A_1243 = arith.mulf %sub3A_1242, %sub3A_1242 : vector<16xf32>
        %mul3A_1244 = arith.constant -0.166666672 : f32
        %mul3A_1245 = vector.broadcast %mul3A_1244 : f32 to vector<16xf32>
        %mul3A_1246 = arith.mulf %sub3A_1242, %mul3A_1245 : vector<16xf32>
        %add3A_1247 = arith.constant 2.000000e-01 : f32
        %add3A_1248 = vector.broadcast %add3A_1247 : f32 to vector<16xf32>
        %add3A_1249 = arith.addf %add3A_1248, %mul3A_1246 : vector<16xf32>
        %mul3A_1250 = arith.mulf %add3A_1249, %mul3A_1243 : vector<16xf32>
        %add3A_1251 = arith.constant -2.500000e-01 : f32
        %add3A_1252 = vector.broadcast %add3A_1251 : f32 to vector<16xf32>
        %add3A_1253 = arith.addf %add3A_1252, %mul3A_1250 : vector<16xf32>
        %mul3A_1254 = arith.mulf %sub3A_1242, %add3A_1253 : vector<16xf32>
        %add3A_1255 = arith.constant 0.333333343 : f32
        %add3A_1256 = vector.broadcast %add3A_1255 : f32 to vector<16xf32>
        %add3A_1257 = arith.addf %add3A_1256, %mul3A_1254 : vector<16xf32>
        %mul3A_1258 = arith.mulf %sub3A_1242, %mul3A_1243 : vector<16xf32>
        %mul3A_1259 = arith.mulf %mul3A_1258, %add3A_1257 : vector<16xf32>
        %mul3A_1260 = arith.constant 5.000000e-01 : f32
        %mul3A_1261 = vector.broadcast %mul3A_1260 : f32 to vector<16xf32>
        %mul3A_1262 = arith.mulf %mul3A_1261, %mul3A_1243 : vector<16xf32>
        %sub3A_1263 = arith.subf %mul3A_1259, %mul3A_1262 : vector<16xf32>
        %add3A_1264 = arith.addf %sub3A_1242, %sub3A_1263 : vector<16xf32>
        %convert_element_type3A_1265 = arith.sitofp %sub3A_1237 : vector<16xi32> to vector<16xf32>
        %mul3A_1266 = arith.constant 0.693147182 : f32
        %mul3A_1267 = vector.broadcast %mul3A_1266 : f32 to vector<16xf32>
        %mul3A_1268 = arith.mulf %convert_element_type3A_1265, %mul3A_1267 : vector<16xf32>
        %add3A_1269 = arith.addf %add3A_1264, %mul3A_1268 : vector<16xf32>
        %max3A_1270 = arith.constant 0.000000e+00 : f32
        %max3A_1271 = vector.broadcast %max3A_1270 : f32 to vector<16xf32>
        %max3A_1272 = arith.maximumf %add3A_1207, %max3A_1271 : vector<16xf32>
        %min3A_1273 = arith.constant 1.000000e+00 : f32
        %min3A_1274 = vector.broadcast %min3A_1273 : f32 to vector<16xf32>
        %min3A_1275 = arith.minimumf %max3A_1272, %min3A_1274 : vector<16xf32>
        %mul3A_1276 = arith.constant 6.000000e+00 : f32
        %mul3A_1277 = vector.broadcast %mul3A_1276 : f32 to vector<16xf32>
        %mul3A_1278 = arith.mulf %min3A_1275, %mul3A_1277 : vector<16xf32>
        %sub3A_1279 = arith.constant 3.000000e+00 : f32
        %sub3A_1280 = vector.broadcast %sub3A_1279 : f32 to vector<16xf32>
        %sub3A_1281 = arith.subf %mul3A_1278, %sub3A_1280 : vector<16xf32>
        %ge3A_1282 = arith.constant -3.000000e+00 : f32
        %ge3A_1283 = vector.broadcast %ge3A_1282 : f32 to vector<16xf32>
        %ge3A_1284 = arith.cmpf oge, %get3A_338, %ge3A_1283 : vector<16xf32>
        %le3A = arith.constant 3.000000e+00 : f32
        %le3A_1285 = vector.broadcast %le3A : f32 to vector<16xf32>
        %le3A_1286 = arith.cmpf ole, %get3A_338, %le3A_1285 : vector<16xf32>
        %and3A_1287 = arith.andi %ge3A_1284, %le3A_1286 : vector<16xi1>
        %select_n3A_1288 = arith.select %and3A_1287, %sub3A_1281, %get3A_338 : vector<16xi1>, vector<16xf32>
        %swap3A_1289 = arith.index_cast %mul3A_337 : i32 to index
        %swap3A_1290 = tpu.vector_load %arg19[%swap3A_1289] {strides = array<i32>} : memref<1024xf32, #tpu.memory_space<vmem>>, vector<16xf32>,
        tpu.vector_store %arg19[%swap3A_1289], %select_n3A_1288 {strides = array<i32>} : memref<1024xf32, #tpu.memory_space<vmem>>, vector<16xf32>,
        %jit3A_1291 = arith.constant 0.000000e+00 : f32
        %broadcast_in_dim3A_1292 = vector.broadcast %jit3A_1291 : f32 to vector<16xf32>
        %select_n3A_1293 = arith.select %and3A_1287, %add3A_1269, %broadcast_in_dim3A_1292 : vector<16xi1>, vector<16xf32>
        %swap3A_1294 = arith.index_cast %mul3A_337 : i32 to index
        %swap3A_1295 = tpu.vector_load %arg20[%swap3A_1294] {strides = array<i32>} : memref<1024xf32, #tpu.memory_space<vmem>>, vector<16xf32>,
        tpu.vector_store %arg20[%swap3A_1294], %select_n3A_1293 {strides = array<i32>} : memref<1024xf32, #tpu.memory_space<vmem>>, vector<16xf32>,
        %add3A_1296 = arith.constant 1 : i32
        %add3A_1297 = arith.addi %add3A_335, %add3A_1296 : i32
        %mul3A_1298 = arith.constant 16 : i32
        %mul3A_1299 = arith.muli %add3A_1297, %mul3A_1298 : i32
        %get3A_1300 = arith.index_cast %mul3A_1299 : i32 to index
        %get3A_1301 = tpu.vector_load %arg9[%get3A_1300] {strides = array<i32>} : memref<1024xf32, #tpu.memory_space<vmem>>, vector<16xf32>,
        %get3A_1302 = arith.index_cast %mul3A_1299 : i32 to index
        %get3A_1303 = tpu.vector_load %arg12[%get3A_1302] {strides = array<i32>} : memref<1024xf32, #tpu.memory_space<vmem>>, vector<16xf32>,
        %get3A_1304 = arith.index_cast %mul3A_1299 : i32 to index
        %get3A_1305 = tpu.vector_load %arg13[%get3A_1304] {strides = array<i32>} : memref<1024xf32, #tpu.memory_space<vmem>>, vector<16xf32>,
        %jit3A_1306 = arith.constant 128 : i32
        %div3A_1307 = arith.divsi %mul3A_1299, %jit3A_1306 : i32
        %sign3A_1308 = arith.constant 0 : i32
        %sign3A_1309 = arith.cmpi sgt, %mul3A_1299, %sign3A_1308 : i32
        %sign3A_1310 = arith.extui %sign3A_1309 : i1 to i32
        %sign3A_1311 = arith.constant 0 : i32
        %sign3A_1312 = arith.cmpi slt, %mul3A_1299, %sign3A_1311 : i32
        %sign3A_1313 = arith.extui %sign3A_1312 : i1 to i32
        %sign3A_1314 = arith.subi %sign3A_1310, %sign3A_1313 : i32
        %sign3A_1315 = arith.constant 0 : i32
        %sign3A_1316 = arith.cmpi sgt, %jit3A_1306, %sign3A_1315 : i32
        %sign3A_1317 = arith.extui %sign3A_1316 : i1 to i32
        %sign3A_1318 = arith.constant 0 : i32
        %sign3A_1319 = arith.cmpi slt, %jit3A_1306, %sign3A_1318 : i32
        %sign3A_1320 = arith.extui %sign3A_1319 : i1 to i32
        %sign3A_1321 = arith.subi %sign3A_1317, %sign3A_1320 : i32
        %ne3A_1322 = arith.cmpi ne, %sign3A_1314, %sign3A_1321 : i32
        %rem3A_1323 = arith.remsi %mul3A_1299, %jit3A_1306 : i32
        %ne3A_1324 = arith.constant 0 : i32
        %ne3A_1325 = arith.cmpi ne, %rem3A_1323, %ne3A_1324 : i32
        %and3A_1326 = arith.andi %ne3A_1322, %ne3A_1325 : i1
        %sub3A_1327 = arith.constant 1 : i32
        %sub3A_1328 = arith.subi %div3A_1307, %sub3A_1327 : i32
        %select_n3A_1329 = arith.select %and3A_1326, %sub3A_1328, %div3A_1307 : i32
        %jit3A_1330 = arith.constant 128 : i32
        %eq3A_1331 = arith.constant 0 : i32
        %eq3A_1332 = arith.cmpi eq, %jit3A_1330, %eq3A_1331 : i32
        %jit3A_1333 = arith.constant 1 : i32
        %select_n3A_1334 = arith.select %eq3A_1332, %jit3A_1333, %jit3A_1330 : i32
        %rem3A_1335 = arith.remsi %mul3A_1299, %select_n3A_1334 : i32
        %ne3A_1336 = arith.constant 0 : i32
        %ne3A_1337 = arith.cmpi ne, %rem3A_1335, %ne3A_1336 : i32
        %lt3A_1338 = arith.constant 0 : i32
        %lt3A_1339 = arith.cmpi slt, %rem3A_1335, %lt3A_1338 : i32
        %lt3A_1340 = arith.constant 0 : i32
        %lt3A_1341 = arith.cmpi slt, %select_n3A_1334, %lt3A_1340 : i32
        %ne3A_1342 = arith.xori %lt3A_1339, %lt3A_1341 : i1
        %and3A_1343 = arith.andi %ne3A_1342, %ne3A_1337 : i1
        %add3A_1344 = arith.addi %rem3A_1335, %select_n3A_1334 : i32
        %select_n3A_1345 = arith.select %and3A_1343, %add3A_1344, %rem3A_1335 : i32
        %mul3A_1346 = arith.constant 1024 : i32
        %mul3A_1347 = arith.muli %select_n3A_1329, %mul3A_1346 : i32
        %add3A_1348 = arith.addi %mul3A_1347, %select_n3A_1345 : i32
        %add3A_1349 = arith.constant 0 : i32
        %add3A_1350 = arith.addi %add3A_1348, %add3A_1349 : i32
        %get3A_1351 = arith.index_cast %add3A_1350 : i32 to index
        %get3A_1352 = tpu.vector_load %arg10[%get3A_1351] {strides = array<i32>} : memref<16384xf32, #tpu.memory_space<vmem>>, vector<16xf32>,
        %mul3A_1353 = arith.constant 1024 : i32
        %mul3A_1354 = arith.muli %select_n3A_1329, %mul3A_1353 : i32
        %add3A_1355 = arith.addi %mul3A_1354, %select_n3A_1345 : i32
        %add3A_1356 = arith.constant 128 : i32
        %add3A_1357 = arith.addi %add3A_1355, %add3A_1356 : i32
        %get3A_1358 = arith.index_cast %add3A_1357 : i32 to index
        %get3A_1359 = tpu.vector_load %arg10[%get3A_1358] {strides = array<i32>} : memref<16384xf32, #tpu.memory_space<vmem>>, vector<16xf32>,
        %mul3A_1360 = arith.constant 1024 : i32
        %mul3A_1361 = arith.muli %select_n3A_1329, %mul3A_1360 : i32
        %add3A_1362 = arith.addi %mul3A_1361, %select_n3A_1345 : i32
        %add3A_1363 = arith.constant 256 : i32
        %add3A_1364 = arith.addi %add3A_1362, %add3A_1363 : i32
        %get3A_1365 = arith.index_cast %add3A_1364 : i32 to index
        %get3A_1366 = tpu.vector_load %arg10[%get3A_1365] {strides = array<i32>} : memref<16384xf32, #tpu.memory_space<vmem>>, vector<16xf32>,
        %mul3A_1367 = arith.constant 1024 : i32
        %mul3A_1368 = arith.muli %select_n3A_1329, %mul3A_1367 : i32
        %add3A_1369 = arith.addi %mul3A_1368, %select_n3A_1345 : i32
        %add3A_1370 = arith.constant 384 : i32
        %add3A_1371 = arith.addi %add3A_1369, %add3A_1370 : i32
        %get3A_1372 = arith.index_cast %add3A_1371 : i32 to index
        %get3A_1373 = tpu.vector_load %arg10[%get3A_1372] {strides = array<i32>} : memref<16384xf32, #tpu.memory_space<vmem>>, vector<16xf32>,
        %mul3A_1374 = arith.constant 1024 : i32
        %mul3A_1375 = arith.muli %select_n3A_1329, %mul3A_1374 : i32
        %add3A_1376 = arith.addi %mul3A_1375, %select_n3A_1345 : i32
        %add3A_1377 = arith.constant 512 : i32
        %add3A_1378 = arith.addi %add3A_1376, %add3A_1377 : i32
        %get3A_1379 = arith.index_cast %add3A_1378 : i32 to index
        %get3A_1380 = tpu.vector_load %arg10[%get3A_1379] {strides = array<i32>} : memref<16384xf32, #tpu.memory_space<vmem>>, vector<16xf32>,
        %mul3A_1381 = arith.constant 1024 : i32
        %mul3A_1382 = arith.muli %select_n3A_1329, %mul3A_1381 : i32
        %add3A_1383 = arith.addi %mul3A_1382, %select_n3A_1345 : i32
        %add3A_1384 = arith.constant 640 : i32
        %add3A_1385 = arith.addi %add3A_1383, %add3A_1384 : i32
        %get3A_1386 = arith.index_cast %add3A_1385 : i32 to index
        %get3A_1387 = tpu.vector_load %arg10[%get3A_1386] {strides = array<i32>} : memref<16384xf32, #tpu.memory_space<vmem>>, vector<16xf32>,
        %mul3A_1388 = arith.constant 1024 : i32
        %mul3A_1389 = arith.muli %select_n3A_1329, %mul3A_1388 : i32
        %add3A_1390 = arith.addi %mul3A_1389, %select_n3A_1345 : i32
        %add3A_1391 = arith.constant 768 : i32
        %add3A_1392 = arith.addi %add3A_1390, %add3A_1391 : i32
        %get3A_1393 = arith.index_cast %add3A_1392 : i32 to index
        %get3A_1394 = tpu.vector_load %arg10[%get3A_1393] {strides = array<i32>} : memref<16384xf32, #tpu.memory_space<vmem>>, vector<16xf32>,
        %mul3A_1395 = arith.constant 1024 : i32
        %mul3A_1396 = arith.muli %select_n3A_1329, %mul3A_1395 : i32
        %add3A_1397 = arith.addi %mul3A_1396, %select_n3A_1345 : i32
        %add3A_1398 = arith.constant 896 : i32
        %add3A_1399 = arith.addi %add3A_1397, %add3A_1398 : i32
        %get3A_1400 = arith.index_cast %add3A_1399 : i32 to index
        %get3A_1401 = tpu.vector_load %arg10[%get3A_1400] {strides = array<i32>} : memref<16384xf32, #tpu.memory_space<vmem>>, vector<16xf32>,
        %mul3A_1402 = arith.constant 1024 : i32
        %mul3A_1403 = arith.muli %select_n3A_1329, %mul3A_1402 : i32
        %add3A_1404 = arith.addi %mul3A_1403, %select_n3A_1345 : i32
        %add3A_1405 = arith.constant 8192 : i32
        %add3A_1406 = arith.addi %add3A_1404, %add3A_1405 : i32
        %get3A_1407 = arith.index_cast %add3A_1406 : i32 to index
        %get3A_1408 = tpu.vector_load %arg10[%get3A_1407] {strides = array<i32>} : memref<16384xf32, #tpu.memory_space<vmem>>, vector<16xf32>,
        %mul3A_1409 = arith.constant 1024 : i32
        %mul3A_1410 = arith.muli %select_n3A_1329, %mul3A_1409 : i32
        %add3A_1411 = arith.addi %mul3A_1410, %select_n3A_1345 : i32
        %add3A_1412 = arith.constant 8320 : i32
        %add3A_1413 = arith.addi %add3A_1411, %add3A_1412 : i32
        %get3A_1414 = arith.index_cast %add3A_1413 : i32 to index
        %get3A_1415 = tpu.vector_load %arg10[%get3A_1414] {strides = array<i32>} : memref<16384xf32, #tpu.memory_space<vmem>>, vector<16xf32>,
        %mul3A_1416 = arith.constant 1024 : i32
        %mul3A_1417 = arith.muli %select_n3A_1329, %mul3A_1416 : i32
        %add3A_1418 = arith.addi %mul3A_1417, %select_n3A_1345 : i32
        %add3A_1419 = arith.constant 8448 : i32
        %add3A_1420 = arith.addi %add3A_1418, %add3A_1419 : i32
        %get3A_1421 = arith.index_cast %add3A_1420 : i32 to index
        %get3A_1422 = tpu.vector_load %arg10[%get3A_1421] {strides = array<i32>} : memref<16384xf32, #tpu.memory_space<vmem>>, vector<16xf32>,
        %mul3A_1423 = arith.constant 1024 : i32
        %mul3A_1424 = arith.muli %select_n3A_1329, %mul3A_1423 : i32
        %add3A_1425 = arith.addi %mul3A_1424, %select_n3A_1345 : i32
        %add3A_1426 = arith.constant 8576 : i32
        %add3A_1427 = arith.addi %add3A_1425, %add3A_1426 : i32
        %get3A_1428 = arith.index_cast %add3A_1427 : i32 to index
        %get3A_1429 = tpu.vector_load %arg10[%get3A_1428] {strides = array<i32>} : memref<16384xf32, #tpu.memory_space<vmem>>, vector<16xf32>,
        %mul3A_1430 = arith.constant 1024 : i32
        %mul3A_1431 = arith.muli %select_n3A_1329, %mul3A_1430 : i32
        %add3A_1432 = arith.addi %mul3A_1431, %select_n3A_1345 : i32
        %add3A_1433 = arith.constant 8704 : i32
        %add3A_1434 = arith.addi %add3A_1432, %add3A_1433 : i32
        %get3A_1435 = arith.index_cast %add3A_1434 : i32 to index
        %get3A_1436 = tpu.vector_load %arg10[%get3A_1435] {strides = array<i32>} : memref<16384xf32, #tpu.memory_space<vmem>>, vector<16xf32>,
        %mul3A_1437 = arith.constant 1024 : i32
        %mul3A_1438 = arith.muli %select_n3A_1329, %mul3A_1437 : i32
        %add3A_1439 = arith.addi %mul3A_1438, %select_n3A_1345 : i32
        %add3A_1440 = arith.constant 8832 : i32
        %add3A_1441 = arith.addi %add3A_1439, %add3A_1440 : i32
        %get3A_1442 = arith.index_cast %add3A_1441 : i32 to index
        %get3A_1443 = tpu.vector_load %arg10[%get3A_1442] {strides = array<i32>} : memref<16384xf32, #tpu.memory_space<vmem>>, vector<16xf32>,
        %mul3A_1444 = arith.constant 1024 : i32
        %mul3A_1445 = arith.muli %select_n3A_1329, %mul3A_1444 : i32
        %add3A_1446 = arith.addi %mul3A_1445, %select_n3A_1345 : i32
        %add3A_1447 = arith.constant 8960 : i32
        %add3A_1448 = arith.addi %add3A_1446, %add3A_1447 : i32
        %get3A_1449 = arith.index_cast %add3A_1448 : i32 to index
        %get3A_1450 = tpu.vector_load %arg10[%get3A_1449] {strides = array<i32>} : memref<16384xf32, #tpu.memory_space<vmem>>, vector<16xf32>,
        %mul3A_1451 = arith.constant 1024 : i32
        %mul3A_1452 = arith.muli %select_n3A_1329, %mul3A_1451 : i32
        %add3A_1453 = arith.addi %mul3A_1452, %select_n3A_1345 : i32
        %add3A_1454 = arith.constant 9088 : i32
        %add3A_1455 = arith.addi %add3A_1453, %add3A_1454 : i32
        %get3A_1456 = arith.index_cast %add3A_1455 : i32 to index
        %get3A_1457 = tpu.vector_load %arg10[%get3A_1456] {strides = array<i32>} : memref<16384xf32, #tpu.memory_space<vmem>>, vector<16xf32>,
        %mul3A_1458 = arith.constant 1024 : i32
        %mul3A_1459 = arith.muli %select_n3A_1329, %mul3A_1458 : i32
        %add3A_1460 = arith.addi %mul3A_1459, %select_n3A_1345 : i32
        %add3A_1461 = arith.constant 0 : i32
        %add3A_1462 = arith.addi %add3A_1460, %add3A_1461 : i32
        %get3A_1463 = arith.index_cast %add3A_1462 : i32 to index
        %get3A_1464 = tpu.vector_load %arg11[%get3A_1463] {strides = array<i32>} : memref<16384xf32, #tpu.memory_space<vmem>>, vector<16xf32>,
        %mul3A_1465 = arith.constant 1024 : i32
        %mul3A_1466 = arith.muli %select_n3A_1329, %mul3A_1465 : i32
        %add3A_1467 = arith.addi %mul3A_1466, %select_n3A_1345 : i32
        %add3A_1468 = arith.constant 128 : i32
        %add3A_1469 = arith.addi %add3A_1467, %add3A_1468 : i32
        %get3A_1470 = arith.index_cast %add3A_1469 : i32 to index
        %get3A_1471 = tpu.vector_load %arg11[%get3A_1470] {strides = array<i32>} : memref<16384xf32, #tpu.memory_space<vmem>>, vector<16xf32>,
        %mul3A_1472 = arith.constant 1024 : i32
        %mul3A_1473 = arith.muli %select_n3A_1329, %mul3A_1472 : i32
        %add3A_1474 = arith.addi %mul3A_1473, %select_n3A_1345 : i32
        %add3A_1475 = arith.constant 256 : i32
        %add3A_1476 = arith.addi %add3A_1474, %add3A_1475 : i32
        %get3A_1477 = arith.index_cast %add3A_1476 : i32 to index
        %get3A_1478 = tpu.vector_load %arg11[%get3A_1477] {strides = array<i32>} : memref<16384xf32, #tpu.memory_space<vmem>>, vector<16xf32>,
        %mul3A_1479 = arith.constant 1024 : i32
        %mul3A_1480 = arith.muli %select_n3A_1329, %mul3A_1479 : i32
        %add3A_1481 = arith.addi %mul3A_1480, %select_n3A_1345 : i32
        %add3A_1482 = arith.constant 384 : i32
        %add3A_1483 = arith.addi %add3A_1481, %add3A_1482 : i32
        %get3A_1484 = arith.index_cast %add3A_1483 : i32 to index
        %get3A_1485 = tpu.vector_load %arg11[%get3A_1484] {strides = array<i32>} : memref<16384xf32, #tpu.memory_space<vmem>>, vector<16xf32>,
        %mul3A_1486 = arith.constant 1024 : i32
        %mul3A_1487 = arith.muli %select_n3A_1329, %mul3A_1486 : i32
        %add3A_1488 = arith.addi %mul3A_1487, %select_n3A_1345 : i32
        %add3A_1489 = arith.constant 512 : i32
        %add3A_1490 = arith.addi %add3A_1488, %add3A_1489 : i32
        %get3A_1491 = arith.index_cast %add3A_1490 : i32 to index
        %get3A_1492 = tpu.vector_load %arg11[%get3A_1491] {strides = array<i32>} : memref<16384xf32, #tpu.memory_space<vmem>>, vector<16xf32>,
        %mul3A_1493 = arith.constant 1024 : i32
        %mul3A_1494 = arith.muli %select_n3A_1329, %mul3A_1493 : i32
        %add3A_1495 = arith.addi %mul3A_1494, %select_n3A_1345 : i32
        %add3A_1496 = arith.constant 640 : i32
        %add3A_1497 = arith.addi %add3A_1495, %add3A_1496 : i32
        %get3A_1498 = arith.index_cast %add3A_1497 : i32 to index
        %get3A_1499 = tpu.vector_load %arg11[%get3A_1498] {strides = array<i32>} : memref<16384xf32, #tpu.memory_space<vmem>>, vector<16xf32>,
        %mul3A_1500 = arith.constant 1024 : i32
        %mul3A_1501 = arith.muli %select_n3A_1329, %mul3A_1500 : i32
        %add3A_1502 = arith.addi %mul3A_1501, %select_n3A_1345 : i32
        %add3A_1503 = arith.constant 768 : i32
        %add3A_1504 = arith.addi %add3A_1502, %add3A_1503 : i32
        %get3A_1505 = arith.index_cast %add3A_1504 : i32 to index
        %get3A_1506 = tpu.vector_load %arg11[%get3A_1505] {strides = array<i32>} : memref<16384xf32, #tpu.memory_space<vmem>>, vector<16xf32>,
        %mul3A_1507 = arith.constant 1024 : i32
        %mul3A_1508 = arith.muli %select_n3A_1329, %mul3A_1507 : i32
        %add3A_1509 = arith.addi %mul3A_1508, %select_n3A_1345 : i32
        %add3A_1510 = arith.constant 896 : i32
        %add3A_1511 = arith.addi %add3A_1509, %add3A_1510 : i32
        %get3A_1512 = arith.index_cast %add3A_1511 : i32 to index
        %get3A_1513 = tpu.vector_load %arg11[%get3A_1512] {strides = array<i32>} : memref<16384xf32, #tpu.memory_space<vmem>>, vector<16xf32>,
        %mul3A_1514 = arith.constant 1024 : i32
        %mul3A_1515 = arith.muli %select_n3A_1329, %mul3A_1514 : i32
        %add3A_1516 = arith.addi %mul3A_1515, %select_n3A_1345 : i32
        %add3A_1517 = arith.constant 8192 : i32
        %add3A_1518 = arith.addi %add3A_1516, %add3A_1517 : i32
        %get3A_1519 = arith.index_cast %add3A_1518 : i32 to index
        %get3A_1520 = tpu.vector_load %arg11[%get3A_1519] {strides = array<i32>} : memref<16384xf32, #tpu.memory_space<vmem>>, vector<16xf32>,
        %mul3A_1521 = arith.constant 1024 : i32
        %mul3A_1522 = arith.muli %select_n3A_1329, %mul3A_1521 : i32
        %add3A_1523 = arith.addi %mul3A_1522, %select_n3A_1345 : i32
        %add3A_1524 = arith.constant 8320 : i32
        %add3A_1525 = arith.addi %add3A_1523, %add3A_1524 : i32
        %get3A_1526 = arith.index_cast %add3A_1525 : i32 to index
        %get3A_1527 = tpu.vector_load %arg11[%get3A_1526] {strides = array<i32>} : memref<16384xf32, #tpu.memory_space<vmem>>, vector<16xf32>,
        %mul3A_1528 = arith.constant 1024 : i32
        %mul3A_1529 = arith.muli %select_n3A_1329, %mul3A_1528 : i32
        %add3A_1530 = arith.addi %mul3A_1529, %select_n3A_1345 : i32
        %add3A_1531 = arith.constant 8448 : i32
        %add3A_1532 = arith.addi %add3A_1530, %add3A_1531 : i32
        %get3A_1533 = arith.index_cast %add3A_1532 : i32 to index
        %get3A_1534 = tpu.vector_load %arg11[%get3A_1533] {strides = array<i32>} : memref<16384xf32, #tpu.memory_space<vmem>>, vector<16xf32>,
        %mul3A_1535 = arith.constant 1024 : i32
        %mul3A_1536 = arith.muli %select_n3A_1329, %mul3A_1535 : i32
        %add3A_1537 = arith.addi %mul3A_1536, %select_n3A_1345 : i32
        %add3A_1538 = arith.constant 8576 : i32
        %add3A_1539 = arith.addi %add3A_1537, %add3A_1538 : i32
        %get3A_1540 = arith.index_cast %add3A_1539 : i32 to index
        %get3A_1541 = tpu.vector_load %arg11[%get3A_1540] {strides = array<i32>} : memref<16384xf32, #tpu.memory_space<vmem>>, vector<16xf32>,
        %mul3A_1542 = arith.constant 1024 : i32
        %mul3A_1543 = arith.muli %select_n3A_1329, %mul3A_1542 : i32
        %add3A_1544 = arith.addi %mul3A_1543, %select_n3A_1345 : i32
        %add3A_1545 = arith.constant 8704 : i32
        %add3A_1546 = arith.addi %add3A_1544, %add3A_1545 : i32
        %get3A_1547 = arith.index_cast %add3A_1546 : i32 to index
        %get3A_1548 = tpu.vector_load %arg11[%get3A_1547] {strides = array<i32>} : memref<16384xf32, #tpu.memory_space<vmem>>, vector<16xf32>,
        %mul3A_1549 = arith.constant 1024 : i32
        %mul3A_1550 = arith.muli %select_n3A_1329, %mul3A_1549 : i32
        %add3A_1551 = arith.addi %mul3A_1550, %select_n3A_1345 : i32
        %add3A_1552 = arith.constant 8832 : i32
        %add3A_1553 = arith.addi %add3A_1551, %add3A_1552 : i32
        %get3A_1554 = arith.index_cast %add3A_1553 : i32 to index
        %get3A_1555 = tpu.vector_load %arg11[%get3A_1554] {strides = array<i32>} : memref<16384xf32, #tpu.memory_space<vmem>>, vector<16xf32>,
        %mul3A_1556 = arith.constant 1024 : i32
        %mul3A_1557 = arith.muli %select_n3A_1329, %mul3A_1556 : i32
        %add3A_1558 = arith.addi %mul3A_1557, %select_n3A_1345 : i32
        %add3A_1559 = arith.constant 8960 : i32
        %add3A_1560 = arith.addi %add3A_1558, %add3A_1559 : i32
        %get3A_1561 = arith.index_cast %add3A_1560 : i32 to index
        %get3A_1562 = tpu.vector_load %arg11[%get3A_1561] {strides = array<i32>} : memref<16384xf32, #tpu.memory_space<vmem>>, vector<16xf32>,
        %mul3A_1563 = arith.constant 1024 : i32
        %mul3A_1564 = arith.muli %select_n3A_1329, %mul3A_1563 : i32
        %add3A_1565 = arith.addi %mul3A_1564, %select_n3A_1345 : i32
        %add3A_1566 = arith.constant 9088 : i32
        %add3A_1567 = arith.addi %add3A_1565, %add3A_1566 : i32
        %get3A_1568 = arith.index_cast %add3A_1567 : i32 to index
        %get3A_1569 = tpu.vector_load %arg11[%get3A_1568] {strides = array<i32>} : memref<16384xf32, #tpu.memory_space<vmem>>, vector<16xf32>,
        %exp3A_1570 = math.exp %get3A_1352 : vector<16xf32>
        %exp3A_1571 = math.exp %get3A_1359 : vector<16xf32>
        %exp3A_1572 = math.exp %get3A_1366 : vector<16xf32>
        %exp3A_1573 = math.exp %get3A_1373 : vector<16xf32>
        %exp3A_1574 = math.exp %get3A_1380 : vector<16xf32>
        %exp3A_1575 = math.exp %get3A_1387 : vector<16xf32>
        %exp3A_1576 = math.exp %get3A_1394 : vector<16xf32>
        %exp3A_1577 = math.exp %get3A_1401 : vector<16xf32>
        %exp3A_1578 = math.exp %get3A_1408 : vector<16xf32>
        %exp3A_1579 = math.exp %get3A_1415 : vector<16xf32>
        %exp3A_1580 = math.exp %get3A_1422 : vector<16xf32>
        %exp3A_1581 = math.exp %get3A_1429 : vector<16xf32>
        %exp3A_1582 = math.exp %get3A_1436 : vector<16xf32>
        %exp3A_1583 = math.exp %get3A_1443 : vector<16xf32>
        %exp3A_1584 = math.exp %get3A_1450 : vector<16xf32>
        %exp3A_1585 = math.exp %get3A_1457 : vector<16xf32>
        %exp3A_1586 = math.exp %get3A_1464 : vector<16xf32>
        %exp3A_1587 = math.exp %get3A_1471 : vector<16xf32>
        %exp3A_1588 = math.exp %get3A_1478 : vector<16xf32>
        %exp3A_1589 = math.exp %get3A_1485 : vector<16xf32>
        %exp3A_1590 = math.exp %get3A_1492 : vector<16xf32>
        %exp3A_1591 = math.exp %get3A_1499 : vector<16xf32>
        %exp3A_1592 = math.exp %get3A_1506 : vector<16xf32>
        %exp3A_1593 = math.exp %get3A_1513 : vector<16xf32>
        %exp3A_1594 = math.exp %get3A_1520 : vector<16xf32>
        %exp3A_1595 = math.exp %get3A_1527 : vector<16xf32>
        %exp3A_1596 = math.exp %get3A_1534 : vector<16xf32>
        %exp3A_1597 = math.exp %get3A_1541 : vector<16xf32>
        %exp3A_1598 = math.exp %get3A_1548 : vector<16xf32>
        %exp3A_1599 = math.exp %get3A_1555 : vector<16xf32>
        %exp3A_1600 = math.exp %get3A_1562 : vector<16xf32>
        %exp3A_1601 = math.exp %get3A_1569 : vector<16xf32>
        %add3A_1602 = arith.addf %exp3A_1570, %exp3A_1571 : vector<16xf32>
        %add3A_1603 = arith.addf %exp3A_1572, %exp3A_1573 : vector<16xf32>
        %add3A_1604 = arith.addf %exp3A_1574, %exp3A_1575 : vector<16xf32>
        %add3A_1605 = arith.addf %exp3A_1576, %exp3A_1577 : vector<16xf32>
        %add3A_1606 = arith.addf %exp3A_1578, %exp3A_1579 : vector<16xf32>
        %add3A_1607 = arith.addf %exp3A_1580, %exp3A_1581 : vector<16xf32>
        %add3A_1608 = arith.addf %exp3A_1582, %exp3A_1583 : vector<16xf32>
        %add3A_1609 = arith.addf %exp3A_1584, %exp3A_1585 : vector<16xf32>
        %add3A_1610 = arith.addf %add3A_1602, %add3A_1603 : vector<16xf32>
        %add3A_1611 = arith.addf %add3A_1604, %add3A_1605 : vector<16xf32>
        %add3A_1612 = arith.addf %add3A_1606, %add3A_1607 : vector<16xf32>
        %add3A_1613 = arith.addf %add3A_1608, %add3A_1609 : vector<16xf32>
        %add3A_1614 = arith.addf %add3A_1610, %add3A_1611 : vector<16xf32>
        %add3A_1615 = arith.addf %add3A_1612, %add3A_1613 : vector<16xf32>
        %add3A_1616 = arith.addf %add3A_1614, %add3A_1615 : vector<16xf32>
        %div3A_1617 = vector.broadcast %scan3A : f32 to vector<16xf32>
        %div3A_1618 = arith.divf %div3A_1617, %add3A_1616 : vector<16xf32>
        %add3A_1619 = arith.addf %exp3A_1586, %exp3A_1587 : vector<16xf32>
        %add3A_1620 = arith.addf %exp3A_1588, %exp3A_1589 : vector<16xf32>
        %add3A_1621 = arith.addf %exp3A_1590, %exp3A_1591 : vector<16xf32>
        %add3A_1622 = arith.addf %exp3A_1592, %exp3A_1593 : vector<16xf32>
        %add3A_1623 = arith.addf %exp3A_1594, %exp3A_1595 : vector<16xf32>
        %add3A_1624 = arith.addf %exp3A_1596, %exp3A_1597 : vector<16xf32>
        %add3A_1625 = arith.addf %exp3A_1598, %exp3A_1599 : vector<16xf32>
        %add3A_1626 = arith.addf %exp3A_1600, %exp3A_1601 : vector<16xf32>
        %add3A_1627 = arith.addf %add3A_1619, %add3A_1620 : vector<16xf32>
        %add3A_1628 = arith.addf %add3A_1621, %add3A_1622 : vector<16xf32>
        %add3A_1629 = arith.addf %add3A_1623, %add3A_1624 : vector<16xf32>
        %add3A_1630 = arith.addf %add3A_1625, %add3A_1626 : vector<16xf32>
        %add3A_1631 = arith.addf %add3A_1627, %add3A_1628 : vector<16xf32>
        %add3A_1632 = arith.addf %add3A_1629, %add3A_1630 : vector<16xf32>
        %add3A_1633 = arith.addf %add3A_1631, %add3A_1632 : vector<16xf32>
        %div3A_1634 = vector.broadcast %scan3A_62 : f32 to vector<16xf32>
        %div3A_1635 = arith.divf %div3A_1634, %add3A_1633 : vector<16xf32>
        %add3A_1636 = arith.addf %exp3A_1570, %exp3A_1571 : vector<16xf32>
        %add3A_1637 = arith.addf %exp3A_1586, %exp3A_1587 : vector<16xf32>
        %add3A_1638 = arith.addf %add3A_1636, %exp3A_1572 : vector<16xf32>
        %add3A_1639 = arith.addf %add3A_1637, %exp3A_1588 : vector<16xf32>
        %add3A_1640 = arith.addf %add3A_1638, %exp3A_1573 : vector<16xf32>
        %add3A_1641 = arith.addf %add3A_1639, %exp3A_1589 : vector<16xf32>
        %add3A_1642 = arith.addf %add3A_1640, %exp3A_1574 : vector<16xf32>
        %add3A_1643 = arith.addf %add3A_1641, %exp3A_1590 : vector<16xf32>
        %add3A_1644 = arith.addf %add3A_1642, %exp3A_1575 : vector<16xf32>
        %add3A_1645 = arith.addf %add3A_1643, %exp3A_1591 : vector<16xf32>
        %add3A_1646 = arith.addf %add3A_1644, %exp3A_1576 : vector<16xf32>
        %add3A_1647 = arith.addf %add3A_1645, %exp3A_1592 : vector<16xf32>
        %add3A_1648 = arith.addf %add3A_1646, %exp3A_1577 : vector<16xf32>
        %add3A_1649 = arith.addf %add3A_1647, %exp3A_1593 : vector<16xf32>
        %add3A_1650 = arith.addf %add3A_1648, %exp3A_1578 : vector<16xf32>
        %add3A_1651 = arith.addf %add3A_1649, %exp3A_1594 : vector<16xf32>
        %add3A_1652 = arith.addf %add3A_1650, %exp3A_1579 : vector<16xf32>
        %add3A_1653 = arith.addf %add3A_1651, %exp3A_1595 : vector<16xf32>
        %add3A_1654 = arith.addf %add3A_1652, %exp3A_1580 : vector<16xf32>
        %add3A_1655 = arith.addf %add3A_1653, %exp3A_1596 : vector<16xf32>
        %add3A_1656 = arith.addf %add3A_1654, %exp3A_1581 : vector<16xf32>
        %add3A_1657 = arith.addf %add3A_1655, %exp3A_1597 : vector<16xf32>
        %add3A_1658 = arith.addf %add3A_1656, %exp3A_1582 : vector<16xf32>
        %add3A_1659 = arith.addf %add3A_1657, %exp3A_1598 : vector<16xf32>
        %add3A_1660 = arith.addf %add3A_1658, %exp3A_1583 : vector<16xf32>
        %add3A_1661 = arith.addf %add3A_1659, %exp3A_1599 : vector<16xf32>
        %add3A_1662 = arith.addf %add3A_1660, %exp3A_1584 : vector<16xf32>
        %add3A_1663 = arith.addf %add3A_1661, %exp3A_1600 : vector<16xf32>
        %add3A_1664 = arith.addf %add3A_1662, %exp3A_1585 : vector<16xf32>
        %add3A_1665 = arith.addf %add3A_1663, %exp3A_1601 : vector<16xf32>
        %mul3A_1666 = arith.mulf %div3A_1618, %exp3A_1570 : vector<16xf32>
        %add3A_1667 = arith.constant 1.000000e-03 : f32
        %add3A_1668 = vector.broadcast %add3A_1667 : f32 to vector<16xf32>
        %add3A_1669 = arith.addf %mul3A_1666, %add3A_1668 : vector<16xf32>
        %mul3A_1670 = arith.mulf %div3A_1618, %add3A_1636 : vector<16xf32>
        %add3A_1671 = arith.constant 2.000000e-03 : f32
        %add3A_1672 = vector.broadcast %add3A_1671 : f32 to vector<16xf32>
        %add3A_1673 = arith.addf %mul3A_1670, %add3A_1672 : vector<16xf32>
        %mul3A_1674 = arith.mulf %div3A_1618, %add3A_1638 : vector<16xf32>
        %add3A_1675 = arith.constant 3.000000e-03 : f32
        %add3A_1676 = vector.broadcast %add3A_1675 : f32 to vector<16xf32>
        %add3A_1677 = arith.addf %mul3A_1674, %add3A_1676 : vector<16xf32>
        %mul3A_1678 = arith.mulf %div3A_1618, %add3A_1640 : vector<16xf32>
        %add3A_1679 = arith.constant 4.000000e-03 : f32
        %add3A_1680 = vector.broadcast %add3A_1679 : f32 to vector<16xf32>
        %add3A_1681 = arith.addf %mul3A_1678, %add3A_1680 : vector<16xf32>
        %mul3A_1682 = arith.mulf %div3A_1618, %add3A_1642 : vector<16xf32>
        %add3A_1683 = arith.constant 5.000000e-03 : f32
        %add3A_1684 = vector.broadcast %add3A_1683 : f32 to vector<16xf32>
        %add3A_1685 = arith.addf %mul3A_1682, %add3A_1684 : vector<16xf32>
        %mul3A_1686 = arith.mulf %div3A_1618, %add3A_1644 : vector<16xf32>
        %add3A_1687 = arith.constant 6.000000e-03 : f32
        %add3A_1688 = vector.broadcast %add3A_1687 : f32 to vector<16xf32>
        %add3A_1689 = arith.addf %mul3A_1686, %add3A_1688 : vector<16xf32>
        %mul3A_1690 = arith.mulf %div3A_1618, %add3A_1646 : vector<16xf32>
        %add3A_1691 = arith.constant 7.000000e-03 : f32
        %add3A_1692 = vector.broadcast %add3A_1691 : f32 to vector<16xf32>
        %add3A_1693 = arith.addf %mul3A_1690, %add3A_1692 : vector<16xf32>
        %mul3A_1694 = arith.mulf %div3A_1618, %add3A_1648 : vector<16xf32>
        %add3A_1695 = arith.constant 8.000000e-03 : f32
        %add3A_1696 = vector.broadcast %add3A_1695 : f32 to vector<16xf32>
        %add3A_1697 = arith.addf %mul3A_1694, %add3A_1696 : vector<16xf32>
        %mul3A_1698 = arith.mulf %div3A_1618, %add3A_1650 : vector<16xf32>
        %add3A_1699 = arith.constant 0.00899999961 : f32
        %add3A_1700 = vector.broadcast %add3A_1699 : f32 to vector<16xf32>
        %add3A_1701 = arith.addf %mul3A_1698, %add3A_1700 : vector<16xf32>
        %mul3A_1702 = arith.mulf %div3A_1618, %add3A_1652 : vector<16xf32>
        %add3A_1703 = arith.constant 0.00999999977 : f32
        %add3A_1704 = vector.broadcast %add3A_1703 : f32 to vector<16xf32>
        %add3A_1705 = arith.addf %mul3A_1702, %add3A_1704 : vector<16xf32>
        %mul3A_1706 = arith.mulf %div3A_1618, %add3A_1654 : vector<16xf32>
        %add3A_1707 = arith.constant 1.100000e-02 : f32
        %add3A_1708 = vector.broadcast %add3A_1707 : f32 to vector<16xf32>
        %add3A_1709 = arith.addf %mul3A_1706, %add3A_1708 : vector<16xf32>
        %mul3A_1710 = arith.mulf %div3A_1618, %add3A_1656 : vector<16xf32>
        %add3A_1711 = arith.constant 1.200000e-02 : f32
        %add3A_1712 = vector.broadcast %add3A_1711 : f32 to vector<16xf32>
        %add3A_1713 = arith.addf %mul3A_1710, %add3A_1712 : vector<16xf32>
        %mul3A_1714 = arith.mulf %div3A_1618, %add3A_1658 : vector<16xf32>
        %add3A_1715 = arith.constant 1.300000e-02 : f32
        %add3A_1716 = vector.broadcast %add3A_1715 : f32 to vector<16xf32>
        %add3A_1717 = arith.addf %mul3A_1714, %add3A_1716 : vector<16xf32>
        %mul3A_1718 = arith.mulf %div3A_1618, %add3A_1660 : vector<16xf32>
        %add3A_1719 = arith.constant 1.400000e-02 : f32
        %add3A_1720 = vector.broadcast %add3A_1719 : f32 to vector<16xf32>
        %add3A_1721 = arith.addf %mul3A_1718, %add3A_1720 : vector<16xf32>
        %mul3A_1722 = arith.mulf %div3A_1618, %add3A_1662 : vector<16xf32>
        %add3A_1723 = arith.constant 1.500000e-02 : f32
        %add3A_1724 = vector.broadcast %add3A_1723 : f32 to vector<16xf32>
        %add3A_1725 = arith.addf %mul3A_1722, %add3A_1724 : vector<16xf32>
        %mul3A_1726 = arith.mulf %div3A_1618, %add3A_1664 : vector<16xf32>
        %add3A_1727 = arith.constant 1.600000e-02 : f32
        %add3A_1728 = vector.broadcast %add3A_1727 : f32 to vector<16xf32>
        %add3A_1729 = arith.addf %mul3A_1726, %add3A_1728 : vector<16xf32>
        %mul3A_1730 = arith.mulf %div3A_1635, %exp3A_1586 : vector<16xf32>
        %add3A_1731 = arith.constant 1.000000e-03 : f32
        %add3A_1732 = vector.broadcast %add3A_1731 : f32 to vector<16xf32>
        %add3A_1733 = arith.addf %mul3A_1730, %add3A_1732 : vector<16xf32>
        %mul3A_1734 = arith.mulf %div3A_1635, %add3A_1637 : vector<16xf32>
        %add3A_1735 = arith.constant 2.000000e-03 : f32
        %add3A_1736 = vector.broadcast %add3A_1735 : f32 to vector<16xf32>
        %add3A_1737 = arith.addf %mul3A_1734, %add3A_1736 : vector<16xf32>
        %mul3A_1738 = arith.mulf %div3A_1635, %add3A_1639 : vector<16xf32>
        %add3A_1739 = arith.constant 3.000000e-03 : f32
        %add3A_1740 = vector.broadcast %add3A_1739 : f32 to vector<16xf32>
        %add3A_1741 = arith.addf %mul3A_1738, %add3A_1740 : vector<16xf32>
        %mul3A_1742 = arith.mulf %div3A_1635, %add3A_1641 : vector<16xf32>
        %add3A_1743 = arith.constant 4.000000e-03 : f32
        %add3A_1744 = vector.broadcast %add3A_1743 : f32 to vector<16xf32>
        %add3A_1745 = arith.addf %mul3A_1742, %add3A_1744 : vector<16xf32>
        %mul3A_1746 = arith.mulf %div3A_1635, %add3A_1643 : vector<16xf32>
        %add3A_1747 = arith.constant 5.000000e-03 : f32
        %add3A_1748 = vector.broadcast %add3A_1747 : f32 to vector<16xf32>
        %add3A_1749 = arith.addf %mul3A_1746, %add3A_1748 : vector<16xf32>
        %mul3A_1750 = arith.mulf %div3A_1635, %add3A_1645 : vector<16xf32>
        %add3A_1751 = arith.constant 6.000000e-03 : f32
        %add3A_1752 = vector.broadcast %add3A_1751 : f32 to vector<16xf32>
        %add3A_1753 = arith.addf %mul3A_1750, %add3A_1752 : vector<16xf32>
        %mul3A_1754 = arith.mulf %div3A_1635, %add3A_1647 : vector<16xf32>
        %add3A_1755 = arith.constant 7.000000e-03 : f32
        %add3A_1756 = vector.broadcast %add3A_1755 : f32 to vector<16xf32>
        %add3A_1757 = arith.addf %mul3A_1754, %add3A_1756 : vector<16xf32>
        %mul3A_1758 = arith.mulf %div3A_1635, %add3A_1649 : vector<16xf32>
        %add3A_1759 = arith.constant 8.000000e-03 : f32
        %add3A_1760 = vector.broadcast %add3A_1759 : f32 to vector<16xf32>
        %add3A_1761 = arith.addf %mul3A_1758, %add3A_1760 : vector<16xf32>
        %mul3A_1762 = arith.mulf %div3A_1635, %add3A_1651 : vector<16xf32>
        %add3A_1763 = arith.constant 0.00899999961 : f32
        %add3A_1764 = vector.broadcast %add3A_1763 : f32 to vector<16xf32>
        %add3A_1765 = arith.addf %mul3A_1762, %add3A_1764 : vector<16xf32>
        %mul3A_1766 = arith.mulf %div3A_1635, %add3A_1653 : vector<16xf32>
        %add3A_1767 = arith.constant 0.00999999977 : f32
        %add3A_1768 = vector.broadcast %add3A_1767 : f32 to vector<16xf32>
        %add3A_1769 = arith.addf %mul3A_1766, %add3A_1768 : vector<16xf32>
        %mul3A_1770 = arith.mulf %div3A_1635, %add3A_1655 : vector<16xf32>
        %add3A_1771 = arith.constant 1.100000e-02 : f32
        %add3A_1772 = vector.broadcast %add3A_1771 : f32 to vector<16xf32>
        %add3A_1773 = arith.addf %mul3A_1770, %add3A_1772 : vector<16xf32>
        %mul3A_1774 = arith.mulf %div3A_1635, %add3A_1657 : vector<16xf32>
        %add3A_1775 = arith.constant 1.200000e-02 : f32
        %add3A_1776 = vector.broadcast %add3A_1775 : f32 to vector<16xf32>
        %add3A_1777 = arith.addf %mul3A_1774, %add3A_1776 : vector<16xf32>
        %mul3A_1778 = arith.mulf %div3A_1635, %add3A_1659 : vector<16xf32>
        %add3A_1779 = arith.constant 1.300000e-02 : f32
        %add3A_1780 = vector.broadcast %add3A_1779 : f32 to vector<16xf32>
        %add3A_1781 = arith.addf %mul3A_1778, %add3A_1780 : vector<16xf32>
        %mul3A_1782 = arith.mulf %div3A_1635, %add3A_1661 : vector<16xf32>
        %add3A_1783 = arith.constant 1.400000e-02 : f32
        %add3A_1784 = vector.broadcast %add3A_1783 : f32 to vector<16xf32>
        %add3A_1785 = arith.addf %mul3A_1782, %add3A_1784 : vector<16xf32>
        %mul3A_1786 = arith.mulf %div3A_1635, %add3A_1663 : vector<16xf32>
        %add3A_1787 = arith.constant 1.500000e-02 : f32
        %add3A_1788 = vector.broadcast %add3A_1787 : f32 to vector<16xf32>
        %add3A_1789 = arith.addf %mul3A_1786, %add3A_1788 : vector<16xf32>
        %mul3A_1790 = arith.mulf %div3A_1635, %add3A_1665 : vector<16xf32>
        %add3A_1791 = arith.constant 1.600000e-02 : f32
        %add3A_1792 = vector.broadcast %add3A_1791 : f32 to vector<16xf32>
        %add3A_1793 = arith.addf %mul3A_1790, %add3A_1792 : vector<16xf32>
        %broadcast_in_dim3A_1794 = arith.constant 0.000000e+00 : f32
        %broadcast_in_dim3A_1795 = vector.broadcast %broadcast_in_dim3A_1794 : f32 to vector<16xf32>
        %swap3A_1796 = arith.constant 0 : index
        %swap3A_1797 = tpu.vector_load %arg31[%swap3A_1796] {strides = array<i32>} : memref<256xf32, #tpu.memory_space<vmem>>, vector<16xf32>,
        tpu.vector_store %arg31[%swap3A_1796], %exp3A_1570 {strides = array<i32>} : memref<256xf32, #tpu.memory_space<vmem>>, vector<16xf32>,
        %swap3A_1798 = arith.constant 0 : index
        %swap3A_1799 = tpu.vector_load %arg32[%swap3A_1798] {strides = array<i32>} : memref<256xf32, #tpu.memory_space<vmem>>, vector<16xf32>,
        tpu.vector_store %arg32[%swap3A_1798], %exp3A_1586 {strides = array<i32>} : memref<256xf32, #tpu.memory_space<vmem>>, vector<16xf32>,
        %swap3A_1800 = arith.constant 0 : index
        %swap3A_1801 = tpu.vector_load %arg33[%swap3A_1800] {strides = array<i32>} : memref<256xf32, #tpu.memory_space<vmem>>, vector<16xf32>,
        tpu.vector_store %arg33[%swap3A_1800], %broadcast_in_dim3A_1795 {strides = array<i32>} : memref<256xf32, #tpu.memory_space<vmem>>, vector<16xf32>,
        %swap3A_1802 = arith.constant 0 : index
        %swap3A_1803 = tpu.vector_load %arg34[%swap3A_1802] {strides = array<i32>} : memref<256xf32, #tpu.memory_space<vmem>>, vector<16xf32>,
        tpu.vector_store %arg34[%swap3A_1802], %broadcast_in_dim3A_1795 {strides = array<i32>} : memref<256xf32, #tpu.memory_space<vmem>>, vector<16xf32>,
        %swap3A_1804 = arith.constant 16 : index
        %swap3A_1805 = tpu.vector_load %arg31[%swap3A_1804] {strides = array<i32>} : memref<256xf32, #tpu.memory_space<vmem>>, vector<16xf32>,
        tpu.vector_store %arg31[%swap3A_1804], %exp3A_1571 {strides = array<i32>} : memref<256xf32, #tpu.memory_space<vmem>>, vector<16xf32>,
        %swap3A_1806 = arith.constant 16 : index
        %swap3A_1807 = tpu.vector_load %arg32[%swap3A_1806] {strides = array<i32>} : memref<256xf32, #tpu.memory_space<vmem>>, vector<16xf32>,
        tpu.vector_store %arg32[%swap3A_1806], %exp3A_1587 {strides = array<i32>} : memref<256xf32, #tpu.memory_space<vmem>>, vector<16xf32>,
        %swap3A_1808 = arith.constant 16 : index
        %swap3A_1809 = tpu.vector_load %arg33[%swap3A_1808] {strides = array<i32>} : memref<256xf32, #tpu.memory_space<vmem>>, vector<16xf32>,
        tpu.vector_store %arg33[%swap3A_1808], %add3A_1669 {strides = array<i32>} : memref<256xf32, #tpu.memory_space<vmem>>, vector<16xf32>,
        %swap3A_1810 = arith.constant 16 : index
        %swap3A_1811 = tpu.vector_load %arg34[%swap3A_1810] {strides = array<i32>} : memref<256xf32, #tpu.memory_space<vmem>>, vector<16xf32>,
        tpu.vector_store %arg34[%swap3A_1810], %add3A_1733 {strides = array<i32>} : memref<256xf32, #tpu.memory_space<vmem>>, vector<16xf32>,
        %swap3A_1812 = arith.constant 32 : index
        %swap3A_1813 = tpu.vector_load %arg31[%swap3A_1812] {strides = array<i32>} : memref<256xf32, #tpu.memory_space<vmem>>, vector<16xf32>,
        tpu.vector_store %arg31[%swap3A_1812], %exp3A_1572 {strides = array<i32>} : memref<256xf32, #tpu.memory_space<vmem>>, vector<16xf32>,
        %swap3A_1814 = arith.constant 32 : index
        %swap3A_1815 = tpu.vector_load %arg32[%swap3A_1814] {strides = array<i32>} : memref<256xf32, #tpu.memory_space<vmem>>, vector<16xf32>,
        tpu.vector_store %arg32[%swap3A_1814], %exp3A_1588 {strides = array<i32>} : memref<256xf32, #tpu.memory_space<vmem>>, vector<16xf32>,
        %swap3A_1816 = arith.constant 32 : index
        %swap3A_1817 = tpu.vector_load %arg33[%swap3A_1816] {strides = array<i32>} : memref<256xf32, #tpu.memory_space<vmem>>, vector<16xf32>,
        tpu.vector_store %arg33[%swap3A_1816], %add3A_1673 {strides = array<i32>} : memref<256xf32, #tpu.memory_space<vmem>>, vector<16xf32>,
        %swap3A_1818 = arith.constant 32 : index
        %swap3A_1819 = tpu.vector_load %arg34[%swap3A_1818] {strides = array<i32>} : memref<256xf32, #tpu.memory_space<vmem>>, vector<16xf32>,
        tpu.vector_store %arg34[%swap3A_1818], %add3A_1737 {strides = array<i32>} : memref<256xf32, #tpu.memory_space<vmem>>, vector<16xf32>,
        %swap3A_1820 = arith.constant 48 : index
        %swap3A_1821 = tpu.vector_load %arg31[%swap3A_1820] {strides = array<i32>} : memref<256xf32, #tpu.memory_space<vmem>>, vector<16xf32>,
        tpu.vector_store %arg31[%swap3A_1820], %exp3A_1573 {strides = array<i32>} : memref<256xf32, #tpu.memory_space<vmem>>, vector<16xf32>,
        %swap3A_1822 = arith.constant 48 : index
        %swap3A_1823 = tpu.vector_load %arg32[%swap3A_1822] {strides = array<i32>} : memref<256xf32, #tpu.memory_space<vmem>>, vector<16xf32>,
        tpu.vector_store %arg32[%swap3A_1822], %exp3A_1589 {strides = array<i32>} : memref<256xf32, #tpu.memory_space<vmem>>, vector<16xf32>,
        %swap3A_1824 = arith.constant 48 : index
        %swap3A_1825 = tpu.vector_load %arg33[%swap3A_1824] {strides = array<i32>} : memref<256xf32, #tpu.memory_space<vmem>>, vector<16xf32>,
        tpu.vector_store %arg33[%swap3A_1824], %add3A_1677 {strides = array<i32>} : memref<256xf32, #tpu.memory_space<vmem>>, vector<16xf32>,
        %swap3A_1826 = arith.constant 48 : index
        %swap3A_1827 = tpu.vector_load %arg34[%swap3A_1826] {strides = array<i32>} : memref<256xf32, #tpu.memory_space<vmem>>, vector<16xf32>,
        tpu.vector_store %arg34[%swap3A_1826], %add3A_1741 {strides = array<i32>} : memref<256xf32, #tpu.memory_space<vmem>>, vector<16xf32>,
        %swap3A_1828 = arith.constant 64 : index
        %swap3A_1829 = tpu.vector_load %arg31[%swap3A_1828] {strides = array<i32>} : memref<256xf32, #tpu.memory_space<vmem>>, vector<16xf32>,
        tpu.vector_store %arg31[%swap3A_1828], %exp3A_1574 {strides = array<i32>} : memref<256xf32, #tpu.memory_space<vmem>>, vector<16xf32>,
        %swap3A_1830 = arith.constant 64 : index
        %swap3A_1831 = tpu.vector_load %arg32[%swap3A_1830] {strides = array<i32>} : memref<256xf32, #tpu.memory_space<vmem>>, vector<16xf32>,
        tpu.vector_store %arg32[%swap3A_1830], %exp3A_1590 {strides = array<i32>} : memref<256xf32, #tpu.memory_space<vmem>>, vector<16xf32>,
        %swap3A_1832 = arith.constant 64 : index
        %swap3A_1833 = tpu.vector_load %arg33[%swap3A_1832] {strides = array<i32>} : memref<256xf32, #tpu.memory_space<vmem>>, vector<16xf32>,
        tpu.vector_store %arg33[%swap3A_1832], %add3A_1681 {strides = array<i32>} : memref<256xf32, #tpu.memory_space<vmem>>, vector<16xf32>,
        %swap3A_1834 = arith.constant 64 : index
        %swap3A_1835 = tpu.vector_load %arg34[%swap3A_1834] {strides = array<i32>} : memref<256xf32, #tpu.memory_space<vmem>>, vector<16xf32>,
        tpu.vector_store %arg34[%swap3A_1834], %add3A_1745 {strides = array<i32>} : memref<256xf32, #tpu.memory_space<vmem>>, vector<16xf32>,
        %swap3A_1836 = arith.constant 80 : index
        %swap3A_1837 = tpu.vector_load %arg31[%swap3A_1836] {strides = array<i32>} : memref<256xf32, #tpu.memory_space<vmem>>, vector<16xf32>,
        tpu.vector_store %arg31[%swap3A_1836], %exp3A_1575 {strides = array<i32>} : memref<256xf32, #tpu.memory_space<vmem>>, vector<16xf32>,
        %swap3A_1838 = arith.constant 80 : index
        %swap3A_1839 = tpu.vector_load %arg32[%swap3A_1838] {strides = array<i32>} : memref<256xf32, #tpu.memory_space<vmem>>, vector<16xf32>,
        tpu.vector_store %arg32[%swap3A_1838], %exp3A_1591 {strides = array<i32>} : memref<256xf32, #tpu.memory_space<vmem>>, vector<16xf32>,
        %swap3A_1840 = arith.constant 80 : index
        %swap3A_1841 = tpu.vector_load %arg33[%swap3A_1840] {strides = array<i32>} : memref<256xf32, #tpu.memory_space<vmem>>, vector<16xf32>,
        tpu.vector_store %arg33[%swap3A_1840], %add3A_1685 {strides = array<i32>} : memref<256xf32, #tpu.memory_space<vmem>>, vector<16xf32>,
        %swap3A_1842 = arith.constant 80 : index
        %swap3A_1843 = tpu.vector_load %arg34[%swap3A_1842] {strides = array<i32>} : memref<256xf32, #tpu.memory_space<vmem>>, vector<16xf32>,
        tpu.vector_store %arg34[%swap3A_1842], %add3A_1749 {strides = array<i32>} : memref<256xf32, #tpu.memory_space<vmem>>, vector<16xf32>,
        %swap3A_1844 = arith.constant 96 : index
        %swap3A_1845 = tpu.vector_load %arg31[%swap3A_1844] {strides = array<i32>} : memref<256xf32, #tpu.memory_space<vmem>>, vector<16xf32>,
        tpu.vector_store %arg31[%swap3A_1844], %exp3A_1576 {strides = array<i32>} : memref<256xf32, #tpu.memory_space<vmem>>, vector<16xf32>,
        %swap3A_1846 = arith.constant 96 : index
        %swap3A_1847 = tpu.vector_load %arg32[%swap3A_1846] {strides = array<i32>} : memref<256xf32, #tpu.memory_space<vmem>>, vector<16xf32>,
        tpu.vector_store %arg32[%swap3A_1846], %exp3A_1592 {strides = array<i32>} : memref<256xf32, #tpu.memory_space<vmem>>, vector<16xf32>,
        %swap3A_1848 = arith.constant 96 : index
        %swap3A_1849 = tpu.vector_load %arg33[%swap3A_1848] {strides = array<i32>} : memref<256xf32, #tpu.memory_space<vmem>>, vector<16xf32>,
        tpu.vector_store %arg33[%swap3A_1848], %add3A_1689 {strides = array<i32>} : memref<256xf32, #tpu.memory_space<vmem>>, vector<16xf32>,
        %swap3A_1850 = arith.constant 96 : index
        %swap3A_1851 = tpu.vector_load %arg34[%swap3A_1850] {strides = array<i32>} : memref<256xf32, #tpu.memory_space<vmem>>, vector<16xf32>,
        tpu.vector_store %arg34[%swap3A_1850], %add3A_1753 {strides = array<i32>} : memref<256xf32, #tpu.memory_space<vmem>>, vector<16xf32>,
        %swap3A_1852 = arith.constant 112 : index
        %swap3A_1853 = tpu.vector_load %arg31[%swap3A_1852] {strides = array<i32>} : memref<256xf32, #tpu.memory_space<vmem>>, vector<16xf32>,
        tpu.vector_store %arg31[%swap3A_1852], %exp3A_1577 {strides = array<i32>} : memref<256xf32, #tpu.memory_space<vmem>>, vector<16xf32>,
        %swap3A_1854 = arith.constant 112 : index
        %swap3A_1855 = tpu.vector_load %arg32[%swap3A_1854] {strides = array<i32>} : memref<256xf32, #tpu.memory_space<vmem>>, vector<16xf32>,
        tpu.vector_store %arg32[%swap3A_1854], %exp3A_1593 {strides = array<i32>} : memref<256xf32, #tpu.memory_space<vmem>>, vector<16xf32>,
        %swap3A_1856 = arith.constant 112 : index
        %swap3A_1857 = tpu.vector_load %arg33[%swap3A_1856] {strides = array<i32>} : memref<256xf32, #tpu.memory_space<vmem>>, vector<16xf32>,
        tpu.vector_store %arg33[%swap3A_1856], %add3A_1693 {strides = array<i32>} : memref<256xf32, #tpu.memory_space<vmem>>, vector<16xf32>,
        %swap3A_1858 = arith.constant 112 : index
        %swap3A_1859 = tpu.vector_load %arg34[%swap3A_1858] {strides = array<i32>} : memref<256xf32, #tpu.memory_space<vmem>>, vector<16xf32>,
        tpu.vector_store %arg34[%swap3A_1858], %add3A_1757 {strides = array<i32>} : memref<256xf32, #tpu.memory_space<vmem>>, vector<16xf32>,
        %swap3A_1860 = arith.constant 128 : index
        %swap3A_1861 = tpu.vector_load %arg31[%swap3A_1860] {strides = array<i32>} : memref<256xf32, #tpu.memory_space<vmem>>, vector<16xf32>,
        tpu.vector_store %arg31[%swap3A_1860], %exp3A_1578 {strides = array<i32>} : memref<256xf32, #tpu.memory_space<vmem>>, vector<16xf32>,
        %swap3A_1862 = arith.constant 128 : index
        %swap3A_1863 = tpu.vector_load %arg32[%swap3A_1862] {strides = array<i32>} : memref<256xf32, #tpu.memory_space<vmem>>, vector<16xf32>,
        tpu.vector_store %arg32[%swap3A_1862], %exp3A_1594 {strides = array<i32>} : memref<256xf32, #tpu.memory_space<vmem>>, vector<16xf32>,
        %swap3A_1864 = arith.constant 128 : index
        %swap3A_1865 = tpu.vector_load %arg33[%swap3A_1864] {strides = array<i32>} : memref<256xf32, #tpu.memory_space<vmem>>, vector<16xf32>,
        tpu.vector_store %arg33[%swap3A_1864], %add3A_1697 {strides = array<i32>} : memref<256xf32, #tpu.memory_space<vmem>>, vector<16xf32>,
        %swap3A_1866 = arith.constant 128 : index
        %swap3A_1867 = tpu.vector_load %arg34[%swap3A_1866] {strides = array<i32>} : memref<256xf32, #tpu.memory_space<vmem>>, vector<16xf32>,
        tpu.vector_store %arg34[%swap3A_1866], %add3A_1761 {strides = array<i32>} : memref<256xf32, #tpu.memory_space<vmem>>, vector<16xf32>,
        %swap3A_1868 = arith.constant 144 : index
        %swap3A_1869 = tpu.vector_load %arg31[%swap3A_1868] {strides = array<i32>} : memref<256xf32, #tpu.memory_space<vmem>>, vector<16xf32>,
        tpu.vector_store %arg31[%swap3A_1868], %exp3A_1579 {strides = array<i32>} : memref<256xf32, #tpu.memory_space<vmem>>, vector<16xf32>,
        %swap3A_1870 = arith.constant 144 : index
        %swap3A_1871 = tpu.vector_load %arg32[%swap3A_1870] {strides = array<i32>} : memref<256xf32, #tpu.memory_space<vmem>>, vector<16xf32>,
        tpu.vector_store %arg32[%swap3A_1870], %exp3A_1595 {strides = array<i32>} : memref<256xf32, #tpu.memory_space<vmem>>, vector<16xf32>,
        %swap3A_1872 = arith.constant 144 : index
        %swap3A_1873 = tpu.vector_load %arg33[%swap3A_1872] {strides = array<i32>} : memref<256xf32, #tpu.memory_space<vmem>>, vector<16xf32>,
        tpu.vector_store %arg33[%swap3A_1872], %add3A_1701 {strides = array<i32>} : memref<256xf32, #tpu.memory_space<vmem>>, vector<16xf32>,
        %swap3A_1874 = arith.constant 144 : index
        %swap3A_1875 = tpu.vector_load %arg34[%swap3A_1874] {strides = array<i32>} : memref<256xf32, #tpu.memory_space<vmem>>, vector<16xf32>,
        tpu.vector_store %arg34[%swap3A_1874], %add3A_1765 {strides = array<i32>} : memref<256xf32, #tpu.memory_space<vmem>>, vector<16xf32>,
        %swap3A_1876 = arith.constant 160 : index
        %swap3A_1877 = tpu.vector_load %arg31[%swap3A_1876] {strides = array<i32>} : memref<256xf32, #tpu.memory_space<vmem>>, vector<16xf32>,
        tpu.vector_store %arg31[%swap3A_1876], %exp3A_1580 {strides = array<i32>} : memref<256xf32, #tpu.memory_space<vmem>>, vector<16xf32>,
        %swap3A_1878 = arith.constant 160 : index
        %swap3A_1879 = tpu.vector_load %arg32[%swap3A_1878] {strides = array<i32>} : memref<256xf32, #tpu.memory_space<vmem>>, vector<16xf32>,
        tpu.vector_store %arg32[%swap3A_1878], %exp3A_1596 {strides = array<i32>} : memref<256xf32, #tpu.memory_space<vmem>>, vector<16xf32>,
        %swap3A_1880 = arith.constant 160 : index
        %swap3A_1881 = tpu.vector_load %arg33[%swap3A_1880] {strides = array<i32>} : memref<256xf32, #tpu.memory_space<vmem>>, vector<16xf32>,
        tpu.vector_store %arg33[%swap3A_1880], %add3A_1705 {strides = array<i32>} : memref<256xf32, #tpu.memory_space<vmem>>, vector<16xf32>,
        %swap3A_1882 = arith.constant 160 : index
        %swap3A_1883 = tpu.vector_load %arg34[%swap3A_1882] {strides = array<i32>} : memref<256xf32, #tpu.memory_space<vmem>>, vector<16xf32>,
        tpu.vector_store %arg34[%swap3A_1882], %add3A_1769 {strides = array<i32>} : memref<256xf32, #tpu.memory_space<vmem>>, vector<16xf32>,
        %swap3A_1884 = arith.constant 176 : index
        %swap3A_1885 = tpu.vector_load %arg31[%swap3A_1884] {strides = array<i32>} : memref<256xf32, #tpu.memory_space<vmem>>, vector<16xf32>,
        tpu.vector_store %arg31[%swap3A_1884], %exp3A_1581 {strides = array<i32>} : memref<256xf32, #tpu.memory_space<vmem>>, vector<16xf32>,
        %swap3A_1886 = arith.constant 176 : index
        %swap3A_1887 = tpu.vector_load %arg32[%swap3A_1886] {strides = array<i32>} : memref<256xf32, #tpu.memory_space<vmem>>, vector<16xf32>,
        tpu.vector_store %arg32[%swap3A_1886], %exp3A_1597 {strides = array<i32>} : memref<256xf32, #tpu.memory_space<vmem>>, vector<16xf32>,
        %swap3A_1888 = arith.constant 176 : index
        %swap3A_1889 = tpu.vector_load %arg33[%swap3A_1888] {strides = array<i32>} : memref<256xf32, #tpu.memory_space<vmem>>, vector<16xf32>,
        tpu.vector_store %arg33[%swap3A_1888], %add3A_1709 {strides = array<i32>} : memref<256xf32, #tpu.memory_space<vmem>>, vector<16xf32>,
        %swap3A_1890 = arith.constant 176 : index
        %swap3A_1891 = tpu.vector_load %arg34[%swap3A_1890] {strides = array<i32>} : memref<256xf32, #tpu.memory_space<vmem>>, vector<16xf32>,
        tpu.vector_store %arg34[%swap3A_1890], %add3A_1773 {strides = array<i32>} : memref<256xf32, #tpu.memory_space<vmem>>, vector<16xf32>,
        %swap3A_1892 = arith.constant 192 : index
        %swap3A_1893 = tpu.vector_load %arg31[%swap3A_1892] {strides = array<i32>} : memref<256xf32, #tpu.memory_space<vmem>>, vector<16xf32>,
        tpu.vector_store %arg31[%swap3A_1892], %exp3A_1582 {strides = array<i32>} : memref<256xf32, #tpu.memory_space<vmem>>, vector<16xf32>,
        %swap3A_1894 = arith.constant 192 : index
        %swap3A_1895 = tpu.vector_load %arg32[%swap3A_1894] {strides = array<i32>} : memref<256xf32, #tpu.memory_space<vmem>>, vector<16xf32>,
        tpu.vector_store %arg32[%swap3A_1894], %exp3A_1598 {strides = array<i32>} : memref<256xf32, #tpu.memory_space<vmem>>, vector<16xf32>,
        %swap3A_1896 = arith.constant 192 : index
        %swap3A_1897 = tpu.vector_load %arg33[%swap3A_1896] {strides = array<i32>} : memref<256xf32, #tpu.memory_space<vmem>>, vector<16xf32>,
        tpu.vector_store %arg33[%swap3A_1896], %add3A_1713 {strides = array<i32>} : memref<256xf32, #tpu.memory_space<vmem>>, vector<16xf32>,
        %swap3A_1898 = arith.constant 192 : index
        %swap3A_1899 = tpu.vector_load %arg34[%swap3A_1898] {strides = array<i32>} : memref<256xf32, #tpu.memory_space<vmem>>, vector<16xf32>,
        tpu.vector_store %arg34[%swap3A_1898], %add3A_1777 {strides = array<i32>} : memref<256xf32, #tpu.memory_space<vmem>>, vector<16xf32>,
        %swap3A_1900 = arith.constant 208 : index
        %swap3A_1901 = tpu.vector_load %arg31[%swap3A_1900] {strides = array<i32>} : memref<256xf32, #tpu.memory_space<vmem>>, vector<16xf32>,
        tpu.vector_store %arg31[%swap3A_1900], %exp3A_1583 {strides = array<i32>} : memref<256xf32, #tpu.memory_space<vmem>>, vector<16xf32>,
        %swap3A_1902 = arith.constant 208 : index
        %swap3A_1903 = tpu.vector_load %arg32[%swap3A_1902] {strides = array<i32>} : memref<256xf32, #tpu.memory_space<vmem>>, vector<16xf32>,
        tpu.vector_store %arg32[%swap3A_1902], %exp3A_1599 {strides = array<i32>} : memref<256xf32, #tpu.memory_space<vmem>>, vector<16xf32>,
        %swap3A_1904 = arith.constant 208 : index
        %swap3A_1905 = tpu.vector_load %arg33[%swap3A_1904] {strides = array<i32>} : memref<256xf32, #tpu.memory_space<vmem>>, vector<16xf32>,
        tpu.vector_store %arg33[%swap3A_1904], %add3A_1717 {strides = array<i32>} : memref<256xf32, #tpu.memory_space<vmem>>, vector<16xf32>,
        %swap3A_1906 = arith.constant 208 : index
        %swap3A_1907 = tpu.vector_load %arg34[%swap3A_1906] {strides = array<i32>} : memref<256xf32, #tpu.memory_space<vmem>>, vector<16xf32>,
        tpu.vector_store %arg34[%swap3A_1906], %add3A_1781 {strides = array<i32>} : memref<256xf32, #tpu.memory_space<vmem>>, vector<16xf32>,
        %swap3A_1908 = arith.constant 224 : index
        %swap3A_1909 = tpu.vector_load %arg31[%swap3A_1908] {strides = array<i32>} : memref<256xf32, #tpu.memory_space<vmem>>, vector<16xf32>,
        tpu.vector_store %arg31[%swap3A_1908], %exp3A_1584 {strides = array<i32>} : memref<256xf32, #tpu.memory_space<vmem>>, vector<16xf32>,
        %swap3A_1910 = arith.constant 224 : index
        %swap3A_1911 = tpu.vector_load %arg32[%swap3A_1910] {strides = array<i32>} : memref<256xf32, #tpu.memory_space<vmem>>, vector<16xf32>,
        tpu.vector_store %arg32[%swap3A_1910], %exp3A_1600 {strides = array<i32>} : memref<256xf32, #tpu.memory_space<vmem>>, vector<16xf32>,
        %swap3A_1912 = arith.constant 224 : index
        %swap3A_1913 = tpu.vector_load %arg33[%swap3A_1912] {strides = array<i32>} : memref<256xf32, #tpu.memory_space<vmem>>, vector<16xf32>,
        tpu.vector_store %arg33[%swap3A_1912], %add3A_1721 {strides = array<i32>} : memref<256xf32, #tpu.memory_space<vmem>>, vector<16xf32>,
        %swap3A_1914 = arith.constant 224 : index
        %swap3A_1915 = tpu.vector_load %arg34[%swap3A_1914] {strides = array<i32>} : memref<256xf32, #tpu.memory_space<vmem>>, vector<16xf32>,
        tpu.vector_store %arg34[%swap3A_1914], %add3A_1785 {strides = array<i32>} : memref<256xf32, #tpu.memory_space<vmem>>, vector<16xf32>,
        %swap3A_1916 = arith.constant 240 : index
        %swap3A_1917 = tpu.vector_load %arg31[%swap3A_1916] {strides = array<i32>} : memref<256xf32, #tpu.memory_space<vmem>>, vector<16xf32>,
        tpu.vector_store %arg31[%swap3A_1916], %exp3A_1585 {strides = array<i32>} : memref<256xf32, #tpu.memory_space<vmem>>, vector<16xf32>,
        %swap3A_1918 = arith.constant 240 : index
        %swap3A_1919 = tpu.vector_load %arg32[%swap3A_1918] {strides = array<i32>} : memref<256xf32, #tpu.memory_space<vmem>>, vector<16xf32>,
        tpu.vector_store %arg32[%swap3A_1918], %exp3A_1601 {strides = array<i32>} : memref<256xf32, #tpu.memory_space<vmem>>, vector<16xf32>,
        %swap3A_1920 = arith.constant 240 : index
        %swap3A_1921 = tpu.vector_load %arg33[%swap3A_1920] {strides = array<i32>} : memref<256xf32, #tpu.memory_space<vmem>>, vector<16xf32>,
        tpu.vector_store %arg33[%swap3A_1920], %add3A_1725 {strides = array<i32>} : memref<256xf32, #tpu.memory_space<vmem>>, vector<16xf32>,
        %swap3A_1922 = arith.constant 240 : index
        %swap3A_1923 = tpu.vector_load %arg34[%swap3A_1922] {strides = array<i32>} : memref<256xf32, #tpu.memory_space<vmem>>, vector<16xf32>,
        tpu.vector_store %arg34[%swap3A_1922], %add3A_1789 {strides = array<i32>} : memref<256xf32, #tpu.memory_space<vmem>>, vector<16xf32>,
        %max3A_1924 = arith.constant -3.000000e+00 : f32
        %max3A_1925 = vector.broadcast %max3A_1924 : f32 to vector<16xf32>
        %max3A_1926 = arith.maximumf %get3A_1301, %max3A_1925 : vector<16xf32>
        %min3A_1927 = arith.constant 3.000000e+00 : f32
        %min3A_1928 = vector.broadcast %min3A_1927 : f32 to vector<16xf32>
        %min3A_1929 = arith.minimumf %max3A_1926, %min3A_1928 : vector<16xf32>
        %add3A_1930 = arith.constant 3.000000e+00 : f32
        %add3A_1931 = vector.broadcast %add3A_1930 : f32 to vector<16xf32>
        %add3A_1932 = arith.addf %min3A_1929, %add3A_1931 : vector<16xf32>
        %mul3A_1933 = vector.broadcast %scan3A_63 : f32 to vector<16xf32>
        %mul3A_1934 = arith.mulf %add3A_1932, %mul3A_1933 : vector<16xf32>
        %broadcast_in_dim3A_1935 = arith.constant 0 : i32
        %broadcast_in_dim3A_1936 = vector.broadcast %broadcast_in_dim3A_1935 : i32 to vector<16xi32>
        %ge3A_1937 = arith.cmpf oge, %mul3A_1934, %add3A_1669 : vector<16xf32>
        %jit3A_1938 = arith.constant 1 : i32
        %jit3A_1939 = arith.constant 0 : i32
        %broadcast_in_dim3A_1940 = vector.broadcast %jit3A_1938 : i32 to vector<16xi32>
        %broadcast_in_dim3A_1941 = vector.broadcast %jit3A_1939 : i32 to vector<16xi32>
        %select_n3A_1942 = arith.select %ge3A_1937, %broadcast_in_dim3A_1940, %broadcast_in_dim3A_1941 : vector<16xi1>, vector<16xi32>
        %add3A_1943 = arith.addi %broadcast_in_dim3A_1936, %select_n3A_1942 : vector<16xi32>
        %ge3A_1944 = arith.cmpf oge, %mul3A_1934, %add3A_1673 : vector<16xf32>
        %jit3A_1945 = arith.constant 1 : i32
        %jit3A_1946 = arith.constant 0 : i32
        %broadcast_in_dim3A_1947 = vector.broadcast %jit3A_1945 : i32 to vector<16xi32>
        %broadcast_in_dim3A_1948 = vector.broadcast %jit3A_1946 : i32 to vector<16xi32>
        %select_n3A_1949 = arith.select %ge3A_1944, %broadcast_in_dim3A_1947, %broadcast_in_dim3A_1948 : vector<16xi1>, vector<16xi32>
        %add3A_1950 = arith.addi %add3A_1943, %select_n3A_1949 : vector<16xi32>
        %ge3A_1951 = arith.cmpf oge, %mul3A_1934, %add3A_1677 : vector<16xf32>
        %jit3A_1952 = arith.constant 1 : i32
        %jit3A_1953 = arith.constant 0 : i32
        %broadcast_in_dim3A_1954 = vector.broadcast %jit3A_1952 : i32 to vector<16xi32>
        %broadcast_in_dim3A_1955 = vector.broadcast %jit3A_1953 : i32 to vector<16xi32>
        %select_n3A_1956 = arith.select %ge3A_1951, %broadcast_in_dim3A_1954, %broadcast_in_dim3A_1955 : vector<16xi1>, vector<16xi32>
        %add3A_1957 = arith.addi %add3A_1950, %select_n3A_1956 : vector<16xi32>
        %ge3A_1958 = arith.cmpf oge, %mul3A_1934, %add3A_1681 : vector<16xf32>
        %jit3A_1959 = arith.constant 1 : i32
        %jit3A_1960 = arith.constant 0 : i32
        %broadcast_in_dim3A_1961 = vector.broadcast %jit3A_1959 : i32 to vector<16xi32>
        %broadcast_in_dim3A_1962 = vector.broadcast %jit3A_1960 : i32 to vector<16xi32>
        %select_n3A_1963 = arith.select %ge3A_1958, %broadcast_in_dim3A_1961, %broadcast_in_dim3A_1962 : vector<16xi1>, vector<16xi32>
        %add3A_1964 = arith.addi %add3A_1957, %select_n3A_1963 : vector<16xi32>
        %ge3A_1965 = arith.cmpf oge, %mul3A_1934, %add3A_1685 : vector<16xf32>
        %jit3A_1966 = arith.constant 1 : i32
        %jit3A_1967 = arith.constant 0 : i32
        %broadcast_in_dim3A_1968 = vector.broadcast %jit3A_1966 : i32 to vector<16xi32>
        %broadcast_in_dim3A_1969 = vector.broadcast %jit3A_1967 : i32 to vector<16xi32>
        %select_n3A_1970 = arith.select %ge3A_1965, %broadcast_in_dim3A_1968, %broadcast_in_dim3A_1969 : vector<16xi1>, vector<16xi32>
        %add3A_1971 = arith.addi %add3A_1964, %select_n3A_1970 : vector<16xi32>
        %ge3A_1972 = arith.cmpf oge, %mul3A_1934, %add3A_1689 : vector<16xf32>
        %jit3A_1973 = arith.constant 1 : i32
        %jit3A_1974 = arith.constant 0 : i32
        %broadcast_in_dim3A_1975 = vector.broadcast %jit3A_1973 : i32 to vector<16xi32>
        %broadcast_in_dim3A_1976 = vector.broadcast %jit3A_1974 : i32 to vector<16xi32>
        %select_n3A_1977 = arith.select %ge3A_1972, %broadcast_in_dim3A_1975, %broadcast_in_dim3A_1976 : vector<16xi1>, vector<16xi32>
        %add3A_1978 = arith.addi %add3A_1971, %select_n3A_1977 : vector<16xi32>
        %ge3A_1979 = arith.cmpf oge, %mul3A_1934, %add3A_1693 : vector<16xf32>
        %jit3A_1980 = arith.constant 1 : i32
        %jit3A_1981 = arith.constant 0 : i32
        %broadcast_in_dim3A_1982 = vector.broadcast %jit3A_1980 : i32 to vector<16xi32>
        %broadcast_in_dim3A_1983 = vector.broadcast %jit3A_1981 : i32 to vector<16xi32>
        %select_n3A_1984 = arith.select %ge3A_1979, %broadcast_in_dim3A_1982, %broadcast_in_dim3A_1983 : vector<16xi1>, vector<16xi32>
        %add3A_1985 = arith.addi %add3A_1978, %select_n3A_1984 : vector<16xi32>
        %ge3A_1986 = arith.cmpf oge, %mul3A_1934, %add3A_1697 : vector<16xf32>
        %jit3A_1987 = arith.constant 1 : i32
        %jit3A_1988 = arith.constant 0 : i32
        %broadcast_in_dim3A_1989 = vector.broadcast %jit3A_1987 : i32 to vector<16xi32>
        %broadcast_in_dim3A_1990 = vector.broadcast %jit3A_1988 : i32 to vector<16xi32>
        %select_n3A_1991 = arith.select %ge3A_1986, %broadcast_in_dim3A_1989, %broadcast_in_dim3A_1990 : vector<16xi1>, vector<16xi32>
        %add3A_1992 = arith.addi %add3A_1985, %select_n3A_1991 : vector<16xi32>
        %ge3A_1993 = arith.cmpf oge, %mul3A_1934, %add3A_1701 : vector<16xf32>
        %jit3A_1994 = arith.constant 1 : i32
        %jit3A_1995 = arith.constant 0 : i32
        %broadcast_in_dim3A_1996 = vector.broadcast %jit3A_1994 : i32 to vector<16xi32>
        %broadcast_in_dim3A_1997 = vector.broadcast %jit3A_1995 : i32 to vector<16xi32>
        %select_n3A_1998 = arith.select %ge3A_1993, %broadcast_in_dim3A_1996, %broadcast_in_dim3A_1997 : vector<16xi1>, vector<16xi32>
        %add3A_1999 = arith.addi %add3A_1992, %select_n3A_1998 : vector<16xi32>
        %ge3A_2000 = arith.cmpf oge, %mul3A_1934, %add3A_1705 : vector<16xf32>
        %jit3A_2001 = arith.constant 1 : i32
        %jit3A_2002 = arith.constant 0 : i32
        %broadcast_in_dim3A_2003 = vector.broadcast %jit3A_2001 : i32 to vector<16xi32>
        %broadcast_in_dim3A_2004 = vector.broadcast %jit3A_2002 : i32 to vector<16xi32>
        %select_n3A_2005 = arith.select %ge3A_2000, %broadcast_in_dim3A_2003, %broadcast_in_dim3A_2004 : vector<16xi1>, vector<16xi32>
        %add3A_2006 = arith.addi %add3A_1999, %select_n3A_2005 : vector<16xi32>
        %ge3A_2007 = arith.cmpf oge, %mul3A_1934, %add3A_1709 : vector<16xf32>
        %jit3A_2008 = arith.constant 1 : i32
        %jit3A_2009 = arith.constant 0 : i32
        %broadcast_in_dim3A_2010 = vector.broadcast %jit3A_2008 : i32 to vector<16xi32>
        %broadcast_in_dim3A_2011 = vector.broadcast %jit3A_2009 : i32 to vector<16xi32>
        %select_n3A_2012 = arith.select %ge3A_2007, %broadcast_in_dim3A_2010, %broadcast_in_dim3A_2011 : vector<16xi1>, vector<16xi32>
        %add3A_2013 = arith.addi %add3A_2006, %select_n3A_2012 : vector<16xi32>
        %ge3A_2014 = arith.cmpf oge, %mul3A_1934, %add3A_1713 : vector<16xf32>
        %jit3A_2015 = arith.constant 1 : i32
        %jit3A_2016 = arith.constant 0 : i32
        %broadcast_in_dim3A_2017 = vector.broadcast %jit3A_2015 : i32 to vector<16xi32>
        %broadcast_in_dim3A_2018 = vector.broadcast %jit3A_2016 : i32 to vector<16xi32>
        %select_n3A_2019 = arith.select %ge3A_2014, %broadcast_in_dim3A_2017, %broadcast_in_dim3A_2018 : vector<16xi1>, vector<16xi32>
        %add3A_2020 = arith.addi %add3A_2013, %select_n3A_2019 : vector<16xi32>
        %ge3A_2021 = arith.cmpf oge, %mul3A_1934, %add3A_1717 : vector<16xf32>
        %jit3A_2022 = arith.constant 1 : i32
        %jit3A_2023 = arith.constant 0 : i32
        %broadcast_in_dim3A_2024 = vector.broadcast %jit3A_2022 : i32 to vector<16xi32>
        %broadcast_in_dim3A_2025 = vector.broadcast %jit3A_2023 : i32 to vector<16xi32>
        %select_n3A_2026 = arith.select %ge3A_2021, %broadcast_in_dim3A_2024, %broadcast_in_dim3A_2025 : vector<16xi1>, vector<16xi32>
        %add3A_2027 = arith.addi %add3A_2020, %select_n3A_2026 : vector<16xi32>
        %ge3A_2028 = arith.cmpf oge, %mul3A_1934, %add3A_1721 : vector<16xf32>
        %jit3A_2029 = arith.constant 1 : i32
        %jit3A_2030 = arith.constant 0 : i32
        %broadcast_in_dim3A_2031 = vector.broadcast %jit3A_2029 : i32 to vector<16xi32>
        %broadcast_in_dim3A_2032 = vector.broadcast %jit3A_2030 : i32 to vector<16xi32>
        %select_n3A_2033 = arith.select %ge3A_2028, %broadcast_in_dim3A_2031, %broadcast_in_dim3A_2032 : vector<16xi1>, vector<16xi32>
        %add3A_2034 = arith.addi %add3A_2027, %select_n3A_2033 : vector<16xi32>
        %ge3A_2035 = arith.cmpf oge, %mul3A_1934, %add3A_1725 : vector<16xf32>
        %jit3A_2036 = arith.constant 1 : i32
        %jit3A_2037 = arith.constant 0 : i32
        %broadcast_in_dim3A_2038 = vector.broadcast %jit3A_2036 : i32 to vector<16xi32>
        %broadcast_in_dim3A_2039 = vector.broadcast %jit3A_2037 : i32 to vector<16xi32>
        %select_n3A_2040 = arith.select %ge3A_2035, %broadcast_in_dim3A_2038, %broadcast_in_dim3A_2039 : vector<16xi1>, vector<16xi32>
        %add3A_2041 = arith.addi %add3A_2034, %select_n3A_2040 : vector<16xi32>
        %mul3A_2042 = arith.constant 16 : i32
        %mul3A_2043 = vector.broadcast %mul3A_2042 : i32 to vector<16xi32>
        %mul3A_2044 = arith.muli %add3A_2041, %mul3A_2043 : vector<16xi32>
        %add3A_2045 = arith.addi %mul3A_2044, %iota3A : vector<16xi32>
        %sub3A_2046 = arith.constant 16 : i32
        %sub3A_2047 = vector.broadcast %sub3A_2046 : i32 to vector<16xi32>
        %sub3A_2048 = arith.subi %add3A_2045, %sub3A_2047 : vector<16xi32>
        %max3A_2049 = arith.maxsi %sub3A_2048, %iota3A : vector<16xi32>
        %add3A_2050 = arith.constant 16 : i32
        %add3A_2051 = vector.broadcast %add3A_2050 : i32 to vector<16xi32>
        %add3A_2052 = arith.addi %add3A_2045, %add3A_2051 : vector<16xi32>
        %add3A_2053 = arith.constant 240 : i32
        %add3A_2054 = vector.broadcast %add3A_2053 : i32 to vector<16xi32>
        %add3A_2055 = arith.addi %iota3A, %add3A_2054 : vector<16xi32>
        %min3A_2056 = arith.minsi %add3A_2052, %add3A_2055 : vector<16xi32>
        %gather3A_2057 = tpu.vector_load_idx %arg31[%add3A_2045] : memref<256xf32, #tpu.memory_space<vmem>>[vector<16xi32>], vector<16xf32>,
        %mul3A_2058 = arith.mulf %div3A_1618, %gather3A_2057 : vector<16xf32>
        %add3A_2059 = arith.constant 1.000000e-03 : f32
        %add3A_2060 = vector.broadcast %add3A_2059 : f32 to vector<16xf32>
        %add3A_2061 = arith.addf %add3A_2060, %mul3A_2058 : vector<16xf32>
        %gather3A_2062 = tpu.vector_load_idx %arg31[%max3A_2049] : memref<256xf32, #tpu.memory_space<vmem>>[vector<16xi32>], vector<16xf32>,
        %mul3A_2063 = arith.mulf %div3A_1618, %gather3A_2062 : vector<16xf32>
        %add3A_2064 = arith.constant 1.000000e-03 : f32
        %add3A_2065 = vector.broadcast %add3A_2064 : f32 to vector<16xf32>
        %add3A_2066 = arith.addf %add3A_2065, %mul3A_2063 : vector<16xf32>
        %gather3A_2067 = tpu.vector_load_idx %arg31[%min3A_2056] : memref<256xf32, #tpu.memory_space<vmem>>[vector<16xi32>], vector<16xf32>,
        %mul3A_2068 = arith.mulf %div3A_1618, %gather3A_2067 : vector<16xf32>
        %add3A_2069 = arith.constant 1.000000e-03 : f32
        %add3A_2070 = vector.broadcast %add3A_2069 : f32 to vector<16xf32>
        %add3A_2071 = arith.addf %add3A_2070, %mul3A_2068 : vector<16xf32>
        %gather3A_2072 = tpu.vector_load_idx %arg32[%add3A_2045] : memref<256xf32, #tpu.memory_space<vmem>>[vector<16xi32>], vector<16xf32>,
        %mul3A_2073 = arith.mulf %div3A_1635, %gather3A_2072 : vector<16xf32>
        %add3A_2074 = arith.constant 1.000000e-03 : f32
        %add3A_2075 = vector.broadcast %add3A_2074 : f32 to vector<16xf32>
        %add3A_2076 = arith.addf %add3A_2075, %mul3A_2073 : vector<16xf32>
        %gather3A_2077 = tpu.vector_load_idx %arg32[%max3A_2049] : memref<256xf32, #tpu.memory_space<vmem>>[vector<16xi32>], vector<16xf32>,
        %mul3A_2078 = arith.mulf %div3A_1635, %gather3A_2077 : vector<16xf32>
        %add3A_2079 = arith.constant 1.000000e-03 : f32
        %add3A_2080 = vector.broadcast %add3A_2079 : f32 to vector<16xf32>
        %add3A_2081 = arith.addf %add3A_2080, %mul3A_2078 : vector<16xf32>
        %gather3A_2082 = tpu.vector_load_idx %arg32[%min3A_2056] : memref<256xf32, #tpu.memory_space<vmem>>[vector<16xi32>], vector<16xf32>,
        %mul3A_2083 = arith.mulf %div3A_1635, %gather3A_2082 : vector<16xf32>
        %add3A_2084 = arith.constant 1.000000e-03 : f32
        %add3A_2085 = vector.broadcast %add3A_2084 : f32 to vector<16xf32>
        %add3A_2086 = arith.addf %add3A_2085, %mul3A_2083 : vector<16xf32>
        %gather3A_2087 = tpu.vector_load_idx %arg33[%add3A_2045] : memref<256xf32, #tpu.memory_space<vmem>>[vector<16xi32>], vector<16xf32>,
        %gather3A_2088 = tpu.vector_load_idx %arg34[%add3A_2045] : memref<256xf32, #tpu.memory_space<vmem>>[vector<16xi32>], vector<16xf32>,
        %div3A_2089 = arith.divf %add3A_2076, %add3A_2061 : vector<16xf32>
        %div3A_2090 = arith.divf %add3A_2081, %add3A_2066 : vector<16xf32>
        %div3A_2091 = arith.divf %add3A_2086, %add3A_2071 : vector<16xf32>
        %mul3A_2092 = arith.mulf %add3A_2061, %div3A_2090 : vector<16xf32>
        %mul3A_2093 = arith.mulf %add3A_2066, %div3A_2089 : vector<16xf32>
        %add3A_2094 = arith.addf %mul3A_2092, %mul3A_2093 : vector<16xf32>
        %mul3A_2095 = arith.constant 5.000000e-01 : f32
        %mul3A_2096 = vector.broadcast %mul3A_2095 : f32 to vector<16xf32>
        %mul3A_2097 = arith.mulf %mul3A_2096, %add3A_2094 : vector<16xf32>
        %add3A_2098 = arith.addf %add3A_2066, %add3A_2061 : vector<16xf32>
        %div3A_2099 = arith.divf %mul3A_2097, %add3A_2098 : vector<16xf32>
        %min3A_2100 = arith.minimumf %div3A_2090, %div3A_2089 : vector<16xf32>
        %min3A_2101 = arith.minimumf %min3A_2100, %div3A_2099 : vector<16xf32>
        %mul3A_2102 = arith.constant 2.000000e+00 : f32
        %mul3A_2103 = vector.broadcast %mul3A_2102 : f32 to vector<16xf32>
        %mul3A_2104 = arith.mulf %mul3A_2103, %min3A_2101 : vector<16xf32>
        %neg3A_2105 = arith.constant 0.000000e+00 : f32
        %neg3A_2106 = vector.broadcast %neg3A_2105 : f32 to vector<16xf32>
        %neg3A_2107 = arith.subf %neg3A_2106, %get3A_1303 : vector<16xf32>
        %exp3A_2108 = math.exp %neg3A_2107 : vector<16xf32>
        %add3A_2109 = arith.constant 1.000000e+00 : f32
        %add3A_2110 = vector.broadcast %add3A_2109 : f32 to vector<16xf32>
        %add3A_2111 = arith.addf %add3A_2110, %exp3A_2108 : vector<16xf32>
        %div3A_2112 = arith.constant 1.000000e+00 : f32
        %div3A_2113 = vector.broadcast %div3A_2112 : f32 to vector<16xf32>
        %div3A_2114 = arith.divf %div3A_2113, %add3A_2111 : vector<16xf32>
        %lt3A_2115 = arith.constant 16 : i32
        %lt3A_2116 = vector.broadcast %lt3A_2115 : i32 to vector<16xi32>
        %lt3A_2117 = arith.cmpi slt, %add3A_2045, %lt3A_2116 : vector<16xi32>
        %mul3A_2118 = arith.constant 3.000000e+00 : f32
        %mul3A_2119 = vector.broadcast %mul3A_2118 : f32 to vector<16xf32>
        %mul3A_2120 = arith.mulf %mul3A_2119, %div3A_2114 : vector<16xf32>
        %mul3A_2121 = arith.mulf %mul3A_2120, %div3A_2089 : vector<16xf32>
        %select_n3A_2122 = arith.select %lt3A_2117, %mul3A_2121, %mul3A_2104 : vector<16xi1>, vector<16xf32>
        %mul3A_2123 = arith.mulf %add3A_2071, %div3A_2089 : vector<16xf32>
        %mul3A_2124 = arith.mulf %add3A_2061, %div3A_2091 : vector<16xf32>
        %add3A_2125 = arith.addf %mul3A_2123, %mul3A_2124 : vector<16xf32>
        %mul3A_2126 = arith.constant 5.000000e-01 : f32
        %mul3A_2127 = vector.broadcast %mul3A_2126 : f32 to vector<16xf32>
        %mul3A_2128 = arith.mulf %mul3A_2127, %add3A_2125 : vector<16xf32>
        %add3A_2129 = arith.addf %add3A_2061, %add3A_2071 : vector<16xf32>
        %div3A_2130 = arith.divf %mul3A_2128, %add3A_2129 : vector<16xf32>
        %min3A_2131 = arith.minimumf %div3A_2089, %div3A_2091 : vector<16xf32>
        %min3A_2132 = arith.minimumf %min3A_2131, %div3A_2130 : vector<16xf32>
        %mul3A_2133 = arith.constant 2.000000e+00 : f32
        %mul3A_2134 = vector.broadcast %mul3A_2133 : f32 to vector<16xf32>
        %mul3A_2135 = arith.mulf %mul3A_2134, %min3A_2132 : vector<16xf32>
        %neg3A_2136 = arith.constant 0.000000e+00 : f32
        %neg3A_2137 = vector.broadcast %neg3A_2136 : f32 to vector<16xf32>
        %neg3A_2138 = arith.subf %neg3A_2137, %get3A_1305 : vector<16xf32>
        %exp3A_2139 = math.exp %neg3A_2138 : vector<16xf32>
        %add3A_2140 = arith.constant 1.000000e+00 : f32
        %add3A_2141 = vector.broadcast %add3A_2140 : f32 to vector<16xf32>
        %add3A_2142 = arith.addf %add3A_2141, %exp3A_2139 : vector<16xf32>
        %div3A_2143 = arith.constant 1.000000e+00 : f32
        %div3A_2144 = vector.broadcast %div3A_2143 : f32 to vector<16xf32>
        %div3A_2145 = arith.divf %div3A_2144, %add3A_2142 : vector<16xf32>
        %ge3A_2146 = arith.constant 240 : i32
        %ge3A_2147 = vector.broadcast %ge3A_2146 : i32 to vector<16xi32>
        %ge3A_2148 = arith.cmpi sge, %add3A_2045, %ge3A_2147 : vector<16xi32>
        %mul3A_2149 = arith.constant 3.000000e+00 : f32
        %mul3A_2150 = vector.broadcast %mul3A_2149 : f32 to vector<16xf32>
        %mul3A_2151 = arith.mulf %mul3A_2150, %div3A_2145 : vector<16xf32>
        %mul3A_2152 = arith.mulf %mul3A_2151, %div3A_2089 : vector<16xf32>
        %select_n3A_2153 = arith.select %ge3A_2148, %mul3A_2152, %mul3A_2135 : vector<16xi1>, vector<16xf32>
        %div3A_2154 = arith.constant 1.000000e+00 : f32
        %div3A_2155 = vector.broadcast %div3A_2154 : f32 to vector<16xf32>
        %div3A_2156 = arith.divf %div3A_2155, %add3A_2061 : vector<16xf32>
        %add3A_2157 = arith.addf %select_n3A_2122, %select_n3A_2153 : vector<16xf32>
        %mul3A_2158 = arith.constant 2.000000e+00 : f32
        %mul3A_2159 = vector.broadcast %mul3A_2158 : f32 to vector<16xf32>
        %mul3A_2160 = arith.mulf %mul3A_2159, %div3A_2089 : vector<16xf32>
        %sub3A_2161 = arith.subf %add3A_2157, %mul3A_2160 : vector<16xf32>
        %mul3A_2162 = arith.mulf %sub3A_2161, %div3A_2156 : vector<16xf32>
        %mul3A_2163 = arith.mulf %mul3A_2162, %div3A_2156 : vector<16xf32>
        %mul3A_2164 = arith.constant 3.000000e+00 : f32
        %mul3A_2165 = vector.broadcast %mul3A_2164 : f32 to vector<16xf32>
        %mul3A_2166 = arith.mulf %mul3A_2165, %div3A_2089 : vector<16xf32>
        %mul3A_2167 = arith.constant 2.000000e+00 : f32
        %mul3A_2168 = vector.broadcast %mul3A_2167 : f32 to vector<16xf32>
        %mul3A_2169 = arith.mulf %mul3A_2168, %select_n3A_2122 : vector<16xf32>
        %sub3A_2170 = arith.subf %mul3A_2166, %mul3A_2169 : vector<16xf32>
        %sub3A_2171 = arith.subf %sub3A_2170, %select_n3A_2153 : vector<16xf32>
        %mul3A_2172 = arith.mulf %sub3A_2171, %div3A_2156 : vector<16xf32>
        %sub3A_2173 = arith.subf %mul3A_1934, %gather3A_2087 : vector<16xf32>
        %mul3A_2174 = arith.mulf %mul3A_2163, %sub3A_2173 : vector<16xf32>
        %add3A_2175 = arith.addf %mul3A_2174, %mul3A_2172 : vector<16xf32>
        %mul3A_2176 = arith.mulf %add3A_2175, %sub3A_2173 : vector<16xf32>
        %add3A_2177 = arith.addf %mul3A_2176, %select_n3A_2122 : vector<16xf32>
        %mul3A_2178 = arith.mulf %add3A_2177, %sub3A_2173 : vector<16xf32>
        %add3A_2179 = arith.addf %mul3A_2178, %gather3A_2088 : vector<16xf32>
        %mul3A_2180 = arith.constant 3.000000e+00 : f32
        %mul3A_2181 = vector.broadcast %mul3A_2180 : f32 to vector<16xf32>
        %mul3A_2182 = arith.mulf %mul3A_2181, %mul3A_2163 : vector<16xf32>
        %mul3A_2183 = arith.mulf %mul3A_2182, %sub3A_2173 : vector<16xf32>
        %mul3A_2184 = arith.constant 2.000000e+00 : f32
        %mul3A_2185 = vector.broadcast %mul3A_2184 : f32 to vector<16xf32>
        %mul3A_2186 = arith.mulf %mul3A_2185, %mul3A_2172 : vector<16xf32>
        %add3A_2187 = arith.addf %mul3A_2183, %mul3A_2186 : vector<16xf32>
        %mul3A_2188 = arith.mulf %add3A_2187, %sub3A_2173 : vector<16xf32>
        %add3A_2189 = arith.addf %mul3A_2188, %select_n3A_2122 : vector<16xf32>
        %abs3A_2190 = math.absf %add3A_2189 : vector<16xf32>
        %bitcast_convert_type3A_2191 = tpu.bitcast %abs3A_2190 : vector<16xf32> -> vector<16xi32>
        %shift_right_logical3A_2192 = arith.constant 23 : i32
        %shift_right_logical3A_2193 = vector.broadcast %shift_right_logical3A_2192 : i32 to vector<16xi32>
        %shift_right_logical3A_2194 = arith.shrui %bitcast_convert_type3A_2191, %shift_right_logical3A_2193 : vector<16xi32>
        %sub3A_2195 = arith.constant 126 : i32
        %sub3A_2196 = vector.broadcast %sub3A_2195 : i32 to vector<16xi32>
        %sub3A_2197 = arith.subi %shift_right_logical3A_2194, %sub3A_2196 : vector<16xi32>
        %and3A_2198 = arith.constant 8388607 : i32
        %and3A_2199 = vector.broadcast %and3A_2198 : i32 to vector<16xi32>
        %and3A_2200 = arith.andi %bitcast_convert_type3A_2191, %and3A_2199 : vector<16xi32>
        %or3A_2201 = arith.constant 1056964608 : i32
        %or3A_2202 = vector.broadcast %or3A_2201 : i32 to vector<16xi32>
        %or3A_2203 = arith.ori %and3A_2200, %or3A_2202 : vector<16xi32>
        %bitcast_convert_type3A_2204 = tpu.bitcast %or3A_2203 : vector<16xi32> -> vector<16xf32>
        %lt3A_2205 = arith.constant 0.707106769 : f32
        %lt3A_2206 = vector.broadcast %lt3A_2205 : f32 to vector<16xf32>
        %lt3A_2207 = arith.cmpf olt, %bitcast_convert_type3A_2204, %lt3A_2206 : vector<16xf32>
        %jit3A_2208 = arith.constant 1 : i32
        %jit3A_2209 = arith.constant 0 : i32
        %broadcast_in_dim3A_2210 = vector.broadcast %jit3A_2208 : i32 to vector<16xi32>
        %broadcast_in_dim3A_2211 = vector.broadcast %jit3A_2209 : i32 to vector<16xi32>
        %select_n3A_2212 = arith.select %lt3A_2207, %broadcast_in_dim3A_2210, %broadcast_in_dim3A_2211 : vector<16xi1>, vector<16xi32>
        %sub3A_2213 = arith.subi %sub3A_2197, %select_n3A_2212 : vector<16xi32>
        %add3A_2214 = arith.addf %bitcast_convert_type3A_2204, %bitcast_convert_type3A_2204 : vector<16xf32>
        %select_n3A_2215 = arith.select %lt3A_2207, %add3A_2214, %bitcast_convert_type3A_2204 : vector<16xi1>, vector<16xf32>
        %sub3A_2216 = arith.constant 1.000000e+00 : f32
        %sub3A_2217 = vector.broadcast %sub3A_2216 : f32 to vector<16xf32>
        %sub3A_2218 = arith.subf %select_n3A_2215, %sub3A_2217 : vector<16xf32>
        %mul3A_2219 = arith.mulf %sub3A_2218, %sub3A_2218 : vector<16xf32>
        %mul3A_2220 = arith.constant -0.166666672 : f32
        %mul3A_2221 = vector.broadcast %mul3A_2220 : f32 to vector<16xf32>
        %mul3A_2222 = arith.mulf %sub3A_2218, %mul3A_2221 : vector<16xf32>
        %add3A_2223 = arith.constant 2.000000e-01 : f32
        %add3A_2224 = vector.broadcast %add3A_2223 : f32 to vector<16xf32>
        %add3A_2225 = arith.addf %add3A_2224, %mul3A_2222 : vector<16xf32>
        %mul3A_2226 = arith.mulf %add3A_2225, %mul3A_2219 : vector<16xf32>
        %add3A_2227 = arith.constant -2.500000e-01 : f32
        %add3A_2228 = vector.broadcast %add3A_2227 : f32 to vector<16xf32>
        %add3A_2229 = arith.addf %add3A_2228, %mul3A_2226 : vector<16xf32>
        %mul3A_2230 = arith.mulf %sub3A_2218, %add3A_2229 : vector<16xf32>
        %add3A_2231 = arith.constant 0.333333343 : f32
        %add3A_2232 = vector.broadcast %add3A_2231 : f32 to vector<16xf32>
        %add3A_2233 = arith.addf %add3A_2232, %mul3A_2230 : vector<16xf32>
        %mul3A_2234 = arith.mulf %sub3A_2218, %mul3A_2219 : vector<16xf32>
        %mul3A_2235 = arith.mulf %mul3A_2234, %add3A_2233 : vector<16xf32>
        %mul3A_2236 = arith.constant 5.000000e-01 : f32
        %mul3A_2237 = vector.broadcast %mul3A_2236 : f32 to vector<16xf32>
        %mul3A_2238 = arith.mulf %mul3A_2237, %mul3A_2219 : vector<16xf32>
        %sub3A_2239 = arith.subf %mul3A_2235, %mul3A_2238 : vector<16xf32>
        %add3A_2240 = arith.addf %sub3A_2218, %sub3A_2239 : vector<16xf32>
        %convert_element_type3A_2241 = arith.sitofp %sub3A_2213 : vector<16xi32> to vector<16xf32>
        %mul3A_2242 = arith.constant 0.693147182 : f32
        %mul3A_2243 = vector.broadcast %mul3A_2242 : f32 to vector<16xf32>
        %mul3A_2244 = arith.mulf %convert_element_type3A_2241, %mul3A_2243 : vector<16xf32>
        %add3A_2245 = arith.addf %add3A_2240, %mul3A_2244 : vector<16xf32>
        %max3A_2246 = arith.constant 0.000000e+00 : f32
        %max3A_2247 = vector.broadcast %max3A_2246 : f32 to vector<16xf32>
        %max3A_2248 = arith.maximumf %add3A_2179, %max3A_2247 : vector<16xf32>
        %min3A_2249 = arith.constant 1.000000e+00 : f32
        %min3A_2250 = vector.broadcast %min3A_2249 : f32 to vector<16xf32>
        %min3A_2251 = arith.minimumf %max3A_2248, %min3A_2250 : vector<16xf32>
        %mul3A_2252 = arith.constant 6.000000e+00 : f32
        %mul3A_2253 = vector.broadcast %mul3A_2252 : f32 to vector<16xf32>
        %mul3A_2254 = arith.mulf %min3A_2251, %mul3A_2253 : vector<16xf32>
        %sub3A_2255 = arith.constant 3.000000e+00 : f32
        %sub3A_2256 = vector.broadcast %sub3A_2255 : f32 to vector<16xf32>
        %sub3A_2257 = arith.subf %mul3A_2254, %sub3A_2256 : vector<16xf32>
        %ge3A_2258 = arith.constant -3.000000e+00 : f32
        %ge3A_2259 = vector.broadcast %ge3A_2258 : f32 to vector<16xf32>
        %ge3A_2260 = arith.cmpf oge, %get3A_1301, %ge3A_2259 : vector<16xf32>
        %le3A_2261 = arith.constant 3.000000e+00 : f32
        %le3A_2262 = vector.broadcast %le3A_2261 : f32 to vector<16xf32>
        %le3A_2263 = arith.cmpf ole, %get3A_1301, %le3A_2262 : vector<16xf32>
        %and3A_2264 = arith.andi %ge3A_2260, %le3A_2263 : vector<16xi1>
        %select_n3A_2265 = arith.select %and3A_2264, %sub3A_2257, %get3A_1301 : vector<16xi1>, vector<16xf32>
        %swap3A_2266 = arith.index_cast %mul3A_1299 : i32 to index
        %swap3A_2267 = tpu.vector_load %arg19[%swap3A_2266] {strides = array<i32>} : memref<1024xf32, #tpu.memory_space<vmem>>, vector<16xf32>,
        tpu.vector_store %arg19[%swap3A_2266], %select_n3A_2265 {strides = array<i32>} : memref<1024xf32, #tpu.memory_space<vmem>>, vector<16xf32>,
        %jit3A_2268 = arith.constant 0.000000e+00 : f32
        %broadcast_in_dim3A_2269 = vector.broadcast %jit3A_2268 : f32 to vector<16xf32>
        %select_n3A_2270 = arith.select %and3A_2264, %add3A_2245, %broadcast_in_dim3A_2269 : vector<16xi1>, vector<16xf32>
        %swap3A_2271 = arith.index_cast %mul3A_1299 : i32 to index
        %swap3A_2272 = tpu.vector_load %arg20[%swap3A_2271] {strides = array<i32>} : memref<1024xf32, #tpu.memory_space<vmem>>, vector<16xf32>,
        tpu.vector_store %arg20[%swap3A_2271], %select_n3A_2270 {strides = array<i32>} : memref<1024xf32, #tpu.memory_space<vmem>>, vector<16xf32>,
      }
      %scan3A_233 = arith.constant 32 : i32
      %mul3A_234 = arith.constant 1024 : i32
      %mul3A_235 = arith.muli %mul3A_86, %mul3A_234 : i32
      %add3A_236 = arith.addi %mul3A_2, %mul3A_235 : i32
      %dma_start3A_237 = tpu.memref_slice %arg7[%add3A_236] : memref<1048576xf32, #tpu.memory_space<hbm>> -> memref<1024xf32, #tpu.memory_space<hbm>>
      %dma_start3A_238 = tpu.memref_slice %arg7[%add3A_236] : memref<1048576xf32, #tpu.memory_space<hbm>> -> memref<1024xf32, #tpu.memory_space<hbm>>
      tpu.enqueue_dma source(%arg19 : memref<1024xf32, #tpu.memory_space<vmem>>) target(%dma_start3A_238 : memref<1024xf32, #tpu.memory_space<hbm>>) target_semaphore(%arg25 : memref<!tpu.dma_semaphore, #tpu.memory_space<semaphore_mem>>)
      %dma_start3A_239 = tpu.memref_slice %arg8[%add3A_236] : memref<1048576xf32, #tpu.memory_space<hbm>> -> memref<1024xf32, #tpu.memory_space<hbm>>
      %dma_start3A_240 = tpu.memref_slice %arg8[%add3A_236] : memref<1048576xf32, #tpu.memory_space<hbm>> -> memref<1024xf32, #tpu.memory_space<hbm>>
      tpu.enqueue_dma source(%arg20 : memref<1024xf32, #tpu.memory_space<vmem>>) target(%dma_start3A_240 : memref<1024xf32, #tpu.memory_space<hbm>>) target_semaphore(%arg25 : memref<!tpu.dma_semaphore, #tpu.memory_space<semaphore_mem>>)
      %lt3A = arith.constant 15 : i32
      %lt3A_241 = arith.cmpi slt, %add3A_84, %lt3A : i32
      %convert_element_type3A_242 = arith.extui %lt3A_241 : i1 to i32
      %cond3A_243 = arith.constant 0 : i32
      %cond3A_244 = arith.cmpi ne, %convert_element_type3A_242, %cond3A_243 : i32
      scf.if %cond3A_244 {
        %add3A_331 = arith.constant 2 : i32
        %add3A_332 = arith.addi %mul3A_86, %add3A_331 : i32
        %mul3A_333 = arith.constant 1024 : i32
        %mul3A_334 = arith.muli %add3A_332, %mul3A_333 : i32
        %add3A_335 = arith.addi %mul3A_2, %mul3A_334 : i32
        %jit3A_336 = arith.constant 128 : i32
        %div3A_337 = arith.divsi %add3A_335, %jit3A_336 : i32
        %sign3A_338 = arith.constant 0 : i32
        %sign3A_339 = arith.cmpi sgt, %add3A_335, %sign3A_338 : i32
        %sign3A_340 = arith.extui %sign3A_339 : i1 to i32
        %sign3A_341 = arith.constant 0 : i32
        %sign3A_342 = arith.cmpi slt, %add3A_335, %sign3A_341 : i32
        %sign3A_343 = arith.extui %sign3A_342 : i1 to i32
        %sign3A_344 = arith.subi %sign3A_340, %sign3A_343 : i32
        %sign3A_345 = arith.constant 0 : i32
        %sign3A_346 = arith.cmpi sgt, %jit3A_336, %sign3A_345 : i32
        %sign3A_347 = arith.extui %sign3A_346 : i1 to i32
        %sign3A_348 = arith.constant 0 : i32
        %sign3A_349 = arith.cmpi slt, %jit3A_336, %sign3A_348 : i32
        %sign3A_350 = arith.extui %sign3A_349 : i1 to i32
        %sign3A_351 = arith.subi %sign3A_347, %sign3A_350 : i32
        %ne3A_352 = arith.cmpi ne, %sign3A_344, %sign3A_351 : i32
        %rem3A_353 = arith.remsi %add3A_335, %jit3A_336 : i32
        %ne3A_354 = arith.constant 0 : i32
        %ne3A_355 = arith.cmpi ne, %rem3A_353, %ne3A_354 : i32
        %and3A_356 = arith.andi %ne3A_352, %ne3A_355 : i1
        %sub3A_357 = arith.constant 1 : i32
        %sub3A_358 = arith.subi %div3A_337, %sub3A_357 : i32
        %select_n3A_359 = arith.select %and3A_356, %sub3A_358, %div3A_337 : i32
        %mul3A_360 = arith.constant 1024 : i32
        %mul3A_361 = arith.muli %select_n3A_359, %mul3A_360 : i32
        %add3A_362 = arith.constant 8192 : i32
        %add3A_363 = arith.addi %add3A_362, %select_n3A_359 : i32
        %mul3A_364 = arith.constant 1024 : i32
        %mul3A_365 = arith.muli %add3A_363, %mul3A_364 : i32
        %mul3A_366 = arith.constant 1024 : i32
        %mul3A_367 = arith.muli %select_n3A_359, %mul3A_366 : i32
        %add3A_368 = arith.constant 8192 : i32
        %add3A_369 = arith.addi %add3A_368, %select_n3A_359 : i32
        %mul3A_370 = arith.constant 1024 : i32
        %mul3A_371 = arith.muli %add3A_369, %mul3A_370 : i32
        %dma_start3A_372 = tpu.memref_slice %arg2[%add3A_335] : memref<1048576xf32, #tpu.memory_space<hbm>> -> memref<1024xf32, #tpu.memory_space<hbm>>
        %dma_start3A_373 = tpu.memref_slice %arg2[%add3A_335] : memref<1048576xf32, #tpu.memory_space<hbm>> -> memref<1024xf32, #tpu.memory_space<hbm>>
        tpu.enqueue_dma source(%dma_start3A_373 : memref<1024xf32, #tpu.memory_space<hbm>>) target(%arg9 : memref<1024xf32, #tpu.memory_space<vmem>>) target_semaphore(%arg23 : memref<!tpu.dma_semaphore, #tpu.memory_space<semaphore_mem>>)
        %dma_start3A_374 = arith.constant 0 : i32
        %dma_start3A_375 = tpu.memref_slice %arg10[%dma_start3A_374] : memref<16384xf32, #tpu.memory_space<vmem>> -> memref<8192xf32, #tpu.memory_space<vmem>>
        %dma_start3A_376 = tpu.memref_slice %arg3[%mul3A_361] : memref<16777216xf32, #tpu.memory_space<hbm>> -> memref<8192xf32, #tpu.memory_space<hbm>>
        %dma_start3A_377 = arith.constant 0 : i32
        %dma_start3A_378 = tpu.memref_slice %arg10[%dma_start3A_377] : memref<16384xf32, #tpu.memory_space<vmem>> -> memref<8192xf32, #tpu.memory_space<vmem>>
        %dma_start3A_379 = tpu.memref_slice %arg3[%mul3A_361] : memref<16777216xf32, #tpu.memory_space<hbm>> -> memref<8192xf32, #tpu.memory_space<hbm>>
        tpu.enqueue_dma source(%dma_start3A_379 : memref<8192xf32, #tpu.memory_space<hbm>>) target(%dma_start3A_378 : memref<8192xf32, #tpu.memory_space<vmem>>) target_semaphore(%arg23 : memref<!tpu.dma_semaphore, #tpu.memory_space<semaphore_mem>>)
        %dma_start3A_380 = arith.constant 8192 : i32
        %dma_start3A_381 = tpu.memref_slice %arg10[%dma_start3A_380] : memref<16384xf32, #tpu.memory_space<vmem>> -> memref<8192xf32, #tpu.memory_space<vmem>>
        %dma_start3A_382 = tpu.memref_slice %arg3[%mul3A_365] : memref<16777216xf32, #tpu.memory_space<hbm>> -> memref<8192xf32, #tpu.memory_space<hbm>>
        %dma_start3A_383 = arith.constant 8192 : i32
        %dma_start3A_384 = tpu.memref_slice %arg10[%dma_start3A_383] : memref<16384xf32, #tpu.memory_space<vmem>> -> memref<8192xf32, #tpu.memory_space<vmem>>
        %dma_start3A_385 = tpu.memref_slice %arg3[%mul3A_365] : memref<16777216xf32, #tpu.memory_space<hbm>> -> memref<8192xf32, #tpu.memory_space<hbm>>
        tpu.enqueue_dma source(%dma_start3A_385 : memref<8192xf32, #tpu.memory_space<hbm>>) target(%dma_start3A_384 : memref<8192xf32, #tpu.memory_space<vmem>>) target_semaphore(%arg23 : memref<!tpu.dma_semaphore, #tpu.memory_space<semaphore_mem>>)
        %dma_start3A_386 = arith.constant 0 : i32
        %dma_start3A_387 = tpu.memref_slice %arg11[%dma_start3A_386] : memref<16384xf32, #tpu.memory_space<vmem>> -> memref<8192xf32, #tpu.memory_space<vmem>>
        %dma_start3A_388 = tpu.memref_slice %arg4[%mul3A_367] : memref<16777216xf32, #tpu.memory_space<hbm>> -> memref<8192xf32, #tpu.memory_space<hbm>>
        %dma_start3A_389 = arith.constant 0 : i32
        %dma_start3A_390 = tpu.memref_slice %arg11[%dma_start3A_389] : memref<16384xf32, #tpu.memory_space<vmem>> -> memref<8192xf32, #tpu.memory_space<vmem>>
        %dma_start3A_391 = tpu.memref_slice %arg4[%mul3A_367] : memref<16777216xf32, #tpu.memory_space<hbm>> -> memref<8192xf32, #tpu.memory_space<hbm>>
        tpu.enqueue_dma source(%dma_start3A_391 : memref<8192xf32, #tpu.memory_space<hbm>>) target(%dma_start3A_390 : memref<8192xf32, #tpu.memory_space<vmem>>) target_semaphore(%arg23 : memref<!tpu.dma_semaphore, #tpu.memory_space<semaphore_mem>>)
        %dma_start3A_392 = arith.constant 8192 : i32
        %dma_start3A_393 = tpu.memref_slice %arg11[%dma_start3A_392] : memref<16384xf32, #tpu.memory_space<vmem>> -> memref<8192xf32, #tpu.memory_space<vmem>>
        %dma_start3A_394 = tpu.memref_slice %arg4[%mul3A_371] : memref<16777216xf32, #tpu.memory_space<hbm>> -> memref<8192xf32, #tpu.memory_space<hbm>>
        %dma_start3A_395 = arith.constant 8192 : i32
        %dma_start3A_396 = tpu.memref_slice %arg11[%dma_start3A_395] : memref<16384xf32, #tpu.memory_space<vmem>> -> memref<8192xf32, #tpu.memory_space<vmem>>
        %dma_start3A_397 = tpu.memref_slice %arg4[%mul3A_371] : memref<16777216xf32, #tpu.memory_space<hbm>> -> memref<8192xf32, #tpu.memory_space<hbm>>
        tpu.enqueue_dma source(%dma_start3A_397 : memref<8192xf32, #tpu.memory_space<hbm>>) target(%dma_start3A_396 : memref<8192xf32, #tpu.memory_space<vmem>>) target_semaphore(%arg23 : memref<!tpu.dma_semaphore, #tpu.memory_space<semaphore_mem>>)
        %dma_start3A_398 = tpu.memref_slice %arg5[%add3A_335] : memref<1048576xf32, #tpu.memory_space<hbm>> -> memref<1024xf32, #tpu.memory_space<hbm>>
        %dma_start3A_399 = tpu.memref_slice %arg5[%add3A_335] : memref<1048576xf32, #tpu.memory_space<hbm>> -> memref<1024xf32, #tpu.memory_space<hbm>>
        tpu.enqueue_dma source(%dma_start3A_399 : memref<1024xf32, #tpu.memory_space<hbm>>) target(%arg12 : memref<1024xf32, #tpu.memory_space<vmem>>) target_semaphore(%arg23 : memref<!tpu.dma_semaphore, #tpu.memory_space<semaphore_mem>>)
        %dma_start3A_400 = tpu.memref_slice %arg6[%add3A_335] : memref<1048576xf32, #tpu.memory_space<hbm>> -> memref<1024xf32, #tpu.memory_space<hbm>>
        %dma_start3A_401 = tpu.memref_slice %arg6[%add3A_335] : memref<1048576xf32, #tpu.memory_space<hbm>> -> memref<1024xf32, #tpu.memory_space<hbm>>
        tpu.enqueue_dma source(%dma_start3A_401 : memref<1024xf32, #tpu.memory_space<hbm>>) target(%arg13 : memref<1024xf32, #tpu.memory_space<vmem>>) target_semaphore(%arg23 : memref<!tpu.dma_semaphore, #tpu.memory_space<semaphore_mem>>)
      } else {
      }
      %mul3A_245 = arith.constant 1024 : i32
      %mul3A_246 = arith.muli %add3A_88, %mul3A_245 : i32
      %add3A_247 = arith.addi %mul3A_2, %mul3A_246 : i32
      %jit3A_248 = arith.constant 128 : i32
      %div3A_249 = arith.divsi %add3A_247, %jit3A_248 : i32
      %sign3A_250 = arith.constant 0 : i32
      %sign3A_251 = arith.cmpi sgt, %add3A_247, %sign3A_250 : i32
      %sign3A_252 = arith.extui %sign3A_251 : i1 to i32
      %sign3A_253 = arith.constant 0 : i32
      %sign3A_254 = arith.cmpi slt, %add3A_247, %sign3A_253 : i32
      %sign3A_255 = arith.extui %sign3A_254 : i1 to i32
      %sign3A_256 = arith.subi %sign3A_252, %sign3A_255 : i32
      %sign3A_257 = arith.constant 0 : i32
      %sign3A_258 = arith.cmpi sgt, %jit3A_248, %sign3A_257 : i32
      %sign3A_259 = arith.extui %sign3A_258 : i1 to i32
      %sign3A_260 = arith.constant 0 : i32
      %sign3A_261 = arith.cmpi slt, %jit3A_248, %sign3A_260 : i32
      %sign3A_262 = arith.extui %sign3A_261 : i1 to i32
      %sign3A_263 = arith.subi %sign3A_259, %sign3A_262 : i32
      %ne3A_264 = arith.cmpi ne, %sign3A_256, %sign3A_263 : i32
      %rem3A_265 = arith.remsi %add3A_247, %jit3A_248 : i32
      %ne3A_266 = arith.constant 0 : i32
      %ne3A_267 = arith.cmpi ne, %rem3A_265, %ne3A_266 : i32
      %and3A_268 = arith.andi %ne3A_264, %ne3A_267 : i1
      %sub3A_269 = arith.constant 1 : i32
      %sub3A_270 = arith.subi %div3A_249, %sub3A_269 : i32
      %select_n3A_271 = arith.select %and3A_268, %sub3A_270, %div3A_249 : i32
      %mul3A_272 = arith.constant 1024 : i32
      %mul3A_273 = arith.muli %select_n3A_271, %mul3A_272 : i32
      %add3A_274 = arith.constant 8192 : i32
      %add3A_275 = arith.addi %add3A_274, %select_n3A_271 : i32
      %mul3A_276 = arith.constant 1024 : i32
      %mul3A_277 = arith.muli %add3A_275, %mul3A_276 : i32
      %mul3A_278 = arith.constant 1024 : i32
      %mul3A_279 = arith.muli %select_n3A_271, %mul3A_278 : i32
      %add3A_280 = arith.constant 8192 : i32
      %add3A_281 = arith.addi %add3A_280, %select_n3A_271 : i32
      %mul3A_282 = arith.constant 1024 : i32
      %mul3A_283 = arith.muli %add3A_281, %mul3A_282 : i32
      %dma_wait3A_284 = tpu.memref_slice %arg2[%add3A_247] : memref<1048576xf32, #tpu.memory_space<hbm>> -> memref<1024xf32, #tpu.memory_space<hbm>>
      %dma_wait3A_285 = tpu.memref_slice %arg2[%add3A_247] : memref<1048576xf32, #tpu.memory_space<hbm>> -> memref<1024xf32, #tpu.memory_space<hbm>>
      tpu.wait_dma2 semaphore(%arg24 : memref<!tpu.dma_semaphore, #tpu.memory_space<semaphore_mem>>) src(%dma_wait3A_285 : memref<1024xf32, #tpu.memory_space<hbm>>) dst(%arg14 : memref<1024xf32, #tpu.memory_space<vmem>>)
      %dma_wait3A_286 = arith.constant 0 : i32
      %dma_wait3A_287 = tpu.memref_slice %arg15[%dma_wait3A_286] : memref<16384xf32, #tpu.memory_space<vmem>> -> memref<8192xf32, #tpu.memory_space<vmem>>
      %dma_wait3A_288 = tpu.memref_slice %arg3[%mul3A_273] : memref<16777216xf32, #tpu.memory_space<hbm>> -> memref<8192xf32, #tpu.memory_space<hbm>>
      %dma_wait3A_289 = arith.constant 0 : i32
      %dma_wait3A_290 = tpu.memref_slice %arg15[%dma_wait3A_289] : memref<16384xf32, #tpu.memory_space<vmem>> -> memref<8192xf32, #tpu.memory_space<vmem>>
      %dma_wait3A_291 = tpu.memref_slice %arg3[%mul3A_273] : memref<16777216xf32, #tpu.memory_space<hbm>> -> memref<8192xf32, #tpu.memory_space<hbm>>
      tpu.wait_dma2 semaphore(%arg24 : memref<!tpu.dma_semaphore, #tpu.memory_space<semaphore_mem>>) src(%dma_wait3A_291 : memref<8192xf32, #tpu.memory_space<hbm>>) dst(%dma_wait3A_290 : memref<8192xf32, #tpu.memory_space<vmem>>)
      %dma_wait3A_292 = arith.constant 8192 : i32
      %dma_wait3A_293 = tpu.memref_slice %arg15[%dma_wait3A_292] : memref<16384xf32, #tpu.memory_space<vmem>> -> memref<8192xf32, #tpu.memory_space<vmem>>
      %dma_wait3A_294 = tpu.memref_slice %arg3[%mul3A_277] : memref<16777216xf32, #tpu.memory_space<hbm>> -> memref<8192xf32, #tpu.memory_space<hbm>>
      %dma_wait3A_295 = arith.constant 8192 : i32
      %dma_wait3A_296 = tpu.memref_slice %arg15[%dma_wait3A_295] : memref<16384xf32, #tpu.memory_space<vmem>> -> memref<8192xf32, #tpu.memory_space<vmem>>
      %dma_wait3A_297 = tpu.memref_slice %arg3[%mul3A_277] : memref<16777216xf32, #tpu.memory_space<hbm>> -> memref<8192xf32, #tpu.memory_space<hbm>>
      tpu.wait_dma2 semaphore(%arg24 : memref<!tpu.dma_semaphore, #tpu.memory_space<semaphore_mem>>) src(%dma_wait3A_297 : memref<8192xf32, #tpu.memory_space<hbm>>) dst(%dma_wait3A_296 : memref<8192xf32, #tpu.memory_space<vmem>>)
      %dma_wait3A_298 = arith.constant 0 : i32
      %dma_wait3A_299 = tpu.memref_slice %arg16[%dma_wait3A_298] : memref<16384xf32, #tpu.memory_space<vmem>> -> memref<8192xf32, #tpu.memory_space<vmem>>
      %dma_wait3A_300 = tpu.memref_slice %arg4[%mul3A_279] : memref<16777216xf32, #tpu.memory_space<hbm>> -> memref<8192xf32, #tpu.memory_space<hbm>>
      %dma_wait3A_301 = arith.constant 0 : i32
      %dma_wait3A_302 = tpu.memref_slice %arg16[%dma_wait3A_301] : memref<16384xf32, #tpu.memory_space<vmem>> -> memref<8192xf32, #tpu.memory_space<vmem>>
      %dma_wait3A_303 = tpu.memref_slice %arg4[%mul3A_279] : memref<16777216xf32, #tpu.memory_space<hbm>> -> memref<8192xf32, #tpu.memory_space<hbm>>
      tpu.wait_dma2 semaphore(%arg24 : memref<!tpu.dma_semaphore, #tpu.memory_space<semaphore_mem>>) src(%dma_wait3A_303 : memref<8192xf32, #tpu.memory_space<hbm>>) dst(%dma_wait3A_302 : memref<8192xf32, #tpu.memory_space<vmem>>)
      %dma_wait3A_304 = arith.constant 8192 : i32
      %dma_wait3A_305 = tpu.memref_slice %arg16[%dma_wait3A_304] : memref<16384xf32, #tpu.memory_space<vmem>> -> memref<8192xf32, #tpu.memory_space<vmem>>
      %dma_wait3A_306 = tpu.memref_slice %arg4[%mul3A_283] : memref<16777216xf32, #tpu.memory_space<hbm>> -> memref<8192xf32, #tpu.memory_space<hbm>>
      %dma_wait3A_307 = arith.constant 8192 : i32
      %dma_wait3A_308 = tpu.memref_slice %arg16[%dma_wait3A_307] : memref<16384xf32, #tpu.memory_space<vmem>> -> memref<8192xf32, #tpu.memory_space<vmem>>
      %dma_wait3A_309 = tpu.memref_slice %arg4[%mul3A_283] : memref<16777216xf32, #tpu.memory_space<hbm>> -> memref<8192xf32, #tpu.memory_space<hbm>>
      tpu.wait_dma2 semaphore(%arg24 : memref<!tpu.dma_semaphore, #tpu.memory_space<semaphore_mem>>) src(%dma_wait3A_309 : memref<8192xf32, #tpu.memory_space<hbm>>) dst(%dma_wait3A_308 : memref<8192xf32, #tpu.memory_space<vmem>>)
      %dma_wait3A_310 = tpu.memref_slice %arg5[%add3A_247] : memref<1048576xf32, #tpu.memory_space<hbm>> -> memref<1024xf32, #tpu.memory_space<hbm>>
      %dma_wait3A_311 = tpu.memref_slice %arg5[%add3A_247] : memref<1048576xf32, #tpu.memory_space<hbm>> -> memref<1024xf32, #tpu.memory_space<hbm>>
      tpu.wait_dma2 semaphore(%arg24 : memref<!tpu.dma_semaphore, #tpu.memory_space<semaphore_mem>>) src(%dma_wait3A_311 : memref<1024xf32, #tpu.memory_space<hbm>>) dst(%arg17 : memref<1024xf32, #tpu.memory_space<vmem>>)
      %dma_wait3A_312 = tpu.memref_slice %arg6[%add3A_247] : memref<1048576xf32, #tpu.memory_space<hbm>> -> memref<1024xf32, #tpu.memory_space<hbm>>
      %dma_wait3A_313 = tpu.memref_slice %arg6[%add3A_247] : memref<1048576xf32, #tpu.memory_space<hbm>> -> memref<1024xf32, #tpu.memory_space<hbm>>
      tpu.wait_dma2 semaphore(%arg24 : memref<!tpu.dma_semaphore, #tpu.memory_space<semaphore_mem>>) src(%dma_wait3A_313 : memref<1024xf32, #tpu.memory_space<hbm>>) dst(%arg18 : memref<1024xf32, #tpu.memory_space<vmem>>)
      %gt3A_314 = arith.constant 0 : i32
      %gt3A_315 = arith.cmpi sgt, %add3A_84, %gt3A_314 : i32
      %convert_element_type3A_316 = arith.extui %gt3A_315 : i1 to i32
      %cond3A_317 = arith.constant 0 : i32
      %cond3A_318 = arith.cmpi ne, %convert_element_type3A_316, %cond3A_317 : i32
      scf.if %cond3A_318 {
        %sub3A_331 = arith.constant 2 : i32
        %sub3A_332 = arith.subi %add3A_88, %sub3A_331 : i32
        %mul3A_333 = arith.constant 1024 : i32
        %mul3A_334 = arith.muli %sub3A_332, %mul3A_333 : i32
        %add3A_335 = arith.addi %mul3A_2, %mul3A_334 : i32
        %dma_wait3A_336 = tpu.memref_slice %arg7[%add3A_335] : memref<1048576xf32, #tpu.memory_space<hbm>> -> memref<1024xf32, #tpu.memory_space<hbm>>
        %dma_wait3A_337 = tpu.memref_slice %arg7[%add3A_335] : memref<1048576xf32, #tpu.memory_space<hbm>> -> memref<1024xf32, #tpu.memory_space<hbm>>
        tpu.wait_dma2 semaphore(%arg26 : memref<!tpu.dma_semaphore, #tpu.memory_space<semaphore_mem>>) src(%arg21 : memref<1024xf32, #tpu.memory_space<vmem>>) dst(%dma_wait3A_337 : memref<1024xf32, #tpu.memory_space<hbm>>)
        %dma_wait3A_338 = tpu.memref_slice %arg8[%add3A_335] : memref<1048576xf32, #tpu.memory_space<hbm>> -> memref<1024xf32, #tpu.memory_space<hbm>>
        %dma_wait3A_339 = tpu.memref_slice %arg8[%add3A_335] : memref<1048576xf32, #tpu.memory_space<hbm>> -> memref<1024xf32, #tpu.memory_space<hbm>>
        tpu.wait_dma2 semaphore(%arg26 : memref<!tpu.dma_semaphore, #tpu.memory_space<semaphore_mem>>) src(%arg22 : memref<1024xf32, #tpu.memory_space<vmem>>) dst(%dma_wait3A_339 : memref<1024xf32, #tpu.memory_space<hbm>>)
      } else {
      }
      %scan3A_319 = arith.constant 0 : i32
      %scan3A_320 = arith.constant 32 : i32
      %scan3A_321 = arith.addi %scan3A_319, %scan3A_320 : i32
      %scan3A_322 = arith.constant 1 : i32
      scf.for %scan3A_331 = %scan3A_319 to %scan3A_321 step %scan3A_322  : i32 {
        %mul3A_332 = arith.constant 2 : i32
        %mul3A_333 = arith.muli %scan3A_331, %mul3A_332 : i32
        %add3A_334 = arith.constant 0 : i32
        %add3A_335 = arith.addi %add3A_334, %mul3A_333 : i32
        %mul3A_336 = arith.constant 16 : i32
        %mul3A_337 = arith.muli %add3A_335, %mul3A_336 : i32
        %get3A = arith.index_cast %mul3A_337 : i32 to index
        %get3A_338 = tpu.vector_load %arg14[%get3A] {strides = array<i32>} : memref<1024xf32, #tpu.memory_space<vmem>>, vector<16xf32>,
        %get3A_339 = arith.index_cast %mul3A_337 : i32 to index
        %get3A_340 = tpu.vector_load %arg17[%get3A_339] {strides = array<i32>} : memref<1024xf32, #tpu.memory_space<vmem>>, vector<16xf32>,
        %get3A_341 = arith.index_cast %mul3A_337 : i32 to index
        %get3A_342 = tpu.vector_load %arg18[%get3A_341] {strides = array<i32>} : memref<1024xf32, #tpu.memory_space<vmem>>, vector<16xf32>,
        %jit3A_343 = arith.constant 128 : i32
        %div3A_344 = arith.divsi %mul3A_337, %jit3A_343 : i32
        %sign3A_345 = arith.constant 0 : i32
        %sign3A_346 = arith.cmpi sgt, %mul3A_337, %sign3A_345 : i32
        %sign3A_347 = arith.extui %sign3A_346 : i1 to i32
        %sign3A_348 = arith.constant 0 : i32
        %sign3A_349 = arith.cmpi slt, %mul3A_337, %sign3A_348 : i32
        %sign3A_350 = arith.extui %sign3A_349 : i1 to i32
        %sign3A_351 = arith.subi %sign3A_347, %sign3A_350 : i32
        %sign3A_352 = arith.constant 0 : i32
        %sign3A_353 = arith.cmpi sgt, %jit3A_343, %sign3A_352 : i32
        %sign3A_354 = arith.extui %sign3A_353 : i1 to i32
        %sign3A_355 = arith.constant 0 : i32
        %sign3A_356 = arith.cmpi slt, %jit3A_343, %sign3A_355 : i32
        %sign3A_357 = arith.extui %sign3A_356 : i1 to i32
        %sign3A_358 = arith.subi %sign3A_354, %sign3A_357 : i32
        %ne3A_359 = arith.cmpi ne, %sign3A_351, %sign3A_358 : i32
        %rem3A_360 = arith.remsi %mul3A_337, %jit3A_343 : i32
        %ne3A_361 = arith.constant 0 : i32
        %ne3A_362 = arith.cmpi ne, %rem3A_360, %ne3A_361 : i32
        %and3A_363 = arith.andi %ne3A_359, %ne3A_362 : i1
        %sub3A_364 = arith.constant 1 : i32
        %sub3A_365 = arith.subi %div3A_344, %sub3A_364 : i32
        %select_n3A_366 = arith.select %and3A_363, %sub3A_365, %div3A_344 : i32
        %jit3A_367 = arith.constant 128 : i32
        %eq3A = arith.constant 0 : i32
        %eq3A_368 = arith.cmpi eq, %jit3A_367, %eq3A : i32
        %jit3A_369 = arith.constant 1 : i32
        %select_n3A_370 = arith.select %eq3A_368, %jit3A_369, %jit3A_367 : i32
        %rem3A_371 = arith.remsi %mul3A_337, %select_n3A_370 : i32
        %ne3A_372 = arith.constant 0 : i32
        %ne3A_373 = arith.cmpi ne, %rem3A_371, %ne3A_372 : i32
        %lt3A_374 = arith.constant 0 : i32
        %lt3A_375 = arith.cmpi slt, %rem3A_371, %lt3A_374 : i32
        %lt3A_376 = arith.constant 0 : i32
        %lt3A_377 = arith.cmpi slt, %select_n3A_370, %lt3A_376 : i32
        %ne3A_378 = arith.xori %lt3A_375, %lt3A_377 : i1
        %and3A_379 = arith.andi %ne3A_378, %ne3A_373 : i1
        %add3A_380 = arith.addi %rem3A_371, %select_n3A_370 : i32
        %select_n3A_381 = arith.select %and3A_379, %add3A_380, %rem3A_371 : i32
        %mul3A_382 = arith.constant 1024 : i32
        %mul3A_383 = arith.muli %select_n3A_366, %mul3A_382 : i32
        %add3A_384 = arith.addi %mul3A_383, %select_n3A_381 : i32
        %add3A_385 = arith.constant 0 : i32
        %add3A_386 = arith.addi %add3A_384, %add3A_385 : i32
        %get3A_387 = arith.index_cast %add3A_386 : i32 to index
        %get3A_388 = tpu.vector_load %arg15[%get3A_387] {strides = array<i32>} : memref<16384xf32, #tpu.memory_space<vmem>>, vector<16xf32>,
        %mul3A_389 = arith.constant 1024 : i32
        %mul3A_390 = arith.muli %select_n3A_366, %mul3A_389 : i32
        %add3A_391 = arith.addi %mul3A_390, %select_n3A_381 : i32
        %add3A_392 = arith.constant 128 : i32
        %add3A_393 = arith.addi %add3A_391, %add3A_392 : i32
        %get3A_394 = arith.index_cast %add3A_393 : i32 to index
        %get3A_395 = tpu.vector_load %arg15[%get3A_394] {strides = array<i32>} : memref<16384xf32, #tpu.memory_space<vmem>>, vector<16xf32>,
        %mul3A_396 = arith.constant 1024 : i32
        %mul3A_397 = arith.muli %select_n3A_366, %mul3A_396 : i32
        %add3A_398 = arith.addi %mul3A_397, %select_n3A_381 : i32
        %add3A_399 = arith.constant 256 : i32
        %add3A_400 = arith.addi %add3A_398, %add3A_399 : i32
        %get3A_401 = arith.index_cast %add3A_400 : i32 to index
        %get3A_402 = tpu.vector_load %arg15[%get3A_401] {strides = array<i32>} : memref<16384xf32, #tpu.memory_space<vmem>>, vector<16xf32>,
        %mul3A_403 = arith.constant 1024 : i32
        %mul3A_404 = arith.muli %select_n3A_366, %mul3A_403 : i32
        %add3A_405 = arith.addi %mul3A_404, %select_n3A_381 : i32
        %add3A_406 = arith.constant 384 : i32
        %add3A_407 = arith.addi %add3A_405, %add3A_406 : i32
        %get3A_408 = arith.index_cast %add3A_407 : i32 to index
        %get3A_409 = tpu.vector_load %arg15[%get3A_408] {strides = array<i32>} : memref<16384xf32, #tpu.memory_space<vmem>>, vector<16xf32>,
        %mul3A_410 = arith.constant 1024 : i32
        %mul3A_411 = arith.muli %select_n3A_366, %mul3A_410 : i32
        %add3A_412 = arith.addi %mul3A_411, %select_n3A_381 : i32
        %add3A_413 = arith.constant 512 : i32
        %add3A_414 = arith.addi %add3A_412, %add3A_413 : i32
        %get3A_415 = arith.index_cast %add3A_414 : i32 to index
        %get3A_416 = tpu.vector_load %arg15[%get3A_415] {strides = array<i32>} : memref<16384xf32, #tpu.memory_space<vmem>>, vector<16xf32>,
        %mul3A_417 = arith.constant 1024 : i32
        %mul3A_418 = arith.muli %select_n3A_366, %mul3A_417 : i32
        %add3A_419 = arith.addi %mul3A_418, %select_n3A_381 : i32
        %add3A_420 = arith.constant 640 : i32
        %add3A_421 = arith.addi %add3A_419, %add3A_420 : i32
        %get3A_422 = arith.index_cast %add3A_421 : i32 to index
        %get3A_423 = tpu.vector_load %arg15[%get3A_422] {strides = array<i32>} : memref<16384xf32, #tpu.memory_space<vmem>>, vector<16xf32>,
        %mul3A_424 = arith.constant 1024 : i32
        %mul3A_425 = arith.muli %select_n3A_366, %mul3A_424 : i32
        %add3A_426 = arith.addi %mul3A_425, %select_n3A_381 : i32
        %add3A_427 = arith.constant 768 : i32
        %add3A_428 = arith.addi %add3A_426, %add3A_427 : i32
        %get3A_429 = arith.index_cast %add3A_428 : i32 to index
        %get3A_430 = tpu.vector_load %arg15[%get3A_429] {strides = array<i32>} : memref<16384xf32, #tpu.memory_space<vmem>>, vector<16xf32>,
        %mul3A_431 = arith.constant 1024 : i32
        %mul3A_432 = arith.muli %select_n3A_366, %mul3A_431 : i32
        %add3A_433 = arith.addi %mul3A_432, %select_n3A_381 : i32
        %add3A_434 = arith.constant 896 : i32
        %add3A_435 = arith.addi %add3A_433, %add3A_434 : i32
        %get3A_436 = arith.index_cast %add3A_435 : i32 to index
        %get3A_437 = tpu.vector_load %arg15[%get3A_436] {strides = array<i32>} : memref<16384xf32, #tpu.memory_space<vmem>>, vector<16xf32>,
        %mul3A_438 = arith.constant 1024 : i32
        %mul3A_439 = arith.muli %select_n3A_366, %mul3A_438 : i32
        %add3A_440 = arith.addi %mul3A_439, %select_n3A_381 : i32
        %add3A_441 = arith.constant 8192 : i32
        %add3A_442 = arith.addi %add3A_440, %add3A_441 : i32
        %get3A_443 = arith.index_cast %add3A_442 : i32 to index
        %get3A_444 = tpu.vector_load %arg15[%get3A_443] {strides = array<i32>} : memref<16384xf32, #tpu.memory_space<vmem>>, vector<16xf32>,
        %mul3A_445 = arith.constant 1024 : i32
        %mul3A_446 = arith.muli %select_n3A_366, %mul3A_445 : i32
        %add3A_447 = arith.addi %mul3A_446, %select_n3A_381 : i32
        %add3A_448 = arith.constant 8320 : i32
        %add3A_449 = arith.addi %add3A_447, %add3A_448 : i32
        %get3A_450 = arith.index_cast %add3A_449 : i32 to index
        %get3A_451 = tpu.vector_load %arg15[%get3A_450] {strides = array<i32>} : memref<16384xf32, #tpu.memory_space<vmem>>, vector<16xf32>,
        %mul3A_452 = arith.constant 1024 : i32
        %mul3A_453 = arith.muli %select_n3A_366, %mul3A_452 : i32
        %add3A_454 = arith.addi %mul3A_453, %select_n3A_381 : i32
        %add3A_455 = arith.constant 8448 : i32
        %add3A_456 = arith.addi %add3A_454, %add3A_455 : i32
        %get3A_457 = arith.index_cast %add3A_456 : i32 to index
        %get3A_458 = tpu.vector_load %arg15[%get3A_457] {strides = array<i32>} : memref<16384xf32, #tpu.memory_space<vmem>>, vector<16xf32>,
        %mul3A_459 = arith.constant 1024 : i32
        %mul3A_460 = arith.muli %select_n3A_366, %mul3A_459 : i32
        %add3A_461 = arith.addi %mul3A_460, %select_n3A_381 : i32
        %add3A_462 = arith.constant 8576 : i32
        %add3A_463 = arith.addi %add3A_461, %add3A_462 : i32
        %get3A_464 = arith.index_cast %add3A_463 : i32 to index
        %get3A_465 = tpu.vector_load %arg15[%get3A_464] {strides = array<i32>} : memref<16384xf32, #tpu.memory_space<vmem>>, vector<16xf32>,
        %mul3A_466 = arith.constant 1024 : i32
        %mul3A_467 = arith.muli %select_n3A_366, %mul3A_466 : i32
        %add3A_468 = arith.addi %mul3A_467, %select_n3A_381 : i32
        %add3A_469 = arith.constant 8704 : i32
        %add3A_470 = arith.addi %add3A_468, %add3A_469 : i32
        %get3A_471 = arith.index_cast %add3A_470 : i32 to index
        %get3A_472 = tpu.vector_load %arg15[%get3A_471] {strides = array<i32>} : memref<16384xf32, #tpu.memory_space<vmem>>, vector<16xf32>,
        %mul3A_473 = arith.constant 1024 : i32
        %mul3A_474 = arith.muli %select_n3A_366, %mul3A_473 : i32
        %add3A_475 = arith.addi %mul3A_474, %select_n3A_381 : i32
        %add3A_476 = arith.constant 8832 : i32
        %add3A_477 = arith.addi %add3A_475, %add3A_476 : i32
        %get3A_478 = arith.index_cast %add3A_477 : i32 to index
        %get3A_479 = tpu.vector_load %arg15[%get3A_478] {strides = array<i32>} : memref<16384xf32, #tpu.memory_space<vmem>>, vector<16xf32>,
        %mul3A_480 = arith.constant 1024 : i32
        %mul3A_481 = arith.muli %select_n3A_366, %mul3A_480 : i32
        %add3A_482 = arith.addi %mul3A_481, %select_n3A_381 : i32
        %add3A_483 = arith.constant 8960 : i32
        %add3A_484 = arith.addi %add3A_482, %add3A_483 : i32
        %get3A_485 = arith.index_cast %add3A_484 : i32 to index
        %get3A_486 = tpu.vector_load %arg15[%get3A_485] {strides = array<i32>} : memref<16384xf32, #tpu.memory_space<vmem>>, vector<16xf32>,
        %mul3A_487 = arith.constant 1024 : i32
        %mul3A_488 = arith.muli %select_n3A_366, %mul3A_487 : i32
        %add3A_489 = arith.addi %mul3A_488, %select_n3A_381 : i32
        %add3A_490 = arith.constant 9088 : i32
        %add3A_491 = arith.addi %add3A_489, %add3A_490 : i32
        %get3A_492 = arith.index_cast %add3A_491 : i32 to index
        %get3A_493 = tpu.vector_load %arg15[%get3A_492] {strides = array<i32>} : memref<16384xf32, #tpu.memory_space<vmem>>, vector<16xf32>,
        %mul3A_494 = arith.constant 1024 : i32
        %mul3A_495 = arith.muli %select_n3A_366, %mul3A_494 : i32
        %add3A_496 = arith.addi %mul3A_495, %select_n3A_381 : i32
        %add3A_497 = arith.constant 0 : i32
        %add3A_498 = arith.addi %add3A_496, %add3A_497 : i32
        %get3A_499 = arith.index_cast %add3A_498 : i32 to index
        %get3A_500 = tpu.vector_load %arg16[%get3A_499] {strides = array<i32>} : memref<16384xf32, #tpu.memory_space<vmem>>, vector<16xf32>,
        %mul3A_501 = arith.constant 1024 : i32
        %mul3A_502 = arith.muli %select_n3A_366, %mul3A_501 : i32
        %add3A_503 = arith.addi %mul3A_502, %select_n3A_381 : i32
        %add3A_504 = arith.constant 128 : i32
        %add3A_505 = arith.addi %add3A_503, %add3A_504 : i32
        %get3A_506 = arith.index_cast %add3A_505 : i32 to index
        %get3A_507 = tpu.vector_load %arg16[%get3A_506] {strides = array<i32>} : memref<16384xf32, #tpu.memory_space<vmem>>, vector<16xf32>,
        %mul3A_508 = arith.constant 1024 : i32
        %mul3A_509 = arith.muli %select_n3A_366, %mul3A_508 : i32
        %add3A_510 = arith.addi %mul3A_509, %select_n3A_381 : i32
        %add3A_511 = arith.constant 256 : i32
        %add3A_512 = arith.addi %add3A_510, %add3A_511 : i32
        %get3A_513 = arith.index_cast %add3A_512 : i32 to index
        %get3A_514 = tpu.vector_load %arg16[%get3A_513] {strides = array<i32>} : memref<16384xf32, #tpu.memory_space<vmem>>, vector<16xf32>,
        %mul3A_515 = arith.constant 1024 : i32
        %mul3A_516 = arith.muli %select_n3A_366, %mul3A_515 : i32
        %add3A_517 = arith.addi %mul3A_516, %select_n3A_381 : i32
        %add3A_518 = arith.constant 384 : i32
        %add3A_519 = arith.addi %add3A_517, %add3A_518 : i32
        %get3A_520 = arith.index_cast %add3A_519 : i32 to index
        %get3A_521 = tpu.vector_load %arg16[%get3A_520] {strides = array<i32>} : memref<16384xf32, #tpu.memory_space<vmem>>, vector<16xf32>,
        %mul3A_522 = arith.constant 1024 : i32
        %mul3A_523 = arith.muli %select_n3A_366, %mul3A_522 : i32
        %add3A_524 = arith.addi %mul3A_523, %select_n3A_381 : i32
        %add3A_525 = arith.constant 512 : i32
        %add3A_526 = arith.addi %add3A_524, %add3A_525 : i32
        %get3A_527 = arith.index_cast %add3A_526 : i32 to index
        %get3A_528 = tpu.vector_load %arg16[%get3A_527] {strides = array<i32>} : memref<16384xf32, #tpu.memory_space<vmem>>, vector<16xf32>,
        %mul3A_529 = arith.constant 1024 : i32
        %mul3A_530 = arith.muli %select_n3A_366, %mul3A_529 : i32
        %add3A_531 = arith.addi %mul3A_530, %select_n3A_381 : i32
        %add3A_532 = arith.constant 640 : i32
        %add3A_533 = arith.addi %add3A_531, %add3A_532 : i32
        %get3A_534 = arith.index_cast %add3A_533 : i32 to index
        %get3A_535 = tpu.vector_load %arg16[%get3A_534] {strides = array<i32>} : memref<16384xf32, #tpu.memory_space<vmem>>, vector<16xf32>,
        %mul3A_536 = arith.constant 1024 : i32
        %mul3A_537 = arith.muli %select_n3A_366, %mul3A_536 : i32
        %add3A_538 = arith.addi %mul3A_537, %select_n3A_381 : i32
        %add3A_539 = arith.constant 768 : i32
        %add3A_540 = arith.addi %add3A_538, %add3A_539 : i32
        %get3A_541 = arith.index_cast %add3A_540 : i32 to index
        %get3A_542 = tpu.vector_load %arg16[%get3A_541] {strides = array<i32>} : memref<16384xf32, #tpu.memory_space<vmem>>, vector<16xf32>,
        %mul3A_543 = arith.constant 1024 : i32
        %mul3A_544 = arith.muli %select_n3A_366, %mul3A_543 : i32
        %add3A_545 = arith.addi %mul3A_544, %select_n3A_381 : i32
        %add3A_546 = arith.constant 896 : i32
        %add3A_547 = arith.addi %add3A_545, %add3A_546 : i32
        %get3A_548 = arith.index_cast %add3A_547 : i32 to index
        %get3A_549 = tpu.vector_load %arg16[%get3A_548] {strides = array<i32>} : memref<16384xf32, #tpu.memory_space<vmem>>, vector<16xf32>,
        %mul3A_550 = arith.constant 1024 : i32
        %mul3A_551 = arith.muli %select_n3A_366, %mul3A_550 : i32
        %add3A_552 = arith.addi %mul3A_551, %select_n3A_381 : i32
        %add3A_553 = arith.constant 8192 : i32
        %add3A_554 = arith.addi %add3A_552, %add3A_553 : i32
        %get3A_555 = arith.index_cast %add3A_554 : i32 to index
        %get3A_556 = tpu.vector_load %arg16[%get3A_555] {strides = array<i32>} : memref<16384xf32, #tpu.memory_space<vmem>>, vector<16xf32>,
        %mul3A_557 = arith.constant 1024 : i32
        %mul3A_558 = arith.muli %select_n3A_366, %mul3A_557 : i32
        %add3A_559 = arith.addi %mul3A_558, %select_n3A_381 : i32
        %add3A_560 = arith.constant 8320 : i32
        %add3A_561 = arith.addi %add3A_559, %add3A_560 : i32
        %get3A_562 = arith.index_cast %add3A_561 : i32 to index
        %get3A_563 = tpu.vector_load %arg16[%get3A_562] {strides = array<i32>} : memref<16384xf32, #tpu.memory_space<vmem>>, vector<16xf32>,
        %mul3A_564 = arith.constant 1024 : i32
        %mul3A_565 = arith.muli %select_n3A_366, %mul3A_564 : i32
        %add3A_566 = arith.addi %mul3A_565, %select_n3A_381 : i32
        %add3A_567 = arith.constant 8448 : i32
        %add3A_568 = arith.addi %add3A_566, %add3A_567 : i32
        %get3A_569 = arith.index_cast %add3A_568 : i32 to index
        %get3A_570 = tpu.vector_load %arg16[%get3A_569] {strides = array<i32>} : memref<16384xf32, #tpu.memory_space<vmem>>, vector<16xf32>,
        %mul3A_571 = arith.constant 1024 : i32
        %mul3A_572 = arith.muli %select_n3A_366, %mul3A_571 : i32
        %add3A_573 = arith.addi %mul3A_572, %select_n3A_381 : i32
        %add3A_574 = arith.constant 8576 : i32
        %add3A_575 = arith.addi %add3A_573, %add3A_574 : i32
        %get3A_576 = arith.index_cast %add3A_575 : i32 to index
        %get3A_577 = tpu.vector_load %arg16[%get3A_576] {strides = array<i32>} : memref<16384xf32, #tpu.memory_space<vmem>>, vector<16xf32>,
        %mul3A_578 = arith.constant 1024 : i32
        %mul3A_579 = arith.muli %select_n3A_366, %mul3A_578 : i32
        %add3A_580 = arith.addi %mul3A_579, %select_n3A_381 : i32
        %add3A_581 = arith.constant 8704 : i32
        %add3A_582 = arith.addi %add3A_580, %add3A_581 : i32
        %get3A_583 = arith.index_cast %add3A_582 : i32 to index
        %get3A_584 = tpu.vector_load %arg16[%get3A_583] {strides = array<i32>} : memref<16384xf32, #tpu.memory_space<vmem>>, vector<16xf32>,
        %mul3A_585 = arith.constant 1024 : i32
        %mul3A_586 = arith.muli %select_n3A_366, %mul3A_585 : i32
        %add3A_587 = arith.addi %mul3A_586, %select_n3A_381 : i32
        %add3A_588 = arith.constant 8832 : i32
        %add3A_589 = arith.addi %add3A_587, %add3A_588 : i32
        %get3A_590 = arith.index_cast %add3A_589 : i32 to index
        %get3A_591 = tpu.vector_load %arg16[%get3A_590] {strides = array<i32>} : memref<16384xf32, #tpu.memory_space<vmem>>, vector<16xf32>,
        %mul3A_592 = arith.constant 1024 : i32
        %mul3A_593 = arith.muli %select_n3A_366, %mul3A_592 : i32
        %add3A_594 = arith.addi %mul3A_593, %select_n3A_381 : i32
        %add3A_595 = arith.constant 8960 : i32
        %add3A_596 = arith.addi %add3A_594, %add3A_595 : i32
        %get3A_597 = arith.index_cast %add3A_596 : i32 to index
        %get3A_598 = tpu.vector_load %arg16[%get3A_597] {strides = array<i32>} : memref<16384xf32, #tpu.memory_space<vmem>>, vector<16xf32>,
        %mul3A_599 = arith.constant 1024 : i32
        %mul3A_600 = arith.muli %select_n3A_366, %mul3A_599 : i32
        %add3A_601 = arith.addi %mul3A_600, %select_n3A_381 : i32
        %add3A_602 = arith.constant 9088 : i32
        %add3A_603 = arith.addi %add3A_601, %add3A_602 : i32
        %get3A_604 = arith.index_cast %add3A_603 : i32 to index
        %get3A_605 = tpu.vector_load %arg16[%get3A_604] {strides = array<i32>} : memref<16384xf32, #tpu.memory_space<vmem>>, vector<16xf32>,
        %exp3A = math.exp %get3A_388 : vector<16xf32>
        %exp3A_606 = math.exp %get3A_395 : vector<16xf32>
        %exp3A_607 = math.exp %get3A_402 : vector<16xf32>
        %exp3A_608 = math.exp %get3A_409 : vector<16xf32>
        %exp3A_609 = math.exp %get3A_416 : vector<16xf32>
        %exp3A_610 = math.exp %get3A_423 : vector<16xf32>
        %exp3A_611 = math.exp %get3A_430 : vector<16xf32>
        %exp3A_612 = math.exp %get3A_437 : vector<16xf32>
        %exp3A_613 = math.exp %get3A_444 : vector<16xf32>
        %exp3A_614 = math.exp %get3A_451 : vector<16xf32>
        %exp3A_615 = math.exp %get3A_458 : vector<16xf32>
        %exp3A_616 = math.exp %get3A_465 : vector<16xf32>
        %exp3A_617 = math.exp %get3A_472 : vector<16xf32>
        %exp3A_618 = math.exp %get3A_479 : vector<16xf32>
        %exp3A_619 = math.exp %get3A_486 : vector<16xf32>
        %exp3A_620 = math.exp %get3A_493 : vector<16xf32>
        %exp3A_621 = math.exp %get3A_500 : vector<16xf32>
        %exp3A_622 = math.exp %get3A_507 : vector<16xf32>
        %exp3A_623 = math.exp %get3A_514 : vector<16xf32>
        %exp3A_624 = math.exp %get3A_521 : vector<16xf32>
        %exp3A_625 = math.exp %get3A_528 : vector<16xf32>
        %exp3A_626 = math.exp %get3A_535 : vector<16xf32>
        %exp3A_627 = math.exp %get3A_542 : vector<16xf32>
        %exp3A_628 = math.exp %get3A_549 : vector<16xf32>
        %exp3A_629 = math.exp %get3A_556 : vector<16xf32>
        %exp3A_630 = math.exp %get3A_563 : vector<16xf32>
        %exp3A_631 = math.exp %get3A_570 : vector<16xf32>
        %exp3A_632 = math.exp %get3A_577 : vector<16xf32>
        %exp3A_633 = math.exp %get3A_584 : vector<16xf32>
        %exp3A_634 = math.exp %get3A_591 : vector<16xf32>
        %exp3A_635 = math.exp %get3A_598 : vector<16xf32>
        %exp3A_636 = math.exp %get3A_605 : vector<16xf32>
        %add3A_637 = arith.addf %exp3A, %exp3A_606 : vector<16xf32>
        %add3A_638 = arith.addf %exp3A_607, %exp3A_608 : vector<16xf32>
        %add3A_639 = arith.addf %exp3A_609, %exp3A_610 : vector<16xf32>
        %add3A_640 = arith.addf %exp3A_611, %exp3A_612 : vector<16xf32>
        %add3A_641 = arith.addf %exp3A_613, %exp3A_614 : vector<16xf32>
        %add3A_642 = arith.addf %exp3A_615, %exp3A_616 : vector<16xf32>
        %add3A_643 = arith.addf %exp3A_617, %exp3A_618 : vector<16xf32>
        %add3A_644 = arith.addf %exp3A_619, %exp3A_620 : vector<16xf32>
        %add3A_645 = arith.addf %add3A_637, %add3A_638 : vector<16xf32>
        %add3A_646 = arith.addf %add3A_639, %add3A_640 : vector<16xf32>
        %add3A_647 = arith.addf %add3A_641, %add3A_642 : vector<16xf32>
        %add3A_648 = arith.addf %add3A_643, %add3A_644 : vector<16xf32>
        %add3A_649 = arith.addf %add3A_645, %add3A_646 : vector<16xf32>
        %add3A_650 = arith.addf %add3A_647, %add3A_648 : vector<16xf32>
        %add3A_651 = arith.addf %add3A_649, %add3A_650 : vector<16xf32>
        %div3A_652 = vector.broadcast %scan3A : f32 to vector<16xf32>
        %div3A_653 = arith.divf %div3A_652, %add3A_651 : vector<16xf32>
        %add3A_654 = arith.addf %exp3A_621, %exp3A_622 : vector<16xf32>
        %add3A_655 = arith.addf %exp3A_623, %exp3A_624 : vector<16xf32>
        %add3A_656 = arith.addf %exp3A_625, %exp3A_626 : vector<16xf32>
        %add3A_657 = arith.addf %exp3A_627, %exp3A_628 : vector<16xf32>
        %add3A_658 = arith.addf %exp3A_629, %exp3A_630 : vector<16xf32>
        %add3A_659 = arith.addf %exp3A_631, %exp3A_632 : vector<16xf32>
        %add3A_660 = arith.addf %exp3A_633, %exp3A_634 : vector<16xf32>
        %add3A_661 = arith.addf %exp3A_635, %exp3A_636 : vector<16xf32>
        %add3A_662 = arith.addf %add3A_654, %add3A_655 : vector<16xf32>
        %add3A_663 = arith.addf %add3A_656, %add3A_657 : vector<16xf32>
        %add3A_664 = arith.addf %add3A_658, %add3A_659 : vector<16xf32>
        %add3A_665 = arith.addf %add3A_660, %add3A_661 : vector<16xf32>
        %add3A_666 = arith.addf %add3A_662, %add3A_663 : vector<16xf32>
        %add3A_667 = arith.addf %add3A_664, %add3A_665 : vector<16xf32>
        %add3A_668 = arith.addf %add3A_666, %add3A_667 : vector<16xf32>
        %div3A_669 = vector.broadcast %scan3A_62 : f32 to vector<16xf32>
        %div3A_670 = arith.divf %div3A_669, %add3A_668 : vector<16xf32>
        %add3A_671 = arith.addf %exp3A, %exp3A_606 : vector<16xf32>
        %add3A_672 = arith.addf %exp3A_621, %exp3A_622 : vector<16xf32>
        %add3A_673 = arith.addf %add3A_671, %exp3A_607 : vector<16xf32>
        %add3A_674 = arith.addf %add3A_672, %exp3A_623 : vector<16xf32>
        %add3A_675 = arith.addf %add3A_673, %exp3A_608 : vector<16xf32>
        %add3A_676 = arith.addf %add3A_674, %exp3A_624 : vector<16xf32>
        %add3A_677 = arith.addf %add3A_675, %exp3A_609 : vector<16xf32>
        %add3A_678 = arith.addf %add3A_676, %exp3A_625 : vector<16xf32>
        %add3A_679 = arith.addf %add3A_677, %exp3A_610 : vector<16xf32>
        %add3A_680 = arith.addf %add3A_678, %exp3A_626 : vector<16xf32>
        %add3A_681 = arith.addf %add3A_679, %exp3A_611 : vector<16xf32>
        %add3A_682 = arith.addf %add3A_680, %exp3A_627 : vector<16xf32>
        %add3A_683 = arith.addf %add3A_681, %exp3A_612 : vector<16xf32>
        %add3A_684 = arith.addf %add3A_682, %exp3A_628 : vector<16xf32>
        %add3A_685 = arith.addf %add3A_683, %exp3A_613 : vector<16xf32>
        %add3A_686 = arith.addf %add3A_684, %exp3A_629 : vector<16xf32>
        %add3A_687 = arith.addf %add3A_685, %exp3A_614 : vector<16xf32>
        %add3A_688 = arith.addf %add3A_686, %exp3A_630 : vector<16xf32>
        %add3A_689 = arith.addf %add3A_687, %exp3A_615 : vector<16xf32>
        %add3A_690 = arith.addf %add3A_688, %exp3A_631 : vector<16xf32>
        %add3A_691 = arith.addf %add3A_689, %exp3A_616 : vector<16xf32>
        %add3A_692 = arith.addf %add3A_690, %exp3A_632 : vector<16xf32>
        %add3A_693 = arith.addf %add3A_691, %exp3A_617 : vector<16xf32>
        %add3A_694 = arith.addf %add3A_692, %exp3A_633 : vector<16xf32>
        %add3A_695 = arith.addf %add3A_693, %exp3A_618 : vector<16xf32>
        %add3A_696 = arith.addf %add3A_694, %exp3A_634 : vector<16xf32>
        %add3A_697 = arith.addf %add3A_695, %exp3A_619 : vector<16xf32>
        %add3A_698 = arith.addf %add3A_696, %exp3A_635 : vector<16xf32>
        %add3A_699 = arith.addf %add3A_697, %exp3A_620 : vector<16xf32>
        %add3A_700 = arith.addf %add3A_698, %exp3A_636 : vector<16xf32>
        %mul3A_701 = arith.mulf %div3A_653, %exp3A : vector<16xf32>
        %add3A_702 = arith.constant 1.000000e-03 : f32
        %add3A_703 = vector.broadcast %add3A_702 : f32 to vector<16xf32>
        %add3A_704 = arith.addf %mul3A_701, %add3A_703 : vector<16xf32>
        %mul3A_705 = arith.mulf %div3A_653, %add3A_671 : vector<16xf32>
        %add3A_706 = arith.constant 2.000000e-03 : f32
        %add3A_707 = vector.broadcast %add3A_706 : f32 to vector<16xf32>
        %add3A_708 = arith.addf %mul3A_705, %add3A_707 : vector<16xf32>
        %mul3A_709 = arith.mulf %div3A_653, %add3A_673 : vector<16xf32>
        %add3A_710 = arith.constant 3.000000e-03 : f32
        %add3A_711 = vector.broadcast %add3A_710 : f32 to vector<16xf32>
        %add3A_712 = arith.addf %mul3A_709, %add3A_711 : vector<16xf32>
        %mul3A_713 = arith.mulf %div3A_653, %add3A_675 : vector<16xf32>
        %add3A_714 = arith.constant 4.000000e-03 : f32
        %add3A_715 = vector.broadcast %add3A_714 : f32 to vector<16xf32>
        %add3A_716 = arith.addf %mul3A_713, %add3A_715 : vector<16xf32>
        %mul3A_717 = arith.mulf %div3A_653, %add3A_677 : vector<16xf32>
        %add3A_718 = arith.constant 5.000000e-03 : f32
        %add3A_719 = vector.broadcast %add3A_718 : f32 to vector<16xf32>
        %add3A_720 = arith.addf %mul3A_717, %add3A_719 : vector<16xf32>
        %mul3A_721 = arith.mulf %div3A_653, %add3A_679 : vector<16xf32>
        %add3A_722 = arith.constant 6.000000e-03 : f32
        %add3A_723 = vector.broadcast %add3A_722 : f32 to vector<16xf32>
        %add3A_724 = arith.addf %mul3A_721, %add3A_723 : vector<16xf32>
        %mul3A_725 = arith.mulf %div3A_653, %add3A_681 : vector<16xf32>
        %add3A_726 = arith.constant 7.000000e-03 : f32
        %add3A_727 = vector.broadcast %add3A_726 : f32 to vector<16xf32>
        %add3A_728 = arith.addf %mul3A_725, %add3A_727 : vector<16xf32>
        %mul3A_729 = arith.mulf %div3A_653, %add3A_683 : vector<16xf32>
        %add3A_730 = arith.constant 8.000000e-03 : f32
        %add3A_731 = vector.broadcast %add3A_730 : f32 to vector<16xf32>
        %add3A_732 = arith.addf %mul3A_729, %add3A_731 : vector<16xf32>
        %mul3A_733 = arith.mulf %div3A_653, %add3A_685 : vector<16xf32>
        %add3A_734 = arith.constant 0.00899999961 : f32
        %add3A_735 = vector.broadcast %add3A_734 : f32 to vector<16xf32>
        %add3A_736 = arith.addf %mul3A_733, %add3A_735 : vector<16xf32>
        %mul3A_737 = arith.mulf %div3A_653, %add3A_687 : vector<16xf32>
        %add3A_738 = arith.constant 0.00999999977 : f32
        %add3A_739 = vector.broadcast %add3A_738 : f32 to vector<16xf32>
        %add3A_740 = arith.addf %mul3A_737, %add3A_739 : vector<16xf32>
        %mul3A_741 = arith.mulf %div3A_653, %add3A_689 : vector<16xf32>
        %add3A_742 = arith.constant 1.100000e-02 : f32
        %add3A_743 = vector.broadcast %add3A_742 : f32 to vector<16xf32>
        %add3A_744 = arith.addf %mul3A_741, %add3A_743 : vector<16xf32>
        %mul3A_745 = arith.mulf %div3A_653, %add3A_691 : vector<16xf32>
        %add3A_746 = arith.constant 1.200000e-02 : f32
        %add3A_747 = vector.broadcast %add3A_746 : f32 to vector<16xf32>
        %add3A_748 = arith.addf %mul3A_745, %add3A_747 : vector<16xf32>
        %mul3A_749 = arith.mulf %div3A_653, %add3A_693 : vector<16xf32>
        %add3A_750 = arith.constant 1.300000e-02 : f32
        %add3A_751 = vector.broadcast %add3A_750 : f32 to vector<16xf32>
        %add3A_752 = arith.addf %mul3A_749, %add3A_751 : vector<16xf32>
        %mul3A_753 = arith.mulf %div3A_653, %add3A_695 : vector<16xf32>
        %add3A_754 = arith.constant 1.400000e-02 : f32
        %add3A_755 = vector.broadcast %add3A_754 : f32 to vector<16xf32>
        %add3A_756 = arith.addf %mul3A_753, %add3A_755 : vector<16xf32>
        %mul3A_757 = arith.mulf %div3A_653, %add3A_697 : vector<16xf32>
        %add3A_758 = arith.constant 1.500000e-02 : f32
        %add3A_759 = vector.broadcast %add3A_758 : f32 to vector<16xf32>
        %add3A_760 = arith.addf %mul3A_757, %add3A_759 : vector<16xf32>
        %mul3A_761 = arith.mulf %div3A_653, %add3A_699 : vector<16xf32>
        %add3A_762 = arith.constant 1.600000e-02 : f32
        %add3A_763 = vector.broadcast %add3A_762 : f32 to vector<16xf32>
        %add3A_764 = arith.addf %mul3A_761, %add3A_763 : vector<16xf32>
        %mul3A_765 = arith.mulf %div3A_670, %exp3A_621 : vector<16xf32>
        %add3A_766 = arith.constant 1.000000e-03 : f32
        %add3A_767 = vector.broadcast %add3A_766 : f32 to vector<16xf32>
        %add3A_768 = arith.addf %mul3A_765, %add3A_767 : vector<16xf32>
        %mul3A_769 = arith.mulf %div3A_670, %add3A_672 : vector<16xf32>
        %add3A_770 = arith.constant 2.000000e-03 : f32
        %add3A_771 = vector.broadcast %add3A_770 : f32 to vector<16xf32>
        %add3A_772 = arith.addf %mul3A_769, %add3A_771 : vector<16xf32>
        %mul3A_773 = arith.mulf %div3A_670, %add3A_674 : vector<16xf32>
        %add3A_774 = arith.constant 3.000000e-03 : f32
        %add3A_775 = vector.broadcast %add3A_774 : f32 to vector<16xf32>
        %add3A_776 = arith.addf %mul3A_773, %add3A_775 : vector<16xf32>
        %mul3A_777 = arith.mulf %div3A_670, %add3A_676 : vector<16xf32>
        %add3A_778 = arith.constant 4.000000e-03 : f32
        %add3A_779 = vector.broadcast %add3A_778 : f32 to vector<16xf32>
        %add3A_780 = arith.addf %mul3A_777, %add3A_779 : vector<16xf32>
        %mul3A_781 = arith.mulf %div3A_670, %add3A_678 : vector<16xf32>
        %add3A_782 = arith.constant 5.000000e-03 : f32
        %add3A_783 = vector.broadcast %add3A_782 : f32 to vector<16xf32>
        %add3A_784 = arith.addf %mul3A_781, %add3A_783 : vector<16xf32>
        %mul3A_785 = arith.mulf %div3A_670, %add3A_680 : vector<16xf32>
        %add3A_786 = arith.constant 6.000000e-03 : f32
        %add3A_787 = vector.broadcast %add3A_786 : f32 to vector<16xf32>
        %add3A_788 = arith.addf %mul3A_785, %add3A_787 : vector<16xf32>
        %mul3A_789 = arith.mulf %div3A_670, %add3A_682 : vector<16xf32>
        %add3A_790 = arith.constant 7.000000e-03 : f32
        %add3A_791 = vector.broadcast %add3A_790 : f32 to vector<16xf32>
        %add3A_792 = arith.addf %mul3A_789, %add3A_791 : vector<16xf32>
        %mul3A_793 = arith.mulf %div3A_670, %add3A_684 : vector<16xf32>
        %add3A_794 = arith.constant 8.000000e-03 : f32
        %add3A_795 = vector.broadcast %add3A_794 : f32 to vector<16xf32>
        %add3A_796 = arith.addf %mul3A_793, %add3A_795 : vector<16xf32>
        %mul3A_797 = arith.mulf %div3A_670, %add3A_686 : vector<16xf32>
        %add3A_798 = arith.constant 0.00899999961 : f32
        %add3A_799 = vector.broadcast %add3A_798 : f32 to vector<16xf32>
        %add3A_800 = arith.addf %mul3A_797, %add3A_799 : vector<16xf32>
        %mul3A_801 = arith.mulf %div3A_670, %add3A_688 : vector<16xf32>
        %add3A_802 = arith.constant 0.00999999977 : f32
        %add3A_803 = vector.broadcast %add3A_802 : f32 to vector<16xf32>
        %add3A_804 = arith.addf %mul3A_801, %add3A_803 : vector<16xf32>
        %mul3A_805 = arith.mulf %div3A_670, %add3A_690 : vector<16xf32>
        %add3A_806 = arith.constant 1.100000e-02 : f32
        %add3A_807 = vector.broadcast %add3A_806 : f32 to vector<16xf32>
        %add3A_808 = arith.addf %mul3A_805, %add3A_807 : vector<16xf32>
        %mul3A_809 = arith.mulf %div3A_670, %add3A_692 : vector<16xf32>
        %add3A_810 = arith.constant 1.200000e-02 : f32
        %add3A_811 = vector.broadcast %add3A_810 : f32 to vector<16xf32>
        %add3A_812 = arith.addf %mul3A_809, %add3A_811 : vector<16xf32>
        %mul3A_813 = arith.mulf %div3A_670, %add3A_694 : vector<16xf32>
        %add3A_814 = arith.constant 1.300000e-02 : f32
        %add3A_815 = vector.broadcast %add3A_814 : f32 to vector<16xf32>
        %add3A_816 = arith.addf %mul3A_813, %add3A_815 : vector<16xf32>
        %mul3A_817 = arith.mulf %div3A_670, %add3A_696 : vector<16xf32>
        %add3A_818 = arith.constant 1.400000e-02 : f32
        %add3A_819 = vector.broadcast %add3A_818 : f32 to vector<16xf32>
        %add3A_820 = arith.addf %mul3A_817, %add3A_819 : vector<16xf32>
        %mul3A_821 = arith.mulf %div3A_670, %add3A_698 : vector<16xf32>
        %add3A_822 = arith.constant 1.500000e-02 : f32
        %add3A_823 = vector.broadcast %add3A_822 : f32 to vector<16xf32>
        %add3A_824 = arith.addf %mul3A_821, %add3A_823 : vector<16xf32>
        %mul3A_825 = arith.mulf %div3A_670, %add3A_700 : vector<16xf32>
        %add3A_826 = arith.constant 1.600000e-02 : f32
        %add3A_827 = vector.broadcast %add3A_826 : f32 to vector<16xf32>
        %add3A_828 = arith.addf %mul3A_825, %add3A_827 : vector<16xf32>
        %broadcast_in_dim3A = arith.constant 0.000000e+00 : f32
        %broadcast_in_dim3A_829 = vector.broadcast %broadcast_in_dim3A : f32 to vector<16xf32>
        %swap3A = arith.constant 0 : index
        %swap3A_830 = tpu.vector_load %arg27[%swap3A] {strides = array<i32>} : memref<256xf32, #tpu.memory_space<vmem>>, vector<16xf32>,
        tpu.vector_store %arg27[%swap3A], %exp3A {strides = array<i32>} : memref<256xf32, #tpu.memory_space<vmem>>, vector<16xf32>,
        %swap3A_831 = arith.constant 0 : index
        %swap3A_832 = tpu.vector_load %arg28[%swap3A_831] {strides = array<i32>} : memref<256xf32, #tpu.memory_space<vmem>>, vector<16xf32>,
        tpu.vector_store %arg28[%swap3A_831], %exp3A_621 {strides = array<i32>} : memref<256xf32, #tpu.memory_space<vmem>>, vector<16xf32>,
        %swap3A_833 = arith.constant 0 : index
        %swap3A_834 = tpu.vector_load %arg29[%swap3A_833] {strides = array<i32>} : memref<256xf32, #tpu.memory_space<vmem>>, vector<16xf32>,
        tpu.vector_store %arg29[%swap3A_833], %broadcast_in_dim3A_829 {strides = array<i32>} : memref<256xf32, #tpu.memory_space<vmem>>, vector<16xf32>,
        %swap3A_835 = arith.constant 0 : index
        %swap3A_836 = tpu.vector_load %arg30[%swap3A_835] {strides = array<i32>} : memref<256xf32, #tpu.memory_space<vmem>>, vector<16xf32>,
        tpu.vector_store %arg30[%swap3A_835], %broadcast_in_dim3A_829 {strides = array<i32>} : memref<256xf32, #tpu.memory_space<vmem>>, vector<16xf32>,
        %swap3A_837 = arith.constant 16 : index
        %swap3A_838 = tpu.vector_load %arg27[%swap3A_837] {strides = array<i32>} : memref<256xf32, #tpu.memory_space<vmem>>, vector<16xf32>,
        tpu.vector_store %arg27[%swap3A_837], %exp3A_606 {strides = array<i32>} : memref<256xf32, #tpu.memory_space<vmem>>, vector<16xf32>,
        %swap3A_839 = arith.constant 16 : index
        %swap3A_840 = tpu.vector_load %arg28[%swap3A_839] {strides = array<i32>} : memref<256xf32, #tpu.memory_space<vmem>>, vector<16xf32>,
        tpu.vector_store %arg28[%swap3A_839], %exp3A_622 {strides = array<i32>} : memref<256xf32, #tpu.memory_space<vmem>>, vector<16xf32>,
        %swap3A_841 = arith.constant 16 : index
        %swap3A_842 = tpu.vector_load %arg29[%swap3A_841] {strides = array<i32>} : memref<256xf32, #tpu.memory_space<vmem>>, vector<16xf32>,
        tpu.vector_store %arg29[%swap3A_841], %add3A_704 {strides = array<i32>} : memref<256xf32, #tpu.memory_space<vmem>>, vector<16xf32>,
        %swap3A_843 = arith.constant 16 : index
        %swap3A_844 = tpu.vector_load %arg30[%swap3A_843] {strides = array<i32>} : memref<256xf32, #tpu.memory_space<vmem>>, vector<16xf32>,
        tpu.vector_store %arg30[%swap3A_843], %add3A_768 {strides = array<i32>} : memref<256xf32, #tpu.memory_space<vmem>>, vector<16xf32>,
        %swap3A_845 = arith.constant 32 : index
        %swap3A_846 = tpu.vector_load %arg27[%swap3A_845] {strides = array<i32>} : memref<256xf32, #tpu.memory_space<vmem>>, vector<16xf32>,
        tpu.vector_store %arg27[%swap3A_845], %exp3A_607 {strides = array<i32>} : memref<256xf32, #tpu.memory_space<vmem>>, vector<16xf32>,
        %swap3A_847 = arith.constant 32 : index
        %swap3A_848 = tpu.vector_load %arg28[%swap3A_847] {strides = array<i32>} : memref<256xf32, #tpu.memory_space<vmem>>, vector<16xf32>,
        tpu.vector_store %arg28[%swap3A_847], %exp3A_623 {strides = array<i32>} : memref<256xf32, #tpu.memory_space<vmem>>, vector<16xf32>,
        %swap3A_849 = arith.constant 32 : index
        %swap3A_850 = tpu.vector_load %arg29[%swap3A_849] {strides = array<i32>} : memref<256xf32, #tpu.memory_space<vmem>>, vector<16xf32>,
        tpu.vector_store %arg29[%swap3A_849], %add3A_708 {strides = array<i32>} : memref<256xf32, #tpu.memory_space<vmem>>, vector<16xf32>,
        %swap3A_851 = arith.constant 32 : index
        %swap3A_852 = tpu.vector_load %arg30[%swap3A_851] {strides = array<i32>} : memref<256xf32, #tpu.memory_space<vmem>>, vector<16xf32>,
        tpu.vector_store %arg30[%swap3A_851], %add3A_772 {strides = array<i32>} : memref<256xf32, #tpu.memory_space<vmem>>, vector<16xf32>,
        %swap3A_853 = arith.constant 48 : index
        %swap3A_854 = tpu.vector_load %arg27[%swap3A_853] {strides = array<i32>} : memref<256xf32, #tpu.memory_space<vmem>>, vector<16xf32>,
        tpu.vector_store %arg27[%swap3A_853], %exp3A_608 {strides = array<i32>} : memref<256xf32, #tpu.memory_space<vmem>>, vector<16xf32>,
        %swap3A_855 = arith.constant 48 : index
        %swap3A_856 = tpu.vector_load %arg28[%swap3A_855] {strides = array<i32>} : memref<256xf32, #tpu.memory_space<vmem>>, vector<16xf32>,
        tpu.vector_store %arg28[%swap3A_855], %exp3A_624 {strides = array<i32>} : memref<256xf32, #tpu.memory_space<vmem>>, vector<16xf32>,
        %swap3A_857 = arith.constant 48 : index
        %swap3A_858 = tpu.vector_load %arg29[%swap3A_857] {strides = array<i32>} : memref<256xf32, #tpu.memory_space<vmem>>, vector<16xf32>,
        tpu.vector_store %arg29[%swap3A_857], %add3A_712 {strides = array<i32>} : memref<256xf32, #tpu.memory_space<vmem>>, vector<16xf32>,
        %swap3A_859 = arith.constant 48 : index
        %swap3A_860 = tpu.vector_load %arg30[%swap3A_859] {strides = array<i32>} : memref<256xf32, #tpu.memory_space<vmem>>, vector<16xf32>,
        tpu.vector_store %arg30[%swap3A_859], %add3A_776 {strides = array<i32>} : memref<256xf32, #tpu.memory_space<vmem>>, vector<16xf32>,
        %swap3A_861 = arith.constant 64 : index
        %swap3A_862 = tpu.vector_load %arg27[%swap3A_861] {strides = array<i32>} : memref<256xf32, #tpu.memory_space<vmem>>, vector<16xf32>,
        tpu.vector_store %arg27[%swap3A_861], %exp3A_609 {strides = array<i32>} : memref<256xf32, #tpu.memory_space<vmem>>, vector<16xf32>,
        %swap3A_863 = arith.constant 64 : index
        %swap3A_864 = tpu.vector_load %arg28[%swap3A_863] {strides = array<i32>} : memref<256xf32, #tpu.memory_space<vmem>>, vector<16xf32>,
        tpu.vector_store %arg28[%swap3A_863], %exp3A_625 {strides = array<i32>} : memref<256xf32, #tpu.memory_space<vmem>>, vector<16xf32>,
        %swap3A_865 = arith.constant 64 : index
        %swap3A_866 = tpu.vector_load %arg29[%swap3A_865] {strides = array<i32>} : memref<256xf32, #tpu.memory_space<vmem>>, vector<16xf32>,
        tpu.vector_store %arg29[%swap3A_865], %add3A_716 {strides = array<i32>} : memref<256xf32, #tpu.memory_space<vmem>>, vector<16xf32>,
        %swap3A_867 = arith.constant 64 : index
        %swap3A_868 = tpu.vector_load %arg30[%swap3A_867] {strides = array<i32>} : memref<256xf32, #tpu.memory_space<vmem>>, vector<16xf32>,
        tpu.vector_store %arg30[%swap3A_867], %add3A_780 {strides = array<i32>} : memref<256xf32, #tpu.memory_space<vmem>>, vector<16xf32>,
        %swap3A_869 = arith.constant 80 : index
        %swap3A_870 = tpu.vector_load %arg27[%swap3A_869] {strides = array<i32>} : memref<256xf32, #tpu.memory_space<vmem>>, vector<16xf32>,
        tpu.vector_store %arg27[%swap3A_869], %exp3A_610 {strides = array<i32>} : memref<256xf32, #tpu.memory_space<vmem>>, vector<16xf32>,
        %swap3A_871 = arith.constant 80 : index
        %swap3A_872 = tpu.vector_load %arg28[%swap3A_871] {strides = array<i32>} : memref<256xf32, #tpu.memory_space<vmem>>, vector<16xf32>,
        tpu.vector_store %arg28[%swap3A_871], %exp3A_626 {strides = array<i32>} : memref<256xf32, #tpu.memory_space<vmem>>, vector<16xf32>,
        %swap3A_873 = arith.constant 80 : index
        %swap3A_874 = tpu.vector_load %arg29[%swap3A_873] {strides = array<i32>} : memref<256xf32, #tpu.memory_space<vmem>>, vector<16xf32>,
        tpu.vector_store %arg29[%swap3A_873], %add3A_720 {strides = array<i32>} : memref<256xf32, #tpu.memory_space<vmem>>, vector<16xf32>,
        %swap3A_875 = arith.constant 80 : index
        %swap3A_876 = tpu.vector_load %arg30[%swap3A_875] {strides = array<i32>} : memref<256xf32, #tpu.memory_space<vmem>>, vector<16xf32>,
        tpu.vector_store %arg30[%swap3A_875], %add3A_784 {strides = array<i32>} : memref<256xf32, #tpu.memory_space<vmem>>, vector<16xf32>,
        %swap3A_877 = arith.constant 96 : index
        %swap3A_878 = tpu.vector_load %arg27[%swap3A_877] {strides = array<i32>} : memref<256xf32, #tpu.memory_space<vmem>>, vector<16xf32>,
        tpu.vector_store %arg27[%swap3A_877], %exp3A_611 {strides = array<i32>} : memref<256xf32, #tpu.memory_space<vmem>>, vector<16xf32>,
        %swap3A_879 = arith.constant 96 : index
        %swap3A_880 = tpu.vector_load %arg28[%swap3A_879] {strides = array<i32>} : memref<256xf32, #tpu.memory_space<vmem>>, vector<16xf32>,
        tpu.vector_store %arg28[%swap3A_879], %exp3A_627 {strides = array<i32>} : memref<256xf32, #tpu.memory_space<vmem>>, vector<16xf32>,
        %swap3A_881 = arith.constant 96 : index
        %swap3A_882 = tpu.vector_load %arg29[%swap3A_881] {strides = array<i32>} : memref<256xf32, #tpu.memory_space<vmem>>, vector<16xf32>,
        tpu.vector_store %arg29[%swap3A_881], %add3A_724 {strides = array<i32>} : memref<256xf32, #tpu.memory_space<vmem>>, vector<16xf32>,
        %swap3A_883 = arith.constant 96 : index
        %swap3A_884 = tpu.vector_load %arg30[%swap3A_883] {strides = array<i32>} : memref<256xf32, #tpu.memory_space<vmem>>, vector<16xf32>,
        tpu.vector_store %arg30[%swap3A_883], %add3A_788 {strides = array<i32>} : memref<256xf32, #tpu.memory_space<vmem>>, vector<16xf32>,
        %swap3A_885 = arith.constant 112 : index
        %swap3A_886 = tpu.vector_load %arg27[%swap3A_885] {strides = array<i32>} : memref<256xf32, #tpu.memory_space<vmem>>, vector<16xf32>,
        tpu.vector_store %arg27[%swap3A_885], %exp3A_612 {strides = array<i32>} : memref<256xf32, #tpu.memory_space<vmem>>, vector<16xf32>,
        %swap3A_887 = arith.constant 112 : index
        %swap3A_888 = tpu.vector_load %arg28[%swap3A_887] {strides = array<i32>} : memref<256xf32, #tpu.memory_space<vmem>>, vector<16xf32>,
        tpu.vector_store %arg28[%swap3A_887], %exp3A_628 {strides = array<i32>} : memref<256xf32, #tpu.memory_space<vmem>>, vector<16xf32>,
        %swap3A_889 = arith.constant 112 : index
        %swap3A_890 = tpu.vector_load %arg29[%swap3A_889] {strides = array<i32>} : memref<256xf32, #tpu.memory_space<vmem>>, vector<16xf32>,
        tpu.vector_store %arg29[%swap3A_889], %add3A_728 {strides = array<i32>} : memref<256xf32, #tpu.memory_space<vmem>>, vector<16xf32>,
        %swap3A_891 = arith.constant 112 : index
        %swap3A_892 = tpu.vector_load %arg30[%swap3A_891] {strides = array<i32>} : memref<256xf32, #tpu.memory_space<vmem>>, vector<16xf32>,
        tpu.vector_store %arg30[%swap3A_891], %add3A_792 {strides = array<i32>} : memref<256xf32, #tpu.memory_space<vmem>>, vector<16xf32>,
        %swap3A_893 = arith.constant 128 : index
        %swap3A_894 = tpu.vector_load %arg27[%swap3A_893] {strides = array<i32>} : memref<256xf32, #tpu.memory_space<vmem>>, vector<16xf32>,
        tpu.vector_store %arg27[%swap3A_893], %exp3A_613 {strides = array<i32>} : memref<256xf32, #tpu.memory_space<vmem>>, vector<16xf32>,
        %swap3A_895 = arith.constant 128 : index
        %swap3A_896 = tpu.vector_load %arg28[%swap3A_895] {strides = array<i32>} : memref<256xf32, #tpu.memory_space<vmem>>, vector<16xf32>,
        tpu.vector_store %arg28[%swap3A_895], %exp3A_629 {strides = array<i32>} : memref<256xf32, #tpu.memory_space<vmem>>, vector<16xf32>,
        %swap3A_897 = arith.constant 128 : index
        %swap3A_898 = tpu.vector_load %arg29[%swap3A_897] {strides = array<i32>} : memref<256xf32, #tpu.memory_space<vmem>>, vector<16xf32>,
        tpu.vector_store %arg29[%swap3A_897], %add3A_732 {strides = array<i32>} : memref<256xf32, #tpu.memory_space<vmem>>, vector<16xf32>,
        %swap3A_899 = arith.constant 128 : index
        %swap3A_900 = tpu.vector_load %arg30[%swap3A_899] {strides = array<i32>} : memref<256xf32, #tpu.memory_space<vmem>>, vector<16xf32>,
        tpu.vector_store %arg30[%swap3A_899], %add3A_796 {strides = array<i32>} : memref<256xf32, #tpu.memory_space<vmem>>, vector<16xf32>,
        %swap3A_901 = arith.constant 144 : index
        %swap3A_902 = tpu.vector_load %arg27[%swap3A_901] {strides = array<i32>} : memref<256xf32, #tpu.memory_space<vmem>>, vector<16xf32>,
        tpu.vector_store %arg27[%swap3A_901], %exp3A_614 {strides = array<i32>} : memref<256xf32, #tpu.memory_space<vmem>>, vector<16xf32>,
        %swap3A_903 = arith.constant 144 : index
        %swap3A_904 = tpu.vector_load %arg28[%swap3A_903] {strides = array<i32>} : memref<256xf32, #tpu.memory_space<vmem>>, vector<16xf32>,
        tpu.vector_store %arg28[%swap3A_903], %exp3A_630 {strides = array<i32>} : memref<256xf32, #tpu.memory_space<vmem>>, vector<16xf32>,
        %swap3A_905 = arith.constant 144 : index
        %swap3A_906 = tpu.vector_load %arg29[%swap3A_905] {strides = array<i32>} : memref<256xf32, #tpu.memory_space<vmem>>, vector<16xf32>,
        tpu.vector_store %arg29[%swap3A_905], %add3A_736 {strides = array<i32>} : memref<256xf32, #tpu.memory_space<vmem>>, vector<16xf32>,
        %swap3A_907 = arith.constant 144 : index
        %swap3A_908 = tpu.vector_load %arg30[%swap3A_907] {strides = array<i32>} : memref<256xf32, #tpu.memory_space<vmem>>, vector<16xf32>,
        tpu.vector_store %arg30[%swap3A_907], %add3A_800 {strides = array<i32>} : memref<256xf32, #tpu.memory_space<vmem>>, vector<16xf32>,
        %swap3A_909 = arith.constant 160 : index
        %swap3A_910 = tpu.vector_load %arg27[%swap3A_909] {strides = array<i32>} : memref<256xf32, #tpu.memory_space<vmem>>, vector<16xf32>,
        tpu.vector_store %arg27[%swap3A_909], %exp3A_615 {strides = array<i32>} : memref<256xf32, #tpu.memory_space<vmem>>, vector<16xf32>,
        %swap3A_911 = arith.constant 160 : index
        %swap3A_912 = tpu.vector_load %arg28[%swap3A_911] {strides = array<i32>} : memref<256xf32, #tpu.memory_space<vmem>>, vector<16xf32>,
        tpu.vector_store %arg28[%swap3A_911], %exp3A_631 {strides = array<i32>} : memref<256xf32, #tpu.memory_space<vmem>>, vector<16xf32>,
        %swap3A_913 = arith.constant 160 : index
        %swap3A_914 = tpu.vector_load %arg29[%swap3A_913] {strides = array<i32>} : memref<256xf32, #tpu.memory_space<vmem>>, vector<16xf32>,
        tpu.vector_store %arg29[%swap3A_913], %add3A_740 {strides = array<i32>} : memref<256xf32, #tpu.memory_space<vmem>>, vector<16xf32>,
        %swap3A_915 = arith.constant 160 : index
        %swap3A_916 = tpu.vector_load %arg30[%swap3A_915] {strides = array<i32>} : memref<256xf32, #tpu.memory_space<vmem>>, vector<16xf32>,
        tpu.vector_store %arg30[%swap3A_915], %add3A_804 {strides = array<i32>} : memref<256xf32, #tpu.memory_space<vmem>>, vector<16xf32>,
        %swap3A_917 = arith.constant 176 : index
        %swap3A_918 = tpu.vector_load %arg27[%swap3A_917] {strides = array<i32>} : memref<256xf32, #tpu.memory_space<vmem>>, vector<16xf32>,
        tpu.vector_store %arg27[%swap3A_917], %exp3A_616 {strides = array<i32>} : memref<256xf32, #tpu.memory_space<vmem>>, vector<16xf32>,
        %swap3A_919 = arith.constant 176 : index
        %swap3A_920 = tpu.vector_load %arg28[%swap3A_919] {strides = array<i32>} : memref<256xf32, #tpu.memory_space<vmem>>, vector<16xf32>,
        tpu.vector_store %arg28[%swap3A_919], %exp3A_632 {strides = array<i32>} : memref<256xf32, #tpu.memory_space<vmem>>, vector<16xf32>,
        %swap3A_921 = arith.constant 176 : index
        %swap3A_922 = tpu.vector_load %arg29[%swap3A_921] {strides = array<i32>} : memref<256xf32, #tpu.memory_space<vmem>>, vector<16xf32>,
        tpu.vector_store %arg29[%swap3A_921], %add3A_744 {strides = array<i32>} : memref<256xf32, #tpu.memory_space<vmem>>, vector<16xf32>,
        %swap3A_923 = arith.constant 176 : index
        %swap3A_924 = tpu.vector_load %arg30[%swap3A_923] {strides = array<i32>} : memref<256xf32, #tpu.memory_space<vmem>>, vector<16xf32>,
        tpu.vector_store %arg30[%swap3A_923], %add3A_808 {strides = array<i32>} : memref<256xf32, #tpu.memory_space<vmem>>, vector<16xf32>,
        %swap3A_925 = arith.constant 192 : index
        %swap3A_926 = tpu.vector_load %arg27[%swap3A_925] {strides = array<i32>} : memref<256xf32, #tpu.memory_space<vmem>>, vector<16xf32>,
        tpu.vector_store %arg27[%swap3A_925], %exp3A_617 {strides = array<i32>} : memref<256xf32, #tpu.memory_space<vmem>>, vector<16xf32>,
        %swap3A_927 = arith.constant 192 : index
        %swap3A_928 = tpu.vector_load %arg28[%swap3A_927] {strides = array<i32>} : memref<256xf32, #tpu.memory_space<vmem>>, vector<16xf32>,
        tpu.vector_store %arg28[%swap3A_927], %exp3A_633 {strides = array<i32>} : memref<256xf32, #tpu.memory_space<vmem>>, vector<16xf32>,
        %swap3A_929 = arith.constant 192 : index
        %swap3A_930 = tpu.vector_load %arg29[%swap3A_929] {strides = array<i32>} : memref<256xf32, #tpu.memory_space<vmem>>, vector<16xf32>,
        tpu.vector_store %arg29[%swap3A_929], %add3A_748 {strides = array<i32>} : memref<256xf32, #tpu.memory_space<vmem>>, vector<16xf32>,
        %swap3A_931 = arith.constant 192 : index
        %swap3A_932 = tpu.vector_load %arg30[%swap3A_931] {strides = array<i32>} : memref<256xf32, #tpu.memory_space<vmem>>, vector<16xf32>,
        tpu.vector_store %arg30[%swap3A_931], %add3A_812 {strides = array<i32>} : memref<256xf32, #tpu.memory_space<vmem>>, vector<16xf32>,
        %swap3A_933 = arith.constant 208 : index
        %swap3A_934 = tpu.vector_load %arg27[%swap3A_933] {strides = array<i32>} : memref<256xf32, #tpu.memory_space<vmem>>, vector<16xf32>,
        tpu.vector_store %arg27[%swap3A_933], %exp3A_618 {strides = array<i32>} : memref<256xf32, #tpu.memory_space<vmem>>, vector<16xf32>,
        %swap3A_935 = arith.constant 208 : index
        %swap3A_936 = tpu.vector_load %arg28[%swap3A_935] {strides = array<i32>} : memref<256xf32, #tpu.memory_space<vmem>>, vector<16xf32>,
        tpu.vector_store %arg28[%swap3A_935], %exp3A_634 {strides = array<i32>} : memref<256xf32, #tpu.memory_space<vmem>>, vector<16xf32>,
        %swap3A_937 = arith.constant 208 : index
        %swap3A_938 = tpu.vector_load %arg29[%swap3A_937] {strides = array<i32>} : memref<256xf32, #tpu.memory_space<vmem>>, vector<16xf32>,
        tpu.vector_store %arg29[%swap3A_937], %add3A_752 {strides = array<i32>} : memref<256xf32, #tpu.memory_space<vmem>>, vector<16xf32>,
        %swap3A_939 = arith.constant 208 : index
        %swap3A_940 = tpu.vector_load %arg30[%swap3A_939] {strides = array<i32>} : memref<256xf32, #tpu.memory_space<vmem>>, vector<16xf32>,
        tpu.vector_store %arg30[%swap3A_939], %add3A_816 {strides = array<i32>} : memref<256xf32, #tpu.memory_space<vmem>>, vector<16xf32>,
        %swap3A_941 = arith.constant 224 : index
        %swap3A_942 = tpu.vector_load %arg27[%swap3A_941] {strides = array<i32>} : memref<256xf32, #tpu.memory_space<vmem>>, vector<16xf32>,
        tpu.vector_store %arg27[%swap3A_941], %exp3A_619 {strides = array<i32>} : memref<256xf32, #tpu.memory_space<vmem>>, vector<16xf32>,
        %swap3A_943 = arith.constant 224 : index
        %swap3A_944 = tpu.vector_load %arg28[%swap3A_943] {strides = array<i32>} : memref<256xf32, #tpu.memory_space<vmem>>, vector<16xf32>,
        tpu.vector_store %arg28[%swap3A_943], %exp3A_635 {strides = array<i32>} : memref<256xf32, #tpu.memory_space<vmem>>, vector<16xf32>,
        %swap3A_945 = arith.constant 224 : index
        %swap3A_946 = tpu.vector_load %arg29[%swap3A_945] {strides = array<i32>} : memref<256xf32, #tpu.memory_space<vmem>>, vector<16xf32>,
        tpu.vector_store %arg29[%swap3A_945], %add3A_756 {strides = array<i32>} : memref<256xf32, #tpu.memory_space<vmem>>, vector<16xf32>,
        %swap3A_947 = arith.constant 224 : index
        %swap3A_948 = tpu.vector_load %arg30[%swap3A_947] {strides = array<i32>} : memref<256xf32, #tpu.memory_space<vmem>>, vector<16xf32>,
        tpu.vector_store %arg30[%swap3A_947], %add3A_820 {strides = array<i32>} : memref<256xf32, #tpu.memory_space<vmem>>, vector<16xf32>,
        %swap3A_949 = arith.constant 240 : index
        %swap3A_950 = tpu.vector_load %arg27[%swap3A_949] {strides = array<i32>} : memref<256xf32, #tpu.memory_space<vmem>>, vector<16xf32>,
        tpu.vector_store %arg27[%swap3A_949], %exp3A_620 {strides = array<i32>} : memref<256xf32, #tpu.memory_space<vmem>>, vector<16xf32>,
        %swap3A_951 = arith.constant 240 : index
        %swap3A_952 = tpu.vector_load %arg28[%swap3A_951] {strides = array<i32>} : memref<256xf32, #tpu.memory_space<vmem>>, vector<16xf32>,
        tpu.vector_store %arg28[%swap3A_951], %exp3A_636 {strides = array<i32>} : memref<256xf32, #tpu.memory_space<vmem>>, vector<16xf32>,
        %swap3A_953 = arith.constant 240 : index
        %swap3A_954 = tpu.vector_load %arg29[%swap3A_953] {strides = array<i32>} : memref<256xf32, #tpu.memory_space<vmem>>, vector<16xf32>,
        tpu.vector_store %arg29[%swap3A_953], %add3A_760 {strides = array<i32>} : memref<256xf32, #tpu.memory_space<vmem>>, vector<16xf32>,
        %swap3A_955 = arith.constant 240 : index
        %swap3A_956 = tpu.vector_load %arg30[%swap3A_955] {strides = array<i32>} : memref<256xf32, #tpu.memory_space<vmem>>, vector<16xf32>,
        tpu.vector_store %arg30[%swap3A_955], %add3A_824 {strides = array<i32>} : memref<256xf32, #tpu.memory_space<vmem>>, vector<16xf32>,
        %max3A = arith.constant -3.000000e+00 : f32
        %max3A_957 = vector.broadcast %max3A : f32 to vector<16xf32>
        %max3A_958 = arith.maximumf %get3A_338, %max3A_957 : vector<16xf32>
        %min3A = arith.constant 3.000000e+00 : f32
        %min3A_959 = vector.broadcast %min3A : f32 to vector<16xf32>
        %min3A_960 = arith.minimumf %max3A_958, %min3A_959 : vector<16xf32>
        %add3A_961 = arith.constant 3.000000e+00 : f32
        %add3A_962 = vector.broadcast %add3A_961 : f32 to vector<16xf32>
        %add3A_963 = arith.addf %min3A_960, %add3A_962 : vector<16xf32>
        %mul3A_964 = vector.broadcast %scan3A_63 : f32 to vector<16xf32>
        %mul3A_965 = arith.mulf %add3A_963, %mul3A_964 : vector<16xf32>
        %broadcast_in_dim3A_966 = arith.constant 0 : i32
        %broadcast_in_dim3A_967 = vector.broadcast %broadcast_in_dim3A_966 : i32 to vector<16xi32>
        %ge3A = arith.cmpf oge, %mul3A_965, %add3A_704 : vector<16xf32>
        %jit3A_968 = arith.constant 1 : i32
        %jit3A_969 = arith.constant 0 : i32
        %broadcast_in_dim3A_970 = vector.broadcast %jit3A_968 : i32 to vector<16xi32>
        %broadcast_in_dim3A_971 = vector.broadcast %jit3A_969 : i32 to vector<16xi32>
        %select_n3A_972 = arith.select %ge3A, %broadcast_in_dim3A_970, %broadcast_in_dim3A_971 : vector<16xi1>, vector<16xi32>
        %add3A_973 = arith.addi %broadcast_in_dim3A_967, %select_n3A_972 : vector<16xi32>
        %ge3A_974 = arith.cmpf oge, %mul3A_965, %add3A_708 : vector<16xf32>
        %jit3A_975 = arith.constant 1 : i32
        %jit3A_976 = arith.constant 0 : i32
        %broadcast_in_dim3A_977 = vector.broadcast %jit3A_975 : i32 to vector<16xi32>
        %broadcast_in_dim3A_978 = vector.broadcast %jit3A_976 : i32 to vector<16xi32>
        %select_n3A_979 = arith.select %ge3A_974, %broadcast_in_dim3A_977, %broadcast_in_dim3A_978 : vector<16xi1>, vector<16xi32>
        %add3A_980 = arith.addi %add3A_973, %select_n3A_979 : vector<16xi32>
        %ge3A_981 = arith.cmpf oge, %mul3A_965, %add3A_712 : vector<16xf32>
        %jit3A_982 = arith.constant 1 : i32
        %jit3A_983 = arith.constant 0 : i32
        %broadcast_in_dim3A_984 = vector.broadcast %jit3A_982 : i32 to vector<16xi32>
        %broadcast_in_dim3A_985 = vector.broadcast %jit3A_983 : i32 to vector<16xi32>
        %select_n3A_986 = arith.select %ge3A_981, %broadcast_in_dim3A_984, %broadcast_in_dim3A_985 : vector<16xi1>, vector<16xi32>
        %add3A_987 = arith.addi %add3A_980, %select_n3A_986 : vector<16xi32>
        %ge3A_988 = arith.cmpf oge, %mul3A_965, %add3A_716 : vector<16xf32>
        %jit3A_989 = arith.constant 1 : i32
        %jit3A_990 = arith.constant 0 : i32
        %broadcast_in_dim3A_991 = vector.broadcast %jit3A_989 : i32 to vector<16xi32>
        %broadcast_in_dim3A_992 = vector.broadcast %jit3A_990 : i32 to vector<16xi32>
        %select_n3A_993 = arith.select %ge3A_988, %broadcast_in_dim3A_991, %broadcast_in_dim3A_992 : vector<16xi1>, vector<16xi32>
        %add3A_994 = arith.addi %add3A_987, %select_n3A_993 : vector<16xi32>
        %ge3A_995 = arith.cmpf oge, %mul3A_965, %add3A_720 : vector<16xf32>
        %jit3A_996 = arith.constant 1 : i32
        %jit3A_997 = arith.constant 0 : i32
        %broadcast_in_dim3A_998 = vector.broadcast %jit3A_996 : i32 to vector<16xi32>
        %broadcast_in_dim3A_999 = vector.broadcast %jit3A_997 : i32 to vector<16xi32>
        %select_n3A_1000 = arith.select %ge3A_995, %broadcast_in_dim3A_998, %broadcast_in_dim3A_999 : vector<16xi1>, vector<16xi32>
        %add3A_1001 = arith.addi %add3A_994, %select_n3A_1000 : vector<16xi32>
        %ge3A_1002 = arith.cmpf oge, %mul3A_965, %add3A_724 : vector<16xf32>
        %jit3A_1003 = arith.constant 1 : i32
        %jit3A_1004 = arith.constant 0 : i32
        %broadcast_in_dim3A_1005 = vector.broadcast %jit3A_1003 : i32 to vector<16xi32>
        %broadcast_in_dim3A_1006 = vector.broadcast %jit3A_1004 : i32 to vector<16xi32>
        %select_n3A_1007 = arith.select %ge3A_1002, %broadcast_in_dim3A_1005, %broadcast_in_dim3A_1006 : vector<16xi1>, vector<16xi32>
        %add3A_1008 = arith.addi %add3A_1001, %select_n3A_1007 : vector<16xi32>
        %ge3A_1009 = arith.cmpf oge, %mul3A_965, %add3A_728 : vector<16xf32>
        %jit3A_1010 = arith.constant 1 : i32
        %jit3A_1011 = arith.constant 0 : i32
        %broadcast_in_dim3A_1012 = vector.broadcast %jit3A_1010 : i32 to vector<16xi32>
        %broadcast_in_dim3A_1013 = vector.broadcast %jit3A_1011 : i32 to vector<16xi32>
        %select_n3A_1014 = arith.select %ge3A_1009, %broadcast_in_dim3A_1012, %broadcast_in_dim3A_1013 : vector<16xi1>, vector<16xi32>
        %add3A_1015 = arith.addi %add3A_1008, %select_n3A_1014 : vector<16xi32>
        %ge3A_1016 = arith.cmpf oge, %mul3A_965, %add3A_732 : vector<16xf32>
        %jit3A_1017 = arith.constant 1 : i32
        %jit3A_1018 = arith.constant 0 : i32
        %broadcast_in_dim3A_1019 = vector.broadcast %jit3A_1017 : i32 to vector<16xi32>
        %broadcast_in_dim3A_1020 = vector.broadcast %jit3A_1018 : i32 to vector<16xi32>
        %select_n3A_1021 = arith.select %ge3A_1016, %broadcast_in_dim3A_1019, %broadcast_in_dim3A_1020 : vector<16xi1>, vector<16xi32>
        %add3A_1022 = arith.addi %add3A_1015, %select_n3A_1021 : vector<16xi32>
        %ge3A_1023 = arith.cmpf oge, %mul3A_965, %add3A_736 : vector<16xf32>
        %jit3A_1024 = arith.constant 1 : i32
        %jit3A_1025 = arith.constant 0 : i32
        %broadcast_in_dim3A_1026 = vector.broadcast %jit3A_1024 : i32 to vector<16xi32>
        %broadcast_in_dim3A_1027 = vector.broadcast %jit3A_1025 : i32 to vector<16xi32>
        %select_n3A_1028 = arith.select %ge3A_1023, %broadcast_in_dim3A_1026, %broadcast_in_dim3A_1027 : vector<16xi1>, vector<16xi32>
        %add3A_1029 = arith.addi %add3A_1022, %select_n3A_1028 : vector<16xi32>
        %ge3A_1030 = arith.cmpf oge, %mul3A_965, %add3A_740 : vector<16xf32>
        %jit3A_1031 = arith.constant 1 : i32
        %jit3A_1032 = arith.constant 0 : i32
        %broadcast_in_dim3A_1033 = vector.broadcast %jit3A_1031 : i32 to vector<16xi32>
        %broadcast_in_dim3A_1034 = vector.broadcast %jit3A_1032 : i32 to vector<16xi32>
        %select_n3A_1035 = arith.select %ge3A_1030, %broadcast_in_dim3A_1033, %broadcast_in_dim3A_1034 : vector<16xi1>, vector<16xi32>
        %add3A_1036 = arith.addi %add3A_1029, %select_n3A_1035 : vector<16xi32>
        %ge3A_1037 = arith.cmpf oge, %mul3A_965, %add3A_744 : vector<16xf32>
        %jit3A_1038 = arith.constant 1 : i32
        %jit3A_1039 = arith.constant 0 : i32
        %broadcast_in_dim3A_1040 = vector.broadcast %jit3A_1038 : i32 to vector<16xi32>
        %broadcast_in_dim3A_1041 = vector.broadcast %jit3A_1039 : i32 to vector<16xi32>
        %select_n3A_1042 = arith.select %ge3A_1037, %broadcast_in_dim3A_1040, %broadcast_in_dim3A_1041 : vector<16xi1>, vector<16xi32>
        %add3A_1043 = arith.addi %add3A_1036, %select_n3A_1042 : vector<16xi32>
        %ge3A_1044 = arith.cmpf oge, %mul3A_965, %add3A_748 : vector<16xf32>
        %jit3A_1045 = arith.constant 1 : i32
        %jit3A_1046 = arith.constant 0 : i32
        %broadcast_in_dim3A_1047 = vector.broadcast %jit3A_1045 : i32 to vector<16xi32>
        %broadcast_in_dim3A_1048 = vector.broadcast %jit3A_1046 : i32 to vector<16xi32>
        %select_n3A_1049 = arith.select %ge3A_1044, %broadcast_in_dim3A_1047, %broadcast_in_dim3A_1048 : vector<16xi1>, vector<16xi32>
        %add3A_1050 = arith.addi %add3A_1043, %select_n3A_1049 : vector<16xi32>
        %ge3A_1051 = arith.cmpf oge, %mul3A_965, %add3A_752 : vector<16xf32>
        %jit3A_1052 = arith.constant 1 : i32
        %jit3A_1053 = arith.constant 0 : i32
        %broadcast_in_dim3A_1054 = vector.broadcast %jit3A_1052 : i32 to vector<16xi32>
        %broadcast_in_dim3A_1055 = vector.broadcast %jit3A_1053 : i32 to vector<16xi32>
        %select_n3A_1056 = arith.select %ge3A_1051, %broadcast_in_dim3A_1054, %broadcast_in_dim3A_1055 : vector<16xi1>, vector<16xi32>
        %add3A_1057 = arith.addi %add3A_1050, %select_n3A_1056 : vector<16xi32>
        %ge3A_1058 = arith.cmpf oge, %mul3A_965, %add3A_756 : vector<16xf32>
        %jit3A_1059 = arith.constant 1 : i32
        %jit3A_1060 = arith.constant 0 : i32
        %broadcast_in_dim3A_1061 = vector.broadcast %jit3A_1059 : i32 to vector<16xi32>
        %broadcast_in_dim3A_1062 = vector.broadcast %jit3A_1060 : i32 to vector<16xi32>
        %select_n3A_1063 = arith.select %ge3A_1058, %broadcast_in_dim3A_1061, %broadcast_in_dim3A_1062 : vector<16xi1>, vector<16xi32>
        %add3A_1064 = arith.addi %add3A_1057, %select_n3A_1063 : vector<16xi32>
        %ge3A_1065 = arith.cmpf oge, %mul3A_965, %add3A_760 : vector<16xf32>
        %jit3A_1066 = arith.constant 1 : i32
        %jit3A_1067 = arith.constant 0 : i32
        %broadcast_in_dim3A_1068 = vector.broadcast %jit3A_1066 : i32 to vector<16xi32>
        %broadcast_in_dim3A_1069 = vector.broadcast %jit3A_1067 : i32 to vector<16xi32>
        %select_n3A_1070 = arith.select %ge3A_1065, %broadcast_in_dim3A_1068, %broadcast_in_dim3A_1069 : vector<16xi1>, vector<16xi32>
        %add3A_1071 = arith.addi %add3A_1064, %select_n3A_1070 : vector<16xi32>
        %mul3A_1072 = arith.constant 16 : i32
        %mul3A_1073 = vector.broadcast %mul3A_1072 : i32 to vector<16xi32>
        %mul3A_1074 = arith.muli %add3A_1071, %mul3A_1073 : vector<16xi32>
        %add3A_1075 = arith.addi %mul3A_1074, %iota3A : vector<16xi32>
        %sub3A_1076 = arith.constant 16 : i32
        %sub3A_1077 = vector.broadcast %sub3A_1076 : i32 to vector<16xi32>
        %sub3A_1078 = arith.subi %add3A_1075, %sub3A_1077 : vector<16xi32>
        %max3A_1079 = arith.maxsi %sub3A_1078, %iota3A : vector<16xi32>
        %add3A_1080 = arith.constant 16 : i32
        %add3A_1081 = vector.broadcast %add3A_1080 : i32 to vector<16xi32>
        %add3A_1082 = arith.addi %add3A_1075, %add3A_1081 : vector<16xi32>
        %add3A_1083 = arith.constant 240 : i32
        %add3A_1084 = vector.broadcast %add3A_1083 : i32 to vector<16xi32>
        %add3A_1085 = arith.addi %iota3A, %add3A_1084 : vector<16xi32>
        %min3A_1086 = arith.minsi %add3A_1082, %add3A_1085 : vector<16xi32>
        %gather3A = tpu.vector_load_idx %arg27[%add3A_1075] : memref<256xf32, #tpu.memory_space<vmem>>[vector<16xi32>], vector<16xf32>,
        %mul3A_1087 = arith.mulf %div3A_653, %gather3A : vector<16xf32>
        %add3A_1088 = arith.constant 1.000000e-03 : f32
        %add3A_1089 = vector.broadcast %add3A_1088 : f32 to vector<16xf32>
        %add3A_1090 = arith.addf %add3A_1089, %mul3A_1087 : vector<16xf32>
        %gather3A_1091 = tpu.vector_load_idx %arg27[%max3A_1079] : memref<256xf32, #tpu.memory_space<vmem>>[vector<16xi32>], vector<16xf32>,
        %mul3A_1092 = arith.mulf %div3A_653, %gather3A_1091 : vector<16xf32>
        %add3A_1093 = arith.constant 1.000000e-03 : f32
        %add3A_1094 = vector.broadcast %add3A_1093 : f32 to vector<16xf32>
        %add3A_1095 = arith.addf %add3A_1094, %mul3A_1092 : vector<16xf32>
        %gather3A_1096 = tpu.vector_load_idx %arg27[%min3A_1086] : memref<256xf32, #tpu.memory_space<vmem>>[vector<16xi32>], vector<16xf32>,
        %mul3A_1097 = arith.mulf %div3A_653, %gather3A_1096 : vector<16xf32>
        %add3A_1098 = arith.constant 1.000000e-03 : f32
        %add3A_1099 = vector.broadcast %add3A_1098 : f32 to vector<16xf32>
        %add3A_1100 = arith.addf %add3A_1099, %mul3A_1097 : vector<16xf32>
        %gather3A_1101 = tpu.vector_load_idx %arg28[%add3A_1075] : memref<256xf32, #tpu.memory_space<vmem>>[vector<16xi32>], vector<16xf32>,
        %mul3A_1102 = arith.mulf %div3A_670, %gather3A_1101 : vector<16xf32>
        %add3A_1103 = arith.constant 1.000000e-03 : f32
        %add3A_1104 = vector.broadcast %add3A_1103 : f32 to vector<16xf32>
        %add3A_1105 = arith.addf %add3A_1104, %mul3A_1102 : vector<16xf32>
        %gather3A_1106 = tpu.vector_load_idx %arg28[%max3A_1079] : memref<256xf32, #tpu.memory_space<vmem>>[vector<16xi32>], vector<16xf32>,
        %mul3A_1107 = arith.mulf %div3A_670, %gather3A_1106 : vector<16xf32>
        %add3A_1108 = arith.constant 1.000000e-03 : f32
        %add3A_1109 = vector.broadcast %add3A_1108 : f32 to vector<16xf32>
        %add3A_1110 = arith.addf %add3A_1109, %mul3A_1107 : vector<16xf32>
        %gather3A_1111 = tpu.vector_load_idx %arg28[%min3A_1086] : memref<256xf32, #tpu.memory_space<vmem>>[vector<16xi32>], vector<16xf32>,
        %mul3A_1112 = arith.mulf %div3A_670, %gather3A_1111 : vector<16xf32>
        %add3A_1113 = arith.constant 1.000000e-03 : f32
        %add3A_1114 = vector.broadcast %add3A_1113 : f32 to vector<16xf32>
        %add3A_1115 = arith.addf %add3A_1114, %mul3A_1112 : vector<16xf32>
        %gather3A_1116 = tpu.vector_load_idx %arg29[%add3A_1075] : memref<256xf32, #tpu.memory_space<vmem>>[vector<16xi32>], vector<16xf32>,
        %gather3A_1117 = tpu.vector_load_idx %arg30[%add3A_1075] : memref<256xf32, #tpu.memory_space<vmem>>[vector<16xi32>], vector<16xf32>,
        %div3A_1118 = arith.divf %add3A_1105, %add3A_1090 : vector<16xf32>
        %div3A_1119 = arith.divf %add3A_1110, %add3A_1095 : vector<16xf32>
        %div3A_1120 = arith.divf %add3A_1115, %add3A_1100 : vector<16xf32>
        %mul3A_1121 = arith.mulf %add3A_1090, %div3A_1119 : vector<16xf32>
        %mul3A_1122 = arith.mulf %add3A_1095, %div3A_1118 : vector<16xf32>
        %add3A_1123 = arith.addf %mul3A_1121, %mul3A_1122 : vector<16xf32>
        %mul3A_1124 = arith.constant 5.000000e-01 : f32
        %mul3A_1125 = vector.broadcast %mul3A_1124 : f32 to vector<16xf32>
        %mul3A_1126 = arith.mulf %mul3A_1125, %add3A_1123 : vector<16xf32>
        %add3A_1127 = arith.addf %add3A_1095, %add3A_1090 : vector<16xf32>
        %div3A_1128 = arith.divf %mul3A_1126, %add3A_1127 : vector<16xf32>
        %min3A_1129 = arith.minimumf %div3A_1119, %div3A_1118 : vector<16xf32>
        %min3A_1130 = arith.minimumf %min3A_1129, %div3A_1128 : vector<16xf32>
        %mul3A_1131 = arith.constant 2.000000e+00 : f32
        %mul3A_1132 = vector.broadcast %mul3A_1131 : f32 to vector<16xf32>
        %mul3A_1133 = arith.mulf %mul3A_1132, %min3A_1130 : vector<16xf32>
        %neg3A = arith.constant 0.000000e+00 : f32
        %neg3A_1134 = vector.broadcast %neg3A : f32 to vector<16xf32>
        %neg3A_1135 = arith.subf %neg3A_1134, %get3A_340 : vector<16xf32>
        %exp3A_1136 = math.exp %neg3A_1135 : vector<16xf32>
        %add3A_1137 = arith.constant 1.000000e+00 : f32
        %add3A_1138 = vector.broadcast %add3A_1137 : f32 to vector<16xf32>
        %add3A_1139 = arith.addf %add3A_1138, %exp3A_1136 : vector<16xf32>
        %div3A_1140 = arith.constant 1.000000e+00 : f32
        %div3A_1141 = vector.broadcast %div3A_1140 : f32 to vector<16xf32>
        %div3A_1142 = arith.divf %div3A_1141, %add3A_1139 : vector<16xf32>
        %lt3A_1143 = arith.constant 16 : i32
        %lt3A_1144 = vector.broadcast %lt3A_1143 : i32 to vector<16xi32>
        %lt3A_1145 = arith.cmpi slt, %add3A_1075, %lt3A_1144 : vector<16xi32>
        %mul3A_1146 = arith.constant 3.000000e+00 : f32
        %mul3A_1147 = vector.broadcast %mul3A_1146 : f32 to vector<16xf32>
        %mul3A_1148 = arith.mulf %mul3A_1147, %div3A_1142 : vector<16xf32>
        %mul3A_1149 = arith.mulf %mul3A_1148, %div3A_1118 : vector<16xf32>
        %select_n3A_1150 = arith.select %lt3A_1145, %mul3A_1149, %mul3A_1133 : vector<16xi1>, vector<16xf32>
        %mul3A_1151 = arith.mulf %add3A_1100, %div3A_1118 : vector<16xf32>
        %mul3A_1152 = arith.mulf %add3A_1090, %div3A_1120 : vector<16xf32>
        %add3A_1153 = arith.addf %mul3A_1151, %mul3A_1152 : vector<16xf32>
        %mul3A_1154 = arith.constant 5.000000e-01 : f32
        %mul3A_1155 = vector.broadcast %mul3A_1154 : f32 to vector<16xf32>
        %mul3A_1156 = arith.mulf %mul3A_1155, %add3A_1153 : vector<16xf32>
        %add3A_1157 = arith.addf %add3A_1090, %add3A_1100 : vector<16xf32>
        %div3A_1158 = arith.divf %mul3A_1156, %add3A_1157 : vector<16xf32>
        %min3A_1159 = arith.minimumf %div3A_1118, %div3A_1120 : vector<16xf32>
        %min3A_1160 = arith.minimumf %min3A_1159, %div3A_1158 : vector<16xf32>
        %mul3A_1161 = arith.constant 2.000000e+00 : f32
        %mul3A_1162 = vector.broadcast %mul3A_1161 : f32 to vector<16xf32>
        %mul3A_1163 = arith.mulf %mul3A_1162, %min3A_1160 : vector<16xf32>
        %neg3A_1164 = arith.constant 0.000000e+00 : f32
        %neg3A_1165 = vector.broadcast %neg3A_1164 : f32 to vector<16xf32>
        %neg3A_1166 = arith.subf %neg3A_1165, %get3A_342 : vector<16xf32>
        %exp3A_1167 = math.exp %neg3A_1166 : vector<16xf32>
        %add3A_1168 = arith.constant 1.000000e+00 : f32
        %add3A_1169 = vector.broadcast %add3A_1168 : f32 to vector<16xf32>
        %add3A_1170 = arith.addf %add3A_1169, %exp3A_1167 : vector<16xf32>
        %div3A_1171 = arith.constant 1.000000e+00 : f32
        %div3A_1172 = vector.broadcast %div3A_1171 : f32 to vector<16xf32>
        %div3A_1173 = arith.divf %div3A_1172, %add3A_1170 : vector<16xf32>
        %ge3A_1174 = arith.constant 240 : i32
        %ge3A_1175 = vector.broadcast %ge3A_1174 : i32 to vector<16xi32>
        %ge3A_1176 = arith.cmpi sge, %add3A_1075, %ge3A_1175 : vector<16xi32>
        %mul3A_1177 = arith.constant 3.000000e+00 : f32
        %mul3A_1178 = vector.broadcast %mul3A_1177 : f32 to vector<16xf32>
        %mul3A_1179 = arith.mulf %mul3A_1178, %div3A_1173 : vector<16xf32>
        %mul3A_1180 = arith.mulf %mul3A_1179, %div3A_1118 : vector<16xf32>
        %select_n3A_1181 = arith.select %ge3A_1176, %mul3A_1180, %mul3A_1163 : vector<16xi1>, vector<16xf32>
        %div3A_1182 = arith.constant 1.000000e+00 : f32
        %div3A_1183 = vector.broadcast %div3A_1182 : f32 to vector<16xf32>
        %div3A_1184 = arith.divf %div3A_1183, %add3A_1090 : vector<16xf32>
        %add3A_1185 = arith.addf %select_n3A_1150, %select_n3A_1181 : vector<16xf32>
        %mul3A_1186 = arith.constant 2.000000e+00 : f32
        %mul3A_1187 = vector.broadcast %mul3A_1186 : f32 to vector<16xf32>
        %mul3A_1188 = arith.mulf %mul3A_1187, %div3A_1118 : vector<16xf32>
        %sub3A_1189 = arith.subf %add3A_1185, %mul3A_1188 : vector<16xf32>
        %mul3A_1190 = arith.mulf %sub3A_1189, %div3A_1184 : vector<16xf32>
        %mul3A_1191 = arith.mulf %mul3A_1190, %div3A_1184 : vector<16xf32>
        %mul3A_1192 = arith.constant 3.000000e+00 : f32
        %mul3A_1193 = vector.broadcast %mul3A_1192 : f32 to vector<16xf32>
        %mul3A_1194 = arith.mulf %mul3A_1193, %div3A_1118 : vector<16xf32>
        %mul3A_1195 = arith.constant 2.000000e+00 : f32
        %mul3A_1196 = vector.broadcast %mul3A_1195 : f32 to vector<16xf32>
        %mul3A_1197 = arith.mulf %mul3A_1196, %select_n3A_1150 : vector<16xf32>
        %sub3A_1198 = arith.subf %mul3A_1194, %mul3A_1197 : vector<16xf32>
        %sub3A_1199 = arith.subf %sub3A_1198, %select_n3A_1181 : vector<16xf32>
        %mul3A_1200 = arith.mulf %sub3A_1199, %div3A_1184 : vector<16xf32>
        %sub3A_1201 = arith.subf %mul3A_965, %gather3A_1116 : vector<16xf32>
        %mul3A_1202 = arith.mulf %mul3A_1191, %sub3A_1201 : vector<16xf32>
        %add3A_1203 = arith.addf %mul3A_1202, %mul3A_1200 : vector<16xf32>
        %mul3A_1204 = arith.mulf %add3A_1203, %sub3A_1201 : vector<16xf32>
        %add3A_1205 = arith.addf %mul3A_1204, %select_n3A_1150 : vector<16xf32>
        %mul3A_1206 = arith.mulf %add3A_1205, %sub3A_1201 : vector<16xf32>
        %add3A_1207 = arith.addf %mul3A_1206, %gather3A_1117 : vector<16xf32>
        %mul3A_1208 = arith.constant 3.000000e+00 : f32
        %mul3A_1209 = vector.broadcast %mul3A_1208 : f32 to vector<16xf32>
        %mul3A_1210 = arith.mulf %mul3A_1209, %mul3A_1191 : vector<16xf32>
        %mul3A_1211 = arith.mulf %mul3A_1210, %sub3A_1201 : vector<16xf32>
        %mul3A_1212 = arith.constant 2.000000e+00 : f32
        %mul3A_1213 = vector.broadcast %mul3A_1212 : f32 to vector<16xf32>
        %mul3A_1214 = arith.mulf %mul3A_1213, %mul3A_1200 : vector<16xf32>
        %add3A_1215 = arith.addf %mul3A_1211, %mul3A_1214 : vector<16xf32>
        %mul3A_1216 = arith.mulf %add3A_1215, %sub3A_1201 : vector<16xf32>
        %add3A_1217 = arith.addf %mul3A_1216, %select_n3A_1150 : vector<16xf32>
        %abs3A = math.absf %add3A_1217 : vector<16xf32>
        %bitcast_convert_type3A = tpu.bitcast %abs3A : vector<16xf32> -> vector<16xi32>
        %shift_right_logical3A = arith.constant 23 : i32
        %shift_right_logical3A_1218 = vector.broadcast %shift_right_logical3A : i32 to vector<16xi32>
        %shift_right_logical3A_1219 = arith.shrui %bitcast_convert_type3A, %shift_right_logical3A_1218 : vector<16xi32>
        %sub3A_1220 = arith.constant 126 : i32
        %sub3A_1221 = vector.broadcast %sub3A_1220 : i32 to vector<16xi32>
        %sub3A_1222 = arith.subi %shift_right_logical3A_1219, %sub3A_1221 : vector<16xi32>
        %and3A_1223 = arith.constant 8388607 : i32
        %and3A_1224 = vector.broadcast %and3A_1223 : i32 to vector<16xi32>
        %and3A_1225 = arith.andi %bitcast_convert_type3A, %and3A_1224 : vector<16xi32>
        %or3A = arith.constant 1056964608 : i32
        %or3A_1226 = vector.broadcast %or3A : i32 to vector<16xi32>
        %or3A_1227 = arith.ori %and3A_1225, %or3A_1226 : vector<16xi32>
        %bitcast_convert_type3A_1228 = tpu.bitcast %or3A_1227 : vector<16xi32> -> vector<16xf32>
        %lt3A_1229 = arith.constant 0.707106769 : f32
        %lt3A_1230 = vector.broadcast %lt3A_1229 : f32 to vector<16xf32>
        %lt3A_1231 = arith.cmpf olt, %bitcast_convert_type3A_1228, %lt3A_1230 : vector<16xf32>
        %jit3A_1232 = arith.constant 1 : i32
        %jit3A_1233 = arith.constant 0 : i32
        %broadcast_in_dim3A_1234 = vector.broadcast %jit3A_1232 : i32 to vector<16xi32>
        %broadcast_in_dim3A_1235 = vector.broadcast %jit3A_1233 : i32 to vector<16xi32>
        %select_n3A_1236 = arith.select %lt3A_1231, %broadcast_in_dim3A_1234, %broadcast_in_dim3A_1235 : vector<16xi1>, vector<16xi32>
        %sub3A_1237 = arith.subi %sub3A_1222, %select_n3A_1236 : vector<16xi32>
        %add3A_1238 = arith.addf %bitcast_convert_type3A_1228, %bitcast_convert_type3A_1228 : vector<16xf32>
        %select_n3A_1239 = arith.select %lt3A_1231, %add3A_1238, %bitcast_convert_type3A_1228 : vector<16xi1>, vector<16xf32>
        %sub3A_1240 = arith.constant 1.000000e+00 : f32
        %sub3A_1241 = vector.broadcast %sub3A_1240 : f32 to vector<16xf32>
        %sub3A_1242 = arith.subf %select_n3A_1239, %sub3A_1241 : vector<16xf32>
        %mul3A_1243 = arith.mulf %sub3A_1242, %sub3A_1242 : vector<16xf32>
        %mul3A_1244 = arith.constant -0.166666672 : f32
        %mul3A_1245 = vector.broadcast %mul3A_1244 : f32 to vector<16xf32>
        %mul3A_1246 = arith.mulf %sub3A_1242, %mul3A_1245 : vector<16xf32>
        %add3A_1247 = arith.constant 2.000000e-01 : f32
        %add3A_1248 = vector.broadcast %add3A_1247 : f32 to vector<16xf32>
        %add3A_1249 = arith.addf %add3A_1248, %mul3A_1246 : vector<16xf32>
        %mul3A_1250 = arith.mulf %add3A_1249, %mul3A_1243 : vector<16xf32>
        %add3A_1251 = arith.constant -2.500000e-01 : f32
        %add3A_1252 = vector.broadcast %add3A_1251 : f32 to vector<16xf32>
        %add3A_1253 = arith.addf %add3A_1252, %mul3A_1250 : vector<16xf32>
        %mul3A_1254 = arith.mulf %sub3A_1242, %add3A_1253 : vector<16xf32>
        %add3A_1255 = arith.constant 0.333333343 : f32
        %add3A_1256 = vector.broadcast %add3A_1255 : f32 to vector<16xf32>
        %add3A_1257 = arith.addf %add3A_1256, %mul3A_1254 : vector<16xf32>
        %mul3A_1258 = arith.mulf %sub3A_1242, %mul3A_1243 : vector<16xf32>
        %mul3A_1259 = arith.mulf %mul3A_1258, %add3A_1257 : vector<16xf32>
        %mul3A_1260 = arith.constant 5.000000e-01 : f32
        %mul3A_1261 = vector.broadcast %mul3A_1260 : f32 to vector<16xf32>
        %mul3A_1262 = arith.mulf %mul3A_1261, %mul3A_1243 : vector<16xf32>
        %sub3A_1263 = arith.subf %mul3A_1259, %mul3A_1262 : vector<16xf32>
        %add3A_1264 = arith.addf %sub3A_1242, %sub3A_1263 : vector<16xf32>
        %convert_element_type3A_1265 = arith.sitofp %sub3A_1237 : vector<16xi32> to vector<16xf32>
        %mul3A_1266 = arith.constant 0.693147182 : f32
        %mul3A_1267 = vector.broadcast %mul3A_1266 : f32 to vector<16xf32>
        %mul3A_1268 = arith.mulf %convert_element_type3A_1265, %mul3A_1267 : vector<16xf32>
        %add3A_1269 = arith.addf %add3A_1264, %mul3A_1268 : vector<16xf32>
        %max3A_1270 = arith.constant 0.000000e+00 : f32
        %max3A_1271 = vector.broadcast %max3A_1270 : f32 to vector<16xf32>
        %max3A_1272 = arith.maximumf %add3A_1207, %max3A_1271 : vector<16xf32>
        %min3A_1273 = arith.constant 1.000000e+00 : f32
        %min3A_1274 = vector.broadcast %min3A_1273 : f32 to vector<16xf32>
        %min3A_1275 = arith.minimumf %max3A_1272, %min3A_1274 : vector<16xf32>
        %mul3A_1276 = arith.constant 6.000000e+00 : f32
        %mul3A_1277 = vector.broadcast %mul3A_1276 : f32 to vector<16xf32>
        %mul3A_1278 = arith.mulf %min3A_1275, %mul3A_1277 : vector<16xf32>
        %sub3A_1279 = arith.constant 3.000000e+00 : f32
        %sub3A_1280 = vector.broadcast %sub3A_1279 : f32 to vector<16xf32>
        %sub3A_1281 = arith.subf %mul3A_1278, %sub3A_1280 : vector<16xf32>
        %ge3A_1282 = arith.constant -3.000000e+00 : f32
        %ge3A_1283 = vector.broadcast %ge3A_1282 : f32 to vector<16xf32>
        %ge3A_1284 = arith.cmpf oge, %get3A_338, %ge3A_1283 : vector<16xf32>
        %le3A = arith.constant 3.000000e+00 : f32
        %le3A_1285 = vector.broadcast %le3A : f32 to vector<16xf32>
        %le3A_1286 = arith.cmpf ole, %get3A_338, %le3A_1285 : vector<16xf32>
        %and3A_1287 = arith.andi %ge3A_1284, %le3A_1286 : vector<16xi1>
        %select_n3A_1288 = arith.select %and3A_1287, %sub3A_1281, %get3A_338 : vector<16xi1>, vector<16xf32>
        %swap3A_1289 = arith.index_cast %mul3A_337 : i32 to index
        %swap3A_1290 = tpu.vector_load %arg21[%swap3A_1289] {strides = array<i32>} : memref<1024xf32, #tpu.memory_space<vmem>>, vector<16xf32>,
        tpu.vector_store %arg21[%swap3A_1289], %select_n3A_1288 {strides = array<i32>} : memref<1024xf32, #tpu.memory_space<vmem>>, vector<16xf32>,
        %jit3A_1291 = arith.constant 0.000000e+00 : f32
        %broadcast_in_dim3A_1292 = vector.broadcast %jit3A_1291 : f32 to vector<16xf32>
        %select_n3A_1293 = arith.select %and3A_1287, %add3A_1269, %broadcast_in_dim3A_1292 : vector<16xi1>, vector<16xf32>
        %swap3A_1294 = arith.index_cast %mul3A_337 : i32 to index
        %swap3A_1295 = tpu.vector_load %arg22[%swap3A_1294] {strides = array<i32>} : memref<1024xf32, #tpu.memory_space<vmem>>, vector<16xf32>,
        tpu.vector_store %arg22[%swap3A_1294], %select_n3A_1293 {strides = array<i32>} : memref<1024xf32, #tpu.memory_space<vmem>>, vector<16xf32>,
        %add3A_1296 = arith.constant 1 : i32
        %add3A_1297 = arith.addi %add3A_335, %add3A_1296 : i32
        %mul3A_1298 = arith.constant 16 : i32
        %mul3A_1299 = arith.muli %add3A_1297, %mul3A_1298 : i32
        %get3A_1300 = arith.index_cast %mul3A_1299 : i32 to index
        %get3A_1301 = tpu.vector_load %arg14[%get3A_1300] {strides = array<i32>} : memref<1024xf32, #tpu.memory_space<vmem>>, vector<16xf32>,
        %get3A_1302 = arith.index_cast %mul3A_1299 : i32 to index
        %get3A_1303 = tpu.vector_load %arg17[%get3A_1302] {strides = array<i32>} : memref<1024xf32, #tpu.memory_space<vmem>>, vector<16xf32>,
        %get3A_1304 = arith.index_cast %mul3A_1299 : i32 to index
        %get3A_1305 = tpu.vector_load %arg18[%get3A_1304] {strides = array<i32>} : memref<1024xf32, #tpu.memory_space<vmem>>, vector<16xf32>,
        %jit3A_1306 = arith.constant 128 : i32
        %div3A_1307 = arith.divsi %mul3A_1299, %jit3A_1306 : i32
        %sign3A_1308 = arith.constant 0 : i32
        %sign3A_1309 = arith.cmpi sgt, %mul3A_1299, %sign3A_1308 : i32
        %sign3A_1310 = arith.extui %sign3A_1309 : i1 to i32
        %sign3A_1311 = arith.constant 0 : i32
        %sign3A_1312 = arith.cmpi slt, %mul3A_1299, %sign3A_1311 : i32
        %sign3A_1313 = arith.extui %sign3A_1312 : i1 to i32
        %sign3A_1314 = arith.subi %sign3A_1310, %sign3A_1313 : i32
        %sign3A_1315 = arith.constant 0 : i32
        %sign3A_1316 = arith.cmpi sgt, %jit3A_1306, %sign3A_1315 : i32
        %sign3A_1317 = arith.extui %sign3A_1316 : i1 to i32
        %sign3A_1318 = arith.constant 0 : i32
        %sign3A_1319 = arith.cmpi slt, %jit3A_1306, %sign3A_1318 : i32
        %sign3A_1320 = arith.extui %sign3A_1319 : i1 to i32
        %sign3A_1321 = arith.subi %sign3A_1317, %sign3A_1320 : i32
        %ne3A_1322 = arith.cmpi ne, %sign3A_1314, %sign3A_1321 : i32
        %rem3A_1323 = arith.remsi %mul3A_1299, %jit3A_1306 : i32
        %ne3A_1324 = arith.constant 0 : i32
        %ne3A_1325 = arith.cmpi ne, %rem3A_1323, %ne3A_1324 : i32
        %and3A_1326 = arith.andi %ne3A_1322, %ne3A_1325 : i1
        %sub3A_1327 = arith.constant 1 : i32
        %sub3A_1328 = arith.subi %div3A_1307, %sub3A_1327 : i32
        %select_n3A_1329 = arith.select %and3A_1326, %sub3A_1328, %div3A_1307 : i32
        %jit3A_1330 = arith.constant 128 : i32
        %eq3A_1331 = arith.constant 0 : i32
        %eq3A_1332 = arith.cmpi eq, %jit3A_1330, %eq3A_1331 : i32
        %jit3A_1333 = arith.constant 1 : i32
        %select_n3A_1334 = arith.select %eq3A_1332, %jit3A_1333, %jit3A_1330 : i32
        %rem3A_1335 = arith.remsi %mul3A_1299, %select_n3A_1334 : i32
        %ne3A_1336 = arith.constant 0 : i32
        %ne3A_1337 = arith.cmpi ne, %rem3A_1335, %ne3A_1336 : i32
        %lt3A_1338 = arith.constant 0 : i32
        %lt3A_1339 = arith.cmpi slt, %rem3A_1335, %lt3A_1338 : i32
        %lt3A_1340 = arith.constant 0 : i32
        %lt3A_1341 = arith.cmpi slt, %select_n3A_1334, %lt3A_1340 : i32
        %ne3A_1342 = arith.xori %lt3A_1339, %lt3A_1341 : i1
        %and3A_1343 = arith.andi %ne3A_1342, %ne3A_1337 : i1
        %add3A_1344 = arith.addi %rem3A_1335, %select_n3A_1334 : i32
        %select_n3A_1345 = arith.select %and3A_1343, %add3A_1344, %rem3A_1335 : i32
        %mul3A_1346 = arith.constant 1024 : i32
        %mul3A_1347 = arith.muli %select_n3A_1329, %mul3A_1346 : i32
        %add3A_1348 = arith.addi %mul3A_1347, %select_n3A_1345 : i32
        %add3A_1349 = arith.constant 0 : i32
        %add3A_1350 = arith.addi %add3A_1348, %add3A_1349 : i32
        %get3A_1351 = arith.index_cast %add3A_1350 : i32 to index
        %get3A_1352 = tpu.vector_load %arg15[%get3A_1351] {strides = array<i32>} : memref<16384xf32, #tpu.memory_space<vmem>>, vector<16xf32>,
        %mul3A_1353 = arith.constant 1024 : i32
        %mul3A_1354 = arith.muli %select_n3A_1329, %mul3A_1353 : i32
        %add3A_1355 = arith.addi %mul3A_1354, %select_n3A_1345 : i32
        %add3A_1356 = arith.constant 128 : i32
        %add3A_1357 = arith.addi %add3A_1355, %add3A_1356 : i32
        %get3A_1358 = arith.index_cast %add3A_1357 : i32 to index
        %get3A_1359 = tpu.vector_load %arg15[%get3A_1358] {strides = array<i32>} : memref<16384xf32, #tpu.memory_space<vmem>>, vector<16xf32>,
        %mul3A_1360 = arith.constant 1024 : i32
        %mul3A_1361 = arith.muli %select_n3A_1329, %mul3A_1360 : i32
        %add3A_1362 = arith.addi %mul3A_1361, %select_n3A_1345 : i32
        %add3A_1363 = arith.constant 256 : i32
        %add3A_1364 = arith.addi %add3A_1362, %add3A_1363 : i32
        %get3A_1365 = arith.index_cast %add3A_1364 : i32 to index
        %get3A_1366 = tpu.vector_load %arg15[%get3A_1365] {strides = array<i32>} : memref<16384xf32, #tpu.memory_space<vmem>>, vector<16xf32>,
        %mul3A_1367 = arith.constant 1024 : i32
        %mul3A_1368 = arith.muli %select_n3A_1329, %mul3A_1367 : i32
        %add3A_1369 = arith.addi %mul3A_1368, %select_n3A_1345 : i32
        %add3A_1370 = arith.constant 384 : i32
        %add3A_1371 = arith.addi %add3A_1369, %add3A_1370 : i32
        %get3A_1372 = arith.index_cast %add3A_1371 : i32 to index
        %get3A_1373 = tpu.vector_load %arg15[%get3A_1372] {strides = array<i32>} : memref<16384xf32, #tpu.memory_space<vmem>>, vector<16xf32>,
        %mul3A_1374 = arith.constant 1024 : i32
        %mul3A_1375 = arith.muli %select_n3A_1329, %mul3A_1374 : i32
        %add3A_1376 = arith.addi %mul3A_1375, %select_n3A_1345 : i32
        %add3A_1377 = arith.constant 512 : i32
        %add3A_1378 = arith.addi %add3A_1376, %add3A_1377 : i32
        %get3A_1379 = arith.index_cast %add3A_1378 : i32 to index
        %get3A_1380 = tpu.vector_load %arg15[%get3A_1379] {strides = array<i32>} : memref<16384xf32, #tpu.memory_space<vmem>>, vector<16xf32>,
        %mul3A_1381 = arith.constant 1024 : i32
        %mul3A_1382 = arith.muli %select_n3A_1329, %mul3A_1381 : i32
        %add3A_1383 = arith.addi %mul3A_1382, %select_n3A_1345 : i32
        %add3A_1384 = arith.constant 640 : i32
        %add3A_1385 = arith.addi %add3A_1383, %add3A_1384 : i32
        %get3A_1386 = arith.index_cast %add3A_1385 : i32 to index
        %get3A_1387 = tpu.vector_load %arg15[%get3A_1386] {strides = array<i32>} : memref<16384xf32, #tpu.memory_space<vmem>>, vector<16xf32>,
        %mul3A_1388 = arith.constant 1024 : i32
        %mul3A_1389 = arith.muli %select_n3A_1329, %mul3A_1388 : i32
        %add3A_1390 = arith.addi %mul3A_1389, %select_n3A_1345 : i32
        %add3A_1391 = arith.constant 768 : i32
        %add3A_1392 = arith.addi %add3A_1390, %add3A_1391 : i32
        %get3A_1393 = arith.index_cast %add3A_1392 : i32 to index
        %get3A_1394 = tpu.vector_load %arg15[%get3A_1393] {strides = array<i32>} : memref<16384xf32, #tpu.memory_space<vmem>>, vector<16xf32>,
        %mul3A_1395 = arith.constant 1024 : i32
        %mul3A_1396 = arith.muli %select_n3A_1329, %mul3A_1395 : i32
        %add3A_1397 = arith.addi %mul3A_1396, %select_n3A_1345 : i32
        %add3A_1398 = arith.constant 896 : i32
        %add3A_1399 = arith.addi %add3A_1397, %add3A_1398 : i32
        %get3A_1400 = arith.index_cast %add3A_1399 : i32 to index
        %get3A_1401 = tpu.vector_load %arg15[%get3A_1400] {strides = array<i32>} : memref<16384xf32, #tpu.memory_space<vmem>>, vector<16xf32>,
        %mul3A_1402 = arith.constant 1024 : i32
        %mul3A_1403 = arith.muli %select_n3A_1329, %mul3A_1402 : i32
        %add3A_1404 = arith.addi %mul3A_1403, %select_n3A_1345 : i32
        %add3A_1405 = arith.constant 8192 : i32
        %add3A_1406 = arith.addi %add3A_1404, %add3A_1405 : i32
        %get3A_1407 = arith.index_cast %add3A_1406 : i32 to index
        %get3A_1408 = tpu.vector_load %arg15[%get3A_1407] {strides = array<i32>} : memref<16384xf32, #tpu.memory_space<vmem>>, vector<16xf32>,
        %mul3A_1409 = arith.constant 1024 : i32
        %mul3A_1410 = arith.muli %select_n3A_1329, %mul3A_1409 : i32
        %add3A_1411 = arith.addi %mul3A_1410, %select_n3A_1345 : i32
        %add3A_1412 = arith.constant 8320 : i32
        %add3A_1413 = arith.addi %add3A_1411, %add3A_1412 : i32
        %get3A_1414 = arith.index_cast %add3A_1413 : i32 to index
        %get3A_1415 = tpu.vector_load %arg15[%get3A_1414] {strides = array<i32>} : memref<16384xf32, #tpu.memory_space<vmem>>, vector<16xf32>,
        %mul3A_1416 = arith.constant 1024 : i32
        %mul3A_1417 = arith.muli %select_n3A_1329, %mul3A_1416 : i32
        %add3A_1418 = arith.addi %mul3A_1417, %select_n3A_1345 : i32
        %add3A_1419 = arith.constant 8448 : i32
        %add3A_1420 = arith.addi %add3A_1418, %add3A_1419 : i32
        %get3A_1421 = arith.index_cast %add3A_1420 : i32 to index
        %get3A_1422 = tpu.vector_load %arg15[%get3A_1421] {strides = array<i32>} : memref<16384xf32, #tpu.memory_space<vmem>>, vector<16xf32>,
        %mul3A_1423 = arith.constant 1024 : i32
        %mul3A_1424 = arith.muli %select_n3A_1329, %mul3A_1423 : i32
        %add3A_1425 = arith.addi %mul3A_1424, %select_n3A_1345 : i32
        %add3A_1426 = arith.constant 8576 : i32
        %add3A_1427 = arith.addi %add3A_1425, %add3A_1426 : i32
        %get3A_1428 = arith.index_cast %add3A_1427 : i32 to index
        %get3A_1429 = tpu.vector_load %arg15[%get3A_1428] {strides = array<i32>} : memref<16384xf32, #tpu.memory_space<vmem>>, vector<16xf32>,
        %mul3A_1430 = arith.constant 1024 : i32
        %mul3A_1431 = arith.muli %select_n3A_1329, %mul3A_1430 : i32
        %add3A_1432 = arith.addi %mul3A_1431, %select_n3A_1345 : i32
        %add3A_1433 = arith.constant 8704 : i32
        %add3A_1434 = arith.addi %add3A_1432, %add3A_1433 : i32
        %get3A_1435 = arith.index_cast %add3A_1434 : i32 to index
        %get3A_1436 = tpu.vector_load %arg15[%get3A_1435] {strides = array<i32>} : memref<16384xf32, #tpu.memory_space<vmem>>, vector<16xf32>,
        %mul3A_1437 = arith.constant 1024 : i32
        %mul3A_1438 = arith.muli %select_n3A_1329, %mul3A_1437 : i32
        %add3A_1439 = arith.addi %mul3A_1438, %select_n3A_1345 : i32
        %add3A_1440 = arith.constant 8832 : i32
        %add3A_1441 = arith.addi %add3A_1439, %add3A_1440 : i32
        %get3A_1442 = arith.index_cast %add3A_1441 : i32 to index
        %get3A_1443 = tpu.vector_load %arg15[%get3A_1442] {strides = array<i32>} : memref<16384xf32, #tpu.memory_space<vmem>>, vector<16xf32>,
        %mul3A_1444 = arith.constant 1024 : i32
        %mul3A_1445 = arith.muli %select_n3A_1329, %mul3A_1444 : i32
        %add3A_1446 = arith.addi %mul3A_1445, %select_n3A_1345 : i32
        %add3A_1447 = arith.constant 8960 : i32
        %add3A_1448 = arith.addi %add3A_1446, %add3A_1447 : i32
        %get3A_1449 = arith.index_cast %add3A_1448 : i32 to index
        %get3A_1450 = tpu.vector_load %arg15[%get3A_1449] {strides = array<i32>} : memref<16384xf32, #tpu.memory_space<vmem>>, vector<16xf32>,
        %mul3A_1451 = arith.constant 1024 : i32
        %mul3A_1452 = arith.muli %select_n3A_1329, %mul3A_1451 : i32
        %add3A_1453 = arith.addi %mul3A_1452, %select_n3A_1345 : i32
        %add3A_1454 = arith.constant 9088 : i32
        %add3A_1455 = arith.addi %add3A_1453, %add3A_1454 : i32
        %get3A_1456 = arith.index_cast %add3A_1455 : i32 to index
        %get3A_1457 = tpu.vector_load %arg15[%get3A_1456] {strides = array<i32>} : memref<16384xf32, #tpu.memory_space<vmem>>, vector<16xf32>,
        %mul3A_1458 = arith.constant 1024 : i32
        %mul3A_1459 = arith.muli %select_n3A_1329, %mul3A_1458 : i32
        %add3A_1460 = arith.addi %mul3A_1459, %select_n3A_1345 : i32
        %add3A_1461 = arith.constant 0 : i32
        %add3A_1462 = arith.addi %add3A_1460, %add3A_1461 : i32
        %get3A_1463 = arith.index_cast %add3A_1462 : i32 to index
        %get3A_1464 = tpu.vector_load %arg16[%get3A_1463] {strides = array<i32>} : memref<16384xf32, #tpu.memory_space<vmem>>, vector<16xf32>,
        %mul3A_1465 = arith.constant 1024 : i32
        %mul3A_1466 = arith.muli %select_n3A_1329, %mul3A_1465 : i32
        %add3A_1467 = arith.addi %mul3A_1466, %select_n3A_1345 : i32
        %add3A_1468 = arith.constant 128 : i32
        %add3A_1469 = arith.addi %add3A_1467, %add3A_1468 : i32
        %get3A_1470 = arith.index_cast %add3A_1469 : i32 to index
        %get3A_1471 = tpu.vector_load %arg16[%get3A_1470] {strides = array<i32>} : memref<16384xf32, #tpu.memory_space<vmem>>, vector<16xf32>,
        %mul3A_1472 = arith.constant 1024 : i32
        %mul3A_1473 = arith.muli %select_n3A_1329, %mul3A_1472 : i32
        %add3A_1474 = arith.addi %mul3A_1473, %select_n3A_1345 : i32
        %add3A_1475 = arith.constant 256 : i32
        %add3A_1476 = arith.addi %add3A_1474, %add3A_1475 : i32
        %get3A_1477 = arith.index_cast %add3A_1476 : i32 to index
        %get3A_1478 = tpu.vector_load %arg16[%get3A_1477] {strides = array<i32>} : memref<16384xf32, #tpu.memory_space<vmem>>, vector<16xf32>,
        %mul3A_1479 = arith.constant 1024 : i32
        %mul3A_1480 = arith.muli %select_n3A_1329, %mul3A_1479 : i32
        %add3A_1481 = arith.addi %mul3A_1480, %select_n3A_1345 : i32
        %add3A_1482 = arith.constant 384 : i32
        %add3A_1483 = arith.addi %add3A_1481, %add3A_1482 : i32
        %get3A_1484 = arith.index_cast %add3A_1483 : i32 to index
        %get3A_1485 = tpu.vector_load %arg16[%get3A_1484] {strides = array<i32>} : memref<16384xf32, #tpu.memory_space<vmem>>, vector<16xf32>,
        %mul3A_1486 = arith.constant 1024 : i32
        %mul3A_1487 = arith.muli %select_n3A_1329, %mul3A_1486 : i32
        %add3A_1488 = arith.addi %mul3A_1487, %select_n3A_1345 : i32
        %add3A_1489 = arith.constant 512 : i32
        %add3A_1490 = arith.addi %add3A_1488, %add3A_1489 : i32
        %get3A_1491 = arith.index_cast %add3A_1490 : i32 to index
        %get3A_1492 = tpu.vector_load %arg16[%get3A_1491] {strides = array<i32>} : memref<16384xf32, #tpu.memory_space<vmem>>, vector<16xf32>,
        %mul3A_1493 = arith.constant 1024 : i32
        %mul3A_1494 = arith.muli %select_n3A_1329, %mul3A_1493 : i32
        %add3A_1495 = arith.addi %mul3A_1494, %select_n3A_1345 : i32
        %add3A_1496 = arith.constant 640 : i32
        %add3A_1497 = arith.addi %add3A_1495, %add3A_1496 : i32
        %get3A_1498 = arith.index_cast %add3A_1497 : i32 to index
        %get3A_1499 = tpu.vector_load %arg16[%get3A_1498] {strides = array<i32>} : memref<16384xf32, #tpu.memory_space<vmem>>, vector<16xf32>,
        %mul3A_1500 = arith.constant 1024 : i32
        %mul3A_1501 = arith.muli %select_n3A_1329, %mul3A_1500 : i32
        %add3A_1502 = arith.addi %mul3A_1501, %select_n3A_1345 : i32
        %add3A_1503 = arith.constant 768 : i32
        %add3A_1504 = arith.addi %add3A_1502, %add3A_1503 : i32
        %get3A_1505 = arith.index_cast %add3A_1504 : i32 to index
        %get3A_1506 = tpu.vector_load %arg16[%get3A_1505] {strides = array<i32>} : memref<16384xf32, #tpu.memory_space<vmem>>, vector<16xf32>,
        %mul3A_1507 = arith.constant 1024 : i32
        %mul3A_1508 = arith.muli %select_n3A_1329, %mul3A_1507 : i32
        %add3A_1509 = arith.addi %mul3A_1508, %select_n3A_1345 : i32
        %add3A_1510 = arith.constant 896 : i32
        %add3A_1511 = arith.addi %add3A_1509, %add3A_1510 : i32
        %get3A_1512 = arith.index_cast %add3A_1511 : i32 to index
        %get3A_1513 = tpu.vector_load %arg16[%get3A_1512] {strides = array<i32>} : memref<16384xf32, #tpu.memory_space<vmem>>, vector<16xf32>,
        %mul3A_1514 = arith.constant 1024 : i32
        %mul3A_1515 = arith.muli %select_n3A_1329, %mul3A_1514 : i32
        %add3A_1516 = arith.addi %mul3A_1515, %select_n3A_1345 : i32
        %add3A_1517 = arith.constant 8192 : i32
        %add3A_1518 = arith.addi %add3A_1516, %add3A_1517 : i32
        %get3A_1519 = arith.index_cast %add3A_1518 : i32 to index
        %get3A_1520 = tpu.vector_load %arg16[%get3A_1519] {strides = array<i32>} : memref<16384xf32, #tpu.memory_space<vmem>>, vector<16xf32>,
        %mul3A_1521 = arith.constant 1024 : i32
        %mul3A_1522 = arith.muli %select_n3A_1329, %mul3A_1521 : i32
        %add3A_1523 = arith.addi %mul3A_1522, %select_n3A_1345 : i32
        %add3A_1524 = arith.constant 8320 : i32
        %add3A_1525 = arith.addi %add3A_1523, %add3A_1524 : i32
        %get3A_1526 = arith.index_cast %add3A_1525 : i32 to index
        %get3A_1527 = tpu.vector_load %arg16[%get3A_1526] {strides = array<i32>} : memref<16384xf32, #tpu.memory_space<vmem>>, vector<16xf32>,
        %mul3A_1528 = arith.constant 1024 : i32
        %mul3A_1529 = arith.muli %select_n3A_1329, %mul3A_1528 : i32
        %add3A_1530 = arith.addi %mul3A_1529, %select_n3A_1345 : i32
        %add3A_1531 = arith.constant 8448 : i32
        %add3A_1532 = arith.addi %add3A_1530, %add3A_1531 : i32
        %get3A_1533 = arith.index_cast %add3A_1532 : i32 to index
        %get3A_1534 = tpu.vector_load %arg16[%get3A_1533] {strides = array<i32>} : memref<16384xf32, #tpu.memory_space<vmem>>, vector<16xf32>,
        %mul3A_1535 = arith.constant 1024 : i32
        %mul3A_1536 = arith.muli %select_n3A_1329, %mul3A_1535 : i32
        %add3A_1537 = arith.addi %mul3A_1536, %select_n3A_1345 : i32
        %add3A_1538 = arith.constant 8576 : i32
        %add3A_1539 = arith.addi %add3A_1537, %add3A_1538 : i32
        %get3A_1540 = arith.index_cast %add3A_1539 : i32 to index
        %get3A_1541 = tpu.vector_load %arg16[%get3A_1540] {strides = array<i32>} : memref<16384xf32, #tpu.memory_space<vmem>>, vector<16xf32>,
        %mul3A_1542 = arith.constant 1024 : i32
        %mul3A_1543 = arith.muli %select_n3A_1329, %mul3A_1542 : i32
        %add3A_1544 = arith.addi %mul3A_1543, %select_n3A_1345 : i32
        %add3A_1545 = arith.constant 8704 : i32
        %add3A_1546 = arith.addi %add3A_1544, %add3A_1545 : i32
        %get3A_1547 = arith.index_cast %add3A_1546 : i32 to index
        %get3A_1548 = tpu.vector_load %arg16[%get3A_1547] {strides = array<i32>} : memref<16384xf32, #tpu.memory_space<vmem>>, vector<16xf32>,
        %mul3A_1549 = arith.constant 1024 : i32
        %mul3A_1550 = arith.muli %select_n3A_1329, %mul3A_1549 : i32
        %add3A_1551 = arith.addi %mul3A_1550, %select_n3A_1345 : i32
        %add3A_1552 = arith.constant 8832 : i32
        %add3A_1553 = arith.addi %add3A_1551, %add3A_1552 : i32
        %get3A_1554 = arith.index_cast %add3A_1553 : i32 to index
        %get3A_1555 = tpu.vector_load %arg16[%get3A_1554] {strides = array<i32>} : memref<16384xf32, #tpu.memory_space<vmem>>, vector<16xf32>,
        %mul3A_1556 = arith.constant 1024 : i32
        %mul3A_1557 = arith.muli %select_n3A_1329, %mul3A_1556 : i32
        %add3A_1558 = arith.addi %mul3A_1557, %select_n3A_1345 : i32
        %add3A_1559 = arith.constant 8960 : i32
        %add3A_1560 = arith.addi %add3A_1558, %add3A_1559 : i32
        %get3A_1561 = arith.index_cast %add3A_1560 : i32 to index
        %get3A_1562 = tpu.vector_load %arg16[%get3A_1561] {strides = array<i32>} : memref<16384xf32, #tpu.memory_space<vmem>>, vector<16xf32>,
        %mul3A_1563 = arith.constant 1024 : i32
        %mul3A_1564 = arith.muli %select_n3A_1329, %mul3A_1563 : i32
        %add3A_1565 = arith.addi %mul3A_1564, %select_n3A_1345 : i32
        %add3A_1566 = arith.constant 9088 : i32
        %add3A_1567 = arith.addi %add3A_1565, %add3A_1566 : i32
        %get3A_1568 = arith.index_cast %add3A_1567 : i32 to index
        %get3A_1569 = tpu.vector_load %arg16[%get3A_1568] {strides = array<i32>} : memref<16384xf32, #tpu.memory_space<vmem>>, vector<16xf32>,
        %exp3A_1570 = math.exp %get3A_1352 : vector<16xf32>
        %exp3A_1571 = math.exp %get3A_1359 : vector<16xf32>
        %exp3A_1572 = math.exp %get3A_1366 : vector<16xf32>
        %exp3A_1573 = math.exp %get3A_1373 : vector<16xf32>
        %exp3A_1574 = math.exp %get3A_1380 : vector<16xf32>
        %exp3A_1575 = math.exp %get3A_1387 : vector<16xf32>
        %exp3A_1576 = math.exp %get3A_1394 : vector<16xf32>
        %exp3A_1577 = math.exp %get3A_1401 : vector<16xf32>
        %exp3A_1578 = math.exp %get3A_1408 : vector<16xf32>
        %exp3A_1579 = math.exp %get3A_1415 : vector<16xf32>
        %exp3A_1580 = math.exp %get3A_1422 : vector<16xf32>
        %exp3A_1581 = math.exp %get3A_1429 : vector<16xf32>
        %exp3A_1582 = math.exp %get3A_1436 : vector<16xf32>
        %exp3A_1583 = math.exp %get3A_1443 : vector<16xf32>
        %exp3A_1584 = math.exp %get3A_1450 : vector<16xf32>
        %exp3A_1585 = math.exp %get3A_1457 : vector<16xf32>
        %exp3A_1586 = math.exp %get3A_1464 : vector<16xf32>
        %exp3A_1587 = math.exp %get3A_1471 : vector<16xf32>
        %exp3A_1588 = math.exp %get3A_1478 : vector<16xf32>
        %exp3A_1589 = math.exp %get3A_1485 : vector<16xf32>
        %exp3A_1590 = math.exp %get3A_1492 : vector<16xf32>
        %exp3A_1591 = math.exp %get3A_1499 : vector<16xf32>
        %exp3A_1592 = math.exp %get3A_1506 : vector<16xf32>
        %exp3A_1593 = math.exp %get3A_1513 : vector<16xf32>
        %exp3A_1594 = math.exp %get3A_1520 : vector<16xf32>
        %exp3A_1595 = math.exp %get3A_1527 : vector<16xf32>
        %exp3A_1596 = math.exp %get3A_1534 : vector<16xf32>
        %exp3A_1597 = math.exp %get3A_1541 : vector<16xf32>
        %exp3A_1598 = math.exp %get3A_1548 : vector<16xf32>
        %exp3A_1599 = math.exp %get3A_1555 : vector<16xf32>
        %exp3A_1600 = math.exp %get3A_1562 : vector<16xf32>
        %exp3A_1601 = math.exp %get3A_1569 : vector<16xf32>
        %add3A_1602 = arith.addf %exp3A_1570, %exp3A_1571 : vector<16xf32>
        %add3A_1603 = arith.addf %exp3A_1572, %exp3A_1573 : vector<16xf32>
        %add3A_1604 = arith.addf %exp3A_1574, %exp3A_1575 : vector<16xf32>
        %add3A_1605 = arith.addf %exp3A_1576, %exp3A_1577 : vector<16xf32>
        %add3A_1606 = arith.addf %exp3A_1578, %exp3A_1579 : vector<16xf32>
        %add3A_1607 = arith.addf %exp3A_1580, %exp3A_1581 : vector<16xf32>
        %add3A_1608 = arith.addf %exp3A_1582, %exp3A_1583 : vector<16xf32>
        %add3A_1609 = arith.addf %exp3A_1584, %exp3A_1585 : vector<16xf32>
        %add3A_1610 = arith.addf %add3A_1602, %add3A_1603 : vector<16xf32>
        %add3A_1611 = arith.addf %add3A_1604, %add3A_1605 : vector<16xf32>
        %add3A_1612 = arith.addf %add3A_1606, %add3A_1607 : vector<16xf32>
        %add3A_1613 = arith.addf %add3A_1608, %add3A_1609 : vector<16xf32>
        %add3A_1614 = arith.addf %add3A_1610, %add3A_1611 : vector<16xf32>
        %add3A_1615 = arith.addf %add3A_1612, %add3A_1613 : vector<16xf32>
        %add3A_1616 = arith.addf %add3A_1614, %add3A_1615 : vector<16xf32>
        %div3A_1617 = vector.broadcast %scan3A : f32 to vector<16xf32>
        %div3A_1618 = arith.divf %div3A_1617, %add3A_1616 : vector<16xf32>
        %add3A_1619 = arith.addf %exp3A_1586, %exp3A_1587 : vector<16xf32>
        %add3A_1620 = arith.addf %exp3A_1588, %exp3A_1589 : vector<16xf32>
        %add3A_1621 = arith.addf %exp3A_1590, %exp3A_1591 : vector<16xf32>
        %add3A_1622 = arith.addf %exp3A_1592, %exp3A_1593 : vector<16xf32>
        %add3A_1623 = arith.addf %exp3A_1594, %exp3A_1595 : vector<16xf32>
        %add3A_1624 = arith.addf %exp3A_1596, %exp3A_1597 : vector<16xf32>
        %add3A_1625 = arith.addf %exp3A_1598, %exp3A_1599 : vector<16xf32>
        %add3A_1626 = arith.addf %exp3A_1600, %exp3A_1601 : vector<16xf32>
        %add3A_1627 = arith.addf %add3A_1619, %add3A_1620 : vector<16xf32>
        %add3A_1628 = arith.addf %add3A_1621, %add3A_1622 : vector<16xf32>
        %add3A_1629 = arith.addf %add3A_1623, %add3A_1624 : vector<16xf32>
        %add3A_1630 = arith.addf %add3A_1625, %add3A_1626 : vector<16xf32>
        %add3A_1631 = arith.addf %add3A_1627, %add3A_1628 : vector<16xf32>
        %add3A_1632 = arith.addf %add3A_1629, %add3A_1630 : vector<16xf32>
        %add3A_1633 = arith.addf %add3A_1631, %add3A_1632 : vector<16xf32>
        %div3A_1634 = vector.broadcast %scan3A_62 : f32 to vector<16xf32>
        %div3A_1635 = arith.divf %div3A_1634, %add3A_1633 : vector<16xf32>
        %add3A_1636 = arith.addf %exp3A_1570, %exp3A_1571 : vector<16xf32>
        %add3A_1637 = arith.addf %exp3A_1586, %exp3A_1587 : vector<16xf32>
        %add3A_1638 = arith.addf %add3A_1636, %exp3A_1572 : vector<16xf32>
        %add3A_1639 = arith.addf %add3A_1637, %exp3A_1588 : vector<16xf32>
        %add3A_1640 = arith.addf %add3A_1638, %exp3A_1573 : vector<16xf32>
        %add3A_1641 = arith.addf %add3A_1639, %exp3A_1589 : vector<16xf32>
        %add3A_1642 = arith.addf %add3A_1640, %exp3A_1574 : vector<16xf32>
        %add3A_1643 = arith.addf %add3A_1641, %exp3A_1590 : vector<16xf32>
        %add3A_1644 = arith.addf %add3A_1642, %exp3A_1575 : vector<16xf32>
        %add3A_1645 = arith.addf %add3A_1643, %exp3A_1591 : vector<16xf32>
        %add3A_1646 = arith.addf %add3A_1644, %exp3A_1576 : vector<16xf32>
        %add3A_1647 = arith.addf %add3A_1645, %exp3A_1592 : vector<16xf32>
        %add3A_1648 = arith.addf %add3A_1646, %exp3A_1577 : vector<16xf32>
        %add3A_1649 = arith.addf %add3A_1647, %exp3A_1593 : vector<16xf32>
        %add3A_1650 = arith.addf %add3A_1648, %exp3A_1578 : vector<16xf32>
        %add3A_1651 = arith.addf %add3A_1649, %exp3A_1594 : vector<16xf32>
        %add3A_1652 = arith.addf %add3A_1650, %exp3A_1579 : vector<16xf32>
        %add3A_1653 = arith.addf %add3A_1651, %exp3A_1595 : vector<16xf32>
        %add3A_1654 = arith.addf %add3A_1652, %exp3A_1580 : vector<16xf32>
        %add3A_1655 = arith.addf %add3A_1653, %exp3A_1596 : vector<16xf32>
        %add3A_1656 = arith.addf %add3A_1654, %exp3A_1581 : vector<16xf32>
        %add3A_1657 = arith.addf %add3A_1655, %exp3A_1597 : vector<16xf32>
        %add3A_1658 = arith.addf %add3A_1656, %exp3A_1582 : vector<16xf32>
        %add3A_1659 = arith.addf %add3A_1657, %exp3A_1598 : vector<16xf32>
        %add3A_1660 = arith.addf %add3A_1658, %exp3A_1583 : vector<16xf32>
        %add3A_1661 = arith.addf %add3A_1659, %exp3A_1599 : vector<16xf32>
        %add3A_1662 = arith.addf %add3A_1660, %exp3A_1584 : vector<16xf32>
        %add3A_1663 = arith.addf %add3A_1661, %exp3A_1600 : vector<16xf32>
        %add3A_1664 = arith.addf %add3A_1662, %exp3A_1585 : vector<16xf32>
        %add3A_1665 = arith.addf %add3A_1663, %exp3A_1601 : vector<16xf32>
        %mul3A_1666 = arith.mulf %div3A_1618, %exp3A_1570 : vector<16xf32>
        %add3A_1667 = arith.constant 1.000000e-03 : f32
        %add3A_1668 = vector.broadcast %add3A_1667 : f32 to vector<16xf32>
        %add3A_1669 = arith.addf %mul3A_1666, %add3A_1668 : vector<16xf32>
        %mul3A_1670 = arith.mulf %div3A_1618, %add3A_1636 : vector<16xf32>
        %add3A_1671 = arith.constant 2.000000e-03 : f32
        %add3A_1672 = vector.broadcast %add3A_1671 : f32 to vector<16xf32>
        %add3A_1673 = arith.addf %mul3A_1670, %add3A_1672 : vector<16xf32>
        %mul3A_1674 = arith.mulf %div3A_1618, %add3A_1638 : vector<16xf32>
        %add3A_1675 = arith.constant 3.000000e-03 : f32
        %add3A_1676 = vector.broadcast %add3A_1675 : f32 to vector<16xf32>
        %add3A_1677 = arith.addf %mul3A_1674, %add3A_1676 : vector<16xf32>
        %mul3A_1678 = arith.mulf %div3A_1618, %add3A_1640 : vector<16xf32>
        %add3A_1679 = arith.constant 4.000000e-03 : f32
        %add3A_1680 = vector.broadcast %add3A_1679 : f32 to vector<16xf32>
        %add3A_1681 = arith.addf %mul3A_1678, %add3A_1680 : vector<16xf32>
        %mul3A_1682 = arith.mulf %div3A_1618, %add3A_1642 : vector<16xf32>
        %add3A_1683 = arith.constant 5.000000e-03 : f32
        %add3A_1684 = vector.broadcast %add3A_1683 : f32 to vector<16xf32>
        %add3A_1685 = arith.addf %mul3A_1682, %add3A_1684 : vector<16xf32>
        %mul3A_1686 = arith.mulf %div3A_1618, %add3A_1644 : vector<16xf32>
        %add3A_1687 = arith.constant 6.000000e-03 : f32
        %add3A_1688 = vector.broadcast %add3A_1687 : f32 to vector<16xf32>
        %add3A_1689 = arith.addf %mul3A_1686, %add3A_1688 : vector<16xf32>
        %mul3A_1690 = arith.mulf %div3A_1618, %add3A_1646 : vector<16xf32>
        %add3A_1691 = arith.constant 7.000000e-03 : f32
        %add3A_1692 = vector.broadcast %add3A_1691 : f32 to vector<16xf32>
        %add3A_1693 = arith.addf %mul3A_1690, %add3A_1692 : vector<16xf32>
        %mul3A_1694 = arith.mulf %div3A_1618, %add3A_1648 : vector<16xf32>
        %add3A_1695 = arith.constant 8.000000e-03 : f32
        %add3A_1696 = vector.broadcast %add3A_1695 : f32 to vector<16xf32>
        %add3A_1697 = arith.addf %mul3A_1694, %add3A_1696 : vector<16xf32>
        %mul3A_1698 = arith.mulf %div3A_1618, %add3A_1650 : vector<16xf32>
        %add3A_1699 = arith.constant 0.00899999961 : f32
        %add3A_1700 = vector.broadcast %add3A_1699 : f32 to vector<16xf32>
        %add3A_1701 = arith.addf %mul3A_1698, %add3A_1700 : vector<16xf32>
        %mul3A_1702 = arith.mulf %div3A_1618, %add3A_1652 : vector<16xf32>
        %add3A_1703 = arith.constant 0.00999999977 : f32
        %add3A_1704 = vector.broadcast %add3A_1703 : f32 to vector<16xf32>
        %add3A_1705 = arith.addf %mul3A_1702, %add3A_1704 : vector<16xf32>
        %mul3A_1706 = arith.mulf %div3A_1618, %add3A_1654 : vector<16xf32>
        %add3A_1707 = arith.constant 1.100000e-02 : f32
        %add3A_1708 = vector.broadcast %add3A_1707 : f32 to vector<16xf32>
        %add3A_1709 = arith.addf %mul3A_1706, %add3A_1708 : vector<16xf32>
        %mul3A_1710 = arith.mulf %div3A_1618, %add3A_1656 : vector<16xf32>
        %add3A_1711 = arith.constant 1.200000e-02 : f32
        %add3A_1712 = vector.broadcast %add3A_1711 : f32 to vector<16xf32>
        %add3A_1713 = arith.addf %mul3A_1710, %add3A_1712 : vector<16xf32>
        %mul3A_1714 = arith.mulf %div3A_1618, %add3A_1658 : vector<16xf32>
        %add3A_1715 = arith.constant 1.300000e-02 : f32
        %add3A_1716 = vector.broadcast %add3A_1715 : f32 to vector<16xf32>
        %add3A_1717 = arith.addf %mul3A_1714, %add3A_1716 : vector<16xf32>
        %mul3A_1718 = arith.mulf %div3A_1618, %add3A_1660 : vector<16xf32>
        %add3A_1719 = arith.constant 1.400000e-02 : f32
        %add3A_1720 = vector.broadcast %add3A_1719 : f32 to vector<16xf32>
        %add3A_1721 = arith.addf %mul3A_1718, %add3A_1720 : vector<16xf32>
        %mul3A_1722 = arith.mulf %div3A_1618, %add3A_1662 : vector<16xf32>
        %add3A_1723 = arith.constant 1.500000e-02 : f32
        %add3A_1724 = vector.broadcast %add3A_1723 : f32 to vector<16xf32>
        %add3A_1725 = arith.addf %mul3A_1722, %add3A_1724 : vector<16xf32>
        %mul3A_1726 = arith.mulf %div3A_1618, %add3A_1664 : vector<16xf32>
        %add3A_1727 = arith.constant 1.600000e-02 : f32
        %add3A_1728 = vector.broadcast %add3A_1727 : f32 to vector<16xf32>
        %add3A_1729 = arith.addf %mul3A_1726, %add3A_1728 : vector<16xf32>
        %mul3A_1730 = arith.mulf %div3A_1635, %exp3A_1586 : vector<16xf32>
        %add3A_1731 = arith.constant 1.000000e-03 : f32
        %add3A_1732 = vector.broadcast %add3A_1731 : f32 to vector<16xf32>
        %add3A_1733 = arith.addf %mul3A_1730, %add3A_1732 : vector<16xf32>
        %mul3A_1734 = arith.mulf %div3A_1635, %add3A_1637 : vector<16xf32>
        %add3A_1735 = arith.constant 2.000000e-03 : f32
        %add3A_1736 = vector.broadcast %add3A_1735 : f32 to vector<16xf32>
        %add3A_1737 = arith.addf %mul3A_1734, %add3A_1736 : vector<16xf32>
        %mul3A_1738 = arith.mulf %div3A_1635, %add3A_1639 : vector<16xf32>
        %add3A_1739 = arith.constant 3.000000e-03 : f32
        %add3A_1740 = vector.broadcast %add3A_1739 : f32 to vector<16xf32>
        %add3A_1741 = arith.addf %mul3A_1738, %add3A_1740 : vector<16xf32>
        %mul3A_1742 = arith.mulf %div3A_1635, %add3A_1641 : vector<16xf32>
        %add3A_1743 = arith.constant 4.000000e-03 : f32
        %add3A_1744 = vector.broadcast %add3A_1743 : f32 to vector<16xf32>
        %add3A_1745 = arith.addf %mul3A_1742, %add3A_1744 : vector<16xf32>
        %mul3A_1746 = arith.mulf %div3A_1635, %add3A_1643 : vector<16xf32>
        %add3A_1747 = arith.constant 5.000000e-03 : f32
        %add3A_1748 = vector.broadcast %add3A_1747 : f32 to vector<16xf32>
        %add3A_1749 = arith.addf %mul3A_1746, %add3A_1748 : vector<16xf32>
        %mul3A_1750 = arith.mulf %div3A_1635, %add3A_1645 : vector<16xf32>
        %add3A_1751 = arith.constant 6.000000e-03 : f32
        %add3A_1752 = vector.broadcast %add3A_1751 : f32 to vector<16xf32>
        %add3A_1753 = arith.addf %mul3A_1750, %add3A_1752 : vector<16xf32>
        %mul3A_1754 = arith.mulf %div3A_1635, %add3A_1647 : vector<16xf32>
        %add3A_1755 = arith.constant 7.000000e-03 : f32
        %add3A_1756 = vector.broadcast %add3A_1755 : f32 to vector<16xf32>
        %add3A_1757 = arith.addf %mul3A_1754, %add3A_1756 : vector<16xf32>
        %mul3A_1758 = arith.mulf %div3A_1635, %add3A_1649 : vector<16xf32>
        %add3A_1759 = arith.constant 8.000000e-03 : f32
        %add3A_1760 = vector.broadcast %add3A_1759 : f32 to vector<16xf32>
        %add3A_1761 = arith.addf %mul3A_1758, %add3A_1760 : vector<16xf32>
        %mul3A_1762 = arith.mulf %div3A_1635, %add3A_1651 : vector<16xf32>
        %add3A_1763 = arith.constant 0.00899999961 : f32
        %add3A_1764 = vector.broadcast %add3A_1763 : f32 to vector<16xf32>
        %add3A_1765 = arith.addf %mul3A_1762, %add3A_1764 : vector<16xf32>
        %mul3A_1766 = arith.mulf %div3A_1635, %add3A_1653 : vector<16xf32>
        %add3A_1767 = arith.constant 0.00999999977 : f32
        %add3A_1768 = vector.broadcast %add3A_1767 : f32 to vector<16xf32>
        %add3A_1769 = arith.addf %mul3A_1766, %add3A_1768 : vector<16xf32>
        %mul3A_1770 = arith.mulf %div3A_1635, %add3A_1655 : vector<16xf32>
        %add3A_1771 = arith.constant 1.100000e-02 : f32
        %add3A_1772 = vector.broadcast %add3A_1771 : f32 to vector<16xf32>
        %add3A_1773 = arith.addf %mul3A_1770, %add3A_1772 : vector<16xf32>
        %mul3A_1774 = arith.mulf %div3A_1635, %add3A_1657 : vector<16xf32>
        %add3A_1775 = arith.constant 1.200000e-02 : f32
        %add3A_1776 = vector.broadcast %add3A_1775 : f32 to vector<16xf32>
        %add3A_1777 = arith.addf %mul3A_1774, %add3A_1776 : vector<16xf32>
        %mul3A_1778 = arith.mulf %div3A_1635, %add3A_1659 : vector<16xf32>
        %add3A_1779 = arith.constant 1.300000e-02 : f32
        %add3A_1780 = vector.broadcast %add3A_1779 : f32 to vector<16xf32>
        %add3A_1781 = arith.addf %mul3A_1778, %add3A_1780 : vector<16xf32>
        %mul3A_1782 = arith.mulf %div3A_1635, %add3A_1661 : vector<16xf32>
        %add3A_1783 = arith.constant 1.400000e-02 : f32
        %add3A_1784 = vector.broadcast %add3A_1783 : f32 to vector<16xf32>
        %add3A_1785 = arith.addf %mul3A_1782, %add3A_1784 : vector<16xf32>
        %mul3A_1786 = arith.mulf %div3A_1635, %add3A_1663 : vector<16xf32>
        %add3A_1787 = arith.constant 1.500000e-02 : f32
        %add3A_1788 = vector.broadcast %add3A_1787 : f32 to vector<16xf32>
        %add3A_1789 = arith.addf %mul3A_1786, %add3A_1788 : vector<16xf32>
        %mul3A_1790 = arith.mulf %div3A_1635, %add3A_1665 : vector<16xf32>
        %add3A_1791 = arith.constant 1.600000e-02 : f32
        %add3A_1792 = vector.broadcast %add3A_1791 : f32 to vector<16xf32>
        %add3A_1793 = arith.addf %mul3A_1790, %add3A_1792 : vector<16xf32>
        %broadcast_in_dim3A_1794 = arith.constant 0.000000e+00 : f32
        %broadcast_in_dim3A_1795 = vector.broadcast %broadcast_in_dim3A_1794 : f32 to vector<16xf32>
        %swap3A_1796 = arith.constant 0 : index
        %swap3A_1797 = tpu.vector_load %arg31[%swap3A_1796] {strides = array<i32>} : memref<256xf32, #tpu.memory_space<vmem>>, vector<16xf32>,
        tpu.vector_store %arg31[%swap3A_1796], %exp3A_1570 {strides = array<i32>} : memref<256xf32, #tpu.memory_space<vmem>>, vector<16xf32>,
        %swap3A_1798 = arith.constant 0 : index
        %swap3A_1799 = tpu.vector_load %arg32[%swap3A_1798] {strides = array<i32>} : memref<256xf32, #tpu.memory_space<vmem>>, vector<16xf32>,
        tpu.vector_store %arg32[%swap3A_1798], %exp3A_1586 {strides = array<i32>} : memref<256xf32, #tpu.memory_space<vmem>>, vector<16xf32>,
        %swap3A_1800 = arith.constant 0 : index
        %swap3A_1801 = tpu.vector_load %arg33[%swap3A_1800] {strides = array<i32>} : memref<256xf32, #tpu.memory_space<vmem>>, vector<16xf32>,
        tpu.vector_store %arg33[%swap3A_1800], %broadcast_in_dim3A_1795 {strides = array<i32>} : memref<256xf32, #tpu.memory_space<vmem>>, vector<16xf32>,
        %swap3A_1802 = arith.constant 0 : index
        %swap3A_1803 = tpu.vector_load %arg34[%swap3A_1802] {strides = array<i32>} : memref<256xf32, #tpu.memory_space<vmem>>, vector<16xf32>,
        tpu.vector_store %arg34[%swap3A_1802], %broadcast_in_dim3A_1795 {strides = array<i32>} : memref<256xf32, #tpu.memory_space<vmem>>, vector<16xf32>,
        %swap3A_1804 = arith.constant 16 : index
        %swap3A_1805 = tpu.vector_load %arg31[%swap3A_1804] {strides = array<i32>} : memref<256xf32, #tpu.memory_space<vmem>>, vector<16xf32>,
        tpu.vector_store %arg31[%swap3A_1804], %exp3A_1571 {strides = array<i32>} : memref<256xf32, #tpu.memory_space<vmem>>, vector<16xf32>,
        %swap3A_1806 = arith.constant 16 : index
        %swap3A_1807 = tpu.vector_load %arg32[%swap3A_1806] {strides = array<i32>} : memref<256xf32, #tpu.memory_space<vmem>>, vector<16xf32>,
        tpu.vector_store %arg32[%swap3A_1806], %exp3A_1587 {strides = array<i32>} : memref<256xf32, #tpu.memory_space<vmem>>, vector<16xf32>,
        %swap3A_1808 = arith.constant 16 : index
        %swap3A_1809 = tpu.vector_load %arg33[%swap3A_1808] {strides = array<i32>} : memref<256xf32, #tpu.memory_space<vmem>>, vector<16xf32>,
        tpu.vector_store %arg33[%swap3A_1808], %add3A_1669 {strides = array<i32>} : memref<256xf32, #tpu.memory_space<vmem>>, vector<16xf32>,
        %swap3A_1810 = arith.constant 16 : index
        %swap3A_1811 = tpu.vector_load %arg34[%swap3A_1810] {strides = array<i32>} : memref<256xf32, #tpu.memory_space<vmem>>, vector<16xf32>,
        tpu.vector_store %arg34[%swap3A_1810], %add3A_1733 {strides = array<i32>} : memref<256xf32, #tpu.memory_space<vmem>>, vector<16xf32>,
        %swap3A_1812 = arith.constant 32 : index
        %swap3A_1813 = tpu.vector_load %arg31[%swap3A_1812] {strides = array<i32>} : memref<256xf32, #tpu.memory_space<vmem>>, vector<16xf32>,
        tpu.vector_store %arg31[%swap3A_1812], %exp3A_1572 {strides = array<i32>} : memref<256xf32, #tpu.memory_space<vmem>>, vector<16xf32>,
        %swap3A_1814 = arith.constant 32 : index
        %swap3A_1815 = tpu.vector_load %arg32[%swap3A_1814] {strides = array<i32>} : memref<256xf32, #tpu.memory_space<vmem>>, vector<16xf32>,
        tpu.vector_store %arg32[%swap3A_1814], %exp3A_1588 {strides = array<i32>} : memref<256xf32, #tpu.memory_space<vmem>>, vector<16xf32>,
        %swap3A_1816 = arith.constant 32 : index
        %swap3A_1817 = tpu.vector_load %arg33[%swap3A_1816] {strides = array<i32>} : memref<256xf32, #tpu.memory_space<vmem>>, vector<16xf32>,
        tpu.vector_store %arg33[%swap3A_1816], %add3A_1673 {strides = array<i32>} : memref<256xf32, #tpu.memory_space<vmem>>, vector<16xf32>,
        %swap3A_1818 = arith.constant 32 : index
        %swap3A_1819 = tpu.vector_load %arg34[%swap3A_1818] {strides = array<i32>} : memref<256xf32, #tpu.memory_space<vmem>>, vector<16xf32>,
        tpu.vector_store %arg34[%swap3A_1818], %add3A_1737 {strides = array<i32>} : memref<256xf32, #tpu.memory_space<vmem>>, vector<16xf32>,
        %swap3A_1820 = arith.constant 48 : index
        %swap3A_1821 = tpu.vector_load %arg31[%swap3A_1820] {strides = array<i32>} : memref<256xf32, #tpu.memory_space<vmem>>, vector<16xf32>,
        tpu.vector_store %arg31[%swap3A_1820], %exp3A_1573 {strides = array<i32>} : memref<256xf32, #tpu.memory_space<vmem>>, vector<16xf32>,
        %swap3A_1822 = arith.constant 48 : index
        %swap3A_1823 = tpu.vector_load %arg32[%swap3A_1822] {strides = array<i32>} : memref<256xf32, #tpu.memory_space<vmem>>, vector<16xf32>,
        tpu.vector_store %arg32[%swap3A_1822], %exp3A_1589 {strides = array<i32>} : memref<256xf32, #tpu.memory_space<vmem>>, vector<16xf32>,
        %swap3A_1824 = arith.constant 48 : index
        %swap3A_1825 = tpu.vector_load %arg33[%swap3A_1824] {strides = array<i32>} : memref<256xf32, #tpu.memory_space<vmem>>, vector<16xf32>,
        tpu.vector_store %arg33[%swap3A_1824], %add3A_1677 {strides = array<i32>} : memref<256xf32, #tpu.memory_space<vmem>>, vector<16xf32>,
        %swap3A_1826 = arith.constant 48 : index
        %swap3A_1827 = tpu.vector_load %arg34[%swap3A_1826] {strides = array<i32>} : memref<256xf32, #tpu.memory_space<vmem>>, vector<16xf32>,
        tpu.vector_store %arg34[%swap3A_1826], %add3A_1741 {strides = array<i32>} : memref<256xf32, #tpu.memory_space<vmem>>, vector<16xf32>,
        %swap3A_1828 = arith.constant 64 : index
        %swap3A_1829 = tpu.vector_load %arg31[%swap3A_1828] {strides = array<i32>} : memref<256xf32, #tpu.memory_space<vmem>>, vector<16xf32>,
        tpu.vector_store %arg31[%swap3A_1828], %exp3A_1574 {strides = array<i32>} : memref<256xf32, #tpu.memory_space<vmem>>, vector<16xf32>,
        %swap3A_1830 = arith.constant 64 : index
        %swap3A_1831 = tpu.vector_load %arg32[%swap3A_1830] {strides = array<i32>} : memref<256xf32, #tpu.memory_space<vmem>>, vector<16xf32>,
        tpu.vector_store %arg32[%swap3A_1830], %exp3A_1590 {strides = array<i32>} : memref<256xf32, #tpu.memory_space<vmem>>, vector<16xf32>,
        %swap3A_1832 = arith.constant 64 : index
        %swap3A_1833 = tpu.vector_load %arg33[%swap3A_1832] {strides = array<i32>} : memref<256xf32, #tpu.memory_space<vmem>>, vector<16xf32>,
        tpu.vector_store %arg33[%swap3A_1832], %add3A_1681 {strides = array<i32>} : memref<256xf32, #tpu.memory_space<vmem>>, vector<16xf32>,
        %swap3A_1834 = arith.constant 64 : index
        %swap3A_1835 = tpu.vector_load %arg34[%swap3A_1834] {strides = array<i32>} : memref<256xf32, #tpu.memory_space<vmem>>, vector<16xf32>,
        tpu.vector_store %arg34[%swap3A_1834], %add3A_1745 {strides = array<i32>} : memref<256xf32, #tpu.memory_space<vmem>>, vector<16xf32>,
        %swap3A_1836 = arith.constant 80 : index
        %swap3A_1837 = tpu.vector_load %arg31[%swap3A_1836] {strides = array<i32>} : memref<256xf32, #tpu.memory_space<vmem>>, vector<16xf32>,
        tpu.vector_store %arg31[%swap3A_1836], %exp3A_1575 {strides = array<i32>} : memref<256xf32, #tpu.memory_space<vmem>>, vector<16xf32>,
        %swap3A_1838 = arith.constant 80 : index
        %swap3A_1839 = tpu.vector_load %arg32[%swap3A_1838] {strides = array<i32>} : memref<256xf32, #tpu.memory_space<vmem>>, vector<16xf32>,
        tpu.vector_store %arg32[%swap3A_1838], %exp3A_1591 {strides = array<i32>} : memref<256xf32, #tpu.memory_space<vmem>>, vector<16xf32>,
        %swap3A_1840 = arith.constant 80 : index
        %swap3A_1841 = tpu.vector_load %arg33[%swap3A_1840] {strides = array<i32>} : memref<256xf32, #tpu.memory_space<vmem>>, vector<16xf32>,
        tpu.vector_store %arg33[%swap3A_1840], %add3A_1685 {strides = array<i32>} : memref<256xf32, #tpu.memory_space<vmem>>, vector<16xf32>,
        %swap3A_1842 = arith.constant 80 : index
        %swap3A_1843 = tpu.vector_load %arg34[%swap3A_1842] {strides = array<i32>} : memref<256xf32, #tpu.memory_space<vmem>>, vector<16xf32>,
        tpu.vector_store %arg34[%swap3A_1842], %add3A_1749 {strides = array<i32>} : memref<256xf32, #tpu.memory_space<vmem>>, vector<16xf32>,
        %swap3A_1844 = arith.constant 96 : index
        %swap3A_1845 = tpu.vector_load %arg31[%swap3A_1844] {strides = array<i32>} : memref<256xf32, #tpu.memory_space<vmem>>, vector<16xf32>,
        tpu.vector_store %arg31[%swap3A_1844], %exp3A_1576 {strides = array<i32>} : memref<256xf32, #tpu.memory_space<vmem>>, vector<16xf32>,
        %swap3A_1846 = arith.constant 96 : index
        %swap3A_1847 = tpu.vector_load %arg32[%swap3A_1846] {strides = array<i32>} : memref<256xf32, #tpu.memory_space<vmem>>, vector<16xf32>,
        tpu.vector_store %arg32[%swap3A_1846], %exp3A_1592 {strides = array<i32>} : memref<256xf32, #tpu.memory_space<vmem>>, vector<16xf32>,
        %swap3A_1848 = arith.constant 96 : index
        %swap3A_1849 = tpu.vector_load %arg33[%swap3A_1848] {strides = array<i32>} : memref<256xf32, #tpu.memory_space<vmem>>, vector<16xf32>,
        tpu.vector_store %arg33[%swap3A_1848], %add3A_1689 {strides = array<i32>} : memref<256xf32, #tpu.memory_space<vmem>>, vector<16xf32>,
        %swap3A_1850 = arith.constant 96 : index
        %swap3A_1851 = tpu.vector_load %arg34[%swap3A_1850] {strides = array<i32>} : memref<256xf32, #tpu.memory_space<vmem>>, vector<16xf32>,
        tpu.vector_store %arg34[%swap3A_1850], %add3A_1753 {strides = array<i32>} : memref<256xf32, #tpu.memory_space<vmem>>, vector<16xf32>,
        %swap3A_1852 = arith.constant 112 : index
        %swap3A_1853 = tpu.vector_load %arg31[%swap3A_1852] {strides = array<i32>} : memref<256xf32, #tpu.memory_space<vmem>>, vector<16xf32>,
        tpu.vector_store %arg31[%swap3A_1852], %exp3A_1577 {strides = array<i32>} : memref<256xf32, #tpu.memory_space<vmem>>, vector<16xf32>,
        %swap3A_1854 = arith.constant 112 : index
        %swap3A_1855 = tpu.vector_load %arg32[%swap3A_1854] {strides = array<i32>} : memref<256xf32, #tpu.memory_space<vmem>>, vector<16xf32>,
        tpu.vector_store %arg32[%swap3A_1854], %exp3A_1593 {strides = array<i32>} : memref<256xf32, #tpu.memory_space<vmem>>, vector<16xf32>,
        %swap3A_1856 = arith.constant 112 : index
        %swap3A_1857 = tpu.vector_load %arg33[%swap3A_1856] {strides = array<i32>} : memref<256xf32, #tpu.memory_space<vmem>>, vector<16xf32>,
        tpu.vector_store %arg33[%swap3A_1856], %add3A_1693 {strides = array<i32>} : memref<256xf32, #tpu.memory_space<vmem>>, vector<16xf32>,
        %swap3A_1858 = arith.constant 112 : index
        %swap3A_1859 = tpu.vector_load %arg34[%swap3A_1858] {strides = array<i32>} : memref<256xf32, #tpu.memory_space<vmem>>, vector<16xf32>,
        tpu.vector_store %arg34[%swap3A_1858], %add3A_1757 {strides = array<i32>} : memref<256xf32, #tpu.memory_space<vmem>>, vector<16xf32>,
        %swap3A_1860 = arith.constant 128 : index
        %swap3A_1861 = tpu.vector_load %arg31[%swap3A_1860] {strides = array<i32>} : memref<256xf32, #tpu.memory_space<vmem>>, vector<16xf32>,
        tpu.vector_store %arg31[%swap3A_1860], %exp3A_1578 {strides = array<i32>} : memref<256xf32, #tpu.memory_space<vmem>>, vector<16xf32>,
        %swap3A_1862 = arith.constant 128 : index
        %swap3A_1863 = tpu.vector_load %arg32[%swap3A_1862] {strides = array<i32>} : memref<256xf32, #tpu.memory_space<vmem>>, vector<16xf32>,
        tpu.vector_store %arg32[%swap3A_1862], %exp3A_1594 {strides = array<i32>} : memref<256xf32, #tpu.memory_space<vmem>>, vector<16xf32>,
        %swap3A_1864 = arith.constant 128 : index
        %swap3A_1865 = tpu.vector_load %arg33[%swap3A_1864] {strides = array<i32>} : memref<256xf32, #tpu.memory_space<vmem>>, vector<16xf32>,
        tpu.vector_store %arg33[%swap3A_1864], %add3A_1697 {strides = array<i32>} : memref<256xf32, #tpu.memory_space<vmem>>, vector<16xf32>,
        %swap3A_1866 = arith.constant 128 : index
        %swap3A_1867 = tpu.vector_load %arg34[%swap3A_1866] {strides = array<i32>} : memref<256xf32, #tpu.memory_space<vmem>>, vector<16xf32>,
        tpu.vector_store %arg34[%swap3A_1866], %add3A_1761 {strides = array<i32>} : memref<256xf32, #tpu.memory_space<vmem>>, vector<16xf32>,
        %swap3A_1868 = arith.constant 144 : index
        %swap3A_1869 = tpu.vector_load %arg31[%swap3A_1868] {strides = array<i32>} : memref<256xf32, #tpu.memory_space<vmem>>, vector<16xf32>,
        tpu.vector_store %arg31[%swap3A_1868], %exp3A_1579 {strides = array<i32>} : memref<256xf32, #tpu.memory_space<vmem>>, vector<16xf32>,
        %swap3A_1870 = arith.constant 144 : index
        %swap3A_1871 = tpu.vector_load %arg32[%swap3A_1870] {strides = array<i32>} : memref<256xf32, #tpu.memory_space<vmem>>, vector<16xf32>,
        tpu.vector_store %arg32[%swap3A_1870], %exp3A_1595 {strides = array<i32>} : memref<256xf32, #tpu.memory_space<vmem>>, vector<16xf32>,
        %swap3A_1872 = arith.constant 144 : index
        %swap3A_1873 = tpu.vector_load %arg33[%swap3A_1872] {strides = array<i32>} : memref<256xf32, #tpu.memory_space<vmem>>, vector<16xf32>,
        tpu.vector_store %arg33[%swap3A_1872], %add3A_1701 {strides = array<i32>} : memref<256xf32, #tpu.memory_space<vmem>>, vector<16xf32>,
        %swap3A_1874 = arith.constant 144 : index
        %swap3A_1875 = tpu.vector_load %arg34[%swap3A_1874] {strides = array<i32>} : memref<256xf32, #tpu.memory_space<vmem>>, vector<16xf32>,
        tpu.vector_store %arg34[%swap3A_1874], %add3A_1765 {strides = array<i32>} : memref<256xf32, #tpu.memory_space<vmem>>, vector<16xf32>,
        %swap3A_1876 = arith.constant 160 : index
        %swap3A_1877 = tpu.vector_load %arg31[%swap3A_1876] {strides = array<i32>} : memref<256xf32, #tpu.memory_space<vmem>>, vector<16xf32>,
        tpu.vector_store %arg31[%swap3A_1876], %exp3A_1580 {strides = array<i32>} : memref<256xf32, #tpu.memory_space<vmem>>, vector<16xf32>,
        %swap3A_1878 = arith.constant 160 : index
        %swap3A_1879 = tpu.vector_load %arg32[%swap3A_1878] {strides = array<i32>} : memref<256xf32, #tpu.memory_space<vmem>>, vector<16xf32>,
        tpu.vector_store %arg32[%swap3A_1878], %exp3A_1596 {strides = array<i32>} : memref<256xf32, #tpu.memory_space<vmem>>, vector<16xf32>,
        %swap3A_1880 = arith.constant 160 : index
        %swap3A_1881 = tpu.vector_load %arg33[%swap3A_1880] {strides = array<i32>} : memref<256xf32, #tpu.memory_space<vmem>>, vector<16xf32>,
        tpu.vector_store %arg33[%swap3A_1880], %add3A_1705 {strides = array<i32>} : memref<256xf32, #tpu.memory_space<vmem>>, vector<16xf32>,
        %swap3A_1882 = arith.constant 160 : index
        %swap3A_1883 = tpu.vector_load %arg34[%swap3A_1882] {strides = array<i32>} : memref<256xf32, #tpu.memory_space<vmem>>, vector<16xf32>,
        tpu.vector_store %arg34[%swap3A_1882], %add3A_1769 {strides = array<i32>} : memref<256xf32, #tpu.memory_space<vmem>>, vector<16xf32>,
        %swap3A_1884 = arith.constant 176 : index
        %swap3A_1885 = tpu.vector_load %arg31[%swap3A_1884] {strides = array<i32>} : memref<256xf32, #tpu.memory_space<vmem>>, vector<16xf32>,
        tpu.vector_store %arg31[%swap3A_1884], %exp3A_1581 {strides = array<i32>} : memref<256xf32, #tpu.memory_space<vmem>>, vector<16xf32>,
        %swap3A_1886 = arith.constant 176 : index
        %swap3A_1887 = tpu.vector_load %arg32[%swap3A_1886] {strides = array<i32>} : memref<256xf32, #tpu.memory_space<vmem>>, vector<16xf32>,
        tpu.vector_store %arg32[%swap3A_1886], %exp3A_1597 {strides = array<i32>} : memref<256xf32, #tpu.memory_space<vmem>>, vector<16xf32>,
        %swap3A_1888 = arith.constant 176 : index
        %swap3A_1889 = tpu.vector_load %arg33[%swap3A_1888] {strides = array<i32>} : memref<256xf32, #tpu.memory_space<vmem>>, vector<16xf32>,
        tpu.vector_store %arg33[%swap3A_1888], %add3A_1709 {strides = array<i32>} : memref<256xf32, #tpu.memory_space<vmem>>, vector<16xf32>,
        %swap3A_1890 = arith.constant 176 : index
        %swap3A_1891 = tpu.vector_load %arg34[%swap3A_1890] {strides = array<i32>} : memref<256xf32, #tpu.memory_space<vmem>>, vector<16xf32>,
        tpu.vector_store %arg34[%swap3A_1890], %add3A_1773 {strides = array<i32>} : memref<256xf32, #tpu.memory_space<vmem>>, vector<16xf32>,
        %swap3A_1892 = arith.constant 192 : index
        %swap3A_1893 = tpu.vector_load %arg31[%swap3A_1892] {strides = array<i32>} : memref<256xf32, #tpu.memory_space<vmem>>, vector<16xf32>,
        tpu.vector_store %arg31[%swap3A_1892], %exp3A_1582 {strides = array<i32>} : memref<256xf32, #tpu.memory_space<vmem>>, vector<16xf32>,
        %swap3A_1894 = arith.constant 192 : index
        %swap3A_1895 = tpu.vector_load %arg32[%swap3A_1894] {strides = array<i32>} : memref<256xf32, #tpu.memory_space<vmem>>, vector<16xf32>,
        tpu.vector_store %arg32[%swap3A_1894], %exp3A_1598 {strides = array<i32>} : memref<256xf32, #tpu.memory_space<vmem>>, vector<16xf32>,
        %swap3A_1896 = arith.constant 192 : index
        %swap3A_1897 = tpu.vector_load %arg33[%swap3A_1896] {strides = array<i32>} : memref<256xf32, #tpu.memory_space<vmem>>, vector<16xf32>,
        tpu.vector_store %arg33[%swap3A_1896], %add3A_1713 {strides = array<i32>} : memref<256xf32, #tpu.memory_space<vmem>>, vector<16xf32>,
        %swap3A_1898 = arith.constant 192 : index
        %swap3A_1899 = tpu.vector_load %arg34[%swap3A_1898] {strides = array<i32>} : memref<256xf32, #tpu.memory_space<vmem>>, vector<16xf32>,
        tpu.vector_store %arg34[%swap3A_1898], %add3A_1777 {strides = array<i32>} : memref<256xf32, #tpu.memory_space<vmem>>, vector<16xf32>,
        %swap3A_1900 = arith.constant 208 : index
        %swap3A_1901 = tpu.vector_load %arg31[%swap3A_1900] {strides = array<i32>} : memref<256xf32, #tpu.memory_space<vmem>>, vector<16xf32>,
        tpu.vector_store %arg31[%swap3A_1900], %exp3A_1583 {strides = array<i32>} : memref<256xf32, #tpu.memory_space<vmem>>, vector<16xf32>,
        %swap3A_1902 = arith.constant 208 : index
        %swap3A_1903 = tpu.vector_load %arg32[%swap3A_1902] {strides = array<i32>} : memref<256xf32, #tpu.memory_space<vmem>>, vector<16xf32>,
        tpu.vector_store %arg32[%swap3A_1902], %exp3A_1599 {strides = array<i32>} : memref<256xf32, #tpu.memory_space<vmem>>, vector<16xf32>,
        %swap3A_1904 = arith.constant 208 : index
        %swap3A_1905 = tpu.vector_load %arg33[%swap3A_1904] {strides = array<i32>} : memref<256xf32, #tpu.memory_space<vmem>>, vector<16xf32>,
        tpu.vector_store %arg33[%swap3A_1904], %add3A_1717 {strides = array<i32>} : memref<256xf32, #tpu.memory_space<vmem>>, vector<16xf32>,
        %swap3A_1906 = arith.constant 208 : index
        %swap3A_1907 = tpu.vector_load %arg34[%swap3A_1906] {strides = array<i32>} : memref<256xf32, #tpu.memory_space<vmem>>, vector<16xf32>,
        tpu.vector_store %arg34[%swap3A_1906], %add3A_1781 {strides = array<i32>} : memref<256xf32, #tpu.memory_space<vmem>>, vector<16xf32>,
        %swap3A_1908 = arith.constant 224 : index
        %swap3A_1909 = tpu.vector_load %arg31[%swap3A_1908] {strides = array<i32>} : memref<256xf32, #tpu.memory_space<vmem>>, vector<16xf32>,
        tpu.vector_store %arg31[%swap3A_1908], %exp3A_1584 {strides = array<i32>} : memref<256xf32, #tpu.memory_space<vmem>>, vector<16xf32>,
        %swap3A_1910 = arith.constant 224 : index
        %swap3A_1911 = tpu.vector_load %arg32[%swap3A_1910] {strides = array<i32>} : memref<256xf32, #tpu.memory_space<vmem>>, vector<16xf32>,
        tpu.vector_store %arg32[%swap3A_1910], %exp3A_1600 {strides = array<i32>} : memref<256xf32, #tpu.memory_space<vmem>>, vector<16xf32>,
        %swap3A_1912 = arith.constant 224 : index
        %swap3A_1913 = tpu.vector_load %arg33[%swap3A_1912] {strides = array<i32>} : memref<256xf32, #tpu.memory_space<vmem>>, vector<16xf32>,
        tpu.vector_store %arg33[%swap3A_1912], %add3A_1721 {strides = array<i32>} : memref<256xf32, #tpu.memory_space<vmem>>, vector<16xf32>,
        %swap3A_1914 = arith.constant 224 : index
        %swap3A_1915 = tpu.vector_load %arg34[%swap3A_1914] {strides = array<i32>} : memref<256xf32, #tpu.memory_space<vmem>>, vector<16xf32>,
        tpu.vector_store %arg34[%swap3A_1914], %add3A_1785 {strides = array<i32>} : memref<256xf32, #tpu.memory_space<vmem>>, vector<16xf32>,
        %swap3A_1916 = arith.constant 240 : index
        %swap3A_1917 = tpu.vector_load %arg31[%swap3A_1916] {strides = array<i32>} : memref<256xf32, #tpu.memory_space<vmem>>, vector<16xf32>,
        tpu.vector_store %arg31[%swap3A_1916], %exp3A_1585 {strides = array<i32>} : memref<256xf32, #tpu.memory_space<vmem>>, vector<16xf32>,
        %swap3A_1918 = arith.constant 240 : index
        %swap3A_1919 = tpu.vector_load %arg32[%swap3A_1918] {strides = array<i32>} : memref<256xf32, #tpu.memory_space<vmem>>, vector<16xf32>,
        tpu.vector_store %arg32[%swap3A_1918], %exp3A_1601 {strides = array<i32>} : memref<256xf32, #tpu.memory_space<vmem>>, vector<16xf32>,
        %swap3A_1920 = arith.constant 240 : index
        %swap3A_1921 = tpu.vector_load %arg33[%swap3A_1920] {strides = array<i32>} : memref<256xf32, #tpu.memory_space<vmem>>, vector<16xf32>,
        tpu.vector_store %arg33[%swap3A_1920], %add3A_1725 {strides = array<i32>} : memref<256xf32, #tpu.memory_space<vmem>>, vector<16xf32>,
        %swap3A_1922 = arith.constant 240 : index
        %swap3A_1923 = tpu.vector_load %arg34[%swap3A_1922] {strides = array<i32>} : memref<256xf32, #tpu.memory_space<vmem>>, vector<16xf32>,
        tpu.vector_store %arg34[%swap3A_1922], %add3A_1789 {strides = array<i32>} : memref<256xf32, #tpu.memory_space<vmem>>, vector<16xf32>,
        %max3A_1924 = arith.constant -3.000000e+00 : f32
        %max3A_1925 = vector.broadcast %max3A_1924 : f32 to vector<16xf32>
        %max3A_1926 = arith.maximumf %get3A_1301, %max3A_1925 : vector<16xf32>
        %min3A_1927 = arith.constant 3.000000e+00 : f32
        %min3A_1928 = vector.broadcast %min3A_1927 : f32 to vector<16xf32>
        %min3A_1929 = arith.minimumf %max3A_1926, %min3A_1928 : vector<16xf32>
        %add3A_1930 = arith.constant 3.000000e+00 : f32
        %add3A_1931 = vector.broadcast %add3A_1930 : f32 to vector<16xf32>
        %add3A_1932 = arith.addf %min3A_1929, %add3A_1931 : vector<16xf32>
        %mul3A_1933 = vector.broadcast %scan3A_63 : f32 to vector<16xf32>
        %mul3A_1934 = arith.mulf %add3A_1932, %mul3A_1933 : vector<16xf32>
        %broadcast_in_dim3A_1935 = arith.constant 0 : i32
        %broadcast_in_dim3A_1936 = vector.broadcast %broadcast_in_dim3A_1935 : i32 to vector<16xi32>
        %ge3A_1937 = arith.cmpf oge, %mul3A_1934, %add3A_1669 : vector<16xf32>
        %jit3A_1938 = arith.constant 1 : i32
        %jit3A_1939 = arith.constant 0 : i32
        %broadcast_in_dim3A_1940 = vector.broadcast %jit3A_1938 : i32 to vector<16xi32>
        %broadcast_in_dim3A_1941 = vector.broadcast %jit3A_1939 : i32 to vector<16xi32>
        %select_n3A_1942 = arith.select %ge3A_1937, %broadcast_in_dim3A_1940, %broadcast_in_dim3A_1941 : vector<16xi1>, vector<16xi32>
        %add3A_1943 = arith.addi %broadcast_in_dim3A_1936, %select_n3A_1942 : vector<16xi32>
        %ge3A_1944 = arith.cmpf oge, %mul3A_1934, %add3A_1673 : vector<16xf32>
        %jit3A_1945 = arith.constant 1 : i32
        %jit3A_1946 = arith.constant 0 : i32
        %broadcast_in_dim3A_1947 = vector.broadcast %jit3A_1945 : i32 to vector<16xi32>
        %broadcast_in_dim3A_1948 = vector.broadcast %jit3A_1946 : i32 to vector<16xi32>
        %select_n3A_1949 = arith.select %ge3A_1944, %broadcast_in_dim3A_1947, %broadcast_in_dim3A_1948 : vector<16xi1>, vector<16xi32>
        %add3A_1950 = arith.addi %add3A_1943, %select_n3A_1949 : vector<16xi32>
        %ge3A_1951 = arith.cmpf oge, %mul3A_1934, %add3A_1677 : vector<16xf32>
        %jit3A_1952 = arith.constant 1 : i32
        %jit3A_1953 = arith.constant 0 : i32
        %broadcast_in_dim3A_1954 = vector.broadcast %jit3A_1952 : i32 to vector<16xi32>
        %broadcast_in_dim3A_1955 = vector.broadcast %jit3A_1953 : i32 to vector<16xi32>
        %select_n3A_1956 = arith.select %ge3A_1951, %broadcast_in_dim3A_1954, %broadcast_in_dim3A_1955 : vector<16xi1>, vector<16xi32>
        %add3A_1957 = arith.addi %add3A_1950, %select_n3A_1956 : vector<16xi32>
        %ge3A_1958 = arith.cmpf oge, %mul3A_1934, %add3A_1681 : vector<16xf32>
        %jit3A_1959 = arith.constant 1 : i32
        %jit3A_1960 = arith.constant 0 : i32
        %broadcast_in_dim3A_1961 = vector.broadcast %jit3A_1959 : i32 to vector<16xi32>
        %broadcast_in_dim3A_1962 = vector.broadcast %jit3A_1960 : i32 to vector<16xi32>
        %select_n3A_1963 = arith.select %ge3A_1958, %broadcast_in_dim3A_1961, %broadcast_in_dim3A_1962 : vector<16xi1>, vector<16xi32>
        %add3A_1964 = arith.addi %add3A_1957, %select_n3A_1963 : vector<16xi32>
        %ge3A_1965 = arith.cmpf oge, %mul3A_1934, %add3A_1685 : vector<16xf32>
        %jit3A_1966 = arith.constant 1 : i32
        %jit3A_1967 = arith.constant 0 : i32
        %broadcast_in_dim3A_1968 = vector.broadcast %jit3A_1966 : i32 to vector<16xi32>
        %broadcast_in_dim3A_1969 = vector.broadcast %jit3A_1967 : i32 to vector<16xi32>
        %select_n3A_1970 = arith.select %ge3A_1965, %broadcast_in_dim3A_1968, %broadcast_in_dim3A_1969 : vector<16xi1>, vector<16xi32>
        %add3A_1971 = arith.addi %add3A_1964, %select_n3A_1970 : vector<16xi32>
        %ge3A_1972 = arith.cmpf oge, %mul3A_1934, %add3A_1689 : vector<16xf32>
        %jit3A_1973 = arith.constant 1 : i32
        %jit3A_1974 = arith.constant 0 : i32
        %broadcast_in_dim3A_1975 = vector.broadcast %jit3A_1973 : i32 to vector<16xi32>
        %broadcast_in_dim3A_1976 = vector.broadcast %jit3A_1974 : i32 to vector<16xi32>
        %select_n3A_1977 = arith.select %ge3A_1972, %broadcast_in_dim3A_1975, %broadcast_in_dim3A_1976 : vector<16xi1>, vector<16xi32>
        %add3A_1978 = arith.addi %add3A_1971, %select_n3A_1977 : vector<16xi32>
        %ge3A_1979 = arith.cmpf oge, %mul3A_1934, %add3A_1693 : vector<16xf32>
        %jit3A_1980 = arith.constant 1 : i32
        %jit3A_1981 = arith.constant 0 : i32
        %broadcast_in_dim3A_1982 = vector.broadcast %jit3A_1980 : i32 to vector<16xi32>
        %broadcast_in_dim3A_1983 = vector.broadcast %jit3A_1981 : i32 to vector<16xi32>
        %select_n3A_1984 = arith.select %ge3A_1979, %broadcast_in_dim3A_1982, %broadcast_in_dim3A_1983 : vector<16xi1>, vector<16xi32>
        %add3A_1985 = arith.addi %add3A_1978, %select_n3A_1984 : vector<16xi32>
        %ge3A_1986 = arith.cmpf oge, %mul3A_1934, %add3A_1697 : vector<16xf32>
        %jit3A_1987 = arith.constant 1 : i32
        %jit3A_1988 = arith.constant 0 : i32
        %broadcast_in_dim3A_1989 = vector.broadcast %jit3A_1987 : i32 to vector<16xi32>
        %broadcast_in_dim3A_1990 = vector.broadcast %jit3A_1988 : i32 to vector<16xi32>
        %select_n3A_1991 = arith.select %ge3A_1986, %broadcast_in_dim3A_1989, %broadcast_in_dim3A_1990 : vector<16xi1>, vector<16xi32>
        %add3A_1992 = arith.addi %add3A_1985, %select_n3A_1991 : vector<16xi32>
        %ge3A_1993 = arith.cmpf oge, %mul3A_1934, %add3A_1701 : vector<16xf32>
        %jit3A_1994 = arith.constant 1 : i32
        %jit3A_1995 = arith.constant 0 : i32
        %broadcast_in_dim3A_1996 = vector.broadcast %jit3A_1994 : i32 to vector<16xi32>
        %broadcast_in_dim3A_1997 = vector.broadcast %jit3A_1995 : i32 to vector<16xi32>
        %select_n3A_1998 = arith.select %ge3A_1993, %broadcast_in_dim3A_1996, %broadcast_in_dim3A_1997 : vector<16xi1>, vector<16xi32>
        %add3A_1999 = arith.addi %add3A_1992, %select_n3A_1998 : vector<16xi32>
        %ge3A_2000 = arith.cmpf oge, %mul3A_1934, %add3A_1705 : vector<16xf32>
        %jit3A_2001 = arith.constant 1 : i32
        %jit3A_2002 = arith.constant 0 : i32
        %broadcast_in_dim3A_2003 = vector.broadcast %jit3A_2001 : i32 to vector<16xi32>
        %broadcast_in_dim3A_2004 = vector.broadcast %jit3A_2002 : i32 to vector<16xi32>
        %select_n3A_2005 = arith.select %ge3A_2000, %broadcast_in_dim3A_2003, %broadcast_in_dim3A_2004 : vector<16xi1>, vector<16xi32>
        %add3A_2006 = arith.addi %add3A_1999, %select_n3A_2005 : vector<16xi32>
        %ge3A_2007 = arith.cmpf oge, %mul3A_1934, %add3A_1709 : vector<16xf32>
        %jit3A_2008 = arith.constant 1 : i32
        %jit3A_2009 = arith.constant 0 : i32
        %broadcast_in_dim3A_2010 = vector.broadcast %jit3A_2008 : i32 to vector<16xi32>
        %broadcast_in_dim3A_2011 = vector.broadcast %jit3A_2009 : i32 to vector<16xi32>
        %select_n3A_2012 = arith.select %ge3A_2007, %broadcast_in_dim3A_2010, %broadcast_in_dim3A_2011 : vector<16xi1>, vector<16xi32>
        %add3A_2013 = arith.addi %add3A_2006, %select_n3A_2012 : vector<16xi32>
        %ge3A_2014 = arith.cmpf oge, %mul3A_1934, %add3A_1713 : vector<16xf32>
        %jit3A_2015 = arith.constant 1 : i32
        %jit3A_2016 = arith.constant 0 : i32
        %broadcast_in_dim3A_2017 = vector.broadcast %jit3A_2015 : i32 to vector<16xi32>
        %broadcast_in_dim3A_2018 = vector.broadcast %jit3A_2016 : i32 to vector<16xi32>
        %select_n3A_2019 = arith.select %ge3A_2014, %broadcast_in_dim3A_2017, %broadcast_in_dim3A_2018 : vector<16xi1>, vector<16xi32>
        %add3A_2020 = arith.addi %add3A_2013, %select_n3A_2019 : vector<16xi32>
        %ge3A_2021 = arith.cmpf oge, %mul3A_1934, %add3A_1717 : vector<16xf32>
        %jit3A_2022 = arith.constant 1 : i32
        %jit3A_2023 = arith.constant 0 : i32
        %broadcast_in_dim3A_2024 = vector.broadcast %jit3A_2022 : i32 to vector<16xi32>
        %broadcast_in_dim3A_2025 = vector.broadcast %jit3A_2023 : i32 to vector<16xi32>
        %select_n3A_2026 = arith.select %ge3A_2021, %broadcast_in_dim3A_2024, %broadcast_in_dim3A_2025 : vector<16xi1>, vector<16xi32>
        %add3A_2027 = arith.addi %add3A_2020, %select_n3A_2026 : vector<16xi32>
        %ge3A_2028 = arith.cmpf oge, %mul3A_1934, %add3A_1721 : vector<16xf32>
        %jit3A_2029 = arith.constant 1 : i32
        %jit3A_2030 = arith.constant 0 : i32
        %broadcast_in_dim3A_2031 = vector.broadcast %jit3A_2029 : i32 to vector<16xi32>
        %broadcast_in_dim3A_2032 = vector.broadcast %jit3A_2030 : i32 to vector<16xi32>
        %select_n3A_2033 = arith.select %ge3A_2028, %broadcast_in_dim3A_2031, %broadcast_in_dim3A_2032 : vector<16xi1>, vector<16xi32>
        %add3A_2034 = arith.addi %add3A_2027, %select_n3A_2033 : vector<16xi32>
        %ge3A_2035 = arith.cmpf oge, %mul3A_1934, %add3A_1725 : vector<16xf32>
        %jit3A_2036 = arith.constant 1 : i32
        %jit3A_2037 = arith.constant 0 : i32
        %broadcast_in_dim3A_2038 = vector.broadcast %jit3A_2036 : i32 to vector<16xi32>
        %broadcast_in_dim3A_2039 = vector.broadcast %jit3A_2037 : i32 to vector<16xi32>
        %select_n3A_2040 = arith.select %ge3A_2035, %broadcast_in_dim3A_2038, %broadcast_in_dim3A_2039 : vector<16xi1>, vector<16xi32>
        %add3A_2041 = arith.addi %add3A_2034, %select_n3A_2040 : vector<16xi32>
        %mul3A_2042 = arith.constant 16 : i32
        %mul3A_2043 = vector.broadcast %mul3A_2042 : i32 to vector<16xi32>
        %mul3A_2044 = arith.muli %add3A_2041, %mul3A_2043 : vector<16xi32>
        %add3A_2045 = arith.addi %mul3A_2044, %iota3A : vector<16xi32>
        %sub3A_2046 = arith.constant 16 : i32
        %sub3A_2047 = vector.broadcast %sub3A_2046 : i32 to vector<16xi32>
        %sub3A_2048 = arith.subi %add3A_2045, %sub3A_2047 : vector<16xi32>
        %max3A_2049 = arith.maxsi %sub3A_2048, %iota3A : vector<16xi32>
        %add3A_2050 = arith.constant 16 : i32
        %add3A_2051 = vector.broadcast %add3A_2050 : i32 to vector<16xi32>
        %add3A_2052 = arith.addi %add3A_2045, %add3A_2051 : vector<16xi32>
        %add3A_2053 = arith.constant 240 : i32
        %add3A_2054 = vector.broadcast %add3A_2053 : i32 to vector<16xi32>
        %add3A_2055 = arith.addi %iota3A, %add3A_2054 : vector<16xi32>
        %min3A_2056 = arith.minsi %add3A_2052, %add3A_2055 : vector<16xi32>
        %gather3A_2057 = tpu.vector_load_idx %arg31[%add3A_2045] : memref<256xf32, #tpu.memory_space<vmem>>[vector<16xi32>], vector<16xf32>,
        %mul3A_2058 = arith.mulf %div3A_1618, %gather3A_2057 : vector<16xf32>
        %add3A_2059 = arith.constant 1.000000e-03 : f32
        %add3A_2060 = vector.broadcast %add3A_2059 : f32 to vector<16xf32>
        %add3A_2061 = arith.addf %add3A_2060, %mul3A_2058 : vector<16xf32>
        %gather3A_2062 = tpu.vector_load_idx %arg31[%max3A_2049] : memref<256xf32, #tpu.memory_space<vmem>>[vector<16xi32>], vector<16xf32>,
        %mul3A_2063 = arith.mulf %div3A_1618, %gather3A_2062 : vector<16xf32>
        %add3A_2064 = arith.constant 1.000000e-03 : f32
        %add3A_2065 = vector.broadcast %add3A_2064 : f32 to vector<16xf32>
        %add3A_2066 = arith.addf %add3A_2065, %mul3A_2063 : vector<16xf32>
        %gather3A_2067 = tpu.vector_load_idx %arg31[%min3A_2056] : memref<256xf32, #tpu.memory_space<vmem>>[vector<16xi32>], vector<16xf32>,
        %mul3A_2068 = arith.mulf %div3A_1618, %gather3A_2067 : vector<16xf32>
        %add3A_2069 = arith.constant 1.000000e-03 : f32
        %add3A_2070 = vector.broadcast %add3A_2069 : f32 to vector<16xf32>
        %add3A_2071 = arith.addf %add3A_2070, %mul3A_2068 : vector<16xf32>
        %gather3A_2072 = tpu.vector_load_idx %arg32[%add3A_2045] : memref<256xf32, #tpu.memory_space<vmem>>[vector<16xi32>], vector<16xf32>,
        %mul3A_2073 = arith.mulf %div3A_1635, %gather3A_2072 : vector<16xf32>
        %add3A_2074 = arith.constant 1.000000e-03 : f32
        %add3A_2075 = vector.broadcast %add3A_2074 : f32 to vector<16xf32>
        %add3A_2076 = arith.addf %add3A_2075, %mul3A_2073 : vector<16xf32>
        %gather3A_2077 = tpu.vector_load_idx %arg32[%max3A_2049] : memref<256xf32, #tpu.memory_space<vmem>>[vector<16xi32>], vector<16xf32>,
        %mul3A_2078 = arith.mulf %div3A_1635, %gather3A_2077 : vector<16xf32>
        %add3A_2079 = arith.constant 1.000000e-03 : f32
        %add3A_2080 = vector.broadcast %add3A_2079 : f32 to vector<16xf32>
        %add3A_2081 = arith.addf %add3A_2080, %mul3A_2078 : vector<16xf32>
        %gather3A_2082 = tpu.vector_load_idx %arg32[%min3A_2056] : memref<256xf32, #tpu.memory_space<vmem>>[vector<16xi32>], vector<16xf32>,
        %mul3A_2083 = arith.mulf %div3A_1635, %gather3A_2082 : vector<16xf32>
        %add3A_2084 = arith.constant 1.000000e-03 : f32
        %add3A_2085 = vector.broadcast %add3A_2084 : f32 to vector<16xf32>
        %add3A_2086 = arith.addf %add3A_2085, %mul3A_2083 : vector<16xf32>
        %gather3A_2087 = tpu.vector_load_idx %arg33[%add3A_2045] : memref<256xf32, #tpu.memory_space<vmem>>[vector<16xi32>], vector<16xf32>,
        %gather3A_2088 = tpu.vector_load_idx %arg34[%add3A_2045] : memref<256xf32, #tpu.memory_space<vmem>>[vector<16xi32>], vector<16xf32>,
        %div3A_2089 = arith.divf %add3A_2076, %add3A_2061 : vector<16xf32>
        %div3A_2090 = arith.divf %add3A_2081, %add3A_2066 : vector<16xf32>
        %div3A_2091 = arith.divf %add3A_2086, %add3A_2071 : vector<16xf32>
        %mul3A_2092 = arith.mulf %add3A_2061, %div3A_2090 : vector<16xf32>
        %mul3A_2093 = arith.mulf %add3A_2066, %div3A_2089 : vector<16xf32>
        %add3A_2094 = arith.addf %mul3A_2092, %mul3A_2093 : vector<16xf32>
        %mul3A_2095 = arith.constant 5.000000e-01 : f32
        %mul3A_2096 = vector.broadcast %mul3A_2095 : f32 to vector<16xf32>
        %mul3A_2097 = arith.mulf %mul3A_2096, %add3A_2094 : vector<16xf32>
        %add3A_2098 = arith.addf %add3A_2066, %add3A_2061 : vector<16xf32>
        %div3A_2099 = arith.divf %mul3A_2097, %add3A_2098 : vector<16xf32>
        %min3A_2100 = arith.minimumf %div3A_2090, %div3A_2089 : vector<16xf32>
        %min3A_2101 = arith.minimumf %min3A_2100, %div3A_2099 : vector<16xf32>
        %mul3A_2102 = arith.constant 2.000000e+00 : f32
        %mul3A_2103 = vector.broadcast %mul3A_2102 : f32 to vector<16xf32>
        %mul3A_2104 = arith.mulf %mul3A_2103, %min3A_2101 : vector<16xf32>
        %neg3A_2105 = arith.constant 0.000000e+00 : f32
        %neg3A_2106 = vector.broadcast %neg3A_2105 : f32 to vector<16xf32>
        %neg3A_2107 = arith.subf %neg3A_2106, %get3A_1303 : vector<16xf32>
        %exp3A_2108 = math.exp %neg3A_2107 : vector<16xf32>
        %add3A_2109 = arith.constant 1.000000e+00 : f32
        %add3A_2110 = vector.broadcast %add3A_2109 : f32 to vector<16xf32>
        %add3A_2111 = arith.addf %add3A_2110, %exp3A_2108 : vector<16xf32>
        %div3A_2112 = arith.constant 1.000000e+00 : f32
        %div3A_2113 = vector.broadcast %div3A_2112 : f32 to vector<16xf32>
        %div3A_2114 = arith.divf %div3A_2113, %add3A_2111 : vector<16xf32>
        %lt3A_2115 = arith.constant 16 : i32
        %lt3A_2116 = vector.broadcast %lt3A_2115 : i32 to vector<16xi32>
        %lt3A_2117 = arith.cmpi slt, %add3A_2045, %lt3A_2116 : vector<16xi32>
        %mul3A_2118 = arith.constant 3.000000e+00 : f32
        %mul3A_2119 = vector.broadcast %mul3A_2118 : f32 to vector<16xf32>
        %mul3A_2120 = arith.mulf %mul3A_2119, %div3A_2114 : vector<16xf32>
        %mul3A_2121 = arith.mulf %mul3A_2120, %div3A_2089 : vector<16xf32>
        %select_n3A_2122 = arith.select %lt3A_2117, %mul3A_2121, %mul3A_2104 : vector<16xi1>, vector<16xf32>
        %mul3A_2123 = arith.mulf %add3A_2071, %div3A_2089 : vector<16xf32>
        %mul3A_2124 = arith.mulf %add3A_2061, %div3A_2091 : vector<16xf32>
        %add3A_2125 = arith.addf %mul3A_2123, %mul3A_2124 : vector<16xf32>
        %mul3A_2126 = arith.constant 5.000000e-01 : f32
        %mul3A_2127 = vector.broadcast %mul3A_2126 : f32 to vector<16xf32>
        %mul3A_2128 = arith.mulf %mul3A_2127, %add3A_2125 : vector<16xf32>
        %add3A_2129 = arith.addf %add3A_2061, %add3A_2071 : vector<16xf32>
        %div3A_2130 = arith.divf %mul3A_2128, %add3A_2129 : vector<16xf32>
        %min3A_2131 = arith.minimumf %div3A_2089, %div3A_2091 : vector<16xf32>
        %min3A_2132 = arith.minimumf %min3A_2131, %div3A_2130 : vector<16xf32>
        %mul3A_2133 = arith.constant 2.000000e+00 : f32
        %mul3A_2134 = vector.broadcast %mul3A_2133 : f32 to vector<16xf32>
        %mul3A_2135 = arith.mulf %mul3A_2134, %min3A_2132 : vector<16xf32>
        %neg3A_2136 = arith.constant 0.000000e+00 : f32
        %neg3A_2137 = vector.broadcast %neg3A_2136 : f32 to vector<16xf32>
        %neg3A_2138 = arith.subf %neg3A_2137, %get3A_1305 : vector<16xf32>
        %exp3A_2139 = math.exp %neg3A_2138 : vector<16xf32>
        %add3A_2140 = arith.constant 1.000000e+00 : f32
        %add3A_2141 = vector.broadcast %add3A_2140 : f32 to vector<16xf32>
        %add3A_2142 = arith.addf %add3A_2141, %exp3A_2139 : vector<16xf32>
        %div3A_2143 = arith.constant 1.000000e+00 : f32
        %div3A_2144 = vector.broadcast %div3A_2143 : f32 to vector<16xf32>
        %div3A_2145 = arith.divf %div3A_2144, %add3A_2142 : vector<16xf32>
        %ge3A_2146 = arith.constant 240 : i32
        %ge3A_2147 = vector.broadcast %ge3A_2146 : i32 to vector<16xi32>
        %ge3A_2148 = arith.cmpi sge, %add3A_2045, %ge3A_2147 : vector<16xi32>
        %mul3A_2149 = arith.constant 3.000000e+00 : f32
        %mul3A_2150 = vector.broadcast %mul3A_2149 : f32 to vector<16xf32>
        %mul3A_2151 = arith.mulf %mul3A_2150, %div3A_2145 : vector<16xf32>
        %mul3A_2152 = arith.mulf %mul3A_2151, %div3A_2089 : vector<16xf32>
        %select_n3A_2153 = arith.select %ge3A_2148, %mul3A_2152, %mul3A_2135 : vector<16xi1>, vector<16xf32>
        %div3A_2154 = arith.constant 1.000000e+00 : f32
        %div3A_2155 = vector.broadcast %div3A_2154 : f32 to vector<16xf32>
        %div3A_2156 = arith.divf %div3A_2155, %add3A_2061 : vector<16xf32>
        %add3A_2157 = arith.addf %select_n3A_2122, %select_n3A_2153 : vector<16xf32>
        %mul3A_2158 = arith.constant 2.000000e+00 : f32
        %mul3A_2159 = vector.broadcast %mul3A_2158 : f32 to vector<16xf32>
        %mul3A_2160 = arith.mulf %mul3A_2159, %div3A_2089 : vector<16xf32>
        %sub3A_2161 = arith.subf %add3A_2157, %mul3A_2160 : vector<16xf32>
        %mul3A_2162 = arith.mulf %sub3A_2161, %div3A_2156 : vector<16xf32>
        %mul3A_2163 = arith.mulf %mul3A_2162, %div3A_2156 : vector<16xf32>
        %mul3A_2164 = arith.constant 3.000000e+00 : f32
        %mul3A_2165 = vector.broadcast %mul3A_2164 : f32 to vector<16xf32>
        %mul3A_2166 = arith.mulf %mul3A_2165, %div3A_2089 : vector<16xf32>
        %mul3A_2167 = arith.constant 2.000000e+00 : f32
        %mul3A_2168 = vector.broadcast %mul3A_2167 : f32 to vector<16xf32>
        %mul3A_2169 = arith.mulf %mul3A_2168, %select_n3A_2122 : vector<16xf32>
        %sub3A_2170 = arith.subf %mul3A_2166, %mul3A_2169 : vector<16xf32>
        %sub3A_2171 = arith.subf %sub3A_2170, %select_n3A_2153 : vector<16xf32>
        %mul3A_2172 = arith.mulf %sub3A_2171, %div3A_2156 : vector<16xf32>
        %sub3A_2173 = arith.subf %mul3A_1934, %gather3A_2087 : vector<16xf32>
        %mul3A_2174 = arith.mulf %mul3A_2163, %sub3A_2173 : vector<16xf32>
        %add3A_2175 = arith.addf %mul3A_2174, %mul3A_2172 : vector<16xf32>
        %mul3A_2176 = arith.mulf %add3A_2175, %sub3A_2173 : vector<16xf32>
        %add3A_2177 = arith.addf %mul3A_2176, %select_n3A_2122 : vector<16xf32>
        %mul3A_2178 = arith.mulf %add3A_2177, %sub3A_2173 : vector<16xf32>
        %add3A_2179 = arith.addf %mul3A_2178, %gather3A_2088 : vector<16xf32>
        %mul3A_2180 = arith.constant 3.000000e+00 : f32
        %mul3A_2181 = vector.broadcast %mul3A_2180 : f32 to vector<16xf32>
        %mul3A_2182 = arith.mulf %mul3A_2181, %mul3A_2163 : vector<16xf32>
        %mul3A_2183 = arith.mulf %mul3A_2182, %sub3A_2173 : vector<16xf32>
        %mul3A_2184 = arith.constant 2.000000e+00 : f32
        %mul3A_2185 = vector.broadcast %mul3A_2184 : f32 to vector<16xf32>
        %mul3A_2186 = arith.mulf %mul3A_2185, %mul3A_2172 : vector<16xf32>
        %add3A_2187 = arith.addf %mul3A_2183, %mul3A_2186 : vector<16xf32>
        %mul3A_2188 = arith.mulf %add3A_2187, %sub3A_2173 : vector<16xf32>
        %add3A_2189 = arith.addf %mul3A_2188, %select_n3A_2122 : vector<16xf32>
        %abs3A_2190 = math.absf %add3A_2189 : vector<16xf32>
        %bitcast_convert_type3A_2191 = tpu.bitcast %abs3A_2190 : vector<16xf32> -> vector<16xi32>
        %shift_right_logical3A_2192 = arith.constant 23 : i32
        %shift_right_logical3A_2193 = vector.broadcast %shift_right_logical3A_2192 : i32 to vector<16xi32>
        %shift_right_logical3A_2194 = arith.shrui %bitcast_convert_type3A_2191, %shift_right_logical3A_2193 : vector<16xi32>
        %sub3A_2195 = arith.constant 126 : i32
        %sub3A_2196 = vector.broadcast %sub3A_2195 : i32 to vector<16xi32>
        %sub3A_2197 = arith.subi %shift_right_logical3A_2194, %sub3A_2196 : vector<16xi32>
        %and3A_2198 = arith.constant 8388607 : i32
        %and3A_2199 = vector.broadcast %and3A_2198 : i32 to vector<16xi32>
        %and3A_2200 = arith.andi %bitcast_convert_type3A_2191, %and3A_2199 : vector<16xi32>
        %or3A_2201 = arith.constant 1056964608 : i32
        %or3A_2202 = vector.broadcast %or3A_2201 : i32 to vector<16xi32>
        %or3A_2203 = arith.ori %and3A_2200, %or3A_2202 : vector<16xi32>
        %bitcast_convert_type3A_2204 = tpu.bitcast %or3A_2203 : vector<16xi32> -> vector<16xf32>
        %lt3A_2205 = arith.constant 0.707106769 : f32
        %lt3A_2206 = vector.broadcast %lt3A_2205 : f32 to vector<16xf32>
        %lt3A_2207 = arith.cmpf olt, %bitcast_convert_type3A_2204, %lt3A_2206 : vector<16xf32>
        %jit3A_2208 = arith.constant 1 : i32
        %jit3A_2209 = arith.constant 0 : i32
        %broadcast_in_dim3A_2210 = vector.broadcast %jit3A_2208 : i32 to vector<16xi32>
        %broadcast_in_dim3A_2211 = vector.broadcast %jit3A_2209 : i32 to vector<16xi32>
        %select_n3A_2212 = arith.select %lt3A_2207, %broadcast_in_dim3A_2210, %broadcast_in_dim3A_2211 : vector<16xi1>, vector<16xi32>
        %sub3A_2213 = arith.subi %sub3A_2197, %select_n3A_2212 : vector<16xi32>
        %add3A_2214 = arith.addf %bitcast_convert_type3A_2204, %bitcast_convert_type3A_2204 : vector<16xf32>
        %select_n3A_2215 = arith.select %lt3A_2207, %add3A_2214, %bitcast_convert_type3A_2204 : vector<16xi1>, vector<16xf32>
        %sub3A_2216 = arith.constant 1.000000e+00 : f32
        %sub3A_2217 = vector.broadcast %sub3A_2216 : f32 to vector<16xf32>
        %sub3A_2218 = arith.subf %select_n3A_2215, %sub3A_2217 : vector<16xf32>
        %mul3A_2219 = arith.mulf %sub3A_2218, %sub3A_2218 : vector<16xf32>
        %mul3A_2220 = arith.constant -0.166666672 : f32
        %mul3A_2221 = vector.broadcast %mul3A_2220 : f32 to vector<16xf32>
        %mul3A_2222 = arith.mulf %sub3A_2218, %mul3A_2221 : vector<16xf32>
        %add3A_2223 = arith.constant 2.000000e-01 : f32
        %add3A_2224 = vector.broadcast %add3A_2223 : f32 to vector<16xf32>
        %add3A_2225 = arith.addf %add3A_2224, %mul3A_2222 : vector<16xf32>
        %mul3A_2226 = arith.mulf %add3A_2225, %mul3A_2219 : vector<16xf32>
        %add3A_2227 = arith.constant -2.500000e-01 : f32
        %add3A_2228 = vector.broadcast %add3A_2227 : f32 to vector<16xf32>
        %add3A_2229 = arith.addf %add3A_2228, %mul3A_2226 : vector<16xf32>
        %mul3A_2230 = arith.mulf %sub3A_2218, %add3A_2229 : vector<16xf32>
        %add3A_2231 = arith.constant 0.333333343 : f32
        %add3A_2232 = vector.broadcast %add3A_2231 : f32 to vector<16xf32>
        %add3A_2233 = arith.addf %add3A_2232, %mul3A_2230 : vector<16xf32>
        %mul3A_2234 = arith.mulf %sub3A_2218, %mul3A_2219 : vector<16xf32>
        %mul3A_2235 = arith.mulf %mul3A_2234, %add3A_2233 : vector<16xf32>
        %mul3A_2236 = arith.constant 5.000000e-01 : f32
        %mul3A_2237 = vector.broadcast %mul3A_2236 : f32 to vector<16xf32>
        %mul3A_2238 = arith.mulf %mul3A_2237, %mul3A_2219 : vector<16xf32>
        %sub3A_2239 = arith.subf %mul3A_2235, %mul3A_2238 : vector<16xf32>
        %add3A_2240 = arith.addf %sub3A_2218, %sub3A_2239 : vector<16xf32>
        %convert_element_type3A_2241 = arith.sitofp %sub3A_2213 : vector<16xi32> to vector<16xf32>
        %mul3A_2242 = arith.constant 0.693147182 : f32
        %mul3A_2243 = vector.broadcast %mul3A_2242 : f32 to vector<16xf32>
        %mul3A_2244 = arith.mulf %convert_element_type3A_2241, %mul3A_2243 : vector<16xf32>
        %add3A_2245 = arith.addf %add3A_2240, %mul3A_2244 : vector<16xf32>
        %max3A_2246 = arith.constant 0.000000e+00 : f32
        %max3A_2247 = vector.broadcast %max3A_2246 : f32 to vector<16xf32>
        %max3A_2248 = arith.maximumf %add3A_2179, %max3A_2247 : vector<16xf32>
        %min3A_2249 = arith.constant 1.000000e+00 : f32
        %min3A_2250 = vector.broadcast %min3A_2249 : f32 to vector<16xf32>
        %min3A_2251 = arith.minimumf %max3A_2248, %min3A_2250 : vector<16xf32>
        %mul3A_2252 = arith.constant 6.000000e+00 : f32
        %mul3A_2253 = vector.broadcast %mul3A_2252 : f32 to vector<16xf32>
        %mul3A_2254 = arith.mulf %min3A_2251, %mul3A_2253 : vector<16xf32>
        %sub3A_2255 = arith.constant 3.000000e+00 : f32
        %sub3A_2256 = vector.broadcast %sub3A_2255 : f32 to vector<16xf32>
        %sub3A_2257 = arith.subf %mul3A_2254, %sub3A_2256 : vector<16xf32>
        %ge3A_2258 = arith.constant -3.000000e+00 : f32
        %ge3A_2259 = vector.broadcast %ge3A_2258 : f32 to vector<16xf32>
        %ge3A_2260 = arith.cmpf oge, %get3A_1301, %ge3A_2259 : vector<16xf32>
        %le3A_2261 = arith.constant 3.000000e+00 : f32
        %le3A_2262 = vector.broadcast %le3A_2261 : f32 to vector<16xf32>
        %le3A_2263 = arith.cmpf ole, %get3A_1301, %le3A_2262 : vector<16xf32>
        %and3A_2264 = arith.andi %ge3A_2260, %le3A_2263 : vector<16xi1>
        %select_n3A_2265 = arith.select %and3A_2264, %sub3A_2257, %get3A_1301 : vector<16xi1>, vector<16xf32>
        %swap3A_2266 = arith.index_cast %mul3A_1299 : i32 to index
        %swap3A_2267 = tpu.vector_load %arg21[%swap3A_2266] {strides = array<i32>} : memref<1024xf32, #tpu.memory_space<vmem>>, vector<16xf32>,
        tpu.vector_store %arg21[%swap3A_2266], %select_n3A_2265 {strides = array<i32>} : memref<1024xf32, #tpu.memory_space<vmem>>, vector<16xf32>,
        %jit3A_2268 = arith.constant 0.000000e+00 : f32
        %broadcast_in_dim3A_2269 = vector.broadcast %jit3A_2268 : f32 to vector<16xf32>
        %select_n3A_2270 = arith.select %and3A_2264, %add3A_2245, %broadcast_in_dim3A_2269 : vector<16xi1>, vector<16xf32>
        %swap3A_2271 = arith.index_cast %mul3A_1299 : i32 to index
        %swap3A_2272 = tpu.vector_load %arg22[%swap3A_2271] {strides = array<i32>} : memref<1024xf32, #tpu.memory_space<vmem>>, vector<16xf32>,
        tpu.vector_store %arg22[%swap3A_2271], %select_n3A_2270 {strides = array<i32>} : memref<1024xf32, #tpu.memory_space<vmem>>, vector<16xf32>,
      }
      %scan3A_323 = arith.constant 32 : i32
      %mul3A_324 = arith.constant 1024 : i32
      %mul3A_325 = arith.muli %add3A_88, %mul3A_324 : i32
      %add3A_326 = arith.addi %mul3A_2, %mul3A_325 : i32
      %dma_start3A_327 = tpu.memref_slice %arg7[%add3A_326] : memref<1048576xf32, #tpu.memory_space<hbm>> -> memref<1024xf32, #tpu.memory_space<hbm>>
      %dma_start3A_328 = tpu.memref_slice %arg7[%add3A_326] : memref<1048576xf32, #tpu.memory_space<hbm>> -> memref<1024xf32, #tpu.memory_space<hbm>>
      tpu.enqueue_dma source(%arg21 : memref<1024xf32, #tpu.memory_space<vmem>>) target(%dma_start3A_328 : memref<1024xf32, #tpu.memory_space<hbm>>) target_semaphore(%arg26 : memref<!tpu.dma_semaphore, #tpu.memory_space<semaphore_mem>>)
      %dma_start3A_329 = tpu.memref_slice %arg8[%add3A_326] : memref<1048576xf32, #tpu.memory_space<hbm>> -> memref<1024xf32, #tpu.memory_space<hbm>>
      %dma_start3A_330 = tpu.memref_slice %arg8[%add3A_326] : memref<1048576xf32, #tpu.memory_space<hbm>> -> memref<1024xf32, #tpu.memory_space<hbm>>
      tpu.enqueue_dma source(%arg22 : memref<1024xf32, #tpu.memory_space<vmem>>) target(%dma_start3A_330 : memref<1024xf32, #tpu.memory_space<hbm>>) target_semaphore(%arg26 : memref<!tpu.dma_semaphore, #tpu.memory_space<semaphore_mem>>)
    }
    %scan3A_68 = arith.constant 16 : i32
    %add3A_69 = arith.constant 30720 : i32
    %add3A_70 = arith.addi %mul3A_2, %add3A_69 : i32
    %dma_wait3A = tpu.memref_slice %arg7[%add3A_70] : memref<1048576xf32, #tpu.memory_space<hbm>> -> memref<1024xf32, #tpu.memory_space<hbm>>
    %dma_wait3A_71 = tpu.memref_slice %arg7[%add3A_70] : memref<1048576xf32, #tpu.memory_space<hbm>> -> memref<1024xf32, #tpu.memory_space<hbm>>
    tpu.wait_dma2 semaphore(%arg25 : memref<!tpu.dma_semaphore, #tpu.memory_space<semaphore_mem>>) src(%arg19 : memref<1024xf32, #tpu.memory_space<vmem>>) dst(%dma_wait3A_71 : memref<1024xf32, #tpu.memory_space<hbm>>)
    %dma_wait3A_72 = tpu.memref_slice %arg8[%add3A_70] : memref<1048576xf32, #tpu.memory_space<hbm>> -> memref<1024xf32, #tpu.memory_space<hbm>>
    %dma_wait3A_73 = tpu.memref_slice %arg8[%add3A_70] : memref<1048576xf32, #tpu.memory_space<hbm>> -> memref<1024xf32, #tpu.memory_space<hbm>>
    tpu.wait_dma2 semaphore(%arg25 : memref<!tpu.dma_semaphore, #tpu.memory_space<semaphore_mem>>) src(%arg20 : memref<1024xf32, #tpu.memory_space<vmem>>) dst(%dma_wait3A_73 : memref<1024xf32, #tpu.memory_space<hbm>>)
    %add3A_74 = arith.constant 31744 : i32
    %add3A_75 = arith.addi %mul3A_2, %add3A_74 : i32
    %dma_wait3A_76 = tpu.memref_slice %arg7[%add3A_75] : memref<1048576xf32, #tpu.memory_space<hbm>> -> memref<1024xf32, #tpu.memory_space<hbm>>
    %dma_wait3A_77 = tpu.memref_slice %arg7[%add3A_75] : memref<1048576xf32, #tpu.memory_space<hbm>> -> memref<1024xf32, #tpu.memory_space<hbm>>
    tpu.wait_dma2 semaphore(%arg26 : memref<!tpu.dma_semaphore, #tpu.memory_space<semaphore_mem>>) src(%arg21 : memref<1024xf32, #tpu.memory_space<vmem>>) dst(%dma_wait3A_77 : memref<1024xf32, #tpu.memory_space<hbm>>)
    %dma_wait3A_78 = tpu.memref_slice %arg8[%add3A_75] : memref<1048576xf32, #tpu.memory_space<hbm>> -> memref<1024xf32, #tpu.memory_space<hbm>>
    %dma_wait3A_79 = tpu.memref_slice %arg8[%add3A_75] : memref<1048576xf32, #tpu.memory_space<hbm>> -> memref<1024xf32, #tpu.memory_space<hbm>>
    tpu.wait_dma2 semaphore(%arg26 : memref<!tpu.dma_semaphore, #tpu.memory_space<semaphore_mem>>) src(%arg22 : memref<1024xf32, #tpu.memory_space<vmem>>) dst(%dma_wait3A_79 : memref<1024xf32, #tpu.memory_space<hbm>>)
    return
  }
}

</mosaic_0001>

<sc_bundles>
// kernel: kernel.3.cloned.1.call-start
scs
__scs_entry_jumppad:
0x0: {  	(pc) =	sbr.rel $0x88, $3  }
0x1: {  	(tag) =	ssettag $0x0;
	lr =	simm.s32 $0x1  }
0x2: {  	[smem:$0x3F9C] =	sst lr;
	_ =	strace $0xD0000000  }
0x3: {  	_ = 	snop  }
0x4: {  	_ = 	snop  }
0x5: {  	_ = 	snop  }
0x6: {  	_ = 	snop  }
0x7: {  	_ = 	snop  }
__scs_overlays_trampoline_lowered:
0x8: {  	[smem:$0x3FAB] =	sst s0  }
0x9: {  	[smem:$0x3FAC] =	sst s1  }
0xa: {  	[smem:$0x3FAD] =	sst s2  }
0xb: {  	[smem:$0x3FAE] =	sst s3  }
0xc: {  	[smem:$0x3FAF] =	sst s4  }
0xd: {  	[smem:$0x3FB0] =	sst s5  }
0xe: {  	[smem:$0x3FB1] =	sst s6  }
0xf: {  	[smem:$0x3FB2] =	sst s7  }
0x10: {  	[smem:$0x3FB3] =	sst s8  }
0x11: {  	[smem:$0x3FB4] =	sst s9;
	s0 =	simm.s32 @!p0 $0x0  }
0x12: {  	s1 =	sld [smem:$0x3F9A];
	s0 =	simm.s32 @p0 $0x1  }
0x13: {  	[smem:$0x3FB5] =	sst s0;
	s0 =	simm.s32 @!p1 $0x0  }
0x14: {  	s2 =	sld [smem:$0x3F99];
	s0 =	simm.s32 @p1 $0x1  }
0x15: {  	[smem:$0x3FB6] =	sst s0;
	s0 =	simm.s32 @!p2 $0x0  }
0x16: {  	s3 =	sld [smem:$0x3FDB];
	s0 =	simm.s32 @p2 $0x1  }
0x17: {  	s4 =	simm.s32 $0x1BF5;
	[smem:$0x3FB8] =	sst s0  }
0x18: {  	s0 =	sld [smem:$0x3F9B];
	_ =	swait.ge [sflag:s4], $0x0  }
0x19: {  	s7 =	sld [smem:$0x3F9C]  }
0x1a: {  	s8 =	sadd.s32 $0xFFFFE003, lr  }
0x1b: {  	s9 =	sadd.s32 $0xFFFFFEF7, lr;
	s5 =	simm.s32 $0xFFFFFFFF;
	p2 =	slt.u32 s8, $0xFFFFF086  }
0x1c: {  	p1 =	slt.u32 s9, $0xF7A;
	s5 =	simm.s32 @!p2 $0x0  }
0x1d: {  	s5 =	simm.s32 @p1 $0x1;
	p0 =	seq.s32 s7, s2  }
0x1e: {  	s7 =	smul.u32 @!p0 $0xF7A, s2;
	p2 =	seq.s32 @!p0 s5, $0x0  }
0x1f: {  	s9 =	smul.u32 $0xF7A, s1;
	s8 =	simm.s32 @!p0 $0x1BF5;
	p2 =	por !p2, p0  }
0x20: {  	[sflag:s8] =	ssyncset.s32 @!p0 $0xFFFFF086;
	s6 =	sadd.s32 @!p0 s3, s7;
	s7 =	simm.s32 @!p0 $0x108  }
0x21: {  	s3 =	sadd.s32 s3, s9;
	s6 =	sadd.s32 @!p0 $0x88, s6;
	s7 =	simm.s32 @p2 $0x1082  }
0x22: {  	[simem:s7], [sflag:s8] =	dma.local @!p0 [hbm:s6], $0xF7A  }
0x23: {  	s9 =	sor.u32 $0xD0000000, s2;
	s6 =	simm.s32 $0x108;
	_ =	swait.ge @!p0 [sflag:s8], $0x0  }
0x24: {  	s3 =	sadd.s32 $0x88, s3;
	s6 =	simm.s32 @!p1 $0x1082;
	[sflag:s4] =	ssyncset.s32 $0xFFFFF086  }
0x25: {  	[simem:s6], [sflag:s4] =	dma.local [hbm:s3], $0xF7A  }
0x26: {  	[smem:$0x3F9C] =	sst s1;
	(tag) =	ssettag s2;
	_ =	strace s9  }
0x27: {  	s1 =	sld [smem:$0x3FAC]  }
0x28: {  	s2 =	sld [smem:$0x3FAD]  }
0x29: {  	s4 =	sld [smem:$0x3FAF]  }
0x2a: {  	p0 =	seq.s32 s5, $0x0;
	s5 =	sld [smem:$0x3FB0]  }
0x2b: {  	s6 =	sld [smem:$0x3FB1]  }
0x2c: {  	s7 =	sld [smem:$0x3FB2]  }
0x2d: {  	s3 =	simm.s32 $0x108;
	s8 =	sld [smem:$0x3FB3]  }
0x2e: {  	s3 =	simm.s32 @!p0 $0x1082;
	s9 =	sld [smem:$0x3FB4]  }
0x2f: {  	lr =	sadd.s32 s0, s3;
	s0 =	sld [smem:$0x3FAB]  }
0x30: {  	s3 =	sld [smem:$0x3FAE]  }
0x31: {  	[smem:$0x3FB7] =	sst s10  }
0x32: {  	s10 =	sld [smem:$0x3FB5];
	_ =	sdelay $0x3  }
0x33: {  	p0 =	seq.s32 s10, $0x1;
	s10 =	sld [smem:$0x3FB7];
	_ =	sdelay $0x3  }
0x34: {  	[smem:$0x3FB7] =	sst s10  }
0x35: {  	s10 =	sld [smem:$0x3FB6];
	_ =	sdelay $0x3  }
0x36: {  	p1 =	seq.s32 s10, $0x1;
	s10 =	sld [smem:$0x3FB7];
	_ =	sdelay $0x3  }
0x37: {  	[smem:$0x3FB7] =	sst s10  }
0x38: {  	s10 =	sld [smem:$0x3FB8]  }
0x39: {  	_ = 	snop;
	(pc) =	sbr.ind lr, $3  }
0x3a: {  	_ = 	snop  }
0x3b: {  	_ = 	snop  }
0x3c: {  	p2 =	seq.s32 s10, $0x1;
	s10 =	sld [smem:$0x3FB7]  }
0x3d: {  	_ =	shalt  }
0x3e: {  	_ =	shalt  }
0x3f: {  	_ =	shalt  }
0x40: {  	_ =	shalt  }
0x41: {  	_ =	shalt  }
0x42: {  	_ =	shalt  }
0x43: {  	_ =	shalt  }
0x44: {  	_ =	shalt  }
0x45: {  	_ =	shalt  }
0x46: {  	_ =	shalt  }
0x47: {  	_ =	shalt  }
0x48: {  	_ =	shalt  }
0x49: {  	_ =	shalt  }
0x4a: {  	_ =	shalt  }
0x4b: {  	_ =	shalt  }
0x4c: {  	_ =	shalt  }
0x4d: {  	_ =	shalt  }
0x4e: {  	_ =	shalt  }
0x4f: {  	_ =	shalt  }
0x50: {  	_ =	shalt  }
0x51: {  	_ =	shalt  }
0x52: {  	_ =	shalt  }
0x53: {  	_ =	shalt  }
0x54: {  	_ =	shalt  }
0x55: {  	_ =	shalt  }
0x56: {  	_ =	shalt  }
0x57: {  	_ =	shalt  }
0x58: {  	_ =	shalt  }
0x59: {  	_ =	shalt  }
0x5a: {  	_ =	shalt  }
0x5b: {  	_ =	shalt  }
0x5c: {  	_ =	shalt  }
0x5d: {  	_ =	shalt  }
0x5e: {  	_ =	shalt  }
0x5f: {  	_ =	shalt  }
0x60: {  	_ =	shalt  }
0x61: {  	_ =	shalt  }
0x62: {  	_ =	shalt  }
0x63: {  	_ =	shalt  }
0x64: {  	_ =	shalt  }
0x65: {  	_ =	shalt  }
0x66: {  	_ =	shalt  }
0x67: {  	_ =	shalt  }
0x68: {  	_ =	shalt  }
0x69: {  	_ =	shalt  }
0x6a: {  	_ =	shalt  }
0x6b: {  	_ =	shalt  }
0x6c: {  	_ =	shalt  }
0x6d: {  	_ =	shalt  }
0x6e: {  	_ =	shalt  }
0x6f: {  	_ =	shalt  }
0x70: {  	_ =	shalt  }
0x71: {  	_ =	shalt  }
0x72: {  	_ =	shalt  }
0x73: {  	_ =	shalt  }
0x74: {  	_ =	shalt  }
0x75: {  	_ =	shalt  }
0x76: {  	_ =	shalt  }
0x77: {  	_ =	shalt  }
0x78: {  	_ =	shalt  }
0x79: {  	_ =	shalt  }
0x7a: {  	_ =	shalt  }
0x7b: {  	_ =	shalt  }
0x7c: {  	_ =	shalt  }
0x7d: {  	_ =	shalt  }
0x7e: {  	_ =	shalt  }
0x7f: {  	_ =	shalt  }
0x80: {  	_ =	shalt  }
0x81: {  	_ =	shalt  }
0x82: {  	_ =	shalt  }
0x83: {  	_ =	shalt  }
0x84: {  	_ =	shalt  }
0x85: {  	_ =	shalt  }
0x86: {  	_ =	shalt  }
0x87: {  	_ =	shalt  }
.Lfunc_end0:
.L_simem_size_0:
called_computation_lowered:
.L_overlay_start_0:
0x88: {  	s2 =	sld [smem:$0x3FD9]  }
0x89: {  	s3 =	sld [smem:$0x3FFE];
	_ =	sdelay $0x1  }
0x8a: {  	s1 =	srdreg.scid  }
0x8b: {  	s0 =	sand.u32 $0x1, s1  }
0x8c: {  	s15 =	sshll.u32 s0, $0xA;
	s2 =	sadd.s32 s3, s2  }
0x8d: {  	s2 =	sadd.s32 s2, s15  }
0x8e: {  	[smem:$0x3FC3] =	sst s2  }
0x8f: {  	_ = 	snop  }
0x90: {  	s2 =	sld [smem:$0x3FC9]  }
0x91: {  	s16 =	sld [smem:$0x3FC8]  }
0x92: {  	s4 =	sld [smem:$0x3FD0]  }
0x93: {  	s5 =	sld [smem:$0x3FC7]  }
0x94: {  	s6 =	sld [smem:$0x3FC6]  }
0x95: {  	s8 =	simm.s32 $0xA;
	s9 =	simm.s32 $0x10;
	s7 =	sld [smem:$0x3FC5]  }
0x96: {  	[smem:s9], [sflag:s8] =	dma.local [hbm:s4], $0x1  }
0x97: {  	_ =	swait.eq [sflag:s8], $0x1  }
0x98: {  	[sflag:s8] =	ssyncset.done $0x0  }
0x99: {  	s17 =	sld [smem:$0x10];
	[sflag:s8] =	ssyncadd.s32 $0xFFFFFFFF  }
0x9a: {  	s18 =	sld [smem:$0x11];
	(tm) =	ssettm $0x1  }
0x9b: {  	s19 =	sld [smem:$0x3FFB];
	_ =	sdelay $0x3  }
0x9c: {  	_ =	strace s19  }
0x9d: {  	s9 =	sld [smem:$0x3FFC];
	_ =	sdelay $0x3  }
0x9e: {  	_ =	strace s9  }
0x9f: {  	s9 =	sld [smem:$0x3FFD];
	_ =	sdelay $0x3  }
0xa0: {  	_ =	strace s9  }
0xa1: {  	_ =	strace $0x8FFFFFFF  }
0xa2: {  	s20 =	sld [smem:$0x3FDB];
	_ =	sdelay $0x1  }
0xa3: {  	s10 =	simm.s32 $_scs_section_size  }
0xa4: {  	s11 =	simm.s32 $_size__tile_overlayer_lowered;
	s12 =	simm.s32 $_tile_overlayer_lowered  }
0xa5: {  	s23 =	simm.s32 $0x1BFF;
	s22 =	sshll.u32 s12, $0x1;
	s9 =	sadd.s32 s10, s20  }
0xa6: {  	s13 =	simm.s32 $0x0;
	s21 =	sshll.u32 s11, $0x1;
	s11 =	sadd.s32 s22, s9  }
0xa7: {  	[timem:s13], [sflag:s23] =	dma.local [hbm:s11], s21  }
0xa8: {  	_ =	swait.ge [sflag:s23], s21  }
0xa9: {  	s10 =	ssub.s32 $0x0, s21;
	[sflag:s23] =	ssyncset.done $0x0  }
0xaa: {  	[sflag:s23] =	ssyncadd.s32 s10;
	_ =	sdelay $0x1  }
0xab: {  	s24 =	simm.s32 $0x1B8B  }
0xac: {  	_ =	swait.ge [sflag:s24], $0x1  }
0xad: {  	[sflag:s24] =	ssyncset.done $0x0  }
0xae: {  	s25 =	simm.s32 $0x1B8E;
	[sflag:s24] =	ssyncadd.s32 $0xFFFFFFFF  }
0xaf: {  	s26 =	simm.s32 $execute0_lowered;
	[smem:$0x3FD2] =	sst s25  }
0xb0: {  	s10 =	sshll.u32 s26, $0x1;
	_ =	strace $0x80000046;
	[dreg:$0x1] =	wrdreg $0xFFFFFFFF  }
0xb1: {  	s28 =	simm.s32 $_size_execute0_lowered;
	s9 =	sadd.s32 s9, s10;
	[dreg:$0x0] =	wrdreg $0x0  }
0xb2: {  	s10 =	sshll.u32 s28, $0x1;
	[dreg:$0x2] =	wrdreg s9  }
0xb3: {  	[dreg:$0x3] =	wrdreg s10  }
0xb4: {  	[dreg:$0x4] =	wrdreg $0xC0  }
0xb5: {  	_ =	task [dreg:s13], $0x5FFFF  }
0xb6: {  	[dreg:$0x1] =	wrdreg $0xFFFFFFFF  }
0xb7: {  	[dreg:$0x0] =	wrdreg $0x60  }
0xb8: {  	[dreg:$0x2] =	wrdreg s2  }
0xb9: {  	[dreg:$0x3] =	wrdreg s16  }
0xba: {  	[dreg:$0x4] =	wrdreg s5  }
0xbb: {  	[dreg:$0x5] =	wrdreg s6  }
0xbc: {  	[dreg:$0x6] =	wrdreg s7  }
0xbd: {  	[dreg:$0x7] =	wrdreg s17  }
0xbe: {  	[dreg:$0x8] =	wrdreg s18  }
0xbf: {  	[dreg:$0x9] =	wrdreg $0x9  }
0xc0: {  	_ =	task.clear_ibuf [dreg:s13], $0xAFFFF;
	_ =	strace $0x90000046  }
0xc1: {  	s29 =	simm.s32 $0x9;
	_ =	strace $0x80000048  }
0xc2: {  	_ =	swait.ge [sflag:s29], $0x1  }
0xc3: {  	[sflag:s29] =	ssyncadd.s32 $0xFFFFFFFF  }
0xc4: {  	_ =	strace $0x90000048  }
0xc5: {  	_ =	sfence  }
0xc6: {  	s30 =	sld [smem:$0x0];
	_ =	sdelay $0x2  }
0xc7: {  	s31 =	sshll.u32 s1, $0xD;
	s1 =	sshrl.u32 s1, $0x2  }
0xc8: {  	s3 =	sand.u32 $0x4000, s31;
	s1 =	sadd.s32 s1, s30  }
0xc9: {  	s0 =	sor.u32 s3, s0;
	s1 =	sshll.u32 s1, $0x11  }
0xca: {  	s0 =	sor.u32 s1, s0  }
0xcb: {  	s0 =	sadd.s32 $0x8F2B, s0  }
0xcc: {  	[sflag:s0] =	ssyncadd.remote.s32 $0x1  }
0xcd: {  	_ =	sfence.sel $0xFFFF  }
0xce: {  	[dreg:$0x0] =	wrdreg $0xFFFFFFFF;
	(pc) =	sbr.abs _section_cstart, $3  }
0xcf: {  	[dreg:$0x1] =	wrdreg $0xFFFFFFFF  }
0xd0: {  	_ =	task.clear_ibuf [dreg:s13], $0x2FFFF;
	_ =	strace $0x9FFFFFFF  }
0xd1: {  	(tm) =	ssettm $0x7FFFFFFF  }
tec
execute0_lowered:
.L_overlay_start_1:
0x0: {  	(tag) =	ssettag $0x1  }
0x1: {  	s31 =	rddreg [dreg:$0x0]  }
0x2: {  	s2 =	rddreg [dreg:$0x1]  }
0x3: {  	s3 =	rddreg [dreg:$0x2]  }
0x4: {  	s5 =	rddreg [dreg:$0x3]  }
0x5: {  	s6 =	rddreg [dreg:$0x4]  }
0x6: {  	s30 =	rddreg [dreg:$0x5]  }
0x7: {  	s10 =	rddreg [dreg:$0x6];
	s9 =	simm.s32 $0x0;
	s0 =	srdreg.scid  }
0x8: {  	s4 =	stileid.u32;
	s20 =	simm.s32 $0x1;
	s11 =	simm.s32 $0x12D00  }
0x9: {  	s12 =	simm.s32 $0x12E00;
	s13 =	simm.s32 $0x12F00;
	s0 =	sand.u32 $0x1, s0  }
0xa: {  	s4 =	sshll.u32 s4, $0xF;
	s1 =	ssub.s32 $0x2, s0;
	s0 =	sshll.u32 s0, $0x13  }
0xb: {  	s16 =	simm.s32 $0x2;
	[smem:$0x7FF] =	sst s9;
	s7 =	sor.u32 s4, s0  }
0xc: {  	_ =	strace $0x80000047;
	s24 =	sadd.s32 s2, s7;
	[dreg:$0x8] =	wrdreg s7  }
0xd: {  	s8 =	sshrl.u32 s1, $0x1;
	s25 =	sadd.s32 s3, s7;
	[dreg:$0xa] =	wrdreg s24  }
0xe: {  	s22 =	sshrl.u32 s7, $0x3;
	s29 =	sor.u32 $0x800, s7;
	[dreg:$0xc] =	wrdreg s25  }
0xf: {  	s4 =	sor.u32 $0x100000, s7;
	s23 =	sadd.s32 s31, s22;
	[dreg:$0x10] =	wrdreg s29  }
0x10: {  	s21 =	ssub.s32 s1, s8;
	s2 =	sadd.s32 s2, s4;
	[dreg:$0x9] =	wrdreg s23  }
0x11: {  	s26 =	sadd.s32 s3, s4;
	s28 =	sadd.s32 s5, s22;
	[dreg:$0xb] =	wrdreg s2  }
0x12: {  	s1 =	sadd.s32 s6, s22;
	s0 =	smax.u32 s21, $0x1;
	[dreg:$0xd] =	wrdreg s26  }
0x13: {  	s21 =	simm.s32 $0x12800;
	s22 =	simm.s32 $0x12900;
	[dreg:$0xe] =	wrdreg s28  }
0x14: {  	v0 =	vimm.f32 $0.0e+00;
	v1 =	vimm.s32 $0x0;
	v2 =	vlaneseq.u32;
	s24 =	simm.s32 $0x12B00;
	s25 =	simm.s32 $0x12C00;
	[dreg:$0xf] =	wrdreg s1  }
0x15: {  	v3 =	vor.u32 $0xFFFFFFF0, v2;
	v4 =	vor.u32 $0x10, v2;
	v5 =	vor.u32 $0xF0, v2;
	[dreg:$0x11] =	wrdreg s0;
	s23 =	simm.s32 $0x12A00;
	s2 =	simm.s32 $0x0  }
.LBB2_1:
0x16: {  	[dreg:$0x12] =	wrdreg s2  }
0x17: {  	s0 =	rddreg [dreg:$0x9]  }
0x18: {  	[tilespmem:s9], [sflag:$0x1] =	stream.linear.gather [hbm4b:s0+s9], $0x400, $0x38;
	[tilespmem:$0x13000] =	vst v63  }
0x19: {  	s6 =	rddreg [dreg:$0xa];
	s1 =	simm.s32 $0x400  }
0x1a: {  	[tilespmem:s1], [sflag:$0x1] =	stream.linear.gather [hbm4b:s6+s9], $0x2000, $0x38;
	[tilespmem:$0x13000] =	vst v63  }
0x1b: {  	s7 =	rddreg [dreg:$0xb];
	s8 =	simm.s32 $0x2400  }
0x1c: {  	[tilespmem:s8], [sflag:$0x1] =	stream.linear.gather [hbm4b:s7+s9], $0x2000, $0x38;
	[tilespmem:$0x13000] =	vst v63  }
0x1d: {  	s14 =	rddreg [dreg:$0xc];
	s15 =	simm.s32 $0x4400  }
0x1e: {  	[tilespmem:s15], [sflag:$0x1] =	stream.linear.gather [hbm4b:s14+s9], $0x2000, $0x38;
	[tilespmem:$0x13000] =	vst v63  }
0x1f: {  	s17 =	rddreg [dreg:$0xd];
	s18 =	simm.s32 $0x6400  }
0x20: {  	[tilespmem:s18], [sflag:$0x1] =	stream.linear.gather [hbm4b:s17+s9], $0x2000, $0x38;
	[tilespmem:$0x13000] =	vst v63  }
0x21: {  	s19 =	rddreg [dreg:$0xe];
	s26 =	simm.s32 $0x8400  }
0x22: {  	[tilespmem:s26], [sflag:$0x1] =	stream.linear.gather [hbm4b:s19+s9], $0x400, $0x38;
	[tilespmem:$0x13000] =	vst v63  }
0x23: {  	s28 =	rddreg [dreg:$0xf];
	s29 =	simm.s32 $0x8800;
	s26 =	simm.s32 $0x0  }
0x24: {  	[tilespmem:s29], [sflag:$0x1] =	stream.linear.gather [hbm4b:s28+s9], $0x400, $0x38;
	[tilespmem:$0x13000] =	vst v63  }
.LBB2_2:
0x25: {  	s29 =	sshll.u32 s26, $0xB;
	s0 =	rddreg [dreg:$0x8]  }
0x26: {  	s2 =	smov.u32 s10;
	s10 =	smov.u32 s30;
	s30 =	sor.u32 s29, s0  }
0x27: {  	s0 =	sor.u32 $0x400, s30  }
0x28: {  	s28 =	sshrl.u32 s0, $0x3  }
0x29: {  	s4 =	simm.s32 $0x8C00;
	s14 =	rddreg [dreg:$0x1];
	s1 =	sadd.s32 s31, s28  }
0x2a: {  	[tilespmem:s4], [sflag:$0x2] =	stream.linear.gather [hbm4b:s1+s9], $0x400, $0x38;
	[tilespmem:$0x13000] =	vst v63  }
0x2b: {  	s5 =	simm.s32 $0x9000;
	s17 =	sor.u32 $0x100400, s30;
	s15 =	sadd.s32 s14, s0  }
0x2c: {  	[tilespmem:s5], [sflag:$0x2] =	stream.linear.gather [hbm4b:s15+s9], $0x2000, $0x38;
	[tilespmem:$0x13000] =	vst v63  }
0x2d: {  	s19 =	simm.s32 $0xB000;
	s4 =	sadd.s32 s14, s17  }
0x2e: {  	[tilespmem:s19], [sflag:$0x2] =	stream.linear.gather [hbm4b:s4+s9], $0x2000, $0x38;
	[tilespmem:$0x13000] =	vst v63  }
0x2f: {  	s6 =	simm.s32 $0xD000;
	s0 =	sadd.s32 s3, s0  }
0x30: {  	[tilespmem:s6], [sflag:$0x2] =	stream.linear.gather [hbm4b:s0+s9], $0x2000, $0x38;
	[tilespmem:$0x13000] =	vst v63  }
0x31: {  	s8 =	simm.s32 $0xF000;
	s7 =	sadd.s32 s3, s17;
	s14 =	rddreg [dreg:$0x3]  }
0x32: {  	[tilespmem:s8], [sflag:$0x2] =	stream.linear.gather [hbm4b:s7+s9], $0x2000, $0x38;
	[tilespmem:$0x13000] =	vst v63  }
0x33: {  	s17 =	rddreg [dreg:$0x4];
	s15 =	simm.s32 $0x11000;
	s0 =	sadd.s32 s14, s28  }
0x34: {  	[tilespmem:s15], [sflag:$0x2] =	stream.linear.gather [hbm4b:s0+s9], $0x400, $0x38;
	[tilespmem:$0x13000] =	vst v63  }
0x35: {  	s19 =	simm.s32 $0x11400;
	s0 =	sadd.s32 s17, s28  }
0x36: {  	[tilespmem:s19], [sflag:$0x2] =	stream.linear.gather [hbm4b:s0+s9], $0x400, $0x38;
	[tilespmem:$0x13000] =	vst v63  }
0x37: {  	_ =	swait.ge [sflag:s20], $0x400  }
0x38: {  	[sflag:s20] =	ssyncset.done $0x0  }
0x39: {  	[sflag:s20] =	ssyncadd.s32 $0xFFFFFC00  }
0x3a: {  	_ =	swait.ge [sflag:s20], $0x2000  }
0x3b: {  	[sflag:s20] =	ssyncset.done $0x0  }
0x3c: {  	[sflag:s20] =	ssyncadd.s32 $0xFFFFE000  }
0x3d: {  	_ =	swait.ge [sflag:s20], $0x2000  }
0x3e: {  	[sflag:s20] =	ssyncset.done $0x0  }
0x3f: {  	[sflag:s20] =	ssyncadd.s32 $0xFFFFE000  }
0x40: {  	_ =	swait.ge [sflag:s20], $0x2000  }
0x41: {  	[sflag:s20] =	ssyncset.done $0x0  }
0x42: {  	[sflag:s20] =	ssyncadd.s32 $0xFFFFE000  }
0x43: {  	_ =	swait.ge [sflag:s20], $0x2000  }
0x44: {  	[sflag:s20] =	ssyncset.done $0x0  }
0x45: {  	[sflag:s20] =	ssyncadd.s32 $0xFFFFE000  }
0x46: {  	_ =	swait.ge [sflag:s20], $0x400  }
0x47: {  	[sflag:s20] =	ssyncset.done $0x0  }
0x48: {  	[sflag:s20] =	ssyncadd.s32 $0xFFFFFC00  }
0x49: {  	_ =	swait.ge [sflag:s20], $0x400  }
0x4a: {  	p0 =	seq.s32 s26, $0x0;
	[sflag:s20] =	ssyncset.done $0x0  }
0x4b: {  	s0 =	simm.s32 @!p0 $0x3;
	[sflag:s20] =	ssyncadd.s32 $0xFFFFFC00  }
0x4c: {  	_ =	swait.ge @!p0 [sflag:s0], $0x400  }
0x4d: {  	[sflag:s0] =	ssyncset.done @!p0 $0x0  }
0x4e: {  	[sflag:s0] =	ssyncadd.s32 @!p0 $0xFFFFFC00  }
0x4f: {  	s18 =	smov.u32 s31;
	s31 =	simm.s32 $0x0;
	_ =	swait.ge @!p0 [sflag:s0], $0x400  }
0x50: {  	s1 =	simm.s32 $0x0;
	s14 =	simm.s32 $0x0;
	[sflag:s0] =	ssyncset.done @!p0 $0x0  }
0x51: {  	s8 =	simm.s32 $0x0;
	s15 =	simm.s32 $0x0;
	[sflag:s0] =	ssyncadd.s32 @!p0 $0xFFFFFC00  }
.LBB2_3:
0x52: {  	s0 =	sand.u32 $0x60, s31;
	s19 =	sand.u32 $0x1C00, s14  }
0x53: {  	s17 =	sor.u32 s0, s19  }
0x54: {  	v6 =	vld [tilespmem:s17+$0x400]  }
0x55: {  	v7 =	vld [tilespmem:s17+$0x480]  }
0x56: {  	v8 =	vld [tilespmem:s17+$0x500]  }
0x57: {  	s5 =	sand.u32 $0x3, s8;
	v9 =	vld [tilespmem:s17+$0x580]  }
0x58: {  	s4 =	sor.u32 s31, s14;
	s0 =	sshll.u32 s5, $0x5;
	v10 =	vld [tilespmem:s17+$0x600]  }
0x59: {  	s5 =	sor.u32 $0x380, s4;
	s0 =	sadd.s32 s0, s14;
	v11 =	vld [tilespmem:s17+$0x680]  }
0x5a: {  	v13 =	vld [tilespmem:s5+$0x400];
	s6 =	sor.u32 $0x300, s0;
	v6 =	vmul.f32 $1.442695020e+00, v6  }
0x5b: {  	v12 =	vld [tilespmem:s6+$0x400];
	v7 =	vmul.f32 $1.442695020e+00, v7  }
0x5c: {  	v24 =	vld [tilespmem:s17+$0x2400];
	(erf) = vpow2.f32 v6;
	v6 =	vmul.f32 $1.442695020e+00, v8  }
0x5d: {  	v25 =	vld [tilespmem:s17+$0x2480];
	(erf) = vpow2.f32 v7;
	v7 =	vmul.f32 $1.442695020e+00, v9  }
0x5e: {  	v26 =	vld [tilespmem:s17+$0x2500];
	(erf) = vpow2.f32 v6;
	v6 =	vmul.f32 $1.442695020e+00, v10  }
0x5f: {  	v27 =	vld [tilespmem:s17+$0x2580];
	(erf) = vpow2.f32 v7;
	v7 =	vmul.f32 $1.442695020e+00, v11  }
0x60: {  	v28 =	vld [tilespmem:s17+$0x2600];
	(erf) = vpow2.f32 v6;
	v6 =	vmul.f32 $1.442695020e+00, v12  }
0x61: {  	s4 =	sor.u32 $0x2380, s4;
	v29 =	vld [tilespmem:s17+$0x2680];
	(erf) = vpow2.f32 v7;
	v7 =	vmul.f32 $1.442695020e+00, v13  }
0x62: {  	v37 =	vld [tilespmem:s4+$0x400];
	s0 =	sor.u32 $0x2300, s0;
	(erf) = vpow2.f32 v6;
	v6 =	vmul.f32 $1.442695020e+00, v24  }
0x63: {  	v36 =	vld [tilespmem:s0+$0x400];
	(erf) = vpow2.f32 v7;
	v7 =	vmul.f32 $1.442695020e+00, v25  }
0x64: {  	v38 =	vld [tilespmem:s17+$0x4400];
	(erf) = vpow2.f32 v6;
	v6 =	vmul.f32 $1.442695020e+00, v26  }
0x65: {  	v39 =	vld [tilespmem:s17+$0x4480];
	v34 =	vpop (erf);
	(erf) = vpow2.f32 v7;
	v7 =	vmul.f32 $1.442695020e+00, v27  }
0x66: {  	v40 =	vld [tilespmem:s17+$0x4500];
	v33 =	vpop (erf);
	(erf) = vpow2.f32 v6;
	v6 =	vmul.f32 $1.442695020e+00, v28  }
0x67: {  	v41 =	vld [tilespmem:s17+$0x4580];
	v32 =	vpop (erf);
	(erf) = vpow2.f32 v7;
	v7 =	vmul.f32 $1.442695020e+00, v29  }
0x68: {  	v42 =	vld [tilespmem:s17+$0x4600];
	v30 =	vpop (erf);
	(erf) = vpow2.f32 v6;
	v6 =	vmul.f32 $1.442695020e+00, v36  }
0x69: {  	v43 =	vld [tilespmem:s17+$0x4680];
	v28 =	vpop (erf);
	(erf) = vpow2.f32 v7;
	v7 =	vmul.f32 $1.442695020e+00, v37  }
0x6a: {  	v15 =	vld [tilespmem:s5+$0x4400];
	v27 =	vpop (erf);
	(erf) = vpow2.f32 v6;
	v6 =	vmul.f32 $1.442695020e+00, v38  }
0x6b: {  	v44 =	vld [tilespmem:s6+$0x4400];
	v25 =	vpop (erf);
	(erf) = vpow2.f32 v7;
	v7 =	vmul.f32 $1.442695020e+00, v39  }
0x6c: {  	v18 =	vld [tilespmem:s17+$0x6580];
	v23 =	vpop (erf);
	(erf) = vpow2.f32 v6;
	v6 =	vmul.f32 $1.442695020e+00, v40  }
0x6d: {  	v48 =	vld [tilespmem:s17+$0x6680];
	v21 =	vpop (erf);
	(erf) = vpow2.f32 v7;
	v7 =	vmul.f32 $1.442695020e+00, v41  }
0x6e: {  	v45 =	vld [tilespmem:s17+$0x6400];
	v20 =	vpop (erf);
	(erf) = vpow2.f32 v6;
	v6 =	vmul.f32 $1.442695020e+00, v42  }
0x6f: {  	v46 =	vld [tilespmem:s17+$0x6480];
	v17 =	vpop (erf);
	(erf) = vpow2.f32 v7;
	v7 =	vmul.f32 $1.442695020e+00, v43  }
0x70: {  	v16 =	vld [tilespmem:s17+$0x6500];
	v14 =	vpop (erf);
	(erf) = vpow2.f32 v6;
	v6 =	vmul.f32 $1.442695020e+00, v44  }
0x71: {  	v19 =	vld [tilespmem:s4+$0x4400];
	v11 =	vpop (erf);
	(erf) = vpow2.f32 v7;
	v7 =	vmul.f32 $1.442695020e+00, v15  }
0x72: {  	v47 =	vld [tilespmem:s17+$0x6600];
	v50 =	vmul.f32 $1.442695020e+00, v18;
	v51 =	vmul.f32 $1.442695020e+00, v48  }
0x73: {  	v9 =	vpop (erf);
	(erf) = vpow2.f32 v6;
	v6 =	vmul.f32 $1.442695020e+00, v45  }
0x74: {  	v49 =	vld [tilespmem:s0+$0x4400];
	v13 =	vmul.f32 $1.442695020e+00, v46;
	v8 =	vpop (erf);
	(erf) = vpow2.f32 v7  }
0x75: {  	v7 =	vpop (erf);
	(erf) = vpow2.f32 v6;
	v6 =	vmul.f32 $1.442695020e+00, v16  }
0x76: {  	v52 =	vmul.f32 $1.442695020e+00, v19;
	v36 =	vpop (erf);
	(erf) = vpow2.f32 v13  }
0x77: {  	v53 =	vadd.f32 v27, v28;
	v37 =	vpop (erf);
	(erf) = vpow2.f32 v6;
	v6 =	vmul.f32 $1.442695020e+00, v47  }
0x78: {  	v54 =	vadd.f32 v23, v25;
	v43 =	vadd.f32 v33, v34;
	v38 =	vpop (erf);
	(erf) = vpow2.f32 v50  }
0x79: {  	v55 =	vadd.f32 v20, v21;
	v39 =	vpop (erf);
	(erf) = vpow2.f32 v6;
	v6 =	vmul.f32 $1.442695020e+00, v49  }
0x7a: {  	v56 =	vadd.f32 v14, v17;
	v57 =	vadd.f32 v9, v11;
	v40 =	vpop (erf);
	(erf) = vpow2.f32 v51  }
0x7b: {  	v58 =	vadd.f32 v7, v8;
	v41 =	vpop (erf);
	(erf) = vpow2.f32 v6;
	v6 =	vadd.f32 v30, v32  }
0x7c: {  	v10 =	vadd.f32 v54, v53;
	v59 =	vadd.f32 v56, v55  }
0x7d: {  	v60 =	vadd.f32 v58, v57;
	v42 =	vpop (erf);
	(erf) = vpow2.f32 v52;
	v6 =	vadd.f32 v6, v43  }
0x7e: {  	v35 =	vpop (erf)  }
0x7f: {  	v63 =	vadd.f32 v60, v59;
	v31 =	vpop (erf);
	v6 =	vadd.f32 v10, v6  }
0x80: {  	s17 =	sshra.s32 s15, $0x2;
	v29 =	vpop (erf)  }
0x81: {  	v12 =	vld [tilespmem:s17+$0x8800];
	v26 =	vpop (erf);
	v6 =	vadd.f32 v63, v6  }
0x82: {  	v15 =	vld [tilespmem:s17+$0x8400];
	v24 =	vpop (erf)  }
0x83: {  	v44 =	vadd.f32 v37, v36;
	v22 =	vpop (erf);
	(erf) = vrcp.f32 v6;
	v6 =	vld [tilespmem:s17+$0x0];
	[tilespmem:$0x12800] =	vst v34  }
0x84: {  	v50 =	vadd.f32 v32, v43;
	v61 =	vadd.f32 v39, v38;
	v19 =	vpop (erf);
	[tilespmem:$0x12900] =	vst v36  }
0x85: {  	v45 =	vadd.f32 v41, v40;
	v46 =	vadd.f32 v35, v42;
	[tilespmem:$0x12A00] =	vst v0;
	v16 =	vpop (erf)  }
0x86: {  	v47 =	vadd.f32 v29, v31;
	v48 =	vadd.f32 v24, v26;
	[tilespmem:$0x12B00] =	vst v0;
	v13 =	vpop (erf)  }
0x87: {  	[tilespmem:$0x12810] =	vst v33;
	v49 =	vadd.f32 v19, v22;
	v62 =	vadd.f32 v13, v16  }
0x88: {  	v18 =	vadd.f32 v61, v44;
	v45 =	vadd.f32 v46, v45;
	[tilespmem:$0x12910] =	vst v37  }
0x89: {  	[tilespmem:$0x12820] =	vst v32;
	v47 =	vadd.f32 v48, v47;
	v46 =	vadd.f32 v62, v49  }
0x8a: {  	v53 =	vadd.f32 v30, v50;
	[tilespmem:$0x12920] =	vst v38  }
0x8b: {  	v18 =	vadd.f32 v45, v18;
	[tilespmem:$0x12830] =	vst v30;
	v45 =	vadd.f32 v46, v47  }
0x8c: {  	v52 =	vadd.f32 v38, v44;
	[tilespmem:$0x12930] =	vst v39  }
0x8d: {  	v55 =	vadd.f32 v28, v53;
	[tilespmem:$0x12840] =	vst v28;
	v46 =	vadd.f32 v45, v18  }
0x8e: {  	v54 =	vadd.f32 v39, v52;
	[tilespmem:$0x12940] =	vst v40  }
0x8f: {  	v57 =	vadd.f32 v27, v55;
	[tilespmem:$0x12850] =	vst v27;
	(erf) = vrcp.f32 v46  }
0x90: {  	v56 =	vadd.f32 v40, v54;
	[tilespmem:$0x12950] =	vst v41  }
0x91: {  	v59 =	vadd.f32 v25, v57;
	[tilespmem:$0x12860] =	vst v25  }
0x92: {  	v58 =	vadd.f32 v41, v56;
	[tilespmem:$0x12960] =	vst v42  }
0x93: {  	v61 =	vadd.f32 v23, v59;
	[tilespmem:$0x12870] =	vst v23;
	v47 =	vpop (erf)  }
0x94: {  	[tilespmem:$0x12970] =	vst v35;
	v60 =	vadd.f32 v42, v58;
	v18 =	vmul.f32 $9.840000270e-01, v47  }
0x95: {  	[tilespmem:$0x12880] =	vst v21;
	v63 =	vadd.f32 v21, v61  }
0x96: {  	[tilespmem:$0x12980] =	vst v31;
	v62 =	vadd.f32 v35, v60;
	v34 =	vmul.f32 v18, v34;
	v51 =	vmul.f32 v18, v43  }
0x97: {  	[tilespmem:$0x12890] =	vst v20;
	v33 =	vmul.f32 v18, v53;
	v38 =	vmul.f32 v18, v55;
	v53 =	vadd.f32 v20, v63  }
0x98: {  	[tilespmem:$0x12990] =	vst v29;
	v39 =	vmul.f32 v18, v59;
	v59 =	vmul.f32 v18, v61;
	v34 =	vadd.f32 $1.000000050e-03, v34;
	v48 =	vpop (erf)  }
0x99: {  	v37 =	vadd.f32 $2.000000090e-03, v51;
	v33 =	vadd.f32 $4.000000190e-03, v33;
	v10 =	vmul.f32 $9.840000270e-01, v48  }
0x9a: {  	[tilespmem:$0x128A0] =	vst v17;
	v40 =	vmul.f32 v18, v63;
	v38 =	vadd.f32 $4.999999890e-03, v38;
	v39 =	vadd.f32 $7.000000220e-03, v39  }
0x9b: {  	[tilespmem:$0x129A0] =	vst v26;
	v23 =	vadd.f32 $8.000000380e-03, v59;
	v36 =	vmul.f32 v10, v36;
	v44 =	vmul.f32 v10, v44  }
0x9c: {  	[tilespmem:$0x128B0] =	vst v14;
	v40 =	vadd.f32 $8.999999610e-03, v40;
	v43 =	vmul.f32 v10, v52;
	v32 =	vmul.f32 v10, v54  }
0x9d: {  	[tilespmem:$0x129B0] =	vst v24;
	v52 =	vadd.f32 v31, v62;
	v45 =	vmul.f32 v10, v56;
	v54 =	vadd.f32 v17, v53  }
0x9e: {  	[tilespmem:$0x128C0] =	vst v11;
	v30 =	vmul.f32 v10, v58;
	v49 =	vadd.f32 $1.000000050e-03, v36;
	v44 =	vadd.f32 $2.000000090e-03, v44  }
0x9f: {  	[tilespmem:$0x129C0] =	vst v22;
	v46 =	vmul.f32 v10, v60;
	v43 =	vadd.f32 $3.000000030e-03, v43;
	v32 =	vadd.f32 $4.000000190e-03, v32  }
0xa0: {  	[tilespmem:$0x128D0] =	vst v9;
	v28 =	vmul.f32 v10, v62;
	v27 =	vadd.f32 v29, v52;
	v45 =	vadd.f32 $4.999999890e-03, v45  }
0xa1: {  	[tilespmem:$0x128E0] =	vst v8;
	v36 =	vmul.f32 v18, v50;
	v55 =	vadd.f32 v14, v54;
	v30 =	vadd.f32 $6.000000050e-03, v30  }
0xa2: {  	[tilespmem:$0x128F0] =	vst v7;
	v60 =	vadd.f32 $7.000000220e-03, v46;
	v51 =	vmul.f32 v10, v52;
	v52 =	vmax.f32 v6, $-3.000000000e+00  }
0xa3: {  	v41 =	vmul.f32 v18, v54;
	v28 =	vadd.f32 $8.000000380e-03, v28;
	v54 =	vmin.f32 v52, $3.000000000e+00;
	[tilespmem:$0x12B20] =	vst v44  }
0xa4: {  	v36 =	vadd.f32 $3.000000030e-03, v36;
	[tilespmem:$0x12B40] =	vst v32;
	v44 =	vmul.f32 v18, v57;
	v48 =	vadd.f32 v26, v27  }
0xa5: {  	[tilespmem:$0x12B50] =	vst v45;
	v56 =	vadd.f32 v11, v55;
	v32 =	vmul.f32 v18, v53;
	v45 =	vadd.f32 $1.099999990e-02, v41  }
0xa6: {  	[tilespmem:$0x129D0] =	vst v19;
	v62 =	vmul.f32 v18, v55;
	v55 =	vadd.f32 $8.999999610e-03, v51;
	v20 =	vadd.f32 $3.000000000e+00, v54  }
0xa7: {  	[tilespmem:$0x129E0] =	vst v16;
	v27 =	vmul.f32 v10, v27;
	v44 =	vadd.f32 $6.000000050e-03, v44;
	v25 =	vadd.f32 v24, v48  }
0xa8: {  	[tilespmem:$0x129F0] =	vst v13;
	v58 =	vadd.f32 v9, v56;
	v21 =	vadd.f32 $9.999999770e-03, v32;
	v63 =	vmul.f32 v18, v56  }
0xa9: {  	[tilespmem:$0x12A10] =	vst v34;
	v50 =	vadd.f32 $1.200000010e-02, v62;
	v56 =	vmul.f32 v10, v48;
	v27 =	vadd.f32 $9.999999770e-03, v27  }
0xaa: {  	[tilespmem:$0x12A20] =	vst v37;
	v20 =	vmul.f32 $1.666666720e-01, v20;
	v57 =	vadd.f32 v22, v25;
	v61 =	vadd.f32 v8, v58  }
0xab: {  	[tilespmem:$0x12B60] =	vst v30;
	v30 =	vmul.f32 v18, v58;
	v32 =	vadd.f32 $1.300000030e-02, v63;
	v25 =	vmul.f32 v10, v25  }
0xac: {  	[tilespmem:$0x12A40] =	vst v33;
	v58 =	vadd.f32 $1.099999990e-02, v56;
	vm0 =	vge.f32 v20, v34;
	vm1 =	vge.f32 v20, v37  }
0xad: {  	[tilespmem:$0x12A50] =	vst v38;
	vm14 =	vge.f32 v20, v36;
	vm15 =	vge.f32 v20, v33;
	vm4 =	vge.f32 v20, v38  }
0xae: {  	[tilespmem:$0x12B70] =	vst v60;
	v60 =	vsel vm0, $0x1, v1;
	v53 =	vmul.f32 v18, v61;
	v61 =	vsel vm1, $0x1, v1  }
0xaf: {  	[tilespmem:$0x12A70] =	vst v39;
	vm5 =	vge.f32 v20, v44;
	v62 =	vsel vm14, $0x1, v1;
	v26 =	vadd.s32 v61, v60  }
0xb0: {  	[tilespmem:$0x12A80] =	vst v23;
	vm6 =	vge.f32 v20, v39;
	v33 =	vsel vm15, $0x1, v1;
	v63 =	vadd.s32 v62, v26  }
0xb1: {  	[tilespmem:$0x12A90] =	vst v40;
	vm7 =	vge.f32 v20, v23;
	v34 =	vsel vm4, $0x1, v1;
	v14 =	vadd.s32 v33, v63  }
0xb2: {  	[tilespmem:$0x12A30] =	vst v36;
	vm8 =	vge.f32 v20, v40;
	v36 =	vsel vm5, $0x1, v1;
	v14 =	vadd.s32 v34, v14  }
0xb3: {  	[tilespmem:$0x12B10] =	vst v49;
	vm9 =	vge.f32 v20, v21;
	v37 =	vsel vm6, $0x1, v1;
	v14 =	vadd.s32 v36, v14  }
0xb4: {  	[tilespmem:$0x12B30] =	vst v43;
	vm10 =	vge.f32 v20, v45;
	v39 =	vsel vm7, $0x1, v1;
	v38 =	vadd.s32 v37, v14  }
0xb5: {  	[tilespmem:$0x12B80] =	vst v28;
	vm11 =	vge.f32 v20, v50;
	v40 =	vsel vm8, $0x1, v1;
	v11 =	vadd.s32 v39, v38  }
0xb6: {  	[tilespmem:$0x12B90] =	vst v55;
	v42 =	vsel vm9, $0x1, v1;
	v43 =	vsel vm10, $0x1, v1;
	v11 =	vadd.s32 v40, v11  }
0xb7: {  	[tilespmem:$0x12AB0] =	vst v45;
	v45 =	vsel vm11, $0x1, v1;
	v30 =	vadd.f32 $1.400000040e-02, v30;
	v11 =	vadd.s32 v42, v11  }
0xb8: {  	[tilespmem:$0x12A60] =	vst v44;
	vm12 =	vge.f32 v20, v32;
	v29 =	vadd.f32 $1.499999970e-02, v53;
	v44 =	vadd.s32 v43, v11  }
0xb9: {  	[tilespmem:$0x12AA0] =	vst v21;
	v46 =	vsel vm12, $0x1, v1;
	vm13 =	vge.f32 v20, v30;
	v9 =	vadd.s32 v45, v44  }
0xba: {  	[tilespmem:$0x12BA0] =	vst v27;
	v47 =	vsel vm13, $0x1, v1;
	vm14 =	vge.f32 v20, v29;
	v9 =	vadd.s32 v46, v9  }
0xbb: {  	[tilespmem:$0x12AC0] =	vst v50;
	v35 =	vadd.f32 v19, v57;
	v49 =	vsel vm14, $0x1, v1;
	v9 =	vadd.s32 v47, v9  }
0xbc: {  	v57 =	vmul.f32 v10, v57;
	v25 =	vadd.f32 $1.200000010e-02, v25;
	[tilespmem:$0x12BB0] =	vst v58;
	v50 =	vadd.s32 v49, v9  }
0xbd: {  	[tilespmem:$0x12AD0] =	vst v32;
	v51 =	vadd.f32 v16, v35;
	v53 =	vshll.u32 v50, $0x4  }
0xbe: {  	v59 =	vadd.f32 $1.300000030e-02, v57;
	[tilespmem:$0x12BC0] =	vst v25;
	v48 =	vmul.f32 v10, v35;
	v54 =	vadd.s32 v3, v53  }
0xbf: {  	[tilespmem:$0x12AE0] =	vst v30;
	v9 =	vmul.f32 v10, v51;
	v55 =	vor.u32 v2, v53;
	vm15 =	vgt.s32 v54, v2  }
0xc0: {  	[tilespmem:$0x12BD0] =	vst v59;
	v52 =	vadd.f32 $1.400000040e-02, v48;
	v14 =	vadd.s32 v4, v53;
	v7 =	vsel vm15, v54, v2  }
0xc1: {  	[tilespmem:$0x12AF0] =	vst v29;
	v9 =	vadd.f32 $1.499999970e-02, v9;
	v56 =	vmin.u32 v14, v5  }
0xc2: {  	[tilespmem:$0x12BE0] =	vst v52  }
0xc3: {  	[tilespmem:$0x12BF0] =	vst v9  }
0xc4: {  	v9 =	vld.idx.msk [tilespmem:v55+s21+$0x0], $0xffff  }
0xc5: {  	v57 =	vld.idx.msk [tilespmem:v7+s21+$0x0], $0xffff  }
0xc6: {  	v58 =	vld.idx.msk [tilespmem:v56+s21+$0x0], $0xffff;
	_ =	sdelay $0x2  }
0xc7: {  	v9 =	vmul.f32 v9, v18  }
0xc8: {  	v14 =	vmul.f32 v57, v18  }
0xc9: {  	v16 =	vmul.f32 v58, v18;
	v9 =	vadd.f32 $1.000000050e-03, v9  }
0xca: {  	v14 =	vadd.f32 $1.000000050e-03, v14  }
0xcb: {  	v15 =	vsub.f32 $0.0e+00, v15;
	v16 =	vadd.f32 $1.000000050e-03, v16;
	(erf) = vrcp.f32 v9  }
0xcc: {  	(erf) = vrcp.f32 v14;
	v59 =	vadd.f32 v14, v9  }
0xcd: {  	v15 =	vmul.f32 $1.442695020e+00, v15;
	(erf) = vrcp.f32 v16  }
0xce: {  	(erf) = vrcp.f32 v59  }
0xcf: {  	(erf) = vpow2.f32 v15;
	_ =	sdelay $0x4  }
0xd0: {  	v60 =	vpop (erf)  }
0xd1: {  	v61 =	vpop (erf)  }
0xd2: {  	v62 =	vpop (erf)  }
0xd3: {  	v63 =	vpop (erf)  }
0xd4: {  	v24 =	vpop (erf)  }
0xd5: {  	v12 =	vsub.f32 $0.0e+00, v12;
	v21 =	vadd.f32 $1.000000000e+00, v24  }
0xd6: {  	v25 =	vadd.f32 v16, v9  }
0xd7: {  	v12 =	vmul.f32 $1.442695020e+00, v12;
	(erf) = vrcp.f32 v21  }
0xd8: {  	(erf) = vrcp.f32 v25  }
0xd9: {  	(erf) = vpow2.f32 v12;
	_ =	sdelay $0x1  }
0xda: {  	v7 =	vld.idx.msk [tilespmem:v7+s22+$0x0], $0xffff  }
0xdb: {  	v26 =	vld.idx.msk [tilespmem:v55+s22+$0x0], $0xffff  }
0xdc: {  	v13 =	vld.idx.msk [tilespmem:v56+s22+$0x0], $0xffff;
	_ =	sdelay $0x2  }
0xdd: {  	v7 =	vmul.f32 v7, v10;
	v21 =	vpop (erf)  }
0xde: {  	v12 =	vmul.f32 v26, v10;
	v27 =	vpop (erf)  }
0xdf: {  	v7 =	vadd.f32 $1.000000050e-03, v7;
	v10 =	vmul.f32 v13, v10;
	v28 =	vpop (erf)  }
0xe0: {  	v12 =	vadd.f32 $1.000000050e-03, v12;
	v22 =	vadd.f32 $1.000000000e+00, v28  }
0xe1: {  	v7 =	vmul.f32 v7, v61;
	v10 =	vadd.f32 $1.000000050e-03, v10  }
0xe2: {  	v12 =	vmul.f32 v12, v60;
	(erf) = vrcp.f32 v22  }
0xe3: {  	v10 =	vmul.f32 v10, v62  }
0xe4: {  	v17 =	vmul.f32 v7, v9;
	v14 =	vmul.f32 v12, v14  }
0xe5: {  	v16 =	vmul.f32 v12, v16;
	v9 =	vmul.f32 v10, v9;
	_ =	sdelay $0x1  }
0xe6: {  	v14 =	vadd.f32 v17, v14;
	v9 =	vadd.f32 v9, v16;
	_ =	sdelay $0x1  }
0xe7: {  	v14 =	vmul.f32 $5.000000000e-01, v14;
	v9 =	vmul.f32 $5.000000000e-01, v9  }
0xe8: {  	v30 =	vmul.f32 $3.000000000e+00, v21  }
0xe9: {  	v14 =	vmul.f32 v14, v63;
	v9 =	vmul.f32 v9, v27;
	v29 =	vpop (erf)  }
0xea: {  	v7 =	vmin.f32 v7, v12;
	v10 =	vmin.f32 v12, v10;
	v13 =	vmul.f32 $3.000000000e+00, v29  }
0xeb: {  	v31 =	vmul.f32 v12, v30;
	v7 =	vmin.f32 v7, v14;
	v9 =	vmin.f32 v10, v9  }
0xec: {  	v7 =	vadd.f32 v7, v7;
	v9 =	vadd.f32 v9, v9;
	v13 =	vmul.f32 v12, v13  }
0xed: {  	vm4 =	veq.s32 v50, $0x0;
	vm5 =	vgt.u32 v50, $0xE  }
0xee: {  	v7 =	vsel vm4, v31, v7;
	v8 =	vsel vm5, v13, v9  }
0xef: {  	v32 =	vadd.f32 v12, v12;
	v9 =	vadd.f32 v8, v7;
	_ =	sdelay $0x1  }
0xf0: {  	v33 =	vmul.f32 $3.000000000e+00, v12;
	v34 =	vadd.f32 v7, v7;
	v9 =	vsub.f32 v9, v32  }
0xf1: {  	v35 =	vld.idx.msk [tilespmem:v55+s23+$0x0], $0xffff  }
0xf2: {  	v10 =	vsub.f32 v33, v34;
	v9 =	vmul.f32 v9, v60;
	_ =	sdelay $0x1  }
0xf3: {  	v8 =	vsub.f32 v10, v8;
	v9 =	vmul.f32 v9, v60;
	_ =	sdelay $0x1  }
0xf4: {  	v36 =	vsub.f32 v20, v35;
	v8 =	vmul.f32 v8, v60;
	v37 =	vmul.f32 $3.000000000e+00, v9;
	_ =	sdelay $0x1  }
0xf5: {  	v38 =	vadd.f32 v8, v8;
	v12 =	vmul.f32 v37, v36;
	_ =	sdelay $0x1  }
0xf6: {  	v12 =	vadd.f32 v12, v38;
	_ =	sdelay $0x1  }
0xf7: {  	v12 =	vmul.f32 v12, v36;
	_ =	sdelay $0x1  }
0xf8: {  	v12 =	vadd.f32 v12, v7;
	_ =	sdelay $0x1  }
0xf9: {  	v12 =	vand.u32 $0x7FFFFFFF, v12  }
0xfa: {  	v39 =	vand.u32 $0x7FFFFF, v12  }
0xfb: {  	v13 =	vor.u32 $0x3F000000, v39  }
0xfc: {  	vm6 =	vlt.f32 v13, $7.071067690e-01  }
0xfd: {  	v40 =	vnsel vm6, $0x80000000, v13  }
0xfe: {  	v13 =	vadd.f32 v13, v40;
	_ =	sdelay $0x1  }
0xff: {  	v13 =	vadd.f32 $-1.000000000e+00, v13;
	_ =	sdelay $0x1  }
0x100: {  	v41 =	vmul.f32 $1.666666720e-01, v13  }
0x101: {  	v9 =	vmul.f32 v9, v36  }
0x102: {  	v42 =	vmul.f32 v13, v13;
	v14 =	vsub.f32 $2.000000030e-01, v41  }
0x103: {  	v8 =	vadd.f32 v9, v8  }
0x104: {  	v43 =	vmul.f32 v14, v42  }
0x105: {  	v8 =	vmul.f32 v8, v36  }
0x106: {  	v11 =	vld.idx.msk [tilespmem:v55+s24+$0x0], $0xffff;
	v9 =	vadd.f32 $-2.500000000e-01, v43  }
0x107: {  	v7 =	vadd.f32 v8, v7  }
0x108: {  	v44 =	vmul.f32 v9, v13  }
0x109: {  	v7 =	vmul.f32 v7, v36  }
0x10a: {  	v45 =	vmul.f32 v42, v13;
	v8 =	vadd.f32 $3.333333430e-01, v44  }
0x10b: {  	v46 =	vshrl.u32 v12, $0x17;
	v7 =	vadd.f32 v7, v11;
	v47 =	vsel vm6, $0xFFFFFFFF, v1  }
0x10c: {  	v10 =	vadd.s32 v47, v46;
	v48 =	vmul.f32 $5.000000000e-01, v42;
	v8 =	vmul.f32 v8, v45  }
0x10d: {  	v7 =	vmax.f32 v7, $0.0e+00;
	v10 =	vadd.s32 $0xFFFFFF82, v10  }
0x10e: {  	v7 =	vmin.f32 v7, $1.000000000e+00;
	v49 =	vcvt.s32.f32 v10;
	v8 =	vsub.f32 v8, v48  }
0x10f: {  	v7 =	vmul.f32 $6.000000000e+00, v7  }
0x110: {  	v9 =	vmul.f32 $6.931471820e-01, v49;
	v8 =	vadd.f32 v8, v13  }
0x111: {  	v50 =	vand.u32 $0x7FFFFFFF, v6;
	v7 =	vadd.f32 $-3.000000000e+00, v7  }
0x112: {  	vm7 =	vle.f32 v50, $3.000000000e+00;
	v8 =	vadd.f32 v8, v9  }
0x113: {  	s0 =	sadd.s32 $0x10, s31;
	v6 =	vsel vm7, v7, v6  }
0x114: {  	s6 =	sand.u32 $0x70, s0;
	[tilespmem:s17+$0x11800] =	vst v6;
	v6 =	vnsel vm7, $0x0, v8  }
0x115: {  	s19 =	sor.u32 s19, s6;
	[tilespmem:s17+$0x11C00] =	vst v6  }
0x116: {  	v6 =	vld [tilespmem:s19+$0x400]  }
0x117: {  	s7 =	sand.u32 $0x7, s1;
	v7 =	vld [tilespmem:s19+$0x480]  }
0x118: {  	s4 =	sshll.u32 s7, $0x4;
	v51 =	vld [tilespmem:s19+$0x500]  }
0x119: {  	s4 =	sadd.s32 s14, s4;
	v52 =	vld [tilespmem:s19+$0x580]  }
0x11a: {  	s4 =	sadd.s32 $0x10, s4;
	v53 =	vld [tilespmem:s19+$0x600]  }
0x11b: {  	s5 =	sor.u32 $0x300, s4;
	s0 =	sor.u32 s14, s0;
	v54 =	vld [tilespmem:s19+$0x680];
	v6 =	vmul.f32 $1.442695020e+00, v6  }
0x11c: {  	s7 =	sor.u32 $0x380, s0;
	v55 =	vld [tilespmem:s5+$0x400];
	v7 =	vmul.f32 $1.442695020e+00, v7  }
0x11d: {  	v56 =	vld [tilespmem:s7+$0x400];
	(erf) = vpow2.f32 v6;
	v6 =	vmul.f32 $1.442695020e+00, v51  }
0x11e: {  	v57 =	vld [tilespmem:s19+$0x2400];
	(erf) = vpow2.f32 v7;
	v7 =	vmul.f32 $1.442695020e+00, v52  }
0x11f: {  	v58 =	vld [tilespmem:s19+$0x2480];
	(erf) = vpow2.f32 v6;
	v6 =	vmul.f32 $1.442695020e+00, v53  }
0x120: {  	v59 =	vld [tilespmem:s19+$0x2500];
	(erf) = vpow2.f32 v7;
	v7 =	vmul.f32 $1.442695020e+00, v54  }
0x121: {  	v60 =	vld [tilespmem:s19+$0x2580];
	(erf) = vpow2.f32 v6;
	v6 =	vmul.f32 $1.442695020e+00, v55  }
0x122: {  	v61 =	vld [tilespmem:s19+$0x2600];
	(erf) = vpow2.f32 v7;
	v7 =	vmul.f32 $1.442695020e+00, v56  }
0x123: {  	s4 =	sor.u32 $0x2300, s4;
	v62 =	vld [tilespmem:s19+$0x2680];
	(erf) = vpow2.f32 v6;
	v6 =	vmul.f32 $1.442695020e+00, v57  }
0x124: {  	s6 =	sor.u32 $0x2380, s0;
	v63 =	vld [tilespmem:s4+$0x400];
	(erf) = vpow2.f32 v7;
	v7 =	vmul.f32 $1.442695020e+00, v58  }
0x125: {  	v16 =	vld [tilespmem:s6+$0x400];
	(erf) = vpow2.f32 v6;
	v6 =	vmul.f32 $1.442695020e+00, v59  }
0x126: {  	v17 =	vld [tilespmem:s19+$0x4400];
	v13 =	vpop (erf);
	(erf) = vpow2.f32 v7;
	v7 =	vmul.f32 $1.442695020e+00, v60  }
0x127: {  	v18 =	vld [tilespmem:s19+$0x4480];
	v31 =	vpop (erf);
	(erf) = vpow2.f32 v6;
	v6 =	vmul.f32 $1.442695020e+00, v61  }
0x128: {  	v19 =	vld [tilespmem:s19+$0x4500];
	v30 =	vpop (erf);
	(erf) = vpow2.f32 v7;
	v7 =	vmul.f32 $1.442695020e+00, v62  }
0x129: {  	v33 =	vld [tilespmem:s19+$0x4580];
	v27 =	vpop (erf);
	(erf) = vpow2.f32 v6;
	v6 =	vmul.f32 $1.442695020e+00, v63  }
0x12a: {  	v34 =	vld [tilespmem:s19+$0x4600];
	v29 =	vpop (erf);
	(erf) = vpow2.f32 v7;
	v7 =	vmul.f32 $1.442695020e+00, v16  }
0x12b: {  	v35 =	vld [tilespmem:s19+$0x4680];
	v28 =	vpop (erf);
	(erf) = vpow2.f32 v6;
	v6 =	vmul.f32 $1.442695020e+00, v17  }
0x12c: {  	v36 =	vld [tilespmem:s5+$0x4400];
	v22 =	vpop (erf);
	(erf) = vpow2.f32 v7;
	v7 =	vmul.f32 $1.442695020e+00, v18  }
0x12d: {  	v37 =	vld [tilespmem:s7+$0x4400];
	v25 =	vpop (erf);
	(erf) = vpow2.f32 v6;
	v6 =	vmul.f32 $1.442695020e+00, v19  }
0x12e: {  	v24 =	vpop (erf);
	(erf) = vpow2.f32 v7;
	v7 =	vmul.f32 $1.442695020e+00, v33  }
0x12f: {  	v38 =	vld [tilespmem:s19+$0x6400];
	v21 =	vpop (erf);
	(erf) = vpow2.f32 v6;
	v6 =	vmul.f32 $1.442695020e+00, v34  }
0x130: {  	v39 =	vld [tilespmem:s19+$0x6480];
	v19 =	vpop (erf);
	(erf) = vpow2.f32 v7;
	v7 =	vmul.f32 $1.442695020e+00, v35  }
0x131: {  	v40 =	vld [tilespmem:s19+$0x6500];
	v17 =	vpop (erf);
	(erf) = vpow2.f32 v6;
	v6 =	vmul.f32 $1.442695020e+00, v36  }
0x132: {  	v41 =	vld [tilespmem:s19+$0x6580];
	v14 =	vpop (erf);
	(erf) = vpow2.f32 v7;
	v7 =	vmul.f32 $1.442695020e+00, v37  }
0x133: {  	v42 =	vld [tilespmem:s19+$0x6600]  }
0x134: {  	v43 =	vld [tilespmem:s19+$0x6680];
	v10 =	vpop (erf);
	(erf) = vpow2.f32 v6;
	v6 =	vmul.f32 $1.442695020e+00, v38  }
0x135: {  	v44 =	vld [tilespmem:s4+$0x4400];
	v15 =	vmul.f32 $1.442695020e+00, v39;
	v8 =	vpop (erf);
	(erf) = vpow2.f32 v7  }
0x136: {  	v45 =	vld [tilespmem:s6+$0x4400];
	v7 =	vpop (erf);
	(erf) = vpow2.f32 v6;
	v6 =	vmul.f32 $1.442695020e+00, v40  }
0x137: {  	v9 =	vmul.f32 $1.442695020e+00, v41;
	v32 =	vpop (erf);
	(erf) = vpow2.f32 v15  }
0x138: {  	v33 =	vpop (erf);
	(erf) = vpow2.f32 v6;
	v6 =	vmul.f32 $1.442695020e+00, v42  }
0x139: {  	v46 =	vmul.f32 $1.442695020e+00, v43;
	v34 =	vpop (erf);
	(erf) = vpow2.f32 v9  }
0x13a: {  	v35 =	vpop (erf);
	(erf) = vpow2.f32 v6;
	v6 =	vmul.f32 $1.442695020e+00, v44  }
0x13b: {  	v47 =	vmul.f32 $1.442695020e+00, v45;
	v36 =	vpop (erf);
	(erf) = vpow2.f32 v46  }
0x13c: {  	v48 =	vadd.f32 v28, v29;
	v49 =	vadd.f32 v25, v22;
	v37 =	vpop (erf);
	(erf) = vpow2.f32 v6  }
0x13d: {  	v50 =	vadd.f32 v21, v24;
	v51 =	vadd.f32 v17, v19;
	v38 =	vpop (erf);
	(erf) = vpow2.f32 v47  }
0x13e: {  	v52 =	vadd.f32 v10, v14;
	v40 =	vadd.f32 v31, v13;
	v39 =	vpop (erf)  }
0x13f: {  	v53 =	vadd.f32 v7, v8;
	v6 =	vadd.f32 v27, v30;
	v41 =	vpop (erf)  }
0x140: {  	v54 =	vadd.f32 v51, v50;
	v9 =	vadd.f32 v49, v48;
	v42 =	vpop (erf)  }
0x141: {  	v55 =	vadd.f32 v53, v52;
	v6 =	vadd.f32 v6, v40;
	v26 =	vpop (erf)  }
0x142: {  	v56 =	vadd.f32 v33, v32;
	v23 =	vpop (erf)  }
0x143: {  	v48 =	vadd.f32 v55, v54;
	v6 =	vadd.f32 v9, v6;
	v20 =	vpop (erf)  }
0x144: {  	v57 =	vadd.f32 v35, v34;
	v58 =	vadd.f32 v37, v36;
	v18 =	vpop (erf)  }
0x145: {  	v11 =	vld [tilespmem:s17+$0x8810];
	v59 =	vadd.f32 v39, v38;
	v6 =	vadd.f32 v48, v6;
	v16 =	vpop (erf)  }
0x146: {  	v15 =	vld [tilespmem:s17+$0x8410];
	v60 =	vadd.f32 v42, v41;
	v61 =	vadd.f32 v23, v26;
	v12 =	vpop (erf)  }
0x147: {  	v62 =	vadd.f32 v18, v20;
	(erf) = vrcp.f32 v6;
	v6 =	vld [tilespmem:s17+$0x10];
	[tilespmem:$0x12D00] =	vst v32;
	v63 =	vadd.f32 v12, v16  }
0x148: {  	v44 =	vadd.f32 v57, v56;
	v45 =	vadd.f32 v59, v58;
	[tilespmem:$0x12C10] =	vst v31  }
0x149: {  	v47 =	vadd.f32 v61, v60;
	[tilespmem:$0x12D10] =	vst v33;
	v46 =	vadd.f32 v63, v62  }
0x14a: {  	v49 =	vadd.f32 v45, v44;
	[tilespmem:$0x12D20] =	vst v34  }
0x14b: {  	[tilespmem:$0x12C20] =	vst v30;
	v30 =	vadd.f32 v30, v40;
	v50 =	vadd.f32 v46, v47  }
0x14c: {  	[tilespmem:$0x12D30] =	vst v35  }
0x14d: {  	[tilespmem:$0x12C30] =	vst v27;
	v27 =	vadd.f32 v27, v30;
	v51 =	vadd.f32 v50, v49  }
0x14e: {  	[tilespmem:$0x12D40] =	vst v36  }
0x14f: {  	[tilespmem:$0x12C40] =	vst v29;
	v29 =	vadd.f32 v29, v27;
	(erf) = vrcp.f32 v51  }
0x150: {  	[tilespmem:$0x12D50] =	vst v37  }
0x151: {  	[tilespmem:$0x12C50] =	vst v28;
	v28 =	vadd.f32 v28, v29  }
0x152: {  	[tilespmem:$0x12D60] =	vst v38  }
0x153: {  	[tilespmem:$0x12C60] =	vst v22;
	v63 =	vadd.f32 v22, v28;
	v52 =	vpop (erf)  }
0x154: {  	[tilespmem:$0x12C70] =	vst v25;
	v22 =	vmul.f32 $9.840000270e-01, v52  }
0x155: {  	[tilespmem:$0x12D70] =	vst v39;
	v25 =	vadd.f32 v25, v63  }
0x156: {  	v54 =	vadd.f32 v34, v56;
	[tilespmem:$0x12C00] =	vst v13;
	v13 =	vmul.f32 v22, v13  }
0x157: {  	[tilespmem:$0x12C80] =	vst v24;
	v46 =	vadd.f32 v24, v25;
	v48 =	vmul.f32 v22, v40;
	v30 =	vmul.f32 v22, v30  }
0x158: {  	v31 =	vadd.f32 v35, v54;
	[tilespmem:$0x12D80] =	vst v41;
	v27 =	vmul.f32 v22, v27;
	v29 =	vmul.f32 v22, v29;
	v9 =	vpop (erf)  }
0x159: {  	[tilespmem:$0x12C90] =	vst v21;
	v49 =	vadd.f32 $1.000000050e-03, v13;
	v50 =	vadd.f32 v21, v46;
	v9 =	vmul.f32 $9.840000270e-01, v9  }
0x15a: {  	[tilespmem:$0x12D90] =	vst v42;
	v25 =	vmul.f32 v22, v25;
	v30 =	vadd.f32 $3.000000030e-03, v30;
	v27 =	vadd.f32 $4.000000190e-03, v27  }
0x15b: {  	[tilespmem:$0x12CA0] =	vst v19;
	v29 =	vadd.f32 $4.999999890e-03, v29;
	v58 =	vmul.f32 v9, v31;
	v31 =	vadd.f32 v36, v31  }
0x15c: {  	[tilespmem:$0x12DA0] =	vst v26;
	v25 =	vadd.f32 $8.000000380e-03, v25;
	v53 =	vmul.f32 v9, v32;
	v57 =	vmul.f32 v9, v54  }
0x15d: {  	[tilespmem:$0x12CB0] =	vst v17;
	v43 =	vmul.f32 v9, v56;
	v60 =	vmul.f32 v9, v31;
	v31 =	vadd.f32 v37, v31  }
0x15e: {  	[tilespmem:$0x12DB0] =	vst v23;
	v28 =	vmul.f32 v22, v28;
	v55 =	vadd.f32 $1.000000050e-03, v53;
	v32 =	vadd.f32 $3.000000030e-03, v57  }
0x15f: {  	[tilespmem:$0x12CC0] =	vst v14;
	v56 =	vadd.f32 $2.000000090e-03, v43;
	v61 =	vmul.f32 v9, v31;
	v31 =	vadd.f32 v38, v31  }
0x160: {  	v34 =	vmul.f32 v22, v46;
	v59 =	vadd.f32 $4.000000190e-03, v58;
	[tilespmem:$0x12F30] =	vst v32;
	v32 =	vadd.f32 $4.999999890e-03, v60  }
0x161: {  	[tilespmem:$0x12DC0] =	vst v20;
	v53 =	vadd.f32 v19, v50;
	v57 =	vadd.f32 $6.000000050e-03, v28;
	v62 =	vmul.f32 v9, v31  }
0x162: {  	v43 =	vmax.f32 v6, $-3.000000000e+00;
	[tilespmem:$0x12F50] =	vst v32;
	v32 =	vadd.f32 $6.000000050e-03, v61;
	v31 =	vadd.f32 v39, v31  }
0x163: {  	[tilespmem:$0x12CD0] =	vst v10;
	v37 =	vadd.f32 $8.999999610e-03, v34;
	v45 =	vmin.f32 v43, $3.000000000e+00;
	v38 =	vadd.f32 $7.000000220e-03, v62  }
0x164: {  	[tilespmem:$0x12F60] =	vst v32;
	v44 =	vmul.f32 v9, v31;
	v32 =	vadd.f32 $3.000000000e+00, v45;
	v47 =	vadd.f32 v41, v31  }
0x165: {  	[tilespmem:$0x12F10] =	vst v55;
	v55 =	vmul.f32 v22, v63;
	v31 =	vadd.f32 $2.000000090e-03, v48;
	v62 =	vadd.f32 v17, v53  }
0x166: {  	[tilespmem:$0x12DD0] =	vst v18;
	v48 =	vmul.f32 v22, v53;
	v35 =	vadd.f32 $8.000000380e-03, v44;
	v13 =	vmul.f32 $1.666666720e-01, v32  }
0x167: {  	[tilespmem:$0x12E00] =	vst v0;
	v51 =	vadd.f32 v42, v47;
	v24 =	vmul.f32 v9, v47;
	v39 =	vadd.f32 v14, v62  }
0x168: {  	[tilespmem:$0x12F00] =	vst v0;
	vm8 =	vge.f32 v13, v49;
	vm9 =	vge.f32 v13, v31;
	vm10 =	vge.f32 v13, v30  }
0x169: {  	[tilespmem:$0x12E30] =	vst v30;
	v24 =	vadd.f32 $8.999999610e-03, v24;
	vm11 =	vge.f32 v13, v27;
	v58 =	vmul.f32 v9, v51  }
0x16a: {  	[tilespmem:$0x12F40] =	vst v59;
	vm12 =	vge.f32 v13, v29;
	v59 =	vadd.f32 v26, v51;
	vm13 =	vge.f32 v13, v57  }
0x16b: {  	[tilespmem:$0x12F80] =	vst v35;
	v35 =	vmul.f32 v22, v50;
	vm15 =	vge.f32 v13, v25;
	vm4 =	vge.f32 v13, v37  }
0x16c: {  	[tilespmem:$0x12F20] =	vst v56;
	v42 =	vadd.f32 v10, v39;
	v50 =	vadd.f32 $1.099999990e-02, v48;
	v52 =	vsel vm8, $0x1, v1  }
0x16d: {  	[tilespmem:$0x12E20] =	vst v31;
	v31 =	vsel vm9, $0x1, v1;
	v54 =	vsel vm10, $0x1, v1;
	v56 =	vsel vm11, $0x1, v1  }
0x16e: {  	[tilespmem:$0x12F70] =	vst v38;
	v60 =	vsel vm12, $0x1, v1;
	v61 =	vsel vm13, $0x1, v1;
	v38 =	vsel vm15, $0x1, v1  }
0x16f: {  	v43 =	vsel vm4, $0x1, v1;
	v21 =	vadd.s32 v31, v52;
	[tilespmem:$0x12F90] =	vst v24;
	v24 =	vadd.f32 $7.000000220e-03, v55  }
0x170: {  	[tilespmem:$0x12E40] =	vst v27;
	v27 =	vadd.f32 $9.999999770e-03, v58;
	v63 =	vmul.f32 v9, v59;
	v30 =	vadd.f32 v23, v59  }
0x171: {  	[tilespmem:$0x12CE0] =	vst v8;
	v40 =	vadd.f32 $9.999999770e-03, v35;
	v47 =	vadd.f32 v8, v42;
	vm6 =	vge.f32 v13, v50  }
0x172: {  	[tilespmem:$0x12E60] =	vst v57;
	v51 =	vmul.f32 v22, v42;
	v21 =	vadd.s32 v54, v21;
	v57 =	vsel vm6, $0x1, v1  }
0x173: {  	v21 =	vadd.s32 v56, v21;
	[tilespmem:$0x12E70] =	vst v24;
	vm14 =	vge.f32 v13, v24;
	v24 =	vadd.f32 $1.099999990e-02, v63  }
0x174: {  	[tilespmem:$0x12CF0] =	vst v7;
	v41 =	vadd.f32 v20, v30;
	v17 =	vmul.f32 v9, v30;
	vm5 =	vge.f32 v13, v40  }
0x175: {  	[tilespmem:$0x12DE0] =	vst v16;
	v55 =	vadd.f32 $1.400000040e-02, v51;
	v19 =	vadd.s32 v60, v21;
	v21 =	vmul.f32 v22, v62  }
0x176: {  	v36 =	vsel vm14, $0x1, v1;
	v19 =	vadd.s32 v61, v19;
	[tilespmem:$0x12FB0] =	vst v24;
	v24 =	vmul.f32 v22, v39  }
0x177: {  	[tilespmem:$0x12DF0] =	vst v12;
	v46 =	vsel vm5, $0x1, v1;
	v19 =	vadd.s32 v36, v19;
	v52 =	vadd.f32 $1.200000010e-02, v21  }
0x178: {  	[tilespmem:$0x12E10] =	vst v49;
	v44 =	vadd.f32 $1.200000010e-02, v17;
	v19 =	vadd.s32 v38, v19;
	v53 =	vadd.f32 $1.300000030e-02, v24  }
0x179: {  	[tilespmem:$0x12E50] =	vst v29;
	v45 =	vadd.s32 v43, v19;
	v19 =	vmul.f32 v22, v47;
	vm7 =	vge.f32 v13, v52  }
0x17a: {  	[tilespmem:$0x12E80] =	vst v25;
	v49 =	vadd.f32 v18, v41;
	v17 =	vadd.s32 v46, v45;
	v58 =	vsel vm7, $0x1, v1  }
0x17b: {  	[tilespmem:$0x12E90] =	vst v37;
	vm8 =	vge.f32 v13, v53;
	v19 =	vadd.f32 $1.499999970e-02, v19;
	v17 =	vadd.s32 v57, v17  }
0x17c: {  	[tilespmem:$0x12EB0] =	vst v50;
	vm9 =	vge.f32 v13, v55;
	v59 =	vsel vm8, $0x1, v1;
	v17 =	vadd.s32 v58, v17  }
0x17d: {  	[tilespmem:$0x12FA0] =	vst v27;
	v60 =	vsel vm9, $0x1, v1;
	v17 =	vadd.s32 v59, v17;
	vm10 =	vge.f32 v13, v19  }
0x17e: {  	[tilespmem:$0x12EA0] =	vst v40;
	v17 =	vadd.s32 v60, v17;
	v62 =	vsel vm10, $0x1, v1  }
0x17f: {  	v54 =	vmul.f32 v9, v41;
	[tilespmem:$0x12EE0] =	vst v55;
	v61 =	vmul.f32 v9, v49;
	v63 =	vadd.s32 v62, v17  }
0x180: {  	[tilespmem:$0x12FC0] =	vst v44;
	v14 =	vadd.f32 v16, v49;
	v24 =	vshll.u32 v63, $0x4  }
0x181: {  	v56 =	vadd.f32 $1.300000030e-02, v54;
	[tilespmem:$0x12EC0] =	vst v52;
	v23 =	vadd.f32 $1.400000040e-02, v61;
	v25 =	vadd.s32 v3, v24  }
0x182: {  	[tilespmem:$0x12ED0] =	vst v53;
	v14 =	vmul.f32 v9, v14;
	v26 =	vor.u32 v2, v24;
	vm11 =	vgt.s32 v25, v2  }
0x183: {  	[tilespmem:$0x12FD0] =	vst v56;
	v27 =	vadd.s32 v4, v24;
	v7 =	vsel vm11, v25, v2  }
0x184: {  	[tilespmem:$0x12FE0] =	vst v23;
	v14 =	vadd.f32 $1.499999970e-02, v14;
	v10 =	vmin.u32 v27, v5  }
0x185: {  	[tilespmem:$0x12EF0] =	vst v19  }
0x186: {  	[tilespmem:$0x12FF0] =	vst v14  }
0x187: {  	v12 =	vld.idx.msk [tilespmem:v26+s25+$0x0], $0xffff  }
0x188: {  	v14 =	vld.idx.msk [tilespmem:v7+s25+$0x0], $0xffff  }
0x189: {  	v28 =	vld.idx.msk [tilespmem:v10+s25+$0x0], $0xffff;
	_ =	sdelay $0x2  }
0x18a: {  	v12 =	vmul.f32 v12, v22  }
0x18b: {  	v14 =	vmul.f32 v14, v22  }
0x18c: {  	v16 =	vmul.f32 v28, v22;
	v12 =	vadd.f32 $1.000000050e-03, v12  }
0x18d: {  	v14 =	vadd.f32 $1.000000050e-03, v14  }
0x18e: {  	v15 =	vsub.f32 $0.0e+00, v15;
	v16 =	vadd.f32 $1.000000050e-03, v16;
	(erf) = vrcp.f32 v12  }
0x18f: {  	(erf) = vrcp.f32 v14;
	v29 =	vadd.f32 v14, v12  }
0x190: {  	v15 =	vmul.f32 $1.442695020e+00, v15;
	(erf) = vrcp.f32 v16  }
0x191: {  	(erf) = vrcp.f32 v29  }
0x192: {  	(erf) = vpow2.f32 v15;
	_ =	sdelay $0x4  }
0x193: {  	v30 =	vpop (erf)  }
0x194: {  	v31 =	vpop (erf)  }
0x195: {  	v32 =	vpop (erf)  }
0x196: {  	v33 =	vpop (erf)  }
0x197: {  	v34 =	vpop (erf)  }
0x198: {  	v11 =	vsub.f32 $0.0e+00, v11;
	v21 =	vadd.f32 $1.000000000e+00, v34  }
0x199: {  	v35 =	vadd.f32 v16, v12  }
0x19a: {  	v11 =	vmul.f32 $1.442695020e+00, v11;
	(erf) = vrcp.f32 v21  }
0x19b: {  	(erf) = vrcp.f32 v35  }
0x19c: {  	(erf) = vpow2.f32 v11;
	_ =	sdelay $0x1  }
0x19d: {  	v7 =	vld.idx.msk [tilespmem:v7+s11+$0x0], $0xffff  }
0x19e: {  	v36 =	vld.idx.msk [tilespmem:v26+s11+$0x0], $0xffff  }
0x19f: {  	v10 =	vld.idx.msk [tilespmem:v10+s11+$0x0], $0xffff;
	_ =	sdelay $0x2  }
0x1a0: {  	v7 =	vmul.f32 v7, v9;
	v21 =	vpop (erf)  }
0x1a1: {  	v11 =	vmul.f32 v36, v9;
	v22 =	vpop (erf)  }
0x1a2: {  	v7 =	vadd.f32 $1.000000050e-03, v7;
	v9 =	vmul.f32 v10, v9;
	v38 =	vpop (erf)  }
0x1a3: {  	v37 =	vadd.f32 $1.000000050e-03, v11;
	v11 =	vadd.f32 $1.000000000e+00, v38  }
0x1a4: {  	v7 =	vmul.f32 v7, v31;
	v9 =	vadd.f32 $1.000000050e-03, v9  }
0x1a5: {  	v10 =	vmul.f32 v37, v30;
	(erf) = vrcp.f32 v11  }
0x1a6: {  	v9 =	vmul.f32 v9, v32  }
0x1a7: {  	v39 =	vmul.f32 v7, v12;
	v14 =	vmul.f32 v10, v14  }
0x1a8: {  	v40 =	vmul.f32 v10, v16;
	v12 =	vmul.f32 v9, v12;
	_ =	sdelay $0x1  }
0x1a9: {  	v12 =	vadd.f32 v12, v40;
	v11 =	vadd.f32 v39, v14;
	_ =	sdelay $0x1  }
0x1aa: {  	v12 =	vmul.f32 $5.000000000e-01, v12;
	v11 =	vmul.f32 $5.000000000e-01, v11  }
0x1ab: {  	v43 =	vmul.f32 $3.000000000e+00, v21  }
0x1ac: {  	v41 =	vmul.f32 v12, v22;
	v11 =	vmul.f32 v11, v33;
	v42 =	vpop (erf)  }
0x1ad: {  	v7 =	vmin.f32 v7, v10;
	v9 =	vmin.f32 v10, v9;
	v12 =	vmul.f32 $3.000000000e+00, v42  }
0x1ae: {  	v44 =	vmul.f32 v10, v43;
	v9 =	vmin.f32 v9, v41;
	v7 =	vmin.f32 v7, v11  }
0x1af: {  	v9 =	vadd.f32 v9, v9;
	v7 =	vadd.f32 v7, v7;
	v12 =	vmul.f32 v10, v12  }
0x1b0: {  	vm12 =	veq.s32 v63, $0x0;
	vm13 =	vgt.u32 v63, $0xE  }
0x1b1: {  	v7 =	vsel vm12, v44, v7;
	v8 =	vsel vm13, v12, v9  }
0x1b2: {  	v45 =	vadd.f32 v10, v10;
	v9 =	vadd.f32 v8, v7;
	_ =	sdelay $0x1  }
0x1b3: {  	v46 =	vadd.f32 v7, v7;
	v10 =	vmul.f32 $3.000000000e+00, v10;
	v9 =	vsub.f32 v9, v45  }
0x1b4: {  	v47 =	vld.idx.msk [tilespmem:v26+s12+$0x0], $0xffff  }
0x1b5: {  	v10 =	vsub.f32 v10, v46;
	v9 =	vmul.f32 v9, v30;
	_ =	sdelay $0x1  }
0x1b6: {  	v8 =	vsub.f32 v10, v8;
	v9 =	vmul.f32 v9, v30;
	_ =	sdelay $0x1  }
0x1b7: {  	v48 =	vsub.f32 v13, v47;
	v8 =	vmul.f32 v8, v30;
	v49 =	vmul.f32 $3.000000000e+00, v9;
	_ =	sdelay $0x1  }
0x1b8: {  	v50 =	vadd.f32 v8, v8;
	v11 =	vmul.f32 v49, v48;
	_ =	sdelay $0x1  }
0x1b9: {  	v11 =	vadd.f32 v11, v50;
	_ =	sdelay $0x1  }
0x1ba: {  	v11 =	vmul.f32 v11, v48;
	_ =	sdelay $0x1  }
0x1bb: {  	v11 =	vadd.f32 v11, v7;
	_ =	sdelay $0x1  }
0x1bc: {  	v11 =	vand.u32 $0x7FFFFFFF, v11  }
0x1bd: {  	v51 =	vand.u32 $0x7FFFFF, v11  }
0x1be: {  	v12 =	vor.u32 $0x3F000000, v51  }
0x1bf: {  	vm14 =	vlt.f32 v12, $7.071067690e-01  }
0x1c0: {  	v52 =	vnsel vm14, $0x80000000, v12  }
0x1c1: {  	v12 =	vadd.f32 v12, v52;
	_ =	sdelay $0x1  }
0x1c2: {  	v12 =	vadd.f32 $-1.000000000e+00, v12;
	_ =	sdelay $0x1  }
0x1c3: {  	v53 =	vmul.f32 $1.666666720e-01, v12  }
0x1c4: {  	v9 =	vmul.f32 v9, v48  }
0x1c5: {  	v54 =	vmul.f32 v12, v12;
	v13 =	vsub.f32 $2.000000030e-01, v53  }
0x1c6: {  	v8 =	vadd.f32 v9, v8  }
0x1c7: {  	v55 =	vmul.f32 v13, v54  }
0x1c8: {  	v8 =	vmul.f32 v8, v48  }
0x1c9: {  	v56 =	vld.idx.msk [tilespmem:v26+s13+$0x0], $0xffff;
	v9 =	vadd.f32 $-2.500000000e-01, v55  }
0x1ca: {  	v7 =	vadd.f32 v8, v7  }
0x1cb: {  	v57 =	vmul.f32 v9, v12  }
0x1cc: {  	v7 =	vmul.f32 v7, v48  }
0x1cd: {  	v58 =	vmul.f32 v54, v12;
	v8 =	vadd.f32 $3.333333430e-01, v57  }
0x1ce: {  	v59 =	vshrl.u32 v11, $0x17;
	v7 =	vadd.f32 v7, v56;
	v60 =	vsel vm14, $0xFFFFFFFF, v1  }
0x1cf: {  	v10 =	vadd.s32 v60, v59;
	v61 =	vmul.f32 $5.000000000e-01, v54;
	v8 =	vmul.f32 v8, v58  }
0x1d0: {  	v7 =	vmax.f32 v7, $0.0e+00;
	v10 =	vadd.s32 $0xFFFFFF82, v10  }
0x1d1: {  	v7 =	vmin.f32 v7, $1.000000000e+00;
	v62 =	vcvt.s32.f32 v10;
	v8 =	vsub.f32 v8, v61  }
0x1d2: {  	v7 =	vmul.f32 $6.000000000e+00, v7  }
0x1d3: {  	p1 =	sne.s32 s15, $0xF80;
	v9 =	vmul.f32 $6.931471820e-01, v62;
	v8 =	vadd.f32 v8, v12  }
.Ltmp0:
0x1d4: {  	v63 =	vand.u32 $0x7FFFFFFF, v6;
	v7 =	vadd.f32 $-3.000000000e+00, v7;
	(pc) =	sbr.rel @p1 .LBB2_3-.Ltmp0, $4  }
0x1d5: {  	vm15 =	vle.f32 v63, $3.000000000e+00;
	v8 =	vadd.f32 v8, v9  }
0x1d6: {  	v6 =	vsel vm15, v7, v6  }
0x1d7: {  	s8 =	sadd.s32 $0x1, s8;
	s1 =	sadd.s32 $0x2, s1;
	[tilespmem:s17+$0x11810] =	vst v6;
	v6 =	vnsel vm15, $0x0, v8  }
0x1d8: {  	s15 =	sadd.s32 $0x80, s15;
	s31 =	sadd.s32 $0x20, s31;
	s14 =	sadd.s32 $0x100, s14;
	[tilespmem:s17+$0x11C10] =	vst v6  }
0x1d9: {  	s0 =	sshrl.u32 s30, $0x3  }
0x1da: {  	s4 =	simm.s32 $0x11800;
	s1 =	sadd.s32 s10, s0  }
0x1db: {  	[hbm4b:s1+s9] =	stream.linear.scatter [tilespmem:s4], [sflag:$0x3], $0x400, $0x38;
	[tilespmem:$0x13000] =	vst v63  }
0x1dc: {  	s19 =	simm.s32 $0x11C00;
	s0 =	sadd.s32 s2, s0  }
0x1dd: {  	[hbm4b:s0+s9] =	stream.linear.scatter [tilespmem:s19], [sflag:$0x3], $0x400, $0x38;
	[tilespmem:$0x13000] =	vst v63  }
0x1de: {  	p1 =	seq.s32 s26, $0xF;
	s0 =	rddreg [dreg:$0x10]  }
0x1df: {  	s0 =	sadd.s32 @!p1 s29, s0  }
0x1e0: {  	s30 =	smov.u32 s10;
	s10 =	smov.u32 s2;
	s1 =	sshrl.u32 @!p1 s0, $0x3  }
0x1e1: {  	s5 =	simm.s32 @!p1 $0x0;
	s2 =	rddreg [dreg:$0x1];
	s4 =	sadd.s32 @!p1 s18, s1  }
0x1e2: {  	[tilespmem:s5], [sflag:$0x1] =	stream.linear.gather @!p1 [hbm4b:s4+s5], $0x400, $0x38;
	[tilespmem:$0x13000] =	vst v63  }
0x1e3: {  	s6 =	simm.s32 @!p1 $0x400;
	s4 =	sadd.s32 @!p1 s2, s0  }
0x1e4: {  	[tilespmem:s6], [sflag:$0x1] =	stream.linear.gather @!p1 [hbm4b:s4+s5], $0x2000, $0x38;
	[tilespmem:$0x13000] =	vst v63  }
0x1e5: {  	s4 =	sadd.s32 @!p1 $0x100000, s0  }
0x1e6: {  	s7 =	simm.s32 @!p1 $0x2400;
	s6 =	sadd.s32 @!p1 s2, s4  }
0x1e7: {  	[tilespmem:s7], [sflag:$0x1] =	stream.linear.gather @!p1 [hbm4b:s6+s5], $0x2000, $0x38;
	[tilespmem:$0x13000] =	vst v63  }
0x1e8: {  	s0 =	sadd.s32 @!p1 s3, s0;
	s6 =	simm.s32 @!p1 $0x4400  }
0x1e9: {  	[tilespmem:s6], [sflag:$0x1] =	stream.linear.gather @!p1 [hbm4b:s0+s5], $0x2000, $0x38;
	[tilespmem:$0x13000] =	vst v63  }
0x1ea: {  	s0 =	sadd.s32 @!p1 s3, s4;
	s4 =	simm.s32 @!p1 $0x6400  }
0x1eb: {  	[tilespmem:s4], [sflag:$0x1] =	stream.linear.gather @!p1 [hbm4b:s0+s5], $0x2000, $0x38;
	[tilespmem:$0x13000] =	vst v63  }
0x1ec: {  	s0 =	rddreg [dreg:$0x3]  }
0x1ed: {  	s4 =	simm.s32 @!p1 $0x8400;
	s0 =	sadd.s32 @!p1 s0, s1  }
0x1ee: {  	[tilespmem:s4], [sflag:$0x1] =	stream.linear.gather @!p1 [hbm4b:s0+s5], $0x400, $0x38;
	[tilespmem:$0x13000] =	vst v63  }
0x1ef: {  	s0 =	rddreg [dreg:$0x4]  }
0x1f0: {  	s0 =	sadd.s32 @!p1 s0, s1;
	s1 =	simm.s32 @!p1 $0x8800  }
0x1f1: {  	[tilespmem:s1], [sflag:$0x1] =	stream.linear.gather @!p1 [hbm4b:s0+s5], $0x400, $0x38;
	[tilespmem:$0x13000] =	vst v63  }
0x1f2: {  	_ =	swait.ge [sflag:s16], $0x400  }
0x1f3: {  	[sflag:s16] =	ssyncset.done $0x0  }
0x1f4: {  	[sflag:s16] =	ssyncadd.s32 $0xFFFFFC00  }
0x1f5: {  	_ =	swait.ge [sflag:s16], $0x2000  }
0x1f6: {  	[sflag:s16] =	ssyncset.done $0x0  }
0x1f7: {  	[sflag:s16] =	ssyncadd.s32 $0xFFFFE000  }
0x1f8: {  	_ =	swait.ge [sflag:s16], $0x2000  }
0x1f9: {  	[sflag:s16] =	ssyncset.done $0x0  }
0x1fa: {  	[sflag:s16] =	ssyncadd.s32 $0xFFFFE000  }
0x1fb: {  	_ =	swait.ge [sflag:s16], $0x2000  }
0x1fc: {  	[sflag:s16] =	ssyncset.done $0x0  }
0x1fd: {  	[sflag:s16] =	ssyncadd.s32 $0xFFFFE000  }
0x1fe: {  	_ =	swait.ge [sflag:s16], $0x2000  }
0x1ff: {  	[sflag:s16] =	ssyncset.done $0x0  }
0x200: {  	[sflag:s16] =	ssyncadd.s32 $0xFFFFE000  }
0x201: {  	_ =	swait.ge [sflag:s16], $0x400  }
0x202: {  	[sflag:s16] =	ssyncset.done $0x0  }
0x203: {  	[sflag:s16] =	ssyncadd.s32 $0xFFFFFC00  }
0x204: {  	_ =	swait.ge [sflag:s16], $0x400  }
0x205: {  	[sflag:s16] =	ssyncset.done $0x0  }
0x206: {  	s0 =	simm.s32 @!p0 $0x4;
	[sflag:s16] =	ssyncadd.s32 $0xFFFFFC00  }
0x207: {  	_ =	swait.ge @!p0 [sflag:s0], $0x400  }
0x208: {  	[sflag:s0] =	ssyncset.done @!p0 $0x0  }
0x209: {  	[sflag:s0] =	ssyncadd.s32 @!p0 $0xFFFFFC00  }
0x20a: {  	s31 =	smov.u32 s18;
	s8 =	simm.s32 $0x0;
	_ =	swait.ge @!p0 [sflag:s0], $0x400  }
0x20b: {  	s14 =	simm.s32 $0x0;
	s15 =	simm.s32 $0x0;
	[sflag:s0] =	ssyncset.done @!p0 $0x0  }
0x20c: {  	s29 =	simm.s32 $0x0;
	s1 =	simm.s32 $0x0;
	[sflag:s0] =	ssyncadd.s32 @!p0 $0xFFFFFC00  }
.LBB2_5:
0x20d: {  	s0 =	sand.u32 $0x60, s29;
	s19 =	sand.u32 $0x1C00, s14  }
0x20e: {  	s17 =	sor.u32 s0, s19  }
0x20f: {  	v6 =	vld [tilespmem:s17+$0x9000]  }
0x210: {  	v7 =	vld [tilespmem:s17+$0x9080]  }
0x211: {  	v8 =	vld [tilespmem:s17+$0x9100]  }
0x212: {  	s5 =	sand.u32 $0x3, s8;
	v9 =	vld [tilespmem:s17+$0x9180]  }
0x213: {  	s4 =	sor.u32 s29, s14;
	s0 =	sshll.u32 s5, $0x5;
	v10 =	vld [tilespmem:s17+$0x9200]  }
0x214: {  	s6 =	sor.u32 $0x380, s4;
	s0 =	sadd.s32 s0, s14;
	v11 =	vld [tilespmem:s17+$0x9280]  }
0x215: {  	v13 =	vld [tilespmem:s6+$0x9000];
	s5 =	sor.u32 $0x300, s0;
	v6 =	vmul.f32 $1.442695020e+00, v6  }
0x216: {  	v12 =	vld [tilespmem:s5+$0x9000];
	v7 =	vmul.f32 $1.442695020e+00, v7  }
0x217: {  	v24 =	vld [tilespmem:s17+$0xB000];
	(erf) = vpow2.f32 v6;
	v6 =	vmul.f32 $1.442695020e+00, v8  }
0x218: {  	v25 =	vld [tilespmem:s17+$0xB080];
	(erf) = vpow2.f32 v7;
	v7 =	vmul.f32 $1.442695020e+00, v9  }
0x219: {  	v26 =	vld [tilespmem:s17+$0xB100];
	(erf) = vpow2.f32 v6;
	v6 =	vmul.f32 $1.442695020e+00, v10  }
0x21a: {  	v27 =	vld [tilespmem:s17+$0xB180];
	(erf) = vpow2.f32 v7;
	v7 =	vmul.f32 $1.442695020e+00, v11  }
0x21b: {  	v28 =	vld [tilespmem:s17+$0xB200];
	(erf) = vpow2.f32 v6;
	v6 =	vmul.f32 $1.442695020e+00, v12  }
0x21c: {  	s4 =	sor.u32 $0x2380, s4;
	v29 =	vld [tilespmem:s17+$0xB280];
	(erf) = vpow2.f32 v7;
	v7 =	vmul.f32 $1.442695020e+00, v13  }
0x21d: {  	v37 =	vld [tilespmem:s4+$0x9000];
	s0 =	sor.u32 $0x2300, s0;
	(erf) = vpow2.f32 v6;
	v6 =	vmul.f32 $1.442695020e+00, v24  }
0x21e: {  	v36 =	vld [tilespmem:s0+$0x9000];
	(erf) = vpow2.f32 v7;
	v7 =	vmul.f32 $1.442695020e+00, v25  }
0x21f: {  	v38 =	vld [tilespmem:s17+$0xD000];
	(erf) = vpow2.f32 v6;
	v6 =	vmul.f32 $1.442695020e+00, v26  }
0x220: {  	v39 =	vld [tilespmem:s17+$0xD080];
	v34 =	vpop (erf);
	(erf) = vpow2.f32 v7;
	v7 =	vmul.f32 $1.442695020e+00, v27  }
0x221: {  	v40 =	vld [tilespmem:s17+$0xD100];
	v33 =	vpop (erf);
	(erf) = vpow2.f32 v6;
	v6 =	vmul.f32 $1.442695020e+00, v28  }
0x222: {  	v41 =	vld [tilespmem:s17+$0xD180];
	v32 =	vpop (erf);
	(erf) = vpow2.f32 v7;
	v7 =	vmul.f32 $1.442695020e+00, v29  }
0x223: {  	v42 =	vld [tilespmem:s17+$0xD200];
	v30 =	vpop (erf);
	(erf) = vpow2.f32 v6;
	v6 =	vmul.f32 $1.442695020e+00, v36  }
0x224: {  	v43 =	vld [tilespmem:s17+$0xD280];
	v28 =	vpop (erf);
	(erf) = vpow2.f32 v7;
	v7 =	vmul.f32 $1.442695020e+00, v37  }
0x225: {  	v15 =	vld [tilespmem:s6+$0xD000];
	v27 =	vpop (erf);
	(erf) = vpow2.f32 v6;
	v6 =	vmul.f32 $1.442695020e+00, v38  }
0x226: {  	v44 =	vld [tilespmem:s5+$0xD000];
	v25 =	vpop (erf);
	(erf) = vpow2.f32 v7;
	v7 =	vmul.f32 $1.442695020e+00, v39  }
0x227: {  	v18 =	vld [tilespmem:s17+$0xF180];
	v23 =	vpop (erf);
	(erf) = vpow2.f32 v6;
	v6 =	vmul.f32 $1.442695020e+00, v40  }
0x228: {  	v48 =	vld [tilespmem:s17+$0xF280];
	v21 =	vpop (erf);
	(erf) = vpow2.f32 v7;
	v7 =	vmul.f32 $1.442695020e+00, v41  }
0x229: {  	v45 =	vld [tilespmem:s17+$0xF000];
	v20 =	vpop (erf);
	(erf) = vpow2.f32 v6;
	v6 =	vmul.f32 $1.442695020e+00, v42  }
0x22a: {  	v46 =	vld [tilespmem:s17+$0xF080];
	v17 =	vpop (erf);
	(erf) = vpow2.f32 v7;
	v7 =	vmul.f32 $1.442695020e+00, v43  }
0x22b: {  	v16 =	vld [tilespmem:s17+$0xF100];
	v14 =	vpop (erf);
	(erf) = vpow2.f32 v6;
	v6 =	vmul.f32 $1.442695020e+00, v44  }
0x22c: {  	v19 =	vld [tilespmem:s4+$0xD000];
	v11 =	vpop (erf);
	(erf) = vpow2.f32 v7;
	v7 =	vmul.f32 $1.442695020e+00, v15  }
0x22d: {  	v47 =	vld [tilespmem:s17+$0xF200];
	v50 =	vmul.f32 $1.442695020e+00, v18;
	v51 =	vmul.f32 $1.442695020e+00, v48  }
0x22e: {  	v9 =	vpop (erf);
	(erf) = vpow2.f32 v6;
	v6 =	vmul.f32 $1.442695020e+00, v45  }
0x22f: {  	v49 =	vld [tilespmem:s0+$0xD000];
	v13 =	vmul.f32 $1.442695020e+00, v46;
	v8 =	vpop (erf);
	(erf) = vpow2.f32 v7  }
0x230: {  	v7 =	vpop (erf);
	(erf) = vpow2.f32 v6;
	v6 =	vmul.f32 $1.442695020e+00, v16  }
0x231: {  	v52 =	vmul.f32 $1.442695020e+00, v19;
	v36 =	vpop (erf);
	(erf) = vpow2.f32 v13  }
0x232: {  	v53 =	vadd.f32 v27, v28;
	v37 =	vpop (erf);
	(erf) = vpow2.f32 v6;
	v6 =	vmul.f32 $1.442695020e+00, v47  }
0x233: {  	v54 =	vadd.f32 v23, v25;
	v43 =	vadd.f32 v33, v34;
	v38 =	vpop (erf);
	(erf) = vpow2.f32 v50  }
0x234: {  	v55 =	vadd.f32 v20, v21;
	v39 =	vpop (erf);
	(erf) = vpow2.f32 v6;
	v6 =	vmul.f32 $1.442695020e+00, v49  }
0x235: {  	v56 =	vadd.f32 v14, v17;
	v57 =	vadd.f32 v9, v11;
	v40 =	vpop (erf);
	(erf) = vpow2.f32 v51  }
0x236: {  	v58 =	vadd.f32 v7, v8;
	v41 =	vpop (erf);
	(erf) = vpow2.f32 v6;
	v6 =	vadd.f32 v30, v32  }
0x237: {  	v10 =	vadd.f32 v54, v53;
	v59 =	vadd.f32 v56, v55  }
0x238: {  	v60 =	vadd.f32 v58, v57;
	v42 =	vpop (erf);
	(erf) = vpow2.f32 v52;
	v6 =	vadd.f32 v6, v43  }
0x239: {  	v35 =	vpop (erf)  }
0x23a: {  	v63 =	vadd.f32 v60, v59;
	v31 =	vpop (erf);
	v6 =	vadd.f32 v10, v6  }
0x23b: {  	s17 =	sshra.s32 s15, $0x2;
	v29 =	vpop (erf)  }
0x23c: {  	v12 =	vld [tilespmem:s17+$0x11400];
	v26 =	vpop (erf);
	v6 =	vadd.f32 v63, v6  }
0x23d: {  	v15 =	vld [tilespmem:s17+$0x11000];
	v24 =	vpop (erf)  }
0x23e: {  	v44 =	vadd.f32 v37, v36;
	v22 =	vpop (erf);
	(erf) = vrcp.f32 v6;
	v6 =	vld [tilespmem:s17+$0x8C00];
	[tilespmem:$0x12800] =	vst v34  }
0x23f: {  	v50 =	vadd.f32 v32, v43;
	v61 =	vadd.f32 v39, v38;
	v19 =	vpop (erf);
	[tilespmem:$0x12900] =	vst v36  }
0x240: {  	v45 =	vadd.f32 v41, v40;
	v46 =	vadd.f32 v35, v42;
	[tilespmem:$0x12A00] =	vst v0;
	v16 =	vpop (erf)  }
0x241: {  	v47 =	vadd.f32 v29, v31;
	v48 =	vadd.f32 v24, v26;
	[tilespmem:$0x12B00] =	vst v0;
	v13 =	vpop (erf)  }
0x242: {  	[tilespmem:$0x12810] =	vst v33;
	v49 =	vadd.f32 v19, v22;
	v62 =	vadd.f32 v13, v16  }
0x243: {  	v18 =	vadd.f32 v61, v44;
	v45 =	vadd.f32 v46, v45;
	[tilespmem:$0x12910] =	vst v37  }
0x244: {  	[tilespmem:$0x12820] =	vst v32;
	v47 =	vadd.f32 v48, v47;
	v46 =	vadd.f32 v62, v49  }
0x245: {  	v53 =	vadd.f32 v30, v50;
	[tilespmem:$0x12920] =	vst v38  }
0x246: {  	v18 =	vadd.f32 v45, v18;
	[tilespmem:$0x12830] =	vst v30;
	v45 =	vadd.f32 v46, v47  }
0x247: {  	v52 =	vadd.f32 v38, v44;
	[tilespmem:$0x12930] =	vst v39  }
0x248: {  	v55 =	vadd.f32 v28, v53;
	[tilespmem:$0x12840] =	vst v28;
	v46 =	vadd.f32 v45, v18  }
0x249: {  	v54 =	vadd.f32 v39, v52;
	[tilespmem:$0x12940] =	vst v40  }
0x24a: {  	v57 =	vadd.f32 v27, v55;
	[tilespmem:$0x12850] =	vst v27;
	(erf) = vrcp.f32 v46  }
0x24b: {  	v56 =	vadd.f32 v40, v54;
	[tilespmem:$0x12950] =	vst v41  }
0x24c: {  	v59 =	vadd.f32 v25, v57;
	[tilespmem:$0x12860] =	vst v25  }
0x24d: {  	v58 =	vadd.f32 v41, v56;
	[tilespmem:$0x12960] =	vst v42  }
0x24e: {  	v61 =	vadd.f32 v23, v59;
	[tilespmem:$0x12870] =	vst v23;
	v47 =	vpop (erf)  }
0x24f: {  	[tilespmem:$0x12970] =	vst v35;
	v60 =	vadd.f32 v42, v58;
	v18 =	vmul.f32 $9.840000270e-01, v47  }
0x250: {  	[tilespmem:$0x12880] =	vst v21;
	v63 =	vadd.f32 v21, v61  }
0x251: {  	[tilespmem:$0x12980] =	vst v31;
	v62 =	vadd.f32 v35, v60;
	v34 =	vmul.f32 v18, v34;
	v51 =	vmul.f32 v18, v43  }
0x252: {  	[tilespmem:$0x12890] =	vst v20;
	v33 =	vmul.f32 v18, v53;
	v38 =	vmul.f32 v18, v55;
	v53 =	vadd.f32 v20, v63  }
0x253: {  	[tilespmem:$0x12990] =	vst v29;
	v39 =	vmul.f32 v18, v59;
	v59 =	vmul.f32 v18, v61;
	v34 =	vadd.f32 $1.000000050e-03, v34;
	v48 =	vpop (erf)  }
0x254: {  	v37 =	vadd.f32 $2.000000090e-03, v51;
	v33 =	vadd.f32 $4.000000190e-03, v33;
	v10 =	vmul.f32 $9.840000270e-01, v48  }
0x255: {  	[tilespmem:$0x128A0] =	vst v17;
	v40 =	vmul.f32 v18, v63;
	v38 =	vadd.f32 $4.999999890e-03, v38;
	v39 =	vadd.f32 $7.000000220e-03, v39  }
0x256: {  	[tilespmem:$0x129A0] =	vst v26;
	v23 =	vadd.f32 $8.000000380e-03, v59;
	v36 =	vmul.f32 v10, v36;
	v44 =	vmul.f32 v10, v44  }
0x257: {  	[tilespmem:$0x128B0] =	vst v14;
	v40 =	vadd.f32 $8.999999610e-03, v40;
	v43 =	vmul.f32 v10, v52;
	v32 =	vmul.f32 v10, v54  }
0x258: {  	[tilespmem:$0x129B0] =	vst v24;
	v52 =	vadd.f32 v31, v62;
	v45 =	vmul.f32 v10, v56;
	v54 =	vadd.f32 v17, v53  }
0x259: {  	[tilespmem:$0x128C0] =	vst v11;
	v30 =	vmul.f32 v10, v58;
	v49 =	vadd.f32 $1.000000050e-03, v36;
	v44 =	vadd.f32 $2.000000090e-03, v44  }
0x25a: {  	[tilespmem:$0x129C0] =	vst v22;
	v46 =	vmul.f32 v10, v60;
	v43 =	vadd.f32 $3.000000030e-03, v43;
	v32 =	vadd.f32 $4.000000190e-03, v32  }
0x25b: {  	[tilespmem:$0x128D0] =	vst v9;
	v28 =	vmul.f32 v10, v62;
	v27 =	vadd.f32 v29, v52;
	v45 =	vadd.f32 $4.999999890e-03, v45  }
0x25c: {  	[tilespmem:$0x128E0] =	vst v8;
	v36 =	vmul.f32 v18, v50;
	v55 =	vadd.f32 v14, v54;
	v30 =	vadd.f32 $6.000000050e-03, v30  }
0x25d: {  	[tilespmem:$0x128F0] =	vst v7;
	v60 =	vadd.f32 $7.000000220e-03, v46;
	v51 =	vmul.f32 v10, v52;
	v52 =	vmax.f32 v6, $-3.000000000e+00  }
0x25e: {  	v41 =	vmul.f32 v18, v54;
	v28 =	vadd.f32 $8.000000380e-03, v28;
	v54 =	vmin.f32 v52, $3.000000000e+00;
	[tilespmem:$0x12B20] =	vst v44  }
0x25f: {  	v36 =	vadd.f32 $3.000000030e-03, v36;
	[tilespmem:$0x12B40] =	vst v32;
	v44 =	vmul.f32 v18, v57;
	v48 =	vadd.f32 v26, v27  }
0x260: {  	[tilespmem:$0x12B50] =	vst v45;
	v56 =	vadd.f32 v11, v55;
	v32 =	vmul.f32 v18, v53;
	v45 =	vadd.f32 $1.099999990e-02, v41  }
0x261: {  	[tilespmem:$0x129D0] =	vst v19;
	v62 =	vmul.f32 v18, v55;
	v55 =	vadd.f32 $8.999999610e-03, v51;
	v20 =	vadd.f32 $3.000000000e+00, v54  }
0x262: {  	[tilespmem:$0x129E0] =	vst v16;
	v27 =	vmul.f32 v10, v27;
	v44 =	vadd.f32 $6.000000050e-03, v44;
	v25 =	vadd.f32 v24, v48  }
0x263: {  	[tilespmem:$0x129F0] =	vst v13;
	v58 =	vadd.f32 v9, v56;
	v21 =	vadd.f32 $9.999999770e-03, v32;
	v63 =	vmul.f32 v18, v56  }
0x264: {  	[tilespmem:$0x12A10] =	vst v34;
	v50 =	vadd.f32 $1.200000010e-02, v62;
	v56 =	vmul.f32 v10, v48;
	v27 =	vadd.f32 $9.999999770e-03, v27  }
0x265: {  	[tilespmem:$0x12A20] =	vst v37;
	v20 =	vmul.f32 $1.666666720e-01, v20;
	v57 =	vadd.f32 v22, v25;
	v61 =	vadd.f32 v8, v58  }
0x266: {  	[tilespmem:$0x12B60] =	vst v30;
	v30 =	vmul.f32 v18, v58;
	v32 =	vadd.f32 $1.300000030e-02, v63;
	v25 =	vmul.f32 v10, v25  }
0x267: {  	[tilespmem:$0x12A40] =	vst v33;
	v58 =	vadd.f32 $1.099999990e-02, v56;
	vm0 =	vge.f32 v20, v34;
	vm1 =	vge.f32 v20, v37  }
0x268: {  	[tilespmem:$0x12A50] =	vst v38;
	vm14 =	vge.f32 v20, v36;
	vm15 =	vge.f32 v20, v33;
	vm4 =	vge.f32 v20, v38  }
0x269: {  	[tilespmem:$0x12B70] =	vst v60;
	v60 =	vsel vm0, $0x1, v1;
	v53 =	vmul.f32 v18, v61;
	v61 =	vsel vm1, $0x1, v1  }
0x26a: {  	[tilespmem:$0x12A70] =	vst v39;
	vm5 =	vge.f32 v20, v44;
	v62 =	vsel vm14, $0x1, v1;
	v26 =	vadd.s32 v61, v60  }
0x26b: {  	[tilespmem:$0x12A80] =	vst v23;
	vm6 =	vge.f32 v20, v39;
	v33 =	vsel vm15, $0x1, v1;
	v63 =	vadd.s32 v62, v26  }
0x26c: {  	[tilespmem:$0x12A90] =	vst v40;
	vm7 =	vge.f32 v20, v23;
	v34 =	vsel vm4, $0x1, v1;
	v14 =	vadd.s32 v33, v63  }
0x26d: {  	[tilespmem:$0x12A30] =	vst v36;
	vm8 =	vge.f32 v20, v40;
	v36 =	vsel vm5, $0x1, v1;
	v14 =	vadd.s32 v34, v14  }
0x26e: {  	[tilespmem:$0x12B10] =	vst v49;
	vm9 =	vge.f32 v20, v21;
	v37 =	vsel vm6, $0x1, v1;
	v14 =	vadd.s32 v36, v14  }
0x26f: {  	[tilespmem:$0x12B30] =	vst v43;
	vm10 =	vge.f32 v20, v45;
	v39 =	vsel vm7, $0x1, v1;
	v38 =	vadd.s32 v37, v14  }
0x270: {  	[tilespmem:$0x12B80] =	vst v28;
	vm11 =	vge.f32 v20, v50;
	v40 =	vsel vm8, $0x1, v1;
	v11 =	vadd.s32 v39, v38  }
0x271: {  	[tilespmem:$0x12B90] =	vst v55;
	v42 =	vsel vm9, $0x1, v1;
	v43 =	vsel vm10, $0x1, v1;
	v11 =	vadd.s32 v40, v11  }
0x272: {  	[tilespmem:$0x12AB0] =	vst v45;
	v45 =	vsel vm11, $0x1, v1;
	v30 =	vadd.f32 $1.400000040e-02, v30;
	v11 =	vadd.s32 v42, v11  }
0x273: {  	[tilespmem:$0x12A60] =	vst v44;
	vm12 =	vge.f32 v20, v32;
	v29 =	vadd.f32 $1.499999970e-02, v53;
	v44 =	vadd.s32 v43, v11  }
0x274: {  	[tilespmem:$0x12AA0] =	vst v21;
	v46 =	vsel vm12, $0x1, v1;
	vm13 =	vge.f32 v20, v30;
	v9 =	vadd.s32 v45, v44  }
0x275: {  	[tilespmem:$0x12BA0] =	vst v27;
	v47 =	vsel vm13, $0x1, v1;
	vm14 =	vge.f32 v20, v29;
	v9 =	vadd.s32 v46, v9  }
0x276: {  	[tilespmem:$0x12AC0] =	vst v50;
	v35 =	vadd.f32 v19, v57;
	v49 =	vsel vm14, $0x1, v1;
	v9 =	vadd.s32 v47, v9  }
0x277: {  	v57 =	vmul.f32 v10, v57;
	v25 =	vadd.f32 $1.200000010e-02, v25;
	[tilespmem:$0x12BB0] =	vst v58;
	v50 =	vadd.s32 v49, v9  }
0x278: {  	[tilespmem:$0x12AD0] =	vst v32;
	v51 =	vadd.f32 v16, v35;
	v53 =	vshll.u32 v50, $0x4  }
0x279: {  	v59 =	vadd.f32 $1.300000030e-02, v57;
	[tilespmem:$0x12BC0] =	vst v25;
	v48 =	vmul.f32 v10, v35;
	v54 =	vadd.s32 v3, v53  }
0x27a: {  	[tilespmem:$0x12AE0] =	vst v30;
	v9 =	vmul.f32 v10, v51;
	v55 =	vor.u32 v2, v53;
	vm15 =	vgt.s32 v54, v2  }
0x27b: {  	[tilespmem:$0x12BD0] =	vst v59;
	v52 =	vadd.f32 $1.400000040e-02, v48;
	v14 =	vadd.s32 v4, v53;
	v7 =	vsel vm15, v54, v2  }
0x27c: {  	[tilespmem:$0x12AF0] =	vst v29;
	v9 =	vadd.f32 $1.499999970e-02, v9;
	v56 =	vmin.u32 v14, v5  }
0x27d: {  	[tilespmem:$0x12BE0] =	vst v52  }
0x27e: {  	[tilespmem:$0x12BF0] =	vst v9  }
0x27f: {  	v9 =	vld.idx.msk [tilespmem:v55+s21+$0x0], $0xffff  }
0x280: {  	v57 =	vld.idx.msk [tilespmem:v7+s21+$0x0], $0xffff  }
0x281: {  	v58 =	vld.idx.msk [tilespmem:v56+s21+$0x0], $0xffff;
	_ =	sdelay $0x2  }
0x282: {  	v9 =	vmul.f32 v9, v18  }
0x283: {  	v14 =	vmul.f32 v57, v18  }
0x284: {  	v16 =	vmul.f32 v58, v18;
	v9 =	vadd.f32 $1.000000050e-03, v9  }
0x285: {  	v14 =	vadd.f32 $1.000000050e-03, v14  }
0x286: {  	v15 =	vsub.f32 $0.0e+00, v15;
	v16 =	vadd.f32 $1.000000050e-03, v16;
	(erf) = vrcp.f32 v9  }
0x287: {  	(erf) = vrcp.f32 v14;
	v59 =	vadd.f32 v14, v9  }
0x288: {  	v15 =	vmul.f32 $1.442695020e+00, v15;
	(erf) = vrcp.f32 v16  }
0x289: {  	(erf) = vrcp.f32 v59  }
0x28a: {  	(erf) = vpow2.f32 v15;
	_ =	sdelay $0x4  }
0x28b: {  	v60 =	vpop (erf)  }
0x28c: {  	v61 =	vpop (erf)  }
0x28d: {  	v62 =	vpop (erf)  }
0x28e: {  	v63 =	vpop (erf)  }
0x28f: {  	v24 =	vpop (erf)  }
0x290: {  	v12 =	vsub.f32 $0.0e+00, v12;
	v21 =	vadd.f32 $1.000000000e+00, v24  }
0x291: {  	v25 =	vadd.f32 v16, v9  }
0x292: {  	v12 =	vmul.f32 $1.442695020e+00, v12;
	(erf) = vrcp.f32 v21  }
0x293: {  	(erf) = vrcp.f32 v25  }
0x294: {  	(erf) = vpow2.f32 v12;
	_ =	sdelay $0x1  }
0x295: {  	v7 =	vld.idx.msk [tilespmem:v7+s22+$0x0], $0xffff  }
0x296: {  	v26 =	vld.idx.msk [tilespmem:v55+s22+$0x0], $0xffff  }
0x297: {  	v13 =	vld.idx.msk [tilespmem:v56+s22+$0x0], $0xffff;
	_ =	sdelay $0x2  }
0x298: {  	v7 =	vmul.f32 v7, v10;
	v21 =	vpop (erf)  }
0x299: {  	v12 =	vmul.f32 v26, v10;
	v27 =	vpop (erf)  }
0x29a: {  	v7 =	vadd.f32 $1.000000050e-03, v7;
	v10 =	vmul.f32 v13, v10;
	v28 =	vpop (erf)  }
0x29b: {  	v12 =	vadd.f32 $1.000000050e-03, v12;
	v22 =	vadd.f32 $1.000000000e+00, v28  }
0x29c: {  	v7 =	vmul.f32 v7, v61;
	v10 =	vadd.f32 $1.000000050e-03, v10  }
0x29d: {  	v12 =	vmul.f32 v12, v60;
	(erf) = vrcp.f32 v22  }
0x29e: {  	v10 =	vmul.f32 v10, v62  }
0x29f: {  	v17 =	vmul.f32 v7, v9;
	v14 =	vmul.f32 v12, v14  }
0x2a0: {  	v16 =	vmul.f32 v12, v16;
	v9 =	vmul.f32 v10, v9;
	_ =	sdelay $0x1  }
0x2a1: {  	v14 =	vadd.f32 v17, v14;
	v9 =	vadd.f32 v9, v16;
	_ =	sdelay $0x1  }
0x2a2: {  	v14 =	vmul.f32 $5.000000000e-01, v14;
	v9 =	vmul.f32 $5.000000000e-01, v9  }
0x2a3: {  	v30 =	vmul.f32 $3.000000000e+00, v21  }
0x2a4: {  	v14 =	vmul.f32 v14, v63;
	v9 =	vmul.f32 v9, v27;
	v29 =	vpop (erf)  }
0x2a5: {  	v7 =	vmin.f32 v7, v12;
	v10 =	vmin.f32 v12, v10;
	v13 =	vmul.f32 $3.000000000e+00, v29  }
0x2a6: {  	v31 =	vmul.f32 v12, v30;
	v7 =	vmin.f32 v7, v14;
	v9 =	vmin.f32 v10, v9  }
0x2a7: {  	v7 =	vadd.f32 v7, v7;
	v9 =	vadd.f32 v9, v9;
	v13 =	vmul.f32 v12, v13  }
0x2a8: {  	vm4 =	veq.s32 v50, $0x0;
	vm5 =	vgt.u32 v50, $0xE  }
0x2a9: {  	v7 =	vsel vm4, v31, v7;
	v8 =	vsel vm5, v13, v9  }
0x2aa: {  	v32 =	vadd.f32 v12, v12;
	v9 =	vadd.f32 v8, v7;
	_ =	sdelay $0x1  }
0x2ab: {  	v33 =	vmul.f32 $3.000000000e+00, v12;
	v34 =	vadd.f32 v7, v7;
	v9 =	vsub.f32 v9, v32  }
0x2ac: {  	v35 =	vld.idx.msk [tilespmem:v55+s23+$0x0], $0xffff  }
0x2ad: {  	v10 =	vsub.f32 v33, v34;
	v9 =	vmul.f32 v9, v60;
	_ =	sdelay $0x1  }
0x2ae: {  	v8 =	vsub.f32 v10, v8;
	v9 =	vmul.f32 v9, v60;
	_ =	sdelay $0x1  }
0x2af: {  	v36 =	vsub.f32 v20, v35;
	v8 =	vmul.f32 v8, v60;
	v37 =	vmul.f32 $3.000000000e+00, v9;
	_ =	sdelay $0x1  }
0x2b0: {  	v38 =	vadd.f32 v8, v8;
	v12 =	vmul.f32 v37, v36;
	_ =	sdelay $0x1  }
0x2b1: {  	v12 =	vadd.f32 v12, v38;
	_ =	sdelay $0x1  }
0x2b2: {  	v12 =	vmul.f32 v12, v36;
	_ =	sdelay $0x1  }
0x2b3: {  	v12 =	vadd.f32 v12, v7;
	_ =	sdelay $0x1  }
0x2b4: {  	v12 =	vand.u32 $0x7FFFFFFF, v12  }
0x2b5: {  	v39 =	vand.u32 $0x7FFFFF, v12  }
0x2b6: {  	v13 =	vor.u32 $0x3F000000, v39  }
0x2b7: {  	vm6 =	vlt.f32 v13, $7.071067690e-01  }
0x2b8: {  	v40 =	vnsel vm6, $0x80000000, v13  }
0x2b9: {  	v13 =	vadd.f32 v13, v40;
	_ =	sdelay $0x1  }
0x2ba: {  	v13 =	vadd.f32 $-1.000000000e+00, v13;
	_ =	sdelay $0x1  }
0x2bb: {  	v41 =	vmul.f32 $1.666666720e-01, v13  }
0x2bc: {  	v9 =	vmul.f32 v9, v36  }
0x2bd: {  	v42 =	vmul.f32 v13, v13;
	v14 =	vsub.f32 $2.000000030e-01, v41  }
0x2be: {  	v8 =	vadd.f32 v9, v8  }
0x2bf: {  	v43 =	vmul.f32 v14, v42  }
0x2c0: {  	v8 =	vmul.f32 v8, v36  }
0x2c1: {  	v11 =	vld.idx.msk [tilespmem:v55+s24+$0x0], $0xffff;
	v9 =	vadd.f32 $-2.500000000e-01, v43  }
0x2c2: {  	v7 =	vadd.f32 v8, v7  }
0x2c3: {  	v44 =	vmul.f32 v9, v13  }
0x2c4: {  	v7 =	vmul.f32 v7, v36  }
0x2c5: {  	v45 =	vmul.f32 v42, v13;
	v8 =	vadd.f32 $3.333333430e-01, v44  }
0x2c6: {  	v46 =	vshrl.u32 v12, $0x17;
	v7 =	vadd.f32 v7, v11;
	v47 =	vsel vm6, $0xFFFFFFFF, v1  }
0x2c7: {  	v10 =	vadd.s32 v47, v46;
	v48 =	vmul.f32 $5.000000000e-01, v42;
	v8 =	vmul.f32 v8, v45  }
0x2c8: {  	v7 =	vmax.f32 v7, $0.0e+00;
	v10 =	vadd.s32 $0xFFFFFF82, v10  }
0x2c9: {  	v7 =	vmin.f32 v7, $1.000000000e+00;
	v49 =	vcvt.s32.f32 v10;
	v8 =	vsub.f32 v8, v48  }
0x2ca: {  	v7 =	vmul.f32 $6.000000000e+00, v7  }
0x2cb: {  	v9 =	vmul.f32 $6.931471820e-01, v49;
	v8 =	vadd.f32 v8, v13  }
0x2cc: {  	v50 =	vand.u32 $0x7FFFFFFF, v6;
	v7 =	vadd.f32 $-3.000000000e+00, v7  }
0x2cd: {  	vm7 =	vle.f32 v50, $3.000000000e+00;
	v8 =	vadd.f32 v8, v9  }
0x2ce: {  	s6 =	sadd.s32 $0x10, s29;
	v6 =	vsel vm7, v7, v6  }
0x2cf: {  	s7 =	sand.u32 $0x70, s6;
	[tilespmem:s17+$0x12000] =	vst v6;
	v6 =	vnsel vm7, $0x0, v8  }
0x2d0: {  	s19 =	sor.u32 s19, s7;
	[tilespmem:s17+$0x12400] =	vst v6  }
0x2d1: {  	v6 =	vld [tilespmem:s19+$0x9000]  }
0x2d2: {  	s18 =	sand.u32 $0x7, s1;
	v7 =	vld [tilespmem:s19+$0x9080]  }
0x2d3: {  	s4 =	sshll.u32 s18, $0x4;
	v51 =	vld [tilespmem:s19+$0x9100]  }
0x2d4: {  	s4 =	sadd.s32 s14, s4;
	v52 =	vld [tilespmem:s19+$0x9180]  }
0x2d5: {  	s4 =	sadd.s32 $0x10, s4;
	v53 =	vld [tilespmem:s19+$0x9200]  }
0x2d6: {  	s2 =	sor.u32 s14, s6;
	s5 =	sor.u32 $0x300, s4;
	v54 =	vld [tilespmem:s19+$0x9280];
	v6 =	vmul.f32 $1.442695020e+00, v6  }
0x2d7: {  	s7 =	sor.u32 $0x380, s2;
	v55 =	vld [tilespmem:s5+$0x9000];
	v7 =	vmul.f32 $1.442695020e+00, v7  }
0x2d8: {  	v56 =	vld [tilespmem:s7+$0x9000];
	(erf) = vpow2.f32 v6;
	v6 =	vmul.f32 $1.442695020e+00, v51  }
0x2d9: {  	v57 =	vld [tilespmem:s19+$0xB000];
	(erf) = vpow2.f32 v7;
	v7 =	vmul.f32 $1.442695020e+00, v52  }
0x2da: {  	v58 =	vld [tilespmem:s19+$0xB080];
	(erf) = vpow2.f32 v6;
	v6 =	vmul.f32 $1.442695020e+00, v53  }
0x2db: {  	v59 =	vld [tilespmem:s19+$0xB100];
	(erf) = vpow2.f32 v7;
	v7 =	vmul.f32 $1.442695020e+00, v54  }
0x2dc: {  	v60 =	vld [tilespmem:s19+$0xB180];
	(erf) = vpow2.f32 v6;
	v6 =	vmul.f32 $1.442695020e+00, v55  }
0x2dd: {  	v61 =	vld [tilespmem:s19+$0xB200];
	(erf) = vpow2.f32 v7;
	v7 =	vmul.f32 $1.442695020e+00, v56  }
0x2de: {  	s4 =	sor.u32 $0x2300, s4;
	v62 =	vld [tilespmem:s19+$0xB280];
	(erf) = vpow2.f32 v6;
	v6 =	vmul.f32 $1.442695020e+00, v57  }
0x2df: {  	s18 =	sor.u32 $0x2380, s2;
	v63 =	vld [tilespmem:s4+$0x9000];
	(erf) = vpow2.f32 v7;
	v7 =	vmul.f32 $1.442695020e+00, v58  }
0x2e0: {  	v16 =	vld [tilespmem:s18+$0x9000];
	(erf) = vpow2.f32 v6;
	v6 =	vmul.f32 $1.442695020e+00, v59  }
0x2e1: {  	v17 =	vld [tilespmem:s19+$0xD000];
	v13 =	vpop (erf);
	(erf) = vpow2.f32 v7;
	v7 =	vmul.f32 $1.442695020e+00, v60  }
0x2e2: {  	v18 =	vld [tilespmem:s19+$0xD080];
	v31 =	vpop (erf);
	(erf) = vpow2.f32 v6;
	v6 =	vmul.f32 $1.442695020e+00, v61  }
0x2e3: {  	v19 =	vld [tilespmem:s19+$0xD100];
	v30 =	vpop (erf);
	(erf) = vpow2.f32 v7;
	v7 =	vmul.f32 $1.442695020e+00, v62  }
0x2e4: {  	v33 =	vld [tilespmem:s19+$0xD180];
	v27 =	vpop (erf);
	(erf) = vpow2.f32 v6;
	v6 =	vmul.f32 $1.442695020e+00, v63  }
0x2e5: {  	v34 =	vld [tilespmem:s19+$0xD200];
	v29 =	vpop (erf);
	(erf) = vpow2.f32 v7;
	v7 =	vmul.f32 $1.442695020e+00, v16  }
0x2e6: {  	v35 =	vld [tilespmem:s19+$0xD280];
	v28 =	vpop (erf);
	(erf) = vpow2.f32 v6;
	v6 =	vmul.f32 $1.442695020e+00, v17  }
0x2e7: {  	v36 =	vld [tilespmem:s5+$0xD000];
	v22 =	vpop (erf);
	(erf) = vpow2.f32 v7;
	v7 =	vmul.f32 $1.442695020e+00, v18  }
0x2e8: {  	v37 =	vld [tilespmem:s7+$0xD000];
	v25 =	vpop (erf);
	(erf) = vpow2.f32 v6;
	v6 =	vmul.f32 $1.442695020e+00, v19  }
0x2e9: {  	v24 =	vpop (erf);
	(erf) = vpow2.f32 v7;
	v7 =	vmul.f32 $1.442695020e+00, v33  }
0x2ea: {  	v38 =	vld [tilespmem:s19+$0xF000];
	v21 =	vpop (erf);
	(erf) = vpow2.f32 v6;
	v6 =	vmul.f32 $1.442695020e+00, v34  }
0x2eb: {  	v39 =	vld [tilespmem:s19+$0xF080];
	v19 =	vpop (erf);
	(erf) = vpow2.f32 v7;
	v7 =	vmul.f32 $1.442695020e+00, v35  }
0x2ec: {  	v40 =	vld [tilespmem:s19+$0xF100];
	v17 =	vpop (erf);
	(erf) = vpow2.f32 v6;
	v6 =	vmul.f32 $1.442695020e+00, v36  }
0x2ed: {  	v41 =	vld [tilespmem:s19+$0xF180];
	v14 =	vpop (erf);
	(erf) = vpow2.f32 v7;
	v7 =	vmul.f32 $1.442695020e+00, v37  }
0x2ee: {  	v42 =	vld [tilespmem:s19+$0xF200]  }
0x2ef: {  	v43 =	vld [tilespmem:s19+$0xF280];
	v10 =	vpop (erf);
	(erf) = vpow2.f32 v6;
	v6 =	vmul.f32 $1.442695020e+00, v38  }
0x2f0: {  	v44 =	vld [tilespmem:s4+$0xD000];
	v15 =	vmul.f32 $1.442695020e+00, v39;
	v8 =	vpop (erf);
	(erf) = vpow2.f32 v7  }
0x2f1: {  	v45 =	vld [tilespmem:s18+$0xD000];
	v7 =	vpop (erf);
	(erf) = vpow2.f32 v6;
	v6 =	vmul.f32 $1.442695020e+00, v40  }
0x2f2: {  	v9 =	vmul.f32 $1.442695020e+00, v41;
	v32 =	vpop (erf);
	(erf) = vpow2.f32 v15  }
0x2f3: {  	v33 =	vpop (erf);
	(erf) = vpow2.f32 v6;
	v6 =	vmul.f32 $1.442695020e+00, v42  }
0x2f4: {  	v46 =	vmul.f32 $1.442695020e+00, v43;
	v34 =	vpop (erf);
	(erf) = vpow2.f32 v9  }
0x2f5: {  	v35 =	vpop (erf);
	(erf) = vpow2.f32 v6;
	v6 =	vmul.f32 $1.442695020e+00, v44  }
0x2f6: {  	v47 =	vmul.f32 $1.442695020e+00, v45;
	v36 =	vpop (erf);
	(erf) = vpow2.f32 v46  }
0x2f7: {  	v48 =	vadd.f32 v28, v29;
	v49 =	vadd.f32 v25, v22;
	v37 =	vpop (erf);
	(erf) = vpow2.f32 v6  }
0x2f8: {  	v50 =	vadd.f32 v21, v24;
	v51 =	vadd.f32 v17, v19;
	v38 =	vpop (erf);
	(erf) = vpow2.f32 v47  }
0x2f9: {  	v52 =	vadd.f32 v10, v14;
	v40 =	vadd.f32 v31, v13;
	v39 =	vpop (erf)  }
0x2fa: {  	v53 =	vadd.f32 v7, v8;
	v6 =	vadd.f32 v27, v30;
	v41 =	vpop (erf)  }
0x2fb: {  	v54 =	vadd.f32 v51, v50;
	v9 =	vadd.f32 v49, v48;
	v42 =	vpop (erf)  }
0x2fc: {  	v55 =	vadd.f32 v53, v52;
	v6 =	vadd.f32 v6, v40;
	v26 =	vpop (erf)  }
0x2fd: {  	v56 =	vadd.f32 v33, v32;
	v23 =	vpop (erf)  }
0x2fe: {  	v48 =	vadd.f32 v55, v54;
	v6 =	vadd.f32 v9, v6;
	v20 =	vpop (erf)  }
0x2ff: {  	v57 =	vadd.f32 v35, v34;
	v58 =	vadd.f32 v37, v36;
	v18 =	vpop (erf)  }
0x300: {  	v11 =	vld [tilespmem:s17+$0x11410];
	v59 =	vadd.f32 v39, v38;
	v6 =	vadd.f32 v48, v6;
	v16 =	vpop (erf)  }
0x301: {  	v15 =	vld [tilespmem:s17+$0x11010];
	v60 =	vadd.f32 v42, v41;
	v61 =	vadd.f32 v23, v26;
	v12 =	vpop (erf)  }
0x302: {  	v62 =	vadd.f32 v18, v20;
	(erf) = vrcp.f32 v6;
	v6 =	vld [tilespmem:s17+$0x8C10];
	[tilespmem:$0x12D00] =	vst v32;
	v63 =	vadd.f32 v12, v16  }
0x303: {  	v44 =	vadd.f32 v57, v56;
	v45 =	vadd.f32 v59, v58;
	[tilespmem:$0x12C10] =	vst v31  }
0x304: {  	v47 =	vadd.f32 v61, v60;
	[tilespmem:$0x12D10] =	vst v33;
	v46 =	vadd.f32 v63, v62  }
0x305: {  	v49 =	vadd.f32 v45, v44;
	[tilespmem:$0x12D20] =	vst v34  }
0x306: {  	[tilespmem:$0x12C20] =	vst v30;
	v30 =	vadd.f32 v30, v40;
	v50 =	vadd.f32 v46, v47  }
0x307: {  	[tilespmem:$0x12D30] =	vst v35  }
0x308: {  	[tilespmem:$0x12C30] =	vst v27;
	v27 =	vadd.f32 v27, v30;
	v51 =	vadd.f32 v50, v49  }
0x309: {  	[tilespmem:$0x12D40] =	vst v36  }
0x30a: {  	[tilespmem:$0x12C40] =	vst v29;
	v29 =	vadd.f32 v29, v27;
	(erf) = vrcp.f32 v51  }
0x30b: {  	[tilespmem:$0x12D50] =	vst v37  }
0x30c: {  	[tilespmem:$0x12C50] =	vst v28;
	v28 =	vadd.f32 v28, v29  }
0x30d: {  	[tilespmem:$0x12D60] =	vst v38  }
0x30e: {  	[tilespmem:$0x12C60] =	vst v22;
	v63 =	vadd.f32 v22, v28;
	v52 =	vpop (erf)  }
0x30f: {  	[tilespmem:$0x12C70] =	vst v25;
	v22 =	vmul.f32 $9.840000270e-01, v52  }
0x310: {  	[tilespmem:$0x12D70] =	vst v39;
	v25 =	vadd.f32 v25, v63  }
0x311: {  	v54 =	vadd.f32 v34, v56;
	[tilespmem:$0x12C00] =	vst v13;
	v13 =	vmul.f32 v22, v13  }
0x312: {  	[tilespmem:$0x12C80] =	vst v24;
	v46 =	vadd.f32 v24, v25;
	v48 =	vmul.f32 v22, v40;
	v30 =	vmul.f32 v22, v30  }
0x313: {  	v31 =	vadd.f32 v35, v54;
	[tilespmem:$0x12D80] =	vst v41;
	v27 =	vmul.f32 v22, v27;
	v29 =	vmul.f32 v22, v29;
	v9 =	vpop (erf)  }
0x314: {  	[tilespmem:$0x12C90] =	vst v21;
	v49 =	vadd.f32 $1.000000050e-03, v13;
	v50 =	vadd.f32 v21, v46;
	v9 =	vmul.f32 $9.840000270e-01, v9  }
0x315: {  	[tilespmem:$0x12D90] =	vst v42;
	v25 =	vmul.f32 v22, v25;
	v30 =	vadd.f32 $3.000000030e-03, v30;
	v27 =	vadd.f32 $4.000000190e-03, v27  }
0x316: {  	[tilespmem:$0x12CA0] =	vst v19;
	v29 =	vadd.f32 $4.999999890e-03, v29;
	v58 =	vmul.f32 v9, v31;
	v31 =	vadd.f32 v36, v31  }
0x317: {  	[tilespmem:$0x12DA0] =	vst v26;
	v25 =	vadd.f32 $8.000000380e-03, v25;
	v53 =	vmul.f32 v9, v32;
	v57 =	vmul.f32 v9, v54  }
0x318: {  	[tilespmem:$0x12CB0] =	vst v17;
	v43 =	vmul.f32 v9, v56;
	v60 =	vmul.f32 v9, v31;
	v31 =	vadd.f32 v37, v31  }
0x319: {  	[tilespmem:$0x12DB0] =	vst v23;
	v28 =	vmul.f32 v22, v28;
	v55 =	vadd.f32 $1.000000050e-03, v53;
	v32 =	vadd.f32 $3.000000030e-03, v57  }
0x31a: {  	[tilespmem:$0x12CC0] =	vst v14;
	v56 =	vadd.f32 $2.000000090e-03, v43;
	v61 =	vmul.f32 v9, v31;
	v31 =	vadd.f32 v38, v31  }
0x31b: {  	v34 =	vmul.f32 v22, v46;
	v59 =	vadd.f32 $4.000000190e-03, v58;
	[tilespmem:$0x12F30] =	vst v32;
	v32 =	vadd.f32 $4.999999890e-03, v60  }
0x31c: {  	[tilespmem:$0x12DC0] =	vst v20;
	v53 =	vadd.f32 v19, v50;
	v57 =	vadd.f32 $6.000000050e-03, v28;
	v62 =	vmul.f32 v9, v31  }
0x31d: {  	v43 =	vmax.f32 v6, $-3.000000000e+00;
	[tilespmem:$0x12F50] =	vst v32;
	v32 =	vadd.f32 $6.000000050e-03, v61;
	v31 =	vadd.f32 v39, v31  }
0x31e: {  	[tilespmem:$0x12CD0] =	vst v10;
	v37 =	vadd.f32 $8.999999610e-03, v34;
	v45 =	vmin.f32 v43, $3.000000000e+00;
	v38 =	vadd.f32 $7.000000220e-03, v62  }
0x31f: {  	[tilespmem:$0x12F60] =	vst v32;
	v44 =	vmul.f32 v9, v31;
	v32 =	vadd.f32 $3.000000000e+00, v45;
	v47 =	vadd.f32 v41, v31  }
0x320: {  	[tilespmem:$0x12F10] =	vst v55;
	v55 =	vmul.f32 v22, v63;
	v31 =	vadd.f32 $2.000000090e-03, v48;
	v62 =	vadd.f32 v17, v53  }
0x321: {  	[tilespmem:$0x12DD0] =	vst v18;
	v48 =	vmul.f32 v22, v53;
	v35 =	vadd.f32 $8.000000380e-03, v44;
	v13 =	vmul.f32 $1.666666720e-01, v32  }
0x322: {  	[tilespmem:$0x12E00] =	vst v0;
	v51 =	vadd.f32 v42, v47;
	v24 =	vmul.f32 v9, v47;
	v39 =	vadd.f32 v14, v62  }
0x323: {  	[tilespmem:$0x12F00] =	vst v0;
	vm8 =	vge.f32 v13, v49;
	vm9 =	vge.f32 v13, v31;
	vm10 =	vge.f32 v13, v30  }
0x324: {  	[tilespmem:$0x12E30] =	vst v30;
	v24 =	vadd.f32 $8.999999610e-03, v24;
	vm11 =	vge.f32 v13, v27;
	v58 =	vmul.f32 v9, v51  }
0x325: {  	[tilespmem:$0x12F40] =	vst v59;
	vm12 =	vge.f32 v13, v29;
	v59 =	vadd.f32 v26, v51;
	vm13 =	vge.f32 v13, v57  }
0x326: {  	[tilespmem:$0x12F80] =	vst v35;
	v35 =	vmul.f32 v22, v50;
	vm15 =	vge.f32 v13, v25;
	vm4 =	vge.f32 v13, v37  }
0x327: {  	[tilespmem:$0x12F20] =	vst v56;
	v42 =	vadd.f32 v10, v39;
	v50 =	vadd.f32 $1.099999990e-02, v48;
	v52 =	vsel vm8, $0x1, v1  }
0x328: {  	[tilespmem:$0x12E20] =	vst v31;
	v31 =	vsel vm9, $0x1, v1;
	v54 =	vsel vm10, $0x1, v1;
	v56 =	vsel vm11, $0x1, v1  }
0x329: {  	[tilespmem:$0x12F70] =	vst v38;
	v60 =	vsel vm12, $0x1, v1;
	v61 =	vsel vm13, $0x1, v1;
	v38 =	vsel vm15, $0x1, v1  }
0x32a: {  	v43 =	vsel vm4, $0x1, v1;
	v21 =	vadd.s32 v31, v52;
	[tilespmem:$0x12F90] =	vst v24;
	v24 =	vadd.f32 $7.000000220e-03, v55  }
0x32b: {  	[tilespmem:$0x12E40] =	vst v27;
	v27 =	vadd.f32 $9.999999770e-03, v58;
	v63 =	vmul.f32 v9, v59;
	v30 =	vadd.f32 v23, v59  }
0x32c: {  	[tilespmem:$0x12CE0] =	vst v8;
	v40 =	vadd.f32 $9.999999770e-03, v35;
	v47 =	vadd.f32 v8, v42;
	vm6 =	vge.f32 v13, v50  }
0x32d: {  	[tilespmem:$0x12E60] =	vst v57;
	v51 =	vmul.f32 v22, v42;
	v21 =	vadd.s32 v54, v21;
	v57 =	vsel vm6, $0x1, v1  }
0x32e: {  	v21 =	vadd.s32 v56, v21;
	[tilespmem:$0x12E70] =	vst v24;
	vm14 =	vge.f32 v13, v24;
	v24 =	vadd.f32 $1.099999990e-02, v63  }
0x32f: {  	[tilespmem:$0x12CF0] =	vst v7;
	v41 =	vadd.f32 v20, v30;
	v17 =	vmul.f32 v9, v30;
	vm5 =	vge.f32 v13, v40  }
0x330: {  	[tilespmem:$0x12DE0] =	vst v16;
	v55 =	vadd.f32 $1.400000040e-02, v51;
	v19 =	vadd.s32 v60, v21;
	v21 =	vmul.f32 v22, v62  }
0x331: {  	v36 =	vsel vm14, $0x1, v1;
	v19 =	vadd.s32 v61, v19;
	[tilespmem:$0x12FB0] =	vst v24;
	v24 =	vmul.f32 v22, v39  }
0x332: {  	[tilespmem:$0x12DF0] =	vst v12;
	v46 =	vsel vm5, $0x1, v1;
	v19 =	vadd.s32 v36, v19;
	v52 =	vadd.f32 $1.200000010e-02, v21  }
0x333: {  	[tilespmem:$0x12E10] =	vst v49;
	v44 =	vadd.f32 $1.200000010e-02, v17;
	v19 =	vadd.s32 v38, v19;
	v53 =	vadd.f32 $1.300000030e-02, v24  }
0x334: {  	[tilespmem:$0x12E50] =	vst v29;
	v45 =	vadd.s32 v43, v19;
	v19 =	vmul.f32 v22, v47;
	vm7 =	vge.f32 v13, v52  }
0x335: {  	[tilespmem:$0x12E80] =	vst v25;
	v49 =	vadd.f32 v18, v41;
	v17 =	vadd.s32 v46, v45;
	v58 =	vsel vm7, $0x1, v1  }
0x336: {  	[tilespmem:$0x12E90] =	vst v37;
	vm8 =	vge.f32 v13, v53;
	v19 =	vadd.f32 $1.499999970e-02, v19;
	v17 =	vadd.s32 v57, v17  }
0x337: {  	[tilespmem:$0x12EB0] =	vst v50;
	vm9 =	vge.f32 v13, v55;
	v59 =	vsel vm8, $0x1, v1;
	v17 =	vadd.s32 v58, v17  }
0x338: {  	[tilespmem:$0x12FA0] =	vst v27;
	v60 =	vsel vm9, $0x1, v1;
	v17 =	vadd.s32 v59, v17;
	vm10 =	vge.f32 v13, v19  }
0x339: {  	[tilespmem:$0x12EA0] =	vst v40;
	v17 =	vadd.s32 v60, v17;
	v62 =	vsel vm10, $0x1, v1  }
0x33a: {  	v54 =	vmul.f32 v9, v41;
	[tilespmem:$0x12EE0] =	vst v55;
	v61 =	vmul.f32 v9, v49;
	v63 =	vadd.s32 v62, v17  }
0x33b: {  	[tilespmem:$0x12FC0] =	vst v44;
	v14 =	vadd.f32 v16, v49;
	v24 =	vshll.u32 v63, $0x4  }
0x33c: {  	v56 =	vadd.f32 $1.300000030e-02, v54;
	[tilespmem:$0x12EC0] =	vst v52;
	v23 =	vadd.f32 $1.400000040e-02, v61;
	v25 =	vadd.s32 v3, v24  }
0x33d: {  	[tilespmem:$0x12ED0] =	vst v53;
	v14 =	vmul.f32 v9, v14;
	v26 =	vor.u32 v2, v24;
	vm11 =	vgt.s32 v25, v2  }
0x33e: {  	[tilespmem:$0x12FD0] =	vst v56;
	v27 =	vadd.s32 v4, v24;
	v7 =	vsel vm11, v25, v2  }
0x33f: {  	[tilespmem:$0x12FE0] =	vst v23;
	v14 =	vadd.f32 $1.499999970e-02, v14;
	v10 =	vmin.u32 v27, v5  }
0x340: {  	[tilespmem:$0x12EF0] =	vst v19  }
0x341: {  	[tilespmem:$0x12FF0] =	vst v14  }
0x342: {  	v12 =	vld.idx.msk [tilespmem:v26+s25+$0x0], $0xffff  }
0x343: {  	v14 =	vld.idx.msk [tilespmem:v7+s25+$0x0], $0xffff  }
0x344: {  	v28 =	vld.idx.msk [tilespmem:v10+s25+$0x0], $0xffff;
	_ =	sdelay $0x2  }
0x345: {  	v12 =	vmul.f32 v12, v22  }
0x346: {  	v14 =	vmul.f32 v14, v22  }
0x347: {  	v16 =	vmul.f32 v28, v22;
	v12 =	vadd.f32 $1.000000050e-03, v12  }
0x348: {  	v14 =	vadd.f32 $1.000000050e-03, v14  }
0x349: {  	v15 =	vsub.f32 $0.0e+00, v15;
	v16 =	vadd.f32 $1.000000050e-03, v16;
	(erf) = vrcp.f32 v12  }
0x34a: {  	(erf) = vrcp.f32 v14;
	v29 =	vadd.f32 v14, v12  }
0x34b: {  	v15 =	vmul.f32 $1.442695020e+00, v15;
	(erf) = vrcp.f32 v16  }
0x34c: {  	(erf) = vrcp.f32 v29  }
0x34d: {  	(erf) = vpow2.f32 v15;
	_ =	sdelay $0x4  }
0x34e: {  	v30 =	vpop (erf)  }
0x34f: {  	v31 =	vpop (erf)  }
0x350: {  	v32 =	vpop (erf)  }
0x351: {  	v33 =	vpop (erf)  }
0x352: {  	v34 =	vpop (erf)  }
0x353: {  	v11 =	vsub.f32 $0.0e+00, v11;
	v21 =	vadd.f32 $1.000000000e+00, v34  }
0x354: {  	v35 =	vadd.f32 v16, v12  }
0x355: {  	v11 =	vmul.f32 $1.442695020e+00, v11;
	(erf) = vrcp.f32 v21  }
0x356: {  	(erf) = vrcp.f32 v35  }
0x357: {  	(erf) = vpow2.f32 v11;
	_ =	sdelay $0x1  }
0x358: {  	v7 =	vld.idx.msk [tilespmem:v7+s11+$0x0], $0xffff  }
0x359: {  	v36 =	vld.idx.msk [tilespmem:v26+s11+$0x0], $0xffff  }
0x35a: {  	v10 =	vld.idx.msk [tilespmem:v10+s11+$0x0], $0xffff;
	_ =	sdelay $0x2  }
0x35b: {  	v7 =	vmul.f32 v7, v9;
	v21 =	vpop (erf)  }
0x35c: {  	v11 =	vmul.f32 v36, v9;
	v22 =	vpop (erf)  }
0x35d: {  	v7 =	vadd.f32 $1.000000050e-03, v7;
	v9 =	vmul.f32 v10, v9;
	v38 =	vpop (erf)  }
0x35e: {  	v37 =	vadd.f32 $1.000000050e-03, v11;
	v11 =	vadd.f32 $1.000000000e+00, v38  }
0x35f: {  	v7 =	vmul.f32 v7, v31;
	v9 =	vadd.f32 $1.000000050e-03, v9  }
0x360: {  	v10 =	vmul.f32 v37, v30;
	(erf) = vrcp.f32 v11  }
0x361: {  	v9 =	vmul.f32 v9, v32  }
0x362: {  	v39 =	vmul.f32 v7, v12;
	v14 =	vmul.f32 v10, v14  }
0x363: {  	v40 =	vmul.f32 v10, v16;
	v12 =	vmul.f32 v9, v12;
	_ =	sdelay $0x1  }
0x364: {  	v12 =	vadd.f32 v12, v40;
	v11 =	vadd.f32 v39, v14;
	_ =	sdelay $0x1  }
0x365: {  	v12 =	vmul.f32 $5.000000000e-01, v12;
	v11 =	vmul.f32 $5.000000000e-01, v11  }
0x366: {  	v43 =	vmul.f32 $3.000000000e+00, v21  }
0x367: {  	v41 =	vmul.f32 v12, v22;
	v11 =	vmul.f32 v11, v33;
	v42 =	vpop (erf)  }
0x368: {  	v7 =	vmin.f32 v7, v10;
	v9 =	vmin.f32 v10, v9;
	v12 =	vmul.f32 $3.000000000e+00, v42  }
0x369: {  	v44 =	vmul.f32 v10, v43;
	v9 =	vmin.f32 v9, v41;
	v7 =	vmin.f32 v7, v11  }
0x36a: {  	v9 =	vadd.f32 v9, v9;
	v7 =	vadd.f32 v7, v7;
	v12 =	vmul.f32 v10, v12  }
0x36b: {  	vm12 =	veq.s32 v63, $0x0;
	vm13 =	vgt.u32 v63, $0xE  }
0x36c: {  	v7 =	vsel vm12, v44, v7;
	v8 =	vsel vm13, v12, v9  }
0x36d: {  	v45 =	vadd.f32 v10, v10;
	v9 =	vadd.f32 v8, v7;
	_ =	sdelay $0x1  }
0x36e: {  	v46 =	vadd.f32 v7, v7;
	v10 =	vmul.f32 $3.000000000e+00, v10;
	v9 =	vsub.f32 v9, v45  }
0x36f: {  	v47 =	vld.idx.msk [tilespmem:v26+s12+$0x0], $0xffff  }
0x370: {  	v10 =	vsub.f32 v10, v46;
	v9 =	vmul.f32 v9, v30;
	_ =	sdelay $0x1  }
0x371: {  	v8 =	vsub.f32 v10, v8;
	v9 =	vmul.f32 v9, v30;
	_ =	sdelay $0x1  }
0x372: {  	v48 =	vsub.f32 v13, v47;
	v8 =	vmul.f32 v8, v30;
	v49 =	vmul.f32 $3.000000000e+00, v9;
	_ =	sdelay $0x1  }
0x373: {  	v50 =	vadd.f32 v8, v8;
	v11 =	vmul.f32 v49, v48;
	_ =	sdelay $0x1  }
0x374: {  	v11 =	vadd.f32 v11, v50;
	_ =	sdelay $0x1  }
0x375: {  	v11 =	vmul.f32 v11, v48;
	_ =	sdelay $0x1  }
0x376: {  	v11 =	vadd.f32 v11, v7;
	_ =	sdelay $0x1  }
0x377: {  	v11 =	vand.u32 $0x7FFFFFFF, v11  }
0x378: {  	v51 =	vand.u32 $0x7FFFFF, v11  }
0x379: {  	v12 =	vor.u32 $0x3F000000, v51  }
0x37a: {  	vm14 =	vlt.f32 v12, $7.071067690e-01  }
0x37b: {  	v52 =	vnsel vm14, $0x80000000, v12  }
0x37c: {  	v12 =	vadd.f32 v12, v52;
	_ =	sdelay $0x1  }
0x37d: {  	v12 =	vadd.f32 $-1.000000000e+00, v12;
	_ =	sdelay $0x1  }
0x37e: {  	v53 =	vmul.f32 $1.666666720e-01, v12  }
0x37f: {  	v9 =	vmul.f32 v9, v48  }
0x380: {  	v54 =	vmul.f32 v12, v12;
	v13 =	vsub.f32 $2.000000030e-01, v53  }
0x381: {  	v8 =	vadd.f32 v9, v8  }
0x382: {  	v55 =	vmul.f32 v13, v54  }
0x383: {  	v8 =	vmul.f32 v8, v48  }
0x384: {  	v56 =	vld.idx.msk [tilespmem:v26+s13+$0x0], $0xffff;
	v9 =	vadd.f32 $-2.500000000e-01, v55  }
0x385: {  	v7 =	vadd.f32 v8, v7  }
0x386: {  	v57 =	vmul.f32 v9, v12  }
0x387: {  	v7 =	vmul.f32 v7, v48  }
0x388: {  	v58 =	vmul.f32 v54, v12;
	v8 =	vadd.f32 $3.333333430e-01, v57  }
0x389: {  	v59 =	vshrl.u32 v11, $0x17;
	v7 =	vadd.f32 v7, v56;
	v60 =	vsel vm14, $0xFFFFFFFF, v1  }
0x38a: {  	v10 =	vadd.s32 v60, v59;
	v61 =	vmul.f32 $5.000000000e-01, v54;
	v8 =	vmul.f32 v8, v58  }
0x38b: {  	v7 =	vmax.f32 v7, $0.0e+00;
	v10 =	vadd.s32 $0xFFFFFF82, v10  }
0x38c: {  	v7 =	vmin.f32 v7, $1.000000000e+00;
	v62 =	vcvt.s32.f32 v10;
	v8 =	vsub.f32 v8, v61  }
0x38d: {  	v7 =	vmul.f32 $6.000000000e+00, v7  }
0x38e: {  	p0 =	sne.s32 s15, $0xF80;
	v9 =	vmul.f32 $6.931471820e-01, v62;
	v8 =	vadd.f32 v8, v12  }
.Ltmp1:
0x38f: {  	v63 =	vand.u32 $0x7FFFFFFF, v6;
	v7 =	vadd.f32 $-3.000000000e+00, v7;
	(pc) =	sbr.rel @p0 .LBB2_5-.Ltmp1, $4  }
0x390: {  	vm15 =	vle.f32 v63, $3.000000000e+00;
	v8 =	vadd.f32 v8, v9  }
0x391: {  	v6 =	vsel vm15, v7, v6  }
0x392: {  	s8 =	sadd.s32 $0x1, s8;
	s1 =	sadd.s32 $0x2, s1;
	[tilespmem:s17+$0x12010] =	vst v6;
	v6 =	vnsel vm15, $0x0, v8  }
0x393: {  	s29 =	sadd.s32 $0x20, s29;
	s15 =	sadd.s32 $0x80, s15;
	s14 =	sadd.s32 $0x100, s14;
	[tilespmem:s17+$0x12410] =	vst v6  }
0x394: {  	s26 =	sadd.s32 $0x1, s26  }
0x395: {  	p0 =	sne.s32 s26, $0x10  }
.Ltmp2:
0x396: {  	_ = 	snop;
	(pc) =	sbr.rel @p0 .LBB2_2-.Ltmp2, $4  }
0x397: {  	s0 =	sadd.s32 s30, s28;
	s1 =	simm.s32 $0x12000  }
0x398: {  	[hbm4b:s0+s9] =	stream.linear.scatter [tilespmem:s1], [sflag:$0x4], $0x400, $0x38;
	[tilespmem:$0x13000] =	vst v63  }
0x399: {  	s28 =	sadd.s32 s10, s28;
	s29 =	simm.s32 $0x12400  }
0x39a: {  	[hbm4b:s28+s9] =	stream.linear.scatter [tilespmem:s29], [sflag:$0x4], $0x400, $0x38;
	[tilespmem:$0x13000] =	vst v63  }
0x39b: {  	s0 =	simm.s32 $0x3  }
0x39c: {  	_ =	swait.ge [sflag:s0], $0x400  }
0x39d: {  	[sflag:s0] =	ssyncset.done $0x0  }
0x39e: {  	[sflag:s0] =	ssyncadd.s32 $0xFFFFFC00  }
0x39f: {  	_ =	swait.ge [sflag:s0], $0x400  }
0x3a0: {  	[sflag:s0] =	ssyncset.done $0x0  }
0x3a1: {  	s1 =	simm.s32 $0x4;
	[sflag:s0] =	ssyncadd.s32 $0xFFFFFC00  }
0x3a2: {  	_ =	swait.ge [sflag:s1], $0x400  }
0x3a3: {  	[sflag:s1] =	ssyncset.done $0x0  }
0x3a4: {  	[sflag:s1] =	ssyncadd.s32 $0xFFFFFC00  }
0x3a5: {  	_ =	swait.ge [sflag:s1], $0x400  }
0x3a6: {  	s2 =	rddreg [dreg:$0x12]  }
0x3a7: {  	s29 =	rddreg [dreg:$0x11];
	s2 =	sadd.s32 $0x1, s2  }
0x3a8: {  	p0 =	sne.s32 s2, s29  }
.Ltmp3:
0x3a9: {  	_ = 	snop;
	(pc) =	sbr.rel @p0 .LBB2_1-.Ltmp3, $3  }
0x3aa: {  	_ =	sdelay $0x1  }
0x3ab: {  	[sflag:s1] =	ssyncset.done $0x0  }
0x3ac: {  	[sflag:s1] =	ssyncadd.s32 $0xFFFFFC00  }
0x3ad: {  	_ =	sfence.sel $0x180000  }
0x3ae: {  	[bflag:$0x0] =	sbarrier.arrive $0xFFFF  }
0x3af: {  	_ =	strace $0x90000047  }
0x3b0: {  	s0 =	stileid.u32;
	[bflag:$0x2] =	sbarrier.arrive $0xFFFF  }
0x3b1: {  	p0 =	sne.s32 s0, $0x0;
	s0 =	rddreg [dreg:$0x7]  }
0x3b2: {  	s0 =	sadd.s32 @!p0 $0x100000, s0  }
0x3b3: {  	[sflag:s0] =	ssyncadd.tile.s32 @!p0 $0x1;
	_ =	shalt  }
.Lfunc_end2:
_tile_overlayer_lowered:
.L_overlay_start_2:
0x3b4: {  	(tag) =	ssettag $0x2  }
0x3b5: {  	s0 =	rddreg [dreg:$0x0];
	s2 =	stileid.u32  }
0x3b6: {  	s1 =	rddreg [dreg:$0x1];
	p0 =	sne.s32 s2, $0x0  }
0x3b7: {  	s3 =	rddreg [dreg:$0x2];
	[bflag:$0x3] =	sbarrier.arrive $0xFFFF;
	s2 =	simm.s32 @!p0 $0x1C05  }
0x3b8: {  	[timem:s3], [sflag:s2] =	dma.local @!p0 [hbm:s0], s1  }
0x3b9: {  	s0 =	simm.s32 @!p0 $0x5  }
0x3ba: {  	_ =	swait.ge @!p0 [sflag:s0], s1  }
0x3bb: {  	s1 =	ssub.s32 @!p0 $0x0, s1;
	[sflag:s0] =	ssyncset.done @!p0 $0x0  }
0x3bc: {  	[sflag:s0] =	ssyncadd.s32 @!p0 s1  }
0x3bd: {  	[bflag:$0x3] =	sbarrier.arrive $0xFFFF  }
0x3be: {  	_ =	shalt  }

</sc_bundles>
